<compile_context>
chip_gen: v7x
topology: tpu7x:2x2x1
jax: 0.10.2.dev20260603
libtpu: 0.0.44.dev20260713+nightly
codegen_flags: <defaults>
</compile_context>

<pallas_src>
import functools

import jax
import jax.numpy as jnp
from jax import lax
from jax.experimental import pallas as pl
from jax.experimental.pallas import tpu as pltpu
from jax.experimental.pallas import tpu_sc as plsc

NUM_SEG = 256
STRENGTH = 0.01
E = 6400000
NC, NS, L = 2, 16, 16
NW = NC * NS
PER_W = E // NW
CHUNK = 10000
NCHUNK = PER_W // CHUNK
VPC = CHUNK // L
UNROLL = 5


def _sc_partials(x, idx):
    mesh = plsc.VectorSubcoreMesh(core_axis_name="c", subcore_axis_name="s")

    @functools.partial(
        pl.kernel,
        out_type=(
            jax.ShapeDtypeStruct((NW, NUM_SEG // 8, 8 * L), jnp.float32),
            jax.ShapeDtypeStruct((NW, NUM_SEG // 8, 8 * L), jnp.float32),
        ),
        mesh=mesh,
        compiler_params=pltpu.CompilerParams(needs_layout_passes=False),
        scratch_types=[
            pltpu.VMEM((CHUNK,), jnp.float32),
            pltpu.VMEM((CHUNK,), jnp.float32),
            pltpu.VMEM((CHUNK,), jnp.int32),
            pltpu.VMEM((CHUNK,), jnp.int32),
            pltpu.VMEM((NUM_SEG, L), jnp.float32),
            pltpu.VMEM((NUM_SEG, L), jnp.float32),
            pltpu.VMEM((NUM_SEG // 8, 8 * L), jnp.float32),
            pltpu.VMEM((NUM_SEG // 8, 8 * L), jnp.float32),
            pltpu.SemaphoreType.DMA((2,)),
            pltpu.SemaphoreType.DMA((2,)),
        ],
    )
    def k(x_hbm, idx_hbm, sums_hbm, cnts_hbm, x_buf0, x_buf1, idx_buf0,
          idx_buf1, acc, cnt, acc_st, cnt_st, sem_x, sem_i):
        x_bufs = (x_buf0, x_buf1)
        idx_bufs = (idx_buf0, idx_buf1)
        wid = lax.axis_index("s") * NC + lax.axis_index("c")
        base = pl.multiple_of(wid * PER_W, 8)

        def copies(c, b):
            off = pl.multiple_of(base + c * CHUNK, 8)
            return (
                pltpu.make_async_copy(
                    x_hbm.at[pl.ds(off, CHUNK)], x_bufs[b], sem_x.at[b]),
                pltpu.make_async_copy(
                    idx_hbm.at[pl.ds(off, CHUNK)], idx_bufs[b], sem_i.at[b]),
            )

        for b in range(2):
            for d in copies(b, b):
                d.start()

        zeros = jnp.zeros((L,), jnp.float32)

        def zero_body(i, _):
            for j in range(8):
                acc[i * 8 + j, :] = zeros
                cnt[i * 8 + j, :] = zeros
            return 0
        lax.fori_loop(0, NUM_SEG // 8, zero_body, 0)

        lanes = lax.iota(jnp.int32, L)
        ones = jnp.full((L,), 1.0, jnp.float32)

        for c in range(NCHUNK):
            b = c % 2
            for d in copies(c, b):
                d.wait()

            def body(i, _):
                ivs, xvs = [], []
                for u in range(UNROLL):
                    off = i * (L * UNROLL) + u * L
                    ivs.append(idx_bufs[b][pl.ds(off, L)])
                    xvs.append(x_bufs[b][pl.ds(off, L)])
                for u in range(UNROLL):
                    plsc.addupdate_scatter(acc, [ivs[u], lanes], xvs[u])
                    plsc.addupdate_scatter(cnt, [ivs[u], lanes], ones)
                return 0
            lax.fori_loop(0, VPC // UNROLL, body, 0)

            if c + 2 < NCHUNK:
                for d in copies(c + 2, b):
                    d.start()

        def restage_acc(r, _):
            for j in range(8):
                acc_st[r, pl.ds(j * L, L)] = acc[r * 8 + j, :]
            return 0
        lax.fori_loop(0, NUM_SEG // 8, restage_acc, 0)
        out_cp = pltpu.make_async_copy(acc_st, sums_hbm.at[wid],
                                       sem_x.at[0])
        out_cp.start()

        def restage_cnt(r, _):
            for j in range(8):
                cnt_st[r, pl.ds(j * L, L)] = cnt[r * 8 + j, :]
            return 0
        lax.fori_loop(0, NUM_SEG // 8, restage_cnt, 0)
        pltpu.sync_copy(cnt_st, cnts_hbm.at[wid])
        out_cp.wait()

    return k(x, idx)


def _loss_body(s_ref, c_ref, t_ref, o_ref):
    a_s = jnp.sum(s_ref[...], axis=0)
    a_c = jnp.sum(c_ref[...], axis=0)
    g = (lax.broadcasted_iota(jnp.int32, (8 * L, 8), 0) // L
         == lax.broadcasted_iota(jnp.int32, (8 * L, 8), 1)
         ).astype(jnp.float32)
    s = jnp.dot(a_s, g, preferred_element_type=jnp.float32)
    c = jnp.dot(a_c, g, preferred_element_type=jnp.float32)
    d = s / c - t_ref[...]
    loss = jnp.sum(d * d) * jnp.float32(STRENGTH / NUM_SEG)
    o_ref[...] = jnp.broadcast_to(loss, (1, 1))


def kernel(x, idx, target_mean_weights):
    sums_p, cnts_p = _sc_partials(x, idx)
    loss = pl.pallas_call(
        _loss_body,
        out_shape=jax.ShapeDtypeStruct((1, 1), jnp.float32),
    )(sums_p, cnts_p, target_mean_weights.reshape(NUM_SEG // 8, 8))
    return loss.reshape(())

# --- scband reference (transcript-rebuilt; emitter-appended) ---
"""Pipeline reference for scband-mean-stiff-regularizer-43104291782997 (READ-ONLY COPY).

The authoritative reference and input builder live on the scoring server;
editing this copy changes nothing except your own understanding.
"""

import jax, jax.numpy as jnp
import numpy as np

NUM_UNIQUE = 256
STRENGTH = 0.01
E = 6400000

def setup_inputs(seed: int = 0) -> dict:
    key = jax.random.key(seed)
    k1, k2, k3 = jax.random.split(key, 3)
    x = jax.random.normal(k1, (E,), dtype=jnp.float32)
    idx = jax.random.randint(k2, (E,), 0, NUM_UNIQUE, dtype=jnp.int32)
    target_mean_weights = jax.random.normal(k3, (NUM_UNIQUE,), dtype=jnp.float32) * 0.1
    return {"x": x, "idx": idx, "target_mean_weights": target_mean_weights}

def reference(x, idx, target_mean_weights):
    # tf.math.unsorted_segment_mean == segment_sum / segment_count
    sums = jax.ops.segment_sum(x, idx, num_segments=NUM_UNIQUE)
    counts = jax.ops.segment_sum(jnp.ones_like(x), idx, num_segments=NUM_UNIQUE)
    mean_edge_type_weights = sums / counts
    reg_loss = jnp.mean(jnp.square(mean_edge_type_weights - target_mean_weights))
    return reg_loss * jnp.float32(STRENGTH)

if __name__ == "__main__":
    import jax
    _d = setup_inputs()
    print(jax.jit(kernel)(*tuple(_d.values())))

</pallas_src>

<mosaic_0001>
#map = affine_map<(d0, d1) -> (0)>
#map1 = affine_map<(d0, d1) -> (0, 0, 0)>
module attributes {stable_mosaic.version = 14 : i64} {
  func.func @k(%arg0: i32, %arg1: i32, %arg2: memref<6400000xf32, #tpu.memory_space<hbm>>, %arg3: memref<6400000xi32, #tpu.memory_space<hbm>>, %arg4: memref<32x32x128xf32, #tpu.memory_space<hbm>>, %arg5: memref<32x32x128xf32, #tpu.memory_space<hbm>>, %arg6: memref<10000xf32, #tpu.memory_space<vmem>>, %arg7: memref<10000xf32, #tpu.memory_space<vmem>>, %arg8: memref<10000xi32, #tpu.memory_space<vmem>>, %arg9: memref<10000xi32, #tpu.memory_space<vmem>>, %arg10: memref<256x16xf32, #tpu.memory_space<vmem>>, %arg11: memref<256x16xf32, #tpu.memory_space<vmem>>, %arg12: memref<32x128xf32, #tpu.memory_space<vmem>>, %arg13: memref<32x128xf32, #tpu.memory_space<vmem>>, %arg14: memref<2x!tpu.dma_semaphore, #tpu.memory_space<semaphore_mem>>, %arg15: memref<2x!tpu.dma_semaphore, #tpu.memory_space<semaphore_mem>>) attributes {dimension_semantics = [#tpu.dimension_semantics<core_parallel>, #tpu.dimension_semantics<subcore_parallel>], iteration_bounds = array<i64: 2, 16>, scalar_prefetch = 0 : i64, scratch_operands = 10 : i64, tpu.core_type = #tpu.core_type<sc_vector_subcore>, window_params = [{transform_indices = #map}, {transform_indices = #map}, {transform_indices = #map1}, {transform_indices = #map1}]} {
    %mul3A = arith.constant 2 : i32
    %mul3A_0 = arith.muli %arg1, %mul3A : i32
    %add3A = arith.addi %mul3A_0, %arg0 : i32
    %mul3A_1 = arith.constant 200000 : i32
    %mul3A_2 = arith.muli %add3A, %mul3A_1 : i32
    %multiple_of3A = tpu.assume_multiple %mul3A_2, 8 : i32
    %add3A_3 = arith.constant 0 : i32
    %add3A_4 = arith.addi %multiple_of3A, %add3A_3 : i32
    %multiple_of3A_5 = tpu.assume_multiple %add3A_4, 8 : i32
    %dma_start3A = arith.constant 0 : i32
    %dma_start3A_6 = tpu.memref_slice %arg2[%multiple_of3A_5] : memref<6400000xf32, #tpu.memory_space<hbm>> -> memref<10000xf32, #tpu.memory_space<hbm>>
    %dma_start3A_7 = tpu.memref_slice %arg14[%dma_start3A] : memref<2x!tpu.dma_semaphore, #tpu.memory_space<semaphore_mem>> -> memref<1x!tpu.dma_semaphore, #tpu.memory_space<semaphore_mem>>
    %dma_start3A_8 = tpu.memref_squeeze %dma_start3A_7 : memref<1x!tpu.dma_semaphore, #tpu.memory_space<semaphore_mem>> -> memref<!tpu.dma_semaphore, #tpu.memory_space<semaphore_mem>>
    %dma_start3A_9 = tpu.memref_slice %arg2[%multiple_of3A_5] : memref<6400000xf32, #tpu.memory_space<hbm>> -> memref<10000xf32, #tpu.memory_space<hbm>>
    tpu.enqueue_dma source(%dma_start3A_9 : memref<10000xf32, #tpu.memory_space<hbm>>) target(%arg6 : memref<10000xf32, #tpu.memory_space<vmem>>) target_semaphore(%dma_start3A_8 : memref<!tpu.dma_semaphore, #tpu.memory_space<semaphore_mem>>)
    %dma_start3A_10 = arith.constant 0 : i32
    %dma_start3A_11 = tpu.memref_slice %arg3[%multiple_of3A_5] : memref<6400000xi32, #tpu.memory_space<hbm>> -> memref<10000xi32, #tpu.memory_space<hbm>>
    %dma_start3A_12 = tpu.memref_slice %arg15[%dma_start3A_10] : memref<2x!tpu.dma_semaphore, #tpu.memory_space<semaphore_mem>> -> memref<1x!tpu.dma_semaphore, #tpu.memory_space<semaphore_mem>>
    %dma_start3A_13 = tpu.memref_squeeze %dma_start3A_12 : memref<1x!tpu.dma_semaphore, #tpu.memory_space<semaphore_mem>> -> memref<!tpu.dma_semaphore, #tpu.memory_space<semaphore_mem>>
    %dma_start3A_14 = tpu.memref_slice %arg3[%multiple_of3A_5] : memref<6400000xi32, #tpu.memory_space<hbm>> -> memref<10000xi32, #tpu.memory_space<hbm>>
    tpu.enqueue_dma source(%dma_start3A_14 : memref<10000xi32, #tpu.memory_space<hbm>>) target(%arg8 : memref<10000xi32, #tpu.memory_space<vmem>>) target_semaphore(%dma_start3A_13 : memref<!tpu.dma_semaphore, #tpu.memory_space<semaphore_mem>>)
    %add3A_15 = arith.constant 10000 : i32
    %add3A_16 = arith.addi %multiple_of3A, %add3A_15 : i32
    %multiple_of3A_17 = tpu.assume_multiple %add3A_16, 8 : i32
    %dma_start3A_18 = arith.constant 1 : i32
    %dma_start3A_19 = tpu.memref_slice %arg2[%multiple_of3A_17] : memref<6400000xf32, #tpu.memory_space<hbm>> -> memref<10000xf32, #tpu.memory_space<hbm>>
    %dma_start3A_20 = tpu.memref_slice %arg14[%dma_start3A_18] : memref<2x!tpu.dma_semaphore, #tpu.memory_space<semaphore_mem>> -> memref<1x!tpu.dma_semaphore, #tpu.memory_space<semaphore_mem>>
    %dma_start3A_21 = tpu.memref_squeeze %dma_start3A_20 : memref<1x!tpu.dma_semaphore, #tpu.memory_space<semaphore_mem>> -> memref<!tpu.dma_semaphore, #tpu.memory_space<semaphore_mem>>
    %dma_start3A_22 = tpu.memref_slice %arg2[%multiple_of3A_17] : memref<6400000xf32, #tpu.memory_space<hbm>> -> memref<10000xf32, #tpu.memory_space<hbm>>
    tpu.enqueue_dma source(%dma_start3A_22 : memref<10000xf32, #tpu.memory_space<hbm>>) target(%arg7 : memref<10000xf32, #tpu.memory_space<vmem>>) target_semaphore(%dma_start3A_21 : memref<!tpu.dma_semaphore, #tpu.memory_space<semaphore_mem>>)
    %dma_start3A_23 = arith.constant 1 : i32
    %dma_start3A_24 = tpu.memref_slice %arg3[%multiple_of3A_17] : memref<6400000xi32, #tpu.memory_space<hbm>> -> memref<10000xi32, #tpu.memory_space<hbm>>
    %dma_start3A_25 = tpu.memref_slice %arg15[%dma_start3A_23] : memref<2x!tpu.dma_semaphore, #tpu.memory_space<semaphore_mem>> -> memref<1x!tpu.dma_semaphore, #tpu.memory_space<semaphore_mem>>
    %dma_start3A_26 = tpu.memref_squeeze %dma_start3A_25 : memref<1x!tpu.dma_semaphore, #tpu.memory_space<semaphore_mem>> -> memref<!tpu.dma_semaphore, #tpu.memory_space<semaphore_mem>>
    %dma_start3A_27 = tpu.memref_slice %arg3[%multiple_of3A_17] : memref<6400000xi32, #tpu.memory_space<hbm>> -> memref<10000xi32, #tpu.memory_space<hbm>>
    tpu.enqueue_dma source(%dma_start3A_27 : memref<10000xi32, #tpu.memory_space<hbm>>) target(%arg9 : memref<10000xi32, #tpu.memory_space<vmem>>) target_semaphore(%dma_start3A_26 : memref<!tpu.dma_semaphore, #tpu.memory_space<semaphore_mem>>)
    %broadcast_in_dim3A = arith.constant 0.000000e+00 : f32
    %broadcast_in_dim3A_28 = vector.broadcast %broadcast_in_dim3A : f32 to vector<16xf32>
    %scan3A = arith.constant 0 : i32
    %scan3A_29 = arith.constant 0 : i32
    %scan3A_30 = arith.constant 32 : i32
    %scan3A_31 = arith.addi %scan3A_29, %scan3A_30 : i32
    %scan3A_32 = arith.constant 1 : i32
    %scan3A_33 = scf.for %scan3A_706 = %scan3A_29 to %scan3A_31 step %scan3A_32 iter_args(%scan3A_707 = %scan3A) -> (i32)  : i32 {
      %mul3A_708 = arith.constant 8 : i32
      %mul3A_709 = arith.muli %scan3A_706, %mul3A_708 : i32
      %add3A_710 = arith.constant 0 : i32
      %add3A_711 = arith.addi %mul3A_709, %add3A_710 : i32
      %swap3A = arith.index_cast %add3A_711 : i32 to index
      %swap3A_712 = arith.constant 0 : index
      %swap3A_713 = tpu.vector_load %arg10[%swap3A, %swap3A_712] {strides = array<i32>} : memref<256x16xf32, #tpu.memory_space<vmem>>, vector<16xf32>,
      tpu.vector_store %arg10[%swap3A, %swap3A_712], %broadcast_in_dim3A_28 {strides = array<i32>} : memref<256x16xf32, #tpu.memory_space<vmem>>, vector<16xf32>,
      %mul3A_714 = arith.constant 8 : i32
      %mul3A_715 = arith.muli %scan3A_706, %mul3A_714 : i32
      %add3A_716 = arith.constant 0 : i32
      %add3A_717 = arith.addi %mul3A_715, %add3A_716 : i32
      %swap3A_718 = arith.index_cast %add3A_717 : i32 to index
      %swap3A_719 = arith.constant 0 : index
      %swap3A_720 = tpu.vector_load %arg11[%swap3A_718, %swap3A_719] {strides = array<i32>} : memref<256x16xf32, #tpu.memory_space<vmem>>, vector<16xf32>,
      tpu.vector_store %arg11[%swap3A_718, %swap3A_719], %broadcast_in_dim3A_28 {strides = array<i32>} : memref<256x16xf32, #tpu.memory_space<vmem>>, vector<16xf32>,
      %mul3A_721 = arith.constant 8 : i32
      %mul3A_722 = arith.muli %scan3A_706, %mul3A_721 : i32
      %add3A_723 = arith.constant 1 : i32
      %add3A_724 = arith.addi %mul3A_722, %add3A_723 : i32
      %swap3A_725 = arith.index_cast %add3A_724 : i32 to index
      %swap3A_726 = arith.constant 0 : index
      %swap3A_727 = tpu.vector_load %arg10[%swap3A_725, %swap3A_726] {strides = array<i32>} : memref<256x16xf32, #tpu.memory_space<vmem>>, vector<16xf32>,
      tpu.vector_store %arg10[%swap3A_725, %swap3A_726], %broadcast_in_dim3A_28 {strides = array<i32>} : memref<256x16xf32, #tpu.memory_space<vmem>>, vector<16xf32>,
      %mul3A_728 = arith.constant 8 : i32
      %mul3A_729 = arith.muli %scan3A_706, %mul3A_728 : i32
      %add3A_730 = arith.constant 1 : i32
      %add3A_731 = arith.addi %mul3A_729, %add3A_730 : i32
      %swap3A_732 = arith.index_cast %add3A_731 : i32 to index
      %swap3A_733 = arith.constant 0 : index
      %swap3A_734 = tpu.vector_load %arg11[%swap3A_732, %swap3A_733] {strides = array<i32>} : memref<256x16xf32, #tpu.memory_space<vmem>>, vector<16xf32>,
      tpu.vector_store %arg11[%swap3A_732, %swap3A_733], %broadcast_in_dim3A_28 {strides = array<i32>} : memref<256x16xf32, #tpu.memory_space<vmem>>, vector<16xf32>,
      %mul3A_735 = arith.constant 8 : i32
      %mul3A_736 = arith.muli %scan3A_706, %mul3A_735 : i32
      %add3A_737 = arith.constant 2 : i32
      %add3A_738 = arith.addi %mul3A_736, %add3A_737 : i32
      %swap3A_739 = arith.index_cast %add3A_738 : i32 to index
      %swap3A_740 = arith.constant 0 : index
      %swap3A_741 = tpu.vector_load %arg10[%swap3A_739, %swap3A_740] {strides = array<i32>} : memref<256x16xf32, #tpu.memory_space<vmem>>, vector<16xf32>,
      tpu.vector_store %arg10[%swap3A_739, %swap3A_740], %broadcast_in_dim3A_28 {strides = array<i32>} : memref<256x16xf32, #tpu.memory_space<vmem>>, vector<16xf32>,
      %mul3A_742 = arith.constant 8 : i32
      %mul3A_743 = arith.muli %scan3A_706, %mul3A_742 : i32
      %add3A_744 = arith.constant 2 : i32
      %add3A_745 = arith.addi %mul3A_743, %add3A_744 : i32
      %swap3A_746 = arith.index_cast %add3A_745 : i32 to index
      %swap3A_747 = arith.constant 0 : index
      %swap3A_748 = tpu.vector_load %arg11[%swap3A_746, %swap3A_747] {strides = array<i32>} : memref<256x16xf32, #tpu.memory_space<vmem>>, vector<16xf32>,
      tpu.vector_store %arg11[%swap3A_746, %swap3A_747], %broadcast_in_dim3A_28 {strides = array<i32>} : memref<256x16xf32, #tpu.memory_space<vmem>>, vector<16xf32>,
      %mul3A_749 = arith.constant 8 : i32
      %mul3A_750 = arith.muli %scan3A_706, %mul3A_749 : i32
      %add3A_751 = arith.constant 3 : i32
      %add3A_752 = arith.addi %mul3A_750, %add3A_751 : i32
      %swap3A_753 = arith.index_cast %add3A_752 : i32 to index
      %swap3A_754 = arith.constant 0 : index
      %swap3A_755 = tpu.vector_load %arg10[%swap3A_753, %swap3A_754] {strides = array<i32>} : memref<256x16xf32, #tpu.memory_space<vmem>>, vector<16xf32>,
      tpu.vector_store %arg10[%swap3A_753, %swap3A_754], %broadcast_in_dim3A_28 {strides = array<i32>} : memref<256x16xf32, #tpu.memory_space<vmem>>, vector<16xf32>,
      %mul3A_756 = arith.constant 8 : i32
      %mul3A_757 = arith.muli %scan3A_706, %mul3A_756 : i32
      %add3A_758 = arith.constant 3 : i32
      %add3A_759 = arith.addi %mul3A_757, %add3A_758 : i32
      %swap3A_760 = arith.index_cast %add3A_759 : i32 to index
      %swap3A_761 = arith.constant 0 : index
      %swap3A_762 = tpu.vector_load %arg11[%swap3A_760, %swap3A_761] {strides = array<i32>} : memref<256x16xf32, #tpu.memory_space<vmem>>, vector<16xf32>,
      tpu.vector_store %arg11[%swap3A_760, %swap3A_761], %broadcast_in_dim3A_28 {strides = array<i32>} : memref<256x16xf32, #tpu.memory_space<vmem>>, vector<16xf32>,
      %mul3A_763 = arith.constant 8 : i32
      %mul3A_764 = arith.muli %scan3A_706, %mul3A_763 : i32
      %add3A_765 = arith.constant 4 : i32
      %add3A_766 = arith.addi %mul3A_764, %add3A_765 : i32
      %swap3A_767 = arith.index_cast %add3A_766 : i32 to index
      %swap3A_768 = arith.constant 0 : index
      %swap3A_769 = tpu.vector_load %arg10[%swap3A_767, %swap3A_768] {strides = array<i32>} : memref<256x16xf32, #tpu.memory_space<vmem>>, vector<16xf32>,
      tpu.vector_store %arg10[%swap3A_767, %swap3A_768], %broadcast_in_dim3A_28 {strides = array<i32>} : memref<256x16xf32, #tpu.memory_space<vmem>>, vector<16xf32>,
      %mul3A_770 = arith.constant 8 : i32
      %mul3A_771 = arith.muli %scan3A_706, %mul3A_770 : i32
      %add3A_772 = arith.constant 4 : i32
      %add3A_773 = arith.addi %mul3A_771, %add3A_772 : i32
      %swap3A_774 = arith.index_cast %add3A_773 : i32 to index
      %swap3A_775 = arith.constant 0 : index
      %swap3A_776 = tpu.vector_load %arg11[%swap3A_774, %swap3A_775] {strides = array<i32>} : memref<256x16xf32, #tpu.memory_space<vmem>>, vector<16xf32>,
      tpu.vector_store %arg11[%swap3A_774, %swap3A_775], %broadcast_in_dim3A_28 {strides = array<i32>} : memref<256x16xf32, #tpu.memory_space<vmem>>, vector<16xf32>,
      %mul3A_777 = arith.constant 8 : i32
      %mul3A_778 = arith.muli %scan3A_706, %mul3A_777 : i32
      %add3A_779 = arith.constant 5 : i32
      %add3A_780 = arith.addi %mul3A_778, %add3A_779 : i32
      %swap3A_781 = arith.index_cast %add3A_780 : i32 to index
      %swap3A_782 = arith.constant 0 : index
      %swap3A_783 = tpu.vector_load %arg10[%swap3A_781, %swap3A_782] {strides = array<i32>} : memref<256x16xf32, #tpu.memory_space<vmem>>, vector<16xf32>,
      tpu.vector_store %arg10[%swap3A_781, %swap3A_782], %broadcast_in_dim3A_28 {strides = array<i32>} : memref<256x16xf32, #tpu.memory_space<vmem>>, vector<16xf32>,
      %mul3A_784 = arith.constant 8 : i32
      %mul3A_785 = arith.muli %scan3A_706, %mul3A_784 : i32
      %add3A_786 = arith.constant 5 : i32
      %add3A_787 = arith.addi %mul3A_785, %add3A_786 : i32
      %swap3A_788 = arith.index_cast %add3A_787 : i32 to index
      %swap3A_789 = arith.constant 0 : index
      %swap3A_790 = tpu.vector_load %arg11[%swap3A_788, %swap3A_789] {strides = array<i32>} : memref<256x16xf32, #tpu.memory_space<vmem>>, vector<16xf32>,
      tpu.vector_store %arg11[%swap3A_788, %swap3A_789], %broadcast_in_dim3A_28 {strides = array<i32>} : memref<256x16xf32, #tpu.memory_space<vmem>>, vector<16xf32>,
      %mul3A_791 = arith.constant 8 : i32
      %mul3A_792 = arith.muli %scan3A_706, %mul3A_791 : i32
      %add3A_793 = arith.constant 6 : i32
      %add3A_794 = arith.addi %mul3A_792, %add3A_793 : i32
      %swap3A_795 = arith.index_cast %add3A_794 : i32 to index
      %swap3A_796 = arith.constant 0 : index
      %swap3A_797 = tpu.vector_load %arg10[%swap3A_795, %swap3A_796] {strides = array<i32>} : memref<256x16xf32, #tpu.memory_space<vmem>>, vector<16xf32>,
      tpu.vector_store %arg10[%swap3A_795, %swap3A_796], %broadcast_in_dim3A_28 {strides = array<i32>} : memref<256x16xf32, #tpu.memory_space<vmem>>, vector<16xf32>,
      %mul3A_798 = arith.constant 8 : i32
      %mul3A_799 = arith.muli %scan3A_706, %mul3A_798 : i32
      %add3A_800 = arith.constant 6 : i32
      %add3A_801 = arith.addi %mul3A_799, %add3A_800 : i32
      %swap3A_802 = arith.index_cast %add3A_801 : i32 to index
      %swap3A_803 = arith.constant 0 : index
      %swap3A_804 = tpu.vector_load %arg11[%swap3A_802, %swap3A_803] {strides = array<i32>} : memref<256x16xf32, #tpu.memory_space<vmem>>, vector<16xf32>,
      tpu.vector_store %arg11[%swap3A_802, %swap3A_803], %broadcast_in_dim3A_28 {strides = array<i32>} : memref<256x16xf32, #tpu.memory_space<vmem>>, vector<16xf32>,
      %mul3A_805 = arith.constant 8 : i32
      %mul3A_806 = arith.muli %scan3A_706, %mul3A_805 : i32
      %add3A_807 = arith.constant 7 : i32
      %add3A_808 = arith.addi %mul3A_806, %add3A_807 : i32
      %swap3A_809 = arith.index_cast %add3A_808 : i32 to index
      %swap3A_810 = arith.constant 0 : index
      %swap3A_811 = tpu.vector_load %arg10[%swap3A_809, %swap3A_810] {strides = array<i32>} : memref<256x16xf32, #tpu.memory_space<vmem>>, vector<16xf32>,
      tpu.vector_store %arg10[%swap3A_809, %swap3A_810], %broadcast_in_dim3A_28 {strides = array<i32>} : memref<256x16xf32, #tpu.memory_space<vmem>>, vector<16xf32>,
      %mul3A_812 = arith.constant 8 : i32
      %mul3A_813 = arith.muli %scan3A_706, %mul3A_812 : i32
      %add3A_814 = arith.constant 7 : i32
      %add3A_815 = arith.addi %mul3A_813, %add3A_814 : i32
      %swap3A_816 = arith.index_cast %add3A_815 : i32 to index
      %swap3A_817 = arith.constant 0 : index
      %swap3A_818 = tpu.vector_load %arg11[%swap3A_816, %swap3A_817] {strides = array<i32>} : memref<256x16xf32, #tpu.memory_space<vmem>>, vector<16xf32>,
      tpu.vector_store %arg11[%swap3A_816, %swap3A_817], %broadcast_in_dim3A_28 {strides = array<i32>} : memref<256x16xf32, #tpu.memory_space<vmem>>, vector<16xf32>,
      %scan3A_819 = arith.constant 0 : i32
      scf.yield %scan3A_819 : i32
    }
    %scan3A_34 = arith.constant 32 : i32
    %iota3A = tpu.iota {dimensions = array<i32: 0>} : vector<16xi32>
    %broadcast_in_dim3A_35 = arith.constant 1.000000e+00 : f32
    %broadcast_in_dim3A_36 = vector.broadcast %broadcast_in_dim3A_35 : f32 to vector<16xf32>
    %add3A_37 = arith.constant 0 : i32
    %add3A_38 = arith.addi %multiple_of3A, %add3A_37 : i32
    %multiple_of3A_39 = tpu.assume_multiple %add3A_38, 8 : i32
    %dma_wait3A = arith.constant 0 : i32
    %dma_wait3A_40 = tpu.memref_slice %arg2[%multiple_of3A_39] : memref<6400000xf32, #tpu.memory_space<hbm>> -> memref<10000xf32, #tpu.memory_space<hbm>>
    %dma_wait3A_41 = tpu.memref_slice %arg14[%dma_wait3A] : memref<2x!tpu.dma_semaphore, #tpu.memory_space<semaphore_mem>> -> memref<1x!tpu.dma_semaphore, #tpu.memory_space<semaphore_mem>>
    %dma_wait3A_42 = tpu.memref_squeeze %dma_wait3A_41 : memref<1x!tpu.dma_semaphore, #tpu.memory_space<semaphore_mem>> -> memref<!tpu.dma_semaphore, #tpu.memory_space<semaphore_mem>>
    %dma_wait3A_43 = tpu.memref_slice %arg2[%multiple_of3A_39] : memref<6400000xf32, #tpu.memory_space<hbm>> -> memref<10000xf32, #tpu.memory_space<hbm>>
    tpu.wait_dma2 semaphore(%dma_wait3A_42 : memref<!tpu.dma_semaphore, #tpu.memory_space<semaphore_mem>>) src(%dma_wait3A_43 : memref<10000xf32, #tpu.memory_space<hbm>>) dst(%arg6 : memref<10000xf32, #tpu.memory_space<vmem>>)
    %dma_wait3A_44 = arith.constant 0 : i32
    %dma_wait3A_45 = tpu.memref_slice %arg3[%multiple_of3A_39] : memref<6400000xi32, #tpu.memory_space<hbm>> -> memref<10000xi32, #tpu.memory_space<hbm>>
    %dma_wait3A_46 = tpu.memref_slice %arg15[%dma_wait3A_44] : memref<2x!tpu.dma_semaphore, #tpu.memory_space<semaphore_mem>> -> memref<1x!tpu.dma_semaphore, #tpu.memory_space<semaphore_mem>>
    %dma_wait3A_47 = tpu.memref_squeeze %dma_wait3A_46 : memref<1x!tpu.dma_semaphore, #tpu.memory_space<semaphore_mem>> -> memref<!tpu.dma_semaphore, #tpu.memory_space<semaphore_mem>>
    %dma_wait3A_48 = tpu.memref_slice %arg3[%multiple_of3A_39] : memref<6400000xi32, #tpu.memory_space<hbm>> -> memref<10000xi32, #tpu.memory_space<hbm>>
    tpu.wait_dma2 semaphore(%dma_wait3A_47 : memref<!tpu.dma_semaphore, #tpu.memory_space<semaphore_mem>>) src(%dma_wait3A_48 : memref<10000xi32, #tpu.memory_space<hbm>>) dst(%arg8 : memref<10000xi32, #tpu.memory_space<vmem>>)
    %scan3A_49 = arith.constant 0 : i32
    %scan3A_50 = arith.constant 0 : i32
    %scan3A_51 = arith.constant 125 : i32
    %scan3A_52 = arith.addi %scan3A_50, %scan3A_51 : i32
    %scan3A_53 = arith.constant 1 : i32
    %scan3A_54 = scf.for %scan3A_706 = %scan3A_50 to %scan3A_52 step %scan3A_53 iter_args(%scan3A_707 = %scan3A_49) -> (i32)  : i32 {
      %mul3A_708 = arith.constant 80 : i32
      %mul3A_709 = arith.muli %scan3A_706, %mul3A_708 : i32
      %add3A_710 = arith.constant 0 : i32
      %add3A_711 = arith.addi %mul3A_709, %add3A_710 : i32
      %get3A = arith.index_cast %add3A_711 : i32 to index
      %get3A_712 = tpu.vector_load %arg8[%get3A] {strides = array<i32>} : memref<10000xi32, #tpu.memory_space<vmem>>, vector<16xi32>,
      %get3A_713 = arith.index_cast %add3A_711 : i32 to index
      %get3A_714 = tpu.vector_load %arg6[%get3A_713] {strides = array<i32>} : memref<10000xf32, #tpu.memory_space<vmem>>, vector<16xf32>,
      %mul3A_715 = arith.constant 80 : i32
      %mul3A_716 = arith.muli %scan3A_706, %mul3A_715 : i32
      %add3A_717 = arith.constant 16 : i32
      %add3A_718 = arith.addi %mul3A_716, %add3A_717 : i32
      %get3A_719 = arith.index_cast %add3A_718 : i32 to index
      %get3A_720 = tpu.vector_load %arg8[%get3A_719] {strides = array<i32>} : memref<10000xi32, #tpu.memory_space<vmem>>, vector<16xi32>,
      %get3A_721 = arith.index_cast %add3A_718 : i32 to index
      %get3A_722 = tpu.vector_load %arg6[%get3A_721] {strides = array<i32>} : memref<10000xf32, #tpu.memory_space<vmem>>, vector<16xf32>,
      %mul3A_723 = arith.constant 80 : i32
      %mul3A_724 = arith.muli %scan3A_706, %mul3A_723 : i32
      %add3A_725 = arith.constant 32 : i32
      %add3A_726 = arith.addi %mul3A_724, %add3A_725 : i32
      %get3A_727 = arith.index_cast %add3A_726 : i32 to index
      %get3A_728 = tpu.vector_load %arg8[%get3A_727] {strides = array<i32>} : memref<10000xi32, #tpu.memory_space<vmem>>, vector<16xi32>,
      %get3A_729 = arith.index_cast %add3A_726 : i32 to index
      %get3A_730 = tpu.vector_load %arg6[%get3A_729] {strides = array<i32>} : memref<10000xf32, #tpu.memory_space<vmem>>, vector<16xf32>,
      %mul3A_731 = arith.constant 80 : i32
      %mul3A_732 = arith.muli %scan3A_706, %mul3A_731 : i32
      %add3A_733 = arith.constant 48 : i32
      %add3A_734 = arith.addi %mul3A_732, %add3A_733 : i32
      %get3A_735 = arith.index_cast %add3A_734 : i32 to index
      %get3A_736 = tpu.vector_load %arg8[%get3A_735] {strides = array<i32>} : memref<10000xi32, #tpu.memory_space<vmem>>, vector<16xi32>,
      %get3A_737 = arith.index_cast %add3A_734 : i32 to index
      %get3A_738 = tpu.vector_load %arg6[%get3A_737] {strides = array<i32>} : memref<10000xf32, #tpu.memory_space<vmem>>, vector<16xf32>,
      %mul3A_739 = arith.constant 80 : i32
      %mul3A_740 = arith.muli %scan3A_706, %mul3A_739 : i32
      %add3A_741 = arith.constant 64 : i32
      %add3A_742 = arith.addi %mul3A_740, %add3A_741 : i32
      %get3A_743 = arith.index_cast %add3A_742 : i32 to index
      %get3A_744 = tpu.vector_load %arg8[%get3A_743] {strides = array<i32>} : memref<10000xi32, #tpu.memory_space<vmem>>, vector<16xi32>,
      %get3A_745 = arith.index_cast %add3A_742 : i32 to index
      %get3A_746 = tpu.vector_load %arg6[%get3A_745] {strides = array<i32>} : memref<10000xf32, #tpu.memory_space<vmem>>, vector<16xf32>,
      tpu.vector_store_idx %arg10[%get3A_712, %iota3A], %get3A_714 {add = true} : memref<256x16xf32, #tpu.memory_space<vmem>>[vector<16xi32>, vector<16xi32>], vector<16xf32>,
      tpu.vector_store_idx %arg11[%get3A_712, %iota3A], %broadcast_in_dim3A_36 {add = true} : memref<256x16xf32, #tpu.memory_space<vmem>>[vector<16xi32>, vector<16xi32>], vector<16xf32>,
      tpu.vector_store_idx %arg10[%get3A_720, %iota3A], %get3A_722 {add = true} : memref<256x16xf32, #tpu.memory_space<vmem>>[vector<16xi32>, vector<16xi32>], vector<16xf32>,
      tpu.vector_store_idx %arg11[%get3A_720, %iota3A], %broadcast_in_dim3A_36 {add = true} : memref<256x16xf32, #tpu.memory_space<vmem>>[vector<16xi32>, vector<16xi32>], vector<16xf32>,
      tpu.vector_store_idx %arg10[%get3A_728, %iota3A], %get3A_730 {add = true} : memref<256x16xf32, #tpu.memory_space<vmem>>[vector<16xi32>, vector<16xi32>], vector<16xf32>,
      tpu.vector_store_idx %arg11[%get3A_728, %iota3A], %broadcast_in_dim3A_36 {add = true} : memref<256x16xf32, #tpu.memory_space<vmem>>[vector<16xi32>, vector<16xi32>], vector<16xf32>,
      tpu.vector_store_idx %arg10[%get3A_736, %iota3A], %get3A_738 {add = true} : memref<256x16xf32, #tpu.memory_space<vmem>>[vector<16xi32>, vector<16xi32>], vector<16xf32>,
      tpu.vector_store_idx %arg11[%get3A_736, %iota3A], %broadcast_in_dim3A_36 {add = true} : memref<256x16xf32, #tpu.memory_space<vmem>>[vector<16xi32>, vector<16xi32>], vector<16xf32>,
      tpu.vector_store_idx %arg10[%get3A_744, %iota3A], %get3A_746 {add = true} : memref<256x16xf32, #tpu.memory_space<vmem>>[vector<16xi32>, vector<16xi32>], vector<16xf32>,
      tpu.vector_store_idx %arg11[%get3A_744, %iota3A], %broadcast_in_dim3A_36 {add = true} : memref<256x16xf32, #tpu.memory_space<vmem>>[vector<16xi32>, vector<16xi32>], vector<16xf32>,
      %scan3A_747 = arith.constant 0 : i32
      scf.yield %scan3A_747 : i32
    }
    %scan3A_55 = arith.constant 125 : i32
    %add3A_56 = arith.constant 20000 : i32
    %add3A_57 = arith.addi %multiple_of3A, %add3A_56 : i32
    %multiple_of3A_58 = tpu.assume_multiple %add3A_57, 8 : i32
    %dma_start3A_59 = arith.constant 0 : i32
    %dma_start3A_60 = tpu.memref_slice %arg2[%multiple_of3A_58] : memref<6400000xf32, #tpu.memory_space<hbm>> -> memref<10000xf32, #tpu.memory_space<hbm>>
    %dma_start3A_61 = tpu.memref_slice %arg14[%dma_start3A_59] : memref<2x!tpu.dma_semaphore, #tpu.memory_space<semaphore_mem>> -> memref<1x!tpu.dma_semaphore, #tpu.memory_space<semaphore_mem>>
    %dma_start3A_62 = tpu.memref_squeeze %dma_start3A_61 : memref<1x!tpu.dma_semaphore, #tpu.memory_space<semaphore_mem>> -> memref<!tpu.dma_semaphore, #tpu.memory_space<semaphore_mem>>
    %dma_start3A_63 = tpu.memref_slice %arg2[%multiple_of3A_58] : memref<6400000xf32, #tpu.memory_space<hbm>> -> memref<10000xf32, #tpu.memory_space<hbm>>
    tpu.enqueue_dma source(%dma_start3A_63 : memref<10000xf32, #tpu.memory_space<hbm>>) target(%arg6 : memref<10000xf32, #tpu.memory_space<vmem>>) target_semaphore(%dma_start3A_62 : memref<!tpu.dma_semaphore, #tpu.memory_space<semaphore_mem>>)
    %dma_start3A_64 = arith.constant 0 : i32
    %dma_start3A_65 = tpu.memref_slice %arg3[%multiple_of3A_58] : memref<6400000xi32, #tpu.memory_space<hbm>> -> memref<10000xi32, #tpu.memory_space<hbm>>
    %dma_start3A_66 = tpu.memref_slice %arg15[%dma_start3A_64] : memref<2x!tpu.dma_semaphore, #tpu.memory_space<semaphore_mem>> -> memref<1x!tpu.dma_semaphore, #tpu.memory_space<semaphore_mem>>
    %dma_start3A_67 = tpu.memref_squeeze %dma_start3A_66 : memref<1x!tpu.dma_semaphore, #tpu.memory_space<semaphore_mem>> -> memref<!tpu.dma_semaphore, #tpu.memory_space<semaphore_mem>>
    %dma_start3A_68 = tpu.memref_slice %arg3[%multiple_of3A_58] : memref<6400000xi32, #tpu.memory_space<hbm>> -> memref<10000xi32, #tpu.memory_space<hbm>>
    tpu.enqueue_dma source(%dma_start3A_68 : memref<10000xi32, #tpu.memory_space<hbm>>) target(%arg8 : memref<10000xi32, #tpu.memory_space<vmem>>) target_semaphore(%dma_start3A_67 : memref<!tpu.dma_semaphore, #tpu.memory_space<semaphore_mem>>)
    %add3A_69 = arith.constant 10000 : i32
    %add3A_70 = arith.addi %multiple_of3A, %add3A_69 : i32
    %multiple_of3A_71 = tpu.assume_multiple %add3A_70, 8 : i32
    %dma_wait3A_72 = arith.constant 1 : i32
    %dma_wait3A_73 = tpu.memref_slice %arg2[%multiple_of3A_71] : memref<6400000xf32, #tpu.memory_space<hbm>> -> memref<10000xf32, #tpu.memory_space<hbm>>
    %dma_wait3A_74 = tpu.memref_slice %arg14[%dma_wait3A_72] : memref<2x!tpu.dma_semaphore, #tpu.memory_space<semaphore_mem>> -> memref<1x!tpu.dma_semaphore, #tpu.memory_space<semaphore_mem>>
    %dma_wait3A_75 = tpu.memref_squeeze %dma_wait3A_74 : memref<1x!tpu.dma_semaphore, #tpu.memory_space<semaphore_mem>> -> memref<!tpu.dma_semaphore, #tpu.memory_space<semaphore_mem>>
    %dma_wait3A_76 = tpu.memref_slice %arg2[%multiple_of3A_71] : memref<6400000xf32, #tpu.memory_space<hbm>> -> memref<10000xf32, #tpu.memory_space<hbm>>
    tpu.wait_dma2 semaphore(%dma_wait3A_75 : memref<!tpu.dma_semaphore, #tpu.memory_space<semaphore_mem>>) src(%dma_wait3A_76 : memref<10000xf32, #tpu.memory_space<hbm>>) dst(%arg7 : memref<10000xf32, #tpu.memory_space<vmem>>)
    %dma_wait3A_77 = arith.constant 1 : i32
    %dma_wait3A_78 = tpu.memref_slice %arg3[%multiple_of3A_71] : memref<6400000xi32, #tpu.memory_space<hbm>> -> memref<10000xi32, #tpu.memory_space<hbm>>
    %dma_wait3A_79 = tpu.memref_slice %arg15[%dma_wait3A_77] : memref<2x!tpu.dma_semaphore, #tpu.memory_space<semaphore_mem>> -> memref<1x!tpu.dma_semaphore, #tpu.memory_space<semaphore_mem>>
    %dma_wait3A_80 = tpu.memref_squeeze %dma_wait3A_79 : memref<1x!tpu.dma_semaphore, #tpu.memory_space<semaphore_mem>> -> memref<!tpu.dma_semaphore, #tpu.memory_space<semaphore_mem>>
    %dma_wait3A_81 = tpu.memref_slice %arg3[%multiple_of3A_71] : memref<6400000xi32, #tpu.memory_space<hbm>> -> memref<10000xi32, #tpu.memory_space<hbm>>
    tpu.wait_dma2 semaphore(%dma_wait3A_80 : memref<!tpu.dma_semaphore, #tpu.memory_space<semaphore_mem>>) src(%dma_wait3A_81 : memref<10000xi32, #tpu.memory_space<hbm>>) dst(%arg9 : memref<10000xi32, #tpu.memory_space<vmem>>)
    %scan3A_82 = arith.constant 0 : i32
    %scan3A_83 = arith.constant 0 : i32
    %scan3A_84 = arith.constant 125 : i32
    %scan3A_85 = arith.addi %scan3A_83, %scan3A_84 : i32
    %scan3A_86 = arith.constant 1 : i32
    %scan3A_87 = scf.for %scan3A_706 = %scan3A_83 to %scan3A_85 step %scan3A_86 iter_args(%scan3A_707 = %scan3A_82) -> (i32)  : i32 {
      %mul3A_708 = arith.constant 80 : i32
      %mul3A_709 = arith.muli %scan3A_706, %mul3A_708 : i32
      %add3A_710 = arith.constant 0 : i32
      %add3A_711 = arith.addi %mul3A_709, %add3A_710 : i32
      %get3A = arith.index_cast %add3A_711 : i32 to index
      %get3A_712 = tpu.vector_load %arg9[%get3A] {strides = array<i32>} : memref<10000xi32, #tpu.memory_space<vmem>>, vector<16xi32>,
      %get3A_713 = arith.index_cast %add3A_711 : i32 to index
      %get3A_714 = tpu.vector_load %arg7[%get3A_713] {strides = array<i32>} : memref<10000xf32, #tpu.memory_space<vmem>>, vector<16xf32>,
      %mul3A_715 = arith.constant 80 : i32
      %mul3A_716 = arith.muli %scan3A_706, %mul3A_715 : i32
      %add3A_717 = arith.constant 16 : i32
      %add3A_718 = arith.addi %mul3A_716, %add3A_717 : i32
      %get3A_719 = arith.index_cast %add3A_718 : i32 to index
      %get3A_720 = tpu.vector_load %arg9[%get3A_719] {strides = array<i32>} : memref<10000xi32, #tpu.memory_space<vmem>>, vector<16xi32>,
      %get3A_721 = arith.index_cast %add3A_718 : i32 to index
      %get3A_722 = tpu.vector_load %arg7[%get3A_721] {strides = array<i32>} : memref<10000xf32, #tpu.memory_space<vmem>>, vector<16xf32>,
      %mul3A_723 = arith.constant 80 : i32
      %mul3A_724 = arith.muli %scan3A_706, %mul3A_723 : i32
      %add3A_725 = arith.constant 32 : i32
      %add3A_726 = arith.addi %mul3A_724, %add3A_725 : i32
      %get3A_727 = arith.index_cast %add3A_726 : i32 to index
      %get3A_728 = tpu.vector_load %arg9[%get3A_727] {strides = array<i32>} : memref<10000xi32, #tpu.memory_space<vmem>>, vector<16xi32>,
      %get3A_729 = arith.index_cast %add3A_726 : i32 to index
      %get3A_730 = tpu.vector_load %arg7[%get3A_729] {strides = array<i32>} : memref<10000xf32, #tpu.memory_space<vmem>>, vector<16xf32>,
      %mul3A_731 = arith.constant 80 : i32
      %mul3A_732 = arith.muli %scan3A_706, %mul3A_731 : i32
      %add3A_733 = arith.constant 48 : i32
      %add3A_734 = arith.addi %mul3A_732, %add3A_733 : i32
      %get3A_735 = arith.index_cast %add3A_734 : i32 to index
      %get3A_736 = tpu.vector_load %arg9[%get3A_735] {strides = array<i32>} : memref<10000xi32, #tpu.memory_space<vmem>>, vector<16xi32>,
      %get3A_737 = arith.index_cast %add3A_734 : i32 to index
      %get3A_738 = tpu.vector_load %arg7[%get3A_737] {strides = array<i32>} : memref<10000xf32, #tpu.memory_space<vmem>>, vector<16xf32>,
      %mul3A_739 = arith.constant 80 : i32
      %mul3A_740 = arith.muli %scan3A_706, %mul3A_739 : i32
      %add3A_741 = arith.constant 64 : i32
      %add3A_742 = arith.addi %mul3A_740, %add3A_741 : i32
      %get3A_743 = arith.index_cast %add3A_742 : i32 to index
      %get3A_744 = tpu.vector_load %arg9[%get3A_743] {strides = array<i32>} : memref<10000xi32, #tpu.memory_space<vmem>>, vector<16xi32>,
      %get3A_745 = arith.index_cast %add3A_742 : i32 to index
      %get3A_746 = tpu.vector_load %arg7[%get3A_745] {strides = array<i32>} : memref<10000xf32, #tpu.memory_space<vmem>>, vector<16xf32>,
      tpu.vector_store_idx %arg10[%get3A_712, %iota3A], %get3A_714 {add = true} : memref<256x16xf32, #tpu.memory_space<vmem>>[vector<16xi32>, vector<16xi32>], vector<16xf32>,
      tpu.vector_store_idx %arg11[%get3A_712, %iota3A], %broadcast_in_dim3A_36 {add = true} : memref<256x16xf32, #tpu.memory_space<vmem>>[vector<16xi32>, vector<16xi32>], vector<16xf32>,
      tpu.vector_store_idx %arg10[%get3A_720, %iota3A], %get3A_722 {add = true} : memref<256x16xf32, #tpu.memory_space<vmem>>[vector<16xi32>, vector<16xi32>], vector<16xf32>,
      tpu.vector_store_idx %arg11[%get3A_720, %iota3A], %broadcast_in_dim3A_36 {add = true} : memref<256x16xf32, #tpu.memory_space<vmem>>[vector<16xi32>, vector<16xi32>], vector<16xf32>,
      tpu.vector_store_idx %arg10[%get3A_728, %iota3A], %get3A_730 {add = true} : memref<256x16xf32, #tpu.memory_space<vmem>>[vector<16xi32>, vector<16xi32>], vector<16xf32>,
      tpu.vector_store_idx %arg11[%get3A_728, %iota3A], %broadcast_in_dim3A_36 {add = true} : memref<256x16xf32, #tpu.memory_space<vmem>>[vector<16xi32>, vector<16xi32>], vector<16xf32>,
      tpu.vector_store_idx %arg10[%get3A_736, %iota3A], %get3A_738 {add = true} : memref<256x16xf32, #tpu.memory_space<vmem>>[vector<16xi32>, vector<16xi32>], vector<16xf32>,
      tpu.vector_store_idx %arg11[%get3A_736, %iota3A], %broadcast_in_dim3A_36 {add = true} : memref<256x16xf32, #tpu.memory_space<vmem>>[vector<16xi32>, vector<16xi32>], vector<16xf32>,
      tpu.vector_store_idx %arg10[%get3A_744, %iota3A], %get3A_746 {add = true} : memref<256x16xf32, #tpu.memory_space<vmem>>[vector<16xi32>, vector<16xi32>], vector<16xf32>,
      tpu.vector_store_idx %arg11[%get3A_744, %iota3A], %broadcast_in_dim3A_36 {add = true} : memref<256x16xf32, #tpu.memory_space<vmem>>[vector<16xi32>, vector<16xi32>], vector<16xf32>,
      %scan3A_747 = arith.constant 0 : i32
      scf.yield %scan3A_747 : i32
    }
    %scan3A_88 = arith.constant 125 : i32
    %add3A_89 = arith.constant 30000 : i32
    %add3A_90 = arith.addi %multiple_of3A, %add3A_89 : i32
    %multiple_of3A_91 = tpu.assume_multiple %add3A_90, 8 : i32
    %dma_start3A_92 = arith.constant 1 : i32
    %dma_start3A_93 = tpu.memref_slice %arg2[%multiple_of3A_91] : memref<6400000xf32, #tpu.memory_space<hbm>> -> memref<10000xf32, #tpu.memory_space<hbm>>
    %dma_start3A_94 = tpu.memref_slice %arg14[%dma_start3A_92] : memref<2x!tpu.dma_semaphore, #tpu.memory_space<semaphore_mem>> -> memref<1x!tpu.dma_semaphore, #tpu.memory_space<semaphore_mem>>
    %dma_start3A_95 = tpu.memref_squeeze %dma_start3A_94 : memref<1x!tpu.dma_semaphore, #tpu.memory_space<semaphore_mem>> -> memref<!tpu.dma_semaphore, #tpu.memory_space<semaphore_mem>>
    %dma_start3A_96 = tpu.memref_slice %arg2[%multiple_of3A_91] : memref<6400000xf32, #tpu.memory_space<hbm>> -> memref<10000xf32, #tpu.memory_space<hbm>>
    tpu.enqueue_dma source(%dma_start3A_96 : memref<10000xf32, #tpu.memory_space<hbm>>) target(%arg7 : memref<10000xf32, #tpu.memory_space<vmem>>) target_semaphore(%dma_start3A_95 : memref<!tpu.dma_semaphore, #tpu.memory_space<semaphore_mem>>)
    %dma_start3A_97 = arith.constant 1 : i32
    %dma_start3A_98 = tpu.memref_slice %arg3[%multiple_of3A_91] : memref<6400000xi32, #tpu.memory_space<hbm>> -> memref<10000xi32, #tpu.memory_space<hbm>>
    %dma_start3A_99 = tpu.memref_slice %arg15[%dma_start3A_97] : memref<2x!tpu.dma_semaphore, #tpu.memory_space<semaphore_mem>> -> memref<1x!tpu.dma_semaphore, #tpu.memory_space<semaphore_mem>>
    %dma_start3A_100 = tpu.memref_squeeze %dma_start3A_99 : memref<1x!tpu.dma_semaphore, #tpu.memory_space<semaphore_mem>> -> memref<!tpu.dma_semaphore, #tpu.memory_space<semaphore_mem>>
    %dma_start3A_101 = tpu.memref_slice %arg3[%multiple_of3A_91] : memref<6400000xi32, #tpu.memory_space<hbm>> -> memref<10000xi32, #tpu.memory_space<hbm>>
    tpu.enqueue_dma source(%dma_start3A_101 : memref<10000xi32, #tpu.memory_space<hbm>>) target(%arg9 : memref<10000xi32, #tpu.memory_space<vmem>>) target_semaphore(%dma_start3A_100 : memref<!tpu.dma_semaphore, #tpu.memory_space<semaphore_mem>>)
    %add3A_102 = arith.constant 20000 : i32
    %add3A_103 = arith.addi %multiple_of3A, %add3A_102 : i32
    %multiple_of3A_104 = tpu.assume_multiple %add3A_103, 8 : i32
    %dma_wait3A_105 = arith.constant 0 : i32
    %dma_wait3A_106 = tpu.memref_slice %arg2[%multiple_of3A_104] : memref<6400000xf32, #tpu.memory_space<hbm>> -> memref<10000xf32, #tpu.memory_space<hbm>>
    %dma_wait3A_107 = tpu.memref_slice %arg14[%dma_wait3A_105] : memref<2x!tpu.dma_semaphore, #tpu.memory_space<semaphore_mem>> -> memref<1x!tpu.dma_semaphore, #tpu.memory_space<semaphore_mem>>
    %dma_wait3A_108 = tpu.memref_squeeze %dma_wait3A_107 : memref<1x!tpu.dma_semaphore, #tpu.memory_space<semaphore_mem>> -> memref<!tpu.dma_semaphore, #tpu.memory_space<semaphore_mem>>
    %dma_wait3A_109 = tpu.memref_slice %arg2[%multiple_of3A_104] : memref<6400000xf32, #tpu.memory_space<hbm>> -> memref<10000xf32, #tpu.memory_space<hbm>>
    tpu.wait_dma2 semaphore(%dma_wait3A_108 : memref<!tpu.dma_semaphore, #tpu.memory_space<semaphore_mem>>) src(%dma_wait3A_109 : memref<10000xf32, #tpu.memory_space<hbm>>) dst(%arg6 : memref<10000xf32, #tpu.memory_space<vmem>>)
    %dma_wait3A_110 = arith.constant 0 : i32
    %dma_wait3A_111 = tpu.memref_slice %arg3[%multiple_of3A_104] : memref<6400000xi32, #tpu.memory_space<hbm>> -> memref<10000xi32, #tpu.memory_space<hbm>>
    %dma_wait3A_112 = tpu.memref_slice %arg15[%dma_wait3A_110] : memref<2x!tpu.dma_semaphore, #tpu.memory_space<semaphore_mem>> -> memref<1x!tpu.dma_semaphore, #tpu.memory_space<semaphore_mem>>
    %dma_wait3A_113 = tpu.memref_squeeze %dma_wait3A_112 : memref<1x!tpu.dma_semaphore, #tpu.memory_space<semaphore_mem>> -> memref<!tpu.dma_semaphore, #tpu.memory_space<semaphore_mem>>
    %dma_wait3A_114 = tpu.memref_slice %arg3[%multiple_of3A_104] : memref<6400000xi32, #tpu.memory_space<hbm>> -> memref<10000xi32, #tpu.memory_space<hbm>>
    tpu.wait_dma2 semaphore(%dma_wait3A_113 : memref<!tpu.dma_semaphore, #tpu.memory_space<semaphore_mem>>) src(%dma_wait3A_114 : memref<10000xi32, #tpu.memory_space<hbm>>) dst(%arg8 : memref<10000xi32, #tpu.memory_space<vmem>>)
    %scan3A_115 = arith.constant 0 : i32
    %scan3A_116 = arith.constant 0 : i32
    %scan3A_117 = arith.constant 125 : i32
    %scan3A_118 = arith.addi %scan3A_116, %scan3A_117 : i32
    %scan3A_119 = arith.constant 1 : i32
    %scan3A_120 = scf.for %scan3A_706 = %scan3A_116 to %scan3A_118 step %scan3A_119 iter_args(%scan3A_707 = %scan3A_115) -> (i32)  : i32 {
      %mul3A_708 = arith.constant 80 : i32
      %mul3A_709 = arith.muli %scan3A_706, %mul3A_708 : i32
      %add3A_710 = arith.constant 0 : i32
      %add3A_711 = arith.addi %mul3A_709, %add3A_710 : i32
      %get3A = arith.index_cast %add3A_711 : i32 to index
      %get3A_712 = tpu.vector_load %arg8[%get3A] {strides = array<i32>} : memref<10000xi32, #tpu.memory_space<vmem>>, vector<16xi32>,
      %get3A_713 = arith.index_cast %add3A_711 : i32 to index
      %get3A_714 = tpu.vector_load %arg6[%get3A_713] {strides = array<i32>} : memref<10000xf32, #tpu.memory_space<vmem>>, vector<16xf32>,
      %mul3A_715 = arith.constant 80 : i32
      %mul3A_716 = arith.muli %scan3A_706, %mul3A_715 : i32
      %add3A_717 = arith.constant 16 : i32
      %add3A_718 = arith.addi %mul3A_716, %add3A_717 : i32
      %get3A_719 = arith.index_cast %add3A_718 : i32 to index
      %get3A_720 = tpu.vector_load %arg8[%get3A_719] {strides = array<i32>} : memref<10000xi32, #tpu.memory_space<vmem>>, vector<16xi32>,
      %get3A_721 = arith.index_cast %add3A_718 : i32 to index
      %get3A_722 = tpu.vector_load %arg6[%get3A_721] {strides = array<i32>} : memref<10000xf32, #tpu.memory_space<vmem>>, vector<16xf32>,
      %mul3A_723 = arith.constant 80 : i32
      %mul3A_724 = arith.muli %scan3A_706, %mul3A_723 : i32
      %add3A_725 = arith.constant 32 : i32
      %add3A_726 = arith.addi %mul3A_724, %add3A_725 : i32
      %get3A_727 = arith.index_cast %add3A_726 : i32 to index
      %get3A_728 = tpu.vector_load %arg8[%get3A_727] {strides = array<i32>} : memref<10000xi32, #tpu.memory_space<vmem>>, vector<16xi32>,
      %get3A_729 = arith.index_cast %add3A_726 : i32 to index
      %get3A_730 = tpu.vector_load %arg6[%get3A_729] {strides = array<i32>} : memref<10000xf32, #tpu.memory_space<vmem>>, vector<16xf32>,
      %mul3A_731 = arith.constant 80 : i32
      %mul3A_732 = arith.muli %scan3A_706, %mul3A_731 : i32
      %add3A_733 = arith.constant 48 : i32
      %add3A_734 = arith.addi %mul3A_732, %add3A_733 : i32
      %get3A_735 = arith.index_cast %add3A_734 : i32 to index
      %get3A_736 = tpu.vector_load %arg8[%get3A_735] {strides = array<i32>} : memref<10000xi32, #tpu.memory_space<vmem>>, vector<16xi32>,
      %get3A_737 = arith.index_cast %add3A_734 : i32 to index
      %get3A_738 = tpu.vector_load %arg6[%get3A_737] {strides = array<i32>} : memref<10000xf32, #tpu.memory_space<vmem>>, vector<16xf32>,
      %mul3A_739 = arith.constant 80 : i32
      %mul3A_740 = arith.muli %scan3A_706, %mul3A_739 : i32
      %add3A_741 = arith.constant 64 : i32
      %add3A_742 = arith.addi %mul3A_740, %add3A_741 : i32
      %get3A_743 = arith.index_cast %add3A_742 : i32 to index
      %get3A_744 = tpu.vector_load %arg8[%get3A_743] {strides = array<i32>} : memref<10000xi32, #tpu.memory_space<vmem>>, vector<16xi32>,
      %get3A_745 = arith.index_cast %add3A_742 : i32 to index
      %get3A_746 = tpu.vector_load %arg6[%get3A_745] {strides = array<i32>} : memref<10000xf32, #tpu.memory_space<vmem>>, vector<16xf32>,
      tpu.vector_store_idx %arg10[%get3A_712, %iota3A], %get3A_714 {add = true} : memref<256x16xf32, #tpu.memory_space<vmem>>[vector<16xi32>, vector<16xi32>], vector<16xf32>,
      tpu.vector_store_idx %arg11[%get3A_712, %iota3A], %broadcast_in_dim3A_36 {add = true} : memref<256x16xf32, #tpu.memory_space<vmem>>[vector<16xi32>, vector<16xi32>], vector<16xf32>,
      tpu.vector_store_idx %arg10[%get3A_720, %iota3A], %get3A_722 {add = true} : memref<256x16xf32, #tpu.memory_space<vmem>>[vector<16xi32>, vector<16xi32>], vector<16xf32>,
      tpu.vector_store_idx %arg11[%get3A_720, %iota3A], %broadcast_in_dim3A_36 {add = true} : memref<256x16xf32, #tpu.memory_space<vmem>>[vector<16xi32>, vector<16xi32>], vector<16xf32>,
      tpu.vector_store_idx %arg10[%get3A_728, %iota3A], %get3A_730 {add = true} : memref<256x16xf32, #tpu.memory_space<vmem>>[vector<16xi32>, vector<16xi32>], vector<16xf32>,
      tpu.vector_store_idx %arg11[%get3A_728, %iota3A], %broadcast_in_dim3A_36 {add = true} : memref<256x16xf32, #tpu.memory_space<vmem>>[vector<16xi32>, vector<16xi32>], vector<16xf32>,
      tpu.vector_store_idx %arg10[%get3A_736, %iota3A], %get3A_738 {add = true} : memref<256x16xf32, #tpu.memory_space<vmem>>[vector<16xi32>, vector<16xi32>], vector<16xf32>,
      tpu.vector_store_idx %arg11[%get3A_736, %iota3A], %broadcast_in_dim3A_36 {add = true} : memref<256x16xf32, #tpu.memory_space<vmem>>[vector<16xi32>, vector<16xi32>], vector<16xf32>,
      tpu.vector_store_idx %arg10[%get3A_744, %iota3A], %get3A_746 {add = true} : memref<256x16xf32, #tpu.memory_space<vmem>>[vector<16xi32>, vector<16xi32>], vector<16xf32>,
      tpu.vector_store_idx %arg11[%get3A_744, %iota3A], %broadcast_in_dim3A_36 {add = true} : memref<256x16xf32, #tpu.memory_space<vmem>>[vector<16xi32>, vector<16xi32>], vector<16xf32>,
      %scan3A_747 = arith.constant 0 : i32
      scf.yield %scan3A_747 : i32
    }
    %scan3A_121 = arith.constant 125 : i32
    %add3A_122 = arith.constant 40000 : i32
    %add3A_123 = arith.addi %multiple_of3A, %add3A_122 : i32
    %multiple_of3A_124 = tpu.assume_multiple %add3A_123, 8 : i32
    %dma_start3A_125 = arith.constant 0 : i32
    %dma_start3A_126 = tpu.memref_slice %arg2[%multiple_of3A_124] : memref<6400000xf32, #tpu.memory_space<hbm>> -> memref<10000xf32, #tpu.memory_space<hbm>>
    %dma_start3A_127 = tpu.memref_slice %arg14[%dma_start3A_125] : memref<2x!tpu.dma_semaphore, #tpu.memory_space<semaphore_mem>> -> memref<1x!tpu.dma_semaphore, #tpu.memory_space<semaphore_mem>>
    %dma_start3A_128 = tpu.memref_squeeze %dma_start3A_127 : memref<1x!tpu.dma_semaphore, #tpu.memory_space<semaphore_mem>> -> memref<!tpu.dma_semaphore, #tpu.memory_space<semaphore_mem>>
    %dma_start3A_129 = tpu.memref_slice %arg2[%multiple_of3A_124] : memref<6400000xf32, #tpu.memory_space<hbm>> -> memref<10000xf32, #tpu.memory_space<hbm>>
    tpu.enqueue_dma source(%dma_start3A_129 : memref<10000xf32, #tpu.memory_space<hbm>>) target(%arg6 : memref<10000xf32, #tpu.memory_space<vmem>>) target_semaphore(%dma_start3A_128 : memref<!tpu.dma_semaphore, #tpu.memory_space<semaphore_mem>>)
    %dma_start3A_130 = arith.constant 0 : i32
    %dma_start3A_131 = tpu.memref_slice %arg3[%multiple_of3A_124] : memref<6400000xi32, #tpu.memory_space<hbm>> -> memref<10000xi32, #tpu.memory_space<hbm>>
    %dma_start3A_132 = tpu.memref_slice %arg15[%dma_start3A_130] : memref<2x!tpu.dma_semaphore, #tpu.memory_space<semaphore_mem>> -> memref<1x!tpu.dma_semaphore, #tpu.memory_space<semaphore_mem>>
    %dma_start3A_133 = tpu.memref_squeeze %dma_start3A_132 : memref<1x!tpu.dma_semaphore, #tpu.memory_space<semaphore_mem>> -> memref<!tpu.dma_semaphore, #tpu.memory_space<semaphore_mem>>
    %dma_start3A_134 = tpu.memref_slice %arg3[%multiple_of3A_124] : memref<6400000xi32, #tpu.memory_space<hbm>> -> memref<10000xi32, #tpu.memory_space<hbm>>
    tpu.enqueue_dma source(%dma_start3A_134 : memref<10000xi32, #tpu.memory_space<hbm>>) target(%arg8 : memref<10000xi32, #tpu.memory_space<vmem>>) target_semaphore(%dma_start3A_133 : memref<!tpu.dma_semaphore, #tpu.memory_space<semaphore_mem>>)
    %add3A_135 = arith.constant 30000 : i32
    %add3A_136 = arith.addi %multiple_of3A, %add3A_135 : i32
    %multiple_of3A_137 = tpu.assume_multiple %add3A_136, 8 : i32
    %dma_wait3A_138 = arith.constant 1 : i32
    %dma_wait3A_139 = tpu.memref_slice %arg2[%multiple_of3A_137] : memref<6400000xf32, #tpu.memory_space<hbm>> -> memref<10000xf32, #tpu.memory_space<hbm>>
    %dma_wait3A_140 = tpu.memref_slice %arg14[%dma_wait3A_138] : memref<2x!tpu.dma_semaphore, #tpu.memory_space<semaphore_mem>> -> memref<1x!tpu.dma_semaphore, #tpu.memory_space<semaphore_mem>>
    %dma_wait3A_141 = tpu.memref_squeeze %dma_wait3A_140 : memref<1x!tpu.dma_semaphore, #tpu.memory_space<semaphore_mem>> -> memref<!tpu.dma_semaphore, #tpu.memory_space<semaphore_mem>>
    %dma_wait3A_142 = tpu.memref_slice %arg2[%multiple_of3A_137] : memref<6400000xf32, #tpu.memory_space<hbm>> -> memref<10000xf32, #tpu.memory_space<hbm>>
    tpu.wait_dma2 semaphore(%dma_wait3A_141 : memref<!tpu.dma_semaphore, #tpu.memory_space<semaphore_mem>>) src(%dma_wait3A_142 : memref<10000xf32, #tpu.memory_space<hbm>>) dst(%arg7 : memref<10000xf32, #tpu.memory_space<vmem>>)
    %dma_wait3A_143 = arith.constant 1 : i32
    %dma_wait3A_144 = tpu.memref_slice %arg3[%multiple_of3A_137] : memref<6400000xi32, #tpu.memory_space<hbm>> -> memref<10000xi32, #tpu.memory_space<hbm>>
    %dma_wait3A_145 = tpu.memref_slice %arg15[%dma_wait3A_143] : memref<2x!tpu.dma_semaphore, #tpu.memory_space<semaphore_mem>> -> memref<1x!tpu.dma_semaphore, #tpu.memory_space<semaphore_mem>>
    %dma_wait3A_146 = tpu.memref_squeeze %dma_wait3A_145 : memref<1x!tpu.dma_semaphore, #tpu.memory_space<semaphore_mem>> -> memref<!tpu.dma_semaphore, #tpu.memory_space<semaphore_mem>>
    %dma_wait3A_147 = tpu.memref_slice %arg3[%multiple_of3A_137] : memref<6400000xi32, #tpu.memory_space<hbm>> -> memref<10000xi32, #tpu.memory_space<hbm>>
    tpu.wait_dma2 semaphore(%dma_wait3A_146 : memref<!tpu.dma_semaphore, #tpu.memory_space<semaphore_mem>>) src(%dma_wait3A_147 : memref<10000xi32, #tpu.memory_space<hbm>>) dst(%arg9 : memref<10000xi32, #tpu.memory_space<vmem>>)
    %scan3A_148 = arith.constant 0 : i32
    %scan3A_149 = arith.constant 0 : i32
    %scan3A_150 = arith.constant 125 : i32
    %scan3A_151 = arith.addi %scan3A_149, %scan3A_150 : i32
    %scan3A_152 = arith.constant 1 : i32
    %scan3A_153 = scf.for %scan3A_706 = %scan3A_149 to %scan3A_151 step %scan3A_152 iter_args(%scan3A_707 = %scan3A_148) -> (i32)  : i32 {
      %mul3A_708 = arith.constant 80 : i32
      %mul3A_709 = arith.muli %scan3A_706, %mul3A_708 : i32
      %add3A_710 = arith.constant 0 : i32
      %add3A_711 = arith.addi %mul3A_709, %add3A_710 : i32
      %get3A = arith.index_cast %add3A_711 : i32 to index
      %get3A_712 = tpu.vector_load %arg9[%get3A] {strides = array<i32>} : memref<10000xi32, #tpu.memory_space<vmem>>, vector<16xi32>,
      %get3A_713 = arith.index_cast %add3A_711 : i32 to index
      %get3A_714 = tpu.vector_load %arg7[%get3A_713] {strides = array<i32>} : memref<10000xf32, #tpu.memory_space<vmem>>, vector<16xf32>,
      %mul3A_715 = arith.constant 80 : i32
      %mul3A_716 = arith.muli %scan3A_706, %mul3A_715 : i32
      %add3A_717 = arith.constant 16 : i32
      %add3A_718 = arith.addi %mul3A_716, %add3A_717 : i32
      %get3A_719 = arith.index_cast %add3A_718 : i32 to index
      %get3A_720 = tpu.vector_load %arg9[%get3A_719] {strides = array<i32>} : memref<10000xi32, #tpu.memory_space<vmem>>, vector<16xi32>,
      %get3A_721 = arith.index_cast %add3A_718 : i32 to index
      %get3A_722 = tpu.vector_load %arg7[%get3A_721] {strides = array<i32>} : memref<10000xf32, #tpu.memory_space<vmem>>, vector<16xf32>,
      %mul3A_723 = arith.constant 80 : i32
      %mul3A_724 = arith.muli %scan3A_706, %mul3A_723 : i32
      %add3A_725 = arith.constant 32 : i32
      %add3A_726 = arith.addi %mul3A_724, %add3A_725 : i32
      %get3A_727 = arith.index_cast %add3A_726 : i32 to index
      %get3A_728 = tpu.vector_load %arg9[%get3A_727] {strides = array<i32>} : memref<10000xi32, #tpu.memory_space<vmem>>, vector<16xi32>,
      %get3A_729 = arith.index_cast %add3A_726 : i32 to index
      %get3A_730 = tpu.vector_load %arg7[%get3A_729] {strides = array<i32>} : memref<10000xf32, #tpu.memory_space<vmem>>, vector<16xf32>,
      %mul3A_731 = arith.constant 80 : i32
      %mul3A_732 = arith.muli %scan3A_706, %mul3A_731 : i32
      %add3A_733 = arith.constant 48 : i32
      %add3A_734 = arith.addi %mul3A_732, %add3A_733 : i32
      %get3A_735 = arith.index_cast %add3A_734 : i32 to index
      %get3A_736 = tpu.vector_load %arg9[%get3A_735] {strides = array<i32>} : memref<10000xi32, #tpu.memory_space<vmem>>, vector<16xi32>,
      %get3A_737 = arith.index_cast %add3A_734 : i32 to index
      %get3A_738 = tpu.vector_load %arg7[%get3A_737] {strides = array<i32>} : memref<10000xf32, #tpu.memory_space<vmem>>, vector<16xf32>,
      %mul3A_739 = arith.constant 80 : i32
      %mul3A_740 = arith.muli %scan3A_706, %mul3A_739 : i32
      %add3A_741 = arith.constant 64 : i32
      %add3A_742 = arith.addi %mul3A_740, %add3A_741 : i32
      %get3A_743 = arith.index_cast %add3A_742 : i32 to index
      %get3A_744 = tpu.vector_load %arg9[%get3A_743] {strides = array<i32>} : memref<10000xi32, #tpu.memory_space<vmem>>, vector<16xi32>,
      %get3A_745 = arith.index_cast %add3A_742 : i32 to index
      %get3A_746 = tpu.vector_load %arg7[%get3A_745] {strides = array<i32>} : memref<10000xf32, #tpu.memory_space<vmem>>, vector<16xf32>,
      tpu.vector_store_idx %arg10[%get3A_712, %iota3A], %get3A_714 {add = true} : memref<256x16xf32, #tpu.memory_space<vmem>>[vector<16xi32>, vector<16xi32>], vector<16xf32>,
      tpu.vector_store_idx %arg11[%get3A_712, %iota3A], %broadcast_in_dim3A_36 {add = true} : memref<256x16xf32, #tpu.memory_space<vmem>>[vector<16xi32>, vector<16xi32>], vector<16xf32>,
      tpu.vector_store_idx %arg10[%get3A_720, %iota3A], %get3A_722 {add = true} : memref<256x16xf32, #tpu.memory_space<vmem>>[vector<16xi32>, vector<16xi32>], vector<16xf32>,
      tpu.vector_store_idx %arg11[%get3A_720, %iota3A], %broadcast_in_dim3A_36 {add = true} : memref<256x16xf32, #tpu.memory_space<vmem>>[vector<16xi32>, vector<16xi32>], vector<16xf32>,
      tpu.vector_store_idx %arg10[%get3A_728, %iota3A], %get3A_730 {add = true} : memref<256x16xf32, #tpu.memory_space<vmem>>[vector<16xi32>, vector<16xi32>], vector<16xf32>,
      tpu.vector_store_idx %arg11[%get3A_728, %iota3A], %broadcast_in_dim3A_36 {add = true} : memref<256x16xf32, #tpu.memory_space<vmem>>[vector<16xi32>, vector<16xi32>], vector<16xf32>,
      tpu.vector_store_idx %arg10[%get3A_736, %iota3A], %get3A_738 {add = true} : memref<256x16xf32, #tpu.memory_space<vmem>>[vector<16xi32>, vector<16xi32>], vector<16xf32>,
      tpu.vector_store_idx %arg11[%get3A_736, %iota3A], %broadcast_in_dim3A_36 {add = true} : memref<256x16xf32, #tpu.memory_space<vmem>>[vector<16xi32>, vector<16xi32>], vector<16xf32>,
      tpu.vector_store_idx %arg10[%get3A_744, %iota3A], %get3A_746 {add = true} : memref<256x16xf32, #tpu.memory_space<vmem>>[vector<16xi32>, vector<16xi32>], vector<16xf32>,
      tpu.vector_store_idx %arg11[%get3A_744, %iota3A], %broadcast_in_dim3A_36 {add = true} : memref<256x16xf32, #tpu.memory_space<vmem>>[vector<16xi32>, vector<16xi32>], vector<16xf32>,
      %scan3A_747 = arith.constant 0 : i32
      scf.yield %scan3A_747 : i32
    }
    %scan3A_154 = arith.constant 125 : i32
    %add3A_155 = arith.constant 50000 : i32
    %add3A_156 = arith.addi %multiple_of3A, %add3A_155 : i32
    %multiple_of3A_157 = tpu.assume_multiple %add3A_156, 8 : i32
    %dma_start3A_158 = arith.constant 1 : i32
    %dma_start3A_159 = tpu.memref_slice %arg2[%multiple_of3A_157] : memref<6400000xf32, #tpu.memory_space<hbm>> -> memref<10000xf32, #tpu.memory_space<hbm>>
    %dma_start3A_160 = tpu.memref_slice %arg14[%dma_start3A_158] : memref<2x!tpu.dma_semaphore, #tpu.memory_space<semaphore_mem>> -> memref<1x!tpu.dma_semaphore, #tpu.memory_space<semaphore_mem>>
    %dma_start3A_161 = tpu.memref_squeeze %dma_start3A_160 : memref<1x!tpu.dma_semaphore, #tpu.memory_space<semaphore_mem>> -> memref<!tpu.dma_semaphore, #tpu.memory_space<semaphore_mem>>
    %dma_start3A_162 = tpu.memref_slice %arg2[%multiple_of3A_157] : memref<6400000xf32, #tpu.memory_space<hbm>> -> memref<10000xf32, #tpu.memory_space<hbm>>
    tpu.enqueue_dma source(%dma_start3A_162 : memref<10000xf32, #tpu.memory_space<hbm>>) target(%arg7 : memref<10000xf32, #tpu.memory_space<vmem>>) target_semaphore(%dma_start3A_161 : memref<!tpu.dma_semaphore, #tpu.memory_space<semaphore_mem>>)
    %dma_start3A_163 = arith.constant 1 : i32
    %dma_start3A_164 = tpu.memref_slice %arg3[%multiple_of3A_157] : memref<6400000xi32, #tpu.memory_space<hbm>> -> memref<10000xi32, #tpu.memory_space<hbm>>
    %dma_start3A_165 = tpu.memref_slice %arg15[%dma_start3A_163] : memref<2x!tpu.dma_semaphore, #tpu.memory_space<semaphore_mem>> -> memref<1x!tpu.dma_semaphore, #tpu.memory_space<semaphore_mem>>
    %dma_start3A_166 = tpu.memref_squeeze %dma_start3A_165 : memref<1x!tpu.dma_semaphore, #tpu.memory_space<semaphore_mem>> -> memref<!tpu.dma_semaphore, #tpu.memory_space<semaphore_mem>>
    %dma_start3A_167 = tpu.memref_slice %arg3[%multiple_of3A_157] : memref<6400000xi32, #tpu.memory_space<hbm>> -> memref<10000xi32, #tpu.memory_space<hbm>>
    tpu.enqueue_dma source(%dma_start3A_167 : memref<10000xi32, #tpu.memory_space<hbm>>) target(%arg9 : memref<10000xi32, #tpu.memory_space<vmem>>) target_semaphore(%dma_start3A_166 : memref<!tpu.dma_semaphore, #tpu.memory_space<semaphore_mem>>)
    %add3A_168 = arith.constant 40000 : i32
    %add3A_169 = arith.addi %multiple_of3A, %add3A_168 : i32
    %multiple_of3A_170 = tpu.assume_multiple %add3A_169, 8 : i32
    %dma_wait3A_171 = arith.constant 0 : i32
    %dma_wait3A_172 = tpu.memref_slice %arg2[%multiple_of3A_170] : memref<6400000xf32, #tpu.memory_space<hbm>> -> memref<10000xf32, #tpu.memory_space<hbm>>
    %dma_wait3A_173 = tpu.memref_slice %arg14[%dma_wait3A_171] : memref<2x!tpu.dma_semaphore, #tpu.memory_space<semaphore_mem>> -> memref<1x!tpu.dma_semaphore, #tpu.memory_space<semaphore_mem>>
    %dma_wait3A_174 = tpu.memref_squeeze %dma_wait3A_173 : memref<1x!tpu.dma_semaphore, #tpu.memory_space<semaphore_mem>> -> memref<!tpu.dma_semaphore, #tpu.memory_space<semaphore_mem>>
    %dma_wait3A_175 = tpu.memref_slice %arg2[%multiple_of3A_170] : memref<6400000xf32, #tpu.memory_space<hbm>> -> memref<10000xf32, #tpu.memory_space<hbm>>
    tpu.wait_dma2 semaphore(%dma_wait3A_174 : memref<!tpu.dma_semaphore, #tpu.memory_space<semaphore_mem>>) src(%dma_wait3A_175 : memref<10000xf32, #tpu.memory_space<hbm>>) dst(%arg6 : memref<10000xf32, #tpu.memory_space<vmem>>)
    %dma_wait3A_176 = arith.constant 0 : i32
    %dma_wait3A_177 = tpu.memref_slice %arg3[%multiple_of3A_170] : memref<6400000xi32, #tpu.memory_space<hbm>> -> memref<10000xi32, #tpu.memory_space<hbm>>
    %dma_wait3A_178 = tpu.memref_slice %arg15[%dma_wait3A_176] : memref<2x!tpu.dma_semaphore, #tpu.memory_space<semaphore_mem>> -> memref<1x!tpu.dma_semaphore, #tpu.memory_space<semaphore_mem>>
    %dma_wait3A_179 = tpu.memref_squeeze %dma_wait3A_178 : memref<1x!tpu.dma_semaphore, #tpu.memory_space<semaphore_mem>> -> memref<!tpu.dma_semaphore, #tpu.memory_space<semaphore_mem>>
    %dma_wait3A_180 = tpu.memref_slice %arg3[%multiple_of3A_170] : memref<6400000xi32, #tpu.memory_space<hbm>> -> memref<10000xi32, #tpu.memory_space<hbm>>
    tpu.wait_dma2 semaphore(%dma_wait3A_179 : memref<!tpu.dma_semaphore, #tpu.memory_space<semaphore_mem>>) src(%dma_wait3A_180 : memref<10000xi32, #tpu.memory_space<hbm>>) dst(%arg8 : memref<10000xi32, #tpu.memory_space<vmem>>)
    %scan3A_181 = arith.constant 0 : i32
    %scan3A_182 = arith.constant 0 : i32
    %scan3A_183 = arith.constant 125 : i32
    %scan3A_184 = arith.addi %scan3A_182, %scan3A_183 : i32
    %scan3A_185 = arith.constant 1 : i32
    %scan3A_186 = scf.for %scan3A_706 = %scan3A_182 to %scan3A_184 step %scan3A_185 iter_args(%scan3A_707 = %scan3A_181) -> (i32)  : i32 {
      %mul3A_708 = arith.constant 80 : i32
      %mul3A_709 = arith.muli %scan3A_706, %mul3A_708 : i32
      %add3A_710 = arith.constant 0 : i32
      %add3A_711 = arith.addi %mul3A_709, %add3A_710 : i32
      %get3A = arith.index_cast %add3A_711 : i32 to index
      %get3A_712 = tpu.vector_load %arg8[%get3A] {strides = array<i32>} : memref<10000xi32, #tpu.memory_space<vmem>>, vector<16xi32>,
      %get3A_713 = arith.index_cast %add3A_711 : i32 to index
      %get3A_714 = tpu.vector_load %arg6[%get3A_713] {strides = array<i32>} : memref<10000xf32, #tpu.memory_space<vmem>>, vector<16xf32>,
      %mul3A_715 = arith.constant 80 : i32
      %mul3A_716 = arith.muli %scan3A_706, %mul3A_715 : i32
      %add3A_717 = arith.constant 16 : i32
      %add3A_718 = arith.addi %mul3A_716, %add3A_717 : i32
      %get3A_719 = arith.index_cast %add3A_718 : i32 to index
      %get3A_720 = tpu.vector_load %arg8[%get3A_719] {strides = array<i32>} : memref<10000xi32, #tpu.memory_space<vmem>>, vector<16xi32>,
      %get3A_721 = arith.index_cast %add3A_718 : i32 to index
      %get3A_722 = tpu.vector_load %arg6[%get3A_721] {strides = array<i32>} : memref<10000xf32, #tpu.memory_space<vmem>>, vector<16xf32>,
      %mul3A_723 = arith.constant 80 : i32
      %mul3A_724 = arith.muli %scan3A_706, %mul3A_723 : i32
      %add3A_725 = arith.constant 32 : i32
      %add3A_726 = arith.addi %mul3A_724, %add3A_725 : i32
      %get3A_727 = arith.index_cast %add3A_726 : i32 to index
      %get3A_728 = tpu.vector_load %arg8[%get3A_727] {strides = array<i32>} : memref<10000xi32, #tpu.memory_space<vmem>>, vector<16xi32>,
      %get3A_729 = arith.index_cast %add3A_726 : i32 to index
      %get3A_730 = tpu.vector_load %arg6[%get3A_729] {strides = array<i32>} : memref<10000xf32, #tpu.memory_space<vmem>>, vector<16xf32>,
      %mul3A_731 = arith.constant 80 : i32
      %mul3A_732 = arith.muli %scan3A_706, %mul3A_731 : i32
      %add3A_733 = arith.constant 48 : i32
      %add3A_734 = arith.addi %mul3A_732, %add3A_733 : i32
      %get3A_735 = arith.index_cast %add3A_734 : i32 to index
      %get3A_736 = tpu.vector_load %arg8[%get3A_735] {strides = array<i32>} : memref<10000xi32, #tpu.memory_space<vmem>>, vector<16xi32>,
      %get3A_737 = arith.index_cast %add3A_734 : i32 to index
      %get3A_738 = tpu.vector_load %arg6[%get3A_737] {strides = array<i32>} : memref<10000xf32, #tpu.memory_space<vmem>>, vector<16xf32>,
      %mul3A_739 = arith.constant 80 : i32
      %mul3A_740 = arith.muli %scan3A_706, %mul3A_739 : i32
      %add3A_741 = arith.constant 64 : i32
      %add3A_742 = arith.addi %mul3A_740, %add3A_741 : i32
      %get3A_743 = arith.index_cast %add3A_742 : i32 to index
      %get3A_744 = tpu.vector_load %arg8[%get3A_743] {strides = array<i32>} : memref<10000xi32, #tpu.memory_space<vmem>>, vector<16xi32>,
      %get3A_745 = arith.index_cast %add3A_742 : i32 to index
      %get3A_746 = tpu.vector_load %arg6[%get3A_745] {strides = array<i32>} : memref<10000xf32, #tpu.memory_space<vmem>>, vector<16xf32>,
      tpu.vector_store_idx %arg10[%get3A_712, %iota3A], %get3A_714 {add = true} : memref<256x16xf32, #tpu.memory_space<vmem>>[vector<16xi32>, vector<16xi32>], vector<16xf32>,
      tpu.vector_store_idx %arg11[%get3A_712, %iota3A], %broadcast_in_dim3A_36 {add = true} : memref<256x16xf32, #tpu.memory_space<vmem>>[vector<16xi32>, vector<16xi32>], vector<16xf32>,
      tpu.vector_store_idx %arg10[%get3A_720, %iota3A], %get3A_722 {add = true} : memref<256x16xf32, #tpu.memory_space<vmem>>[vector<16xi32>, vector<16xi32>], vector<16xf32>,
      tpu.vector_store_idx %arg11[%get3A_720, %iota3A], %broadcast_in_dim3A_36 {add = true} : memref<256x16xf32, #tpu.memory_space<vmem>>[vector<16xi32>, vector<16xi32>], vector<16xf32>,
      tpu.vector_store_idx %arg10[%get3A_728, %iota3A], %get3A_730 {add = true} : memref<256x16xf32, #tpu.memory_space<vmem>>[vector<16xi32>, vector<16xi32>], vector<16xf32>,
      tpu.vector_store_idx %arg11[%get3A_728, %iota3A], %broadcast_in_dim3A_36 {add = true} : memref<256x16xf32, #tpu.memory_space<vmem>>[vector<16xi32>, vector<16xi32>], vector<16xf32>,
      tpu.vector_store_idx %arg10[%get3A_736, %iota3A], %get3A_738 {add = true} : memref<256x16xf32, #tpu.memory_space<vmem>>[vector<16xi32>, vector<16xi32>], vector<16xf32>,
      tpu.vector_store_idx %arg11[%get3A_736, %iota3A], %broadcast_in_dim3A_36 {add = true} : memref<256x16xf32, #tpu.memory_space<vmem>>[vector<16xi32>, vector<16xi32>], vector<16xf32>,
      tpu.vector_store_idx %arg10[%get3A_744, %iota3A], %get3A_746 {add = true} : memref<256x16xf32, #tpu.memory_space<vmem>>[vector<16xi32>, vector<16xi32>], vector<16xf32>,
      tpu.vector_store_idx %arg11[%get3A_744, %iota3A], %broadcast_in_dim3A_36 {add = true} : memref<256x16xf32, #tpu.memory_space<vmem>>[vector<16xi32>, vector<16xi32>], vector<16xf32>,
      %scan3A_747 = arith.constant 0 : i32
      scf.yield %scan3A_747 : i32
    }
    %scan3A_187 = arith.constant 125 : i32
    %add3A_188 = arith.constant 60000 : i32
    %add3A_189 = arith.addi %multiple_of3A, %add3A_188 : i32
    %multiple_of3A_190 = tpu.assume_multiple %add3A_189, 8 : i32
    %dma_start3A_191 = arith.constant 0 : i32
    %dma_start3A_192 = tpu.memref_slice %arg2[%multiple_of3A_190] : memref<6400000xf32, #tpu.memory_space<hbm>> -> memref<10000xf32, #tpu.memory_space<hbm>>
    %dma_start3A_193 = tpu.memref_slice %arg14[%dma_start3A_191] : memref<2x!tpu.dma_semaphore, #tpu.memory_space<semaphore_mem>> -> memref<1x!tpu.dma_semaphore, #tpu.memory_space<semaphore_mem>>
    %dma_start3A_194 = tpu.memref_squeeze %dma_start3A_193 : memref<1x!tpu.dma_semaphore, #tpu.memory_space<semaphore_mem>> -> memref<!tpu.dma_semaphore, #tpu.memory_space<semaphore_mem>>
    %dma_start3A_195 = tpu.memref_slice %arg2[%multiple_of3A_190] : memref<6400000xf32, #tpu.memory_space<hbm>> -> memref<10000xf32, #tpu.memory_space<hbm>>
    tpu.enqueue_dma source(%dma_start3A_195 : memref<10000xf32, #tpu.memory_space<hbm>>) target(%arg6 : memref<10000xf32, #tpu.memory_space<vmem>>) target_semaphore(%dma_start3A_194 : memref<!tpu.dma_semaphore, #tpu.memory_space<semaphore_mem>>)
    %dma_start3A_196 = arith.constant 0 : i32
    %dma_start3A_197 = tpu.memref_slice %arg3[%multiple_of3A_190] : memref<6400000xi32, #tpu.memory_space<hbm>> -> memref<10000xi32, #tpu.memory_space<hbm>>
    %dma_start3A_198 = tpu.memref_slice %arg15[%dma_start3A_196] : memref<2x!tpu.dma_semaphore, #tpu.memory_space<semaphore_mem>> -> memref<1x!tpu.dma_semaphore, #tpu.memory_space<semaphore_mem>>
    %dma_start3A_199 = tpu.memref_squeeze %dma_start3A_198 : memref<1x!tpu.dma_semaphore, #tpu.memory_space<semaphore_mem>> -> memref<!tpu.dma_semaphore, #tpu.memory_space<semaphore_mem>>
    %dma_start3A_200 = tpu.memref_slice %arg3[%multiple_of3A_190] : memref<6400000xi32, #tpu.memory_space<hbm>> -> memref<10000xi32, #tpu.memory_space<hbm>>
    tpu.enqueue_dma source(%dma_start3A_200 : memref<10000xi32, #tpu.memory_space<hbm>>) target(%arg8 : memref<10000xi32, #tpu.memory_space<vmem>>) target_semaphore(%dma_start3A_199 : memref<!tpu.dma_semaphore, #tpu.memory_space<semaphore_mem>>)
    %add3A_201 = arith.constant 50000 : i32
    %add3A_202 = arith.addi %multiple_of3A, %add3A_201 : i32
    %multiple_of3A_203 = tpu.assume_multiple %add3A_202, 8 : i32
    %dma_wait3A_204 = arith.constant 1 : i32
    %dma_wait3A_205 = tpu.memref_slice %arg2[%multiple_of3A_203] : memref<6400000xf32, #tpu.memory_space<hbm>> -> memref<10000xf32, #tpu.memory_space<hbm>>
    %dma_wait3A_206 = tpu.memref_slice %arg14[%dma_wait3A_204] : memref<2x!tpu.dma_semaphore, #tpu.memory_space<semaphore_mem>> -> memref<1x!tpu.dma_semaphore, #tpu.memory_space<semaphore_mem>>
    %dma_wait3A_207 = tpu.memref_squeeze %dma_wait3A_206 : memref<1x!tpu.dma_semaphore, #tpu.memory_space<semaphore_mem>> -> memref<!tpu.dma_semaphore, #tpu.memory_space<semaphore_mem>>
    %dma_wait3A_208 = tpu.memref_slice %arg2[%multiple_of3A_203] : memref<6400000xf32, #tpu.memory_space<hbm>> -> memref<10000xf32, #tpu.memory_space<hbm>>
    tpu.wait_dma2 semaphore(%dma_wait3A_207 : memref<!tpu.dma_semaphore, #tpu.memory_space<semaphore_mem>>) src(%dma_wait3A_208 : memref<10000xf32, #tpu.memory_space<hbm>>) dst(%arg7 : memref<10000xf32, #tpu.memory_space<vmem>>)
    %dma_wait3A_209 = arith.constant 1 : i32
    %dma_wait3A_210 = tpu.memref_slice %arg3[%multiple_of3A_203] : memref<6400000xi32, #tpu.memory_space<hbm>> -> memref<10000xi32, #tpu.memory_space<hbm>>
    %dma_wait3A_211 = tpu.memref_slice %arg15[%dma_wait3A_209] : memref<2x!tpu.dma_semaphore, #tpu.memory_space<semaphore_mem>> -> memref<1x!tpu.dma_semaphore, #tpu.memory_space<semaphore_mem>>
    %dma_wait3A_212 = tpu.memref_squeeze %dma_wait3A_211 : memref<1x!tpu.dma_semaphore, #tpu.memory_space<semaphore_mem>> -> memref<!tpu.dma_semaphore, #tpu.memory_space<semaphore_mem>>
    %dma_wait3A_213 = tpu.memref_slice %arg3[%multiple_of3A_203] : memref<6400000xi32, #tpu.memory_space<hbm>> -> memref<10000xi32, #tpu.memory_space<hbm>>
    tpu.wait_dma2 semaphore(%dma_wait3A_212 : memref<!tpu.dma_semaphore, #tpu.memory_space<semaphore_mem>>) src(%dma_wait3A_213 : memref<10000xi32, #tpu.memory_space<hbm>>) dst(%arg9 : memref<10000xi32, #tpu.memory_space<vmem>>)
    %scan3A_214 = arith.constant 0 : i32
    %scan3A_215 = arith.constant 0 : i32
    %scan3A_216 = arith.constant 125 : i32
    %scan3A_217 = arith.addi %scan3A_215, %scan3A_216 : i32
    %scan3A_218 = arith.constant 1 : i32
    %scan3A_219 = scf.for %scan3A_706 = %scan3A_215 to %scan3A_217 step %scan3A_218 iter_args(%scan3A_707 = %scan3A_214) -> (i32)  : i32 {
      %mul3A_708 = arith.constant 80 : i32
      %mul3A_709 = arith.muli %scan3A_706, %mul3A_708 : i32
      %add3A_710 = arith.constant 0 : i32
      %add3A_711 = arith.addi %mul3A_709, %add3A_710 : i32
      %get3A = arith.index_cast %add3A_711 : i32 to index
      %get3A_712 = tpu.vector_load %arg9[%get3A] {strides = array<i32>} : memref<10000xi32, #tpu.memory_space<vmem>>, vector<16xi32>,
      %get3A_713 = arith.index_cast %add3A_711 : i32 to index
      %get3A_714 = tpu.vector_load %arg7[%get3A_713] {strides = array<i32>} : memref<10000xf32, #tpu.memory_space<vmem>>, vector<16xf32>,
      %mul3A_715 = arith.constant 80 : i32
      %mul3A_716 = arith.muli %scan3A_706, %mul3A_715 : i32
      %add3A_717 = arith.constant 16 : i32
      %add3A_718 = arith.addi %mul3A_716, %add3A_717 : i32
      %get3A_719 = arith.index_cast %add3A_718 : i32 to index
      %get3A_720 = tpu.vector_load %arg9[%get3A_719] {strides = array<i32>} : memref<10000xi32, #tpu.memory_space<vmem>>, vector<16xi32>,
      %get3A_721 = arith.index_cast %add3A_718 : i32 to index
      %get3A_722 = tpu.vector_load %arg7[%get3A_721] {strides = array<i32>} : memref<10000xf32, #tpu.memory_space<vmem>>, vector<16xf32>,
      %mul3A_723 = arith.constant 80 : i32
      %mul3A_724 = arith.muli %scan3A_706, %mul3A_723 : i32
      %add3A_725 = arith.constant 32 : i32
      %add3A_726 = arith.addi %mul3A_724, %add3A_725 : i32
      %get3A_727 = arith.index_cast %add3A_726 : i32 to index
      %get3A_728 = tpu.vector_load %arg9[%get3A_727] {strides = array<i32>} : memref<10000xi32, #tpu.memory_space<vmem>>, vector<16xi32>,
      %get3A_729 = arith.index_cast %add3A_726 : i32 to index
      %get3A_730 = tpu.vector_load %arg7[%get3A_729] {strides = array<i32>} : memref<10000xf32, #tpu.memory_space<vmem>>, vector<16xf32>,
      %mul3A_731 = arith.constant 80 : i32
      %mul3A_732 = arith.muli %scan3A_706, %mul3A_731 : i32
      %add3A_733 = arith.constant 48 : i32
      %add3A_734 = arith.addi %mul3A_732, %add3A_733 : i32
      %get3A_735 = arith.index_cast %add3A_734 : i32 to index
      %get3A_736 = tpu.vector_load %arg9[%get3A_735] {strides = array<i32>} : memref<10000xi32, #tpu.memory_space<vmem>>, vector<16xi32>,
      %get3A_737 = arith.index_cast %add3A_734 : i32 to index
      %get3A_738 = tpu.vector_load %arg7[%get3A_737] {strides = array<i32>} : memref<10000xf32, #tpu.memory_space<vmem>>, vector<16xf32>,
      %mul3A_739 = arith.constant 80 : i32
      %mul3A_740 = arith.muli %scan3A_706, %mul3A_739 : i32
      %add3A_741 = arith.constant 64 : i32
      %add3A_742 = arith.addi %mul3A_740, %add3A_741 : i32
      %get3A_743 = arith.index_cast %add3A_742 : i32 to index
      %get3A_744 = tpu.vector_load %arg9[%get3A_743] {strides = array<i32>} : memref<10000xi32, #tpu.memory_space<vmem>>, vector<16xi32>,
      %get3A_745 = arith.index_cast %add3A_742 : i32 to index
      %get3A_746 = tpu.vector_load %arg7[%get3A_745] {strides = array<i32>} : memref<10000xf32, #tpu.memory_space<vmem>>, vector<16xf32>,
      tpu.vector_store_idx %arg10[%get3A_712, %iota3A], %get3A_714 {add = true} : memref<256x16xf32, #tpu.memory_space<vmem>>[vector<16xi32>, vector<16xi32>], vector<16xf32>,
      tpu.vector_store_idx %arg11[%get3A_712, %iota3A], %broadcast_in_dim3A_36 {add = true} : memref<256x16xf32, #tpu.memory_space<vmem>>[vector<16xi32>, vector<16xi32>], vector<16xf32>,
      tpu.vector_store_idx %arg10[%get3A_720, %iota3A], %get3A_722 {add = true} : memref<256x16xf32, #tpu.memory_space<vmem>>[vector<16xi32>, vector<16xi32>], vector<16xf32>,
      tpu.vector_store_idx %arg11[%get3A_720, %iota3A], %broadcast_in_dim3A_36 {add = true} : memref<256x16xf32, #tpu.memory_space<vmem>>[vector<16xi32>, vector<16xi32>], vector<16xf32>,
      tpu.vector_store_idx %arg10[%get3A_728, %iota3A], %get3A_730 {add = true} : memref<256x16xf32, #tpu.memory_space<vmem>>[vector<16xi32>, vector<16xi32>], vector<16xf32>,
      tpu.vector_store_idx %arg11[%get3A_728, %iota3A], %broadcast_in_dim3A_36 {add = true} : memref<256x16xf32, #tpu.memory_space<vmem>>[vector<16xi32>, vector<16xi32>], vector<16xf32>,
      tpu.vector_store_idx %arg10[%get3A_736, %iota3A], %get3A_738 {add = true} : memref<256x16xf32, #tpu.memory_space<vmem>>[vector<16xi32>, vector<16xi32>], vector<16xf32>,
      tpu.vector_store_idx %arg11[%get3A_736, %iota3A], %broadcast_in_dim3A_36 {add = true} : memref<256x16xf32, #tpu.memory_space<vmem>>[vector<16xi32>, vector<16xi32>], vector<16xf32>,
      tpu.vector_store_idx %arg10[%get3A_744, %iota3A], %get3A_746 {add = true} : memref<256x16xf32, #tpu.memory_space<vmem>>[vector<16xi32>, vector<16xi32>], vector<16xf32>,
      tpu.vector_store_idx %arg11[%get3A_744, %iota3A], %broadcast_in_dim3A_36 {add = true} : memref<256x16xf32, #tpu.memory_space<vmem>>[vector<16xi32>, vector<16xi32>], vector<16xf32>,
      %scan3A_747 = arith.constant 0 : i32
      scf.yield %scan3A_747 : i32
    }
    %scan3A_220 = arith.constant 125 : i32
    %add3A_221 = arith.constant 70000 : i32
    %add3A_222 = arith.addi %multiple_of3A, %add3A_221 : i32
    %multiple_of3A_223 = tpu.assume_multiple %add3A_222, 8 : i32
    %dma_start3A_224 = arith.constant 1 : i32
    %dma_start3A_225 = tpu.memref_slice %arg2[%multiple_of3A_223] : memref<6400000xf32, #tpu.memory_space<hbm>> -> memref<10000xf32, #tpu.memory_space<hbm>>
    %dma_start3A_226 = tpu.memref_slice %arg14[%dma_start3A_224] : memref<2x!tpu.dma_semaphore, #tpu.memory_space<semaphore_mem>> -> memref<1x!tpu.dma_semaphore, #tpu.memory_space<semaphore_mem>>
    %dma_start3A_227 = tpu.memref_squeeze %dma_start3A_226 : memref<1x!tpu.dma_semaphore, #tpu.memory_space<semaphore_mem>> -> memref<!tpu.dma_semaphore, #tpu.memory_space<semaphore_mem>>
    %dma_start3A_228 = tpu.memref_slice %arg2[%multiple_of3A_223] : memref<6400000xf32, #tpu.memory_space<hbm>> -> memref<10000xf32, #tpu.memory_space<hbm>>
    tpu.enqueue_dma source(%dma_start3A_228 : memref<10000xf32, #tpu.memory_space<hbm>>) target(%arg7 : memref<10000xf32, #tpu.memory_space<vmem>>) target_semaphore(%dma_start3A_227 : memref<!tpu.dma_semaphore, #tpu.memory_space<semaphore_mem>>)
    %dma_start3A_229 = arith.constant 1 : i32
    %dma_start3A_230 = tpu.memref_slice %arg3[%multiple_of3A_223] : memref<6400000xi32, #tpu.memory_space<hbm>> -> memref<10000xi32, #tpu.memory_space<hbm>>
    %dma_start3A_231 = tpu.memref_slice %arg15[%dma_start3A_229] : memref<2x!tpu.dma_semaphore, #tpu.memory_space<semaphore_mem>> -> memref<1x!tpu.dma_semaphore, #tpu.memory_space<semaphore_mem>>
    %dma_start3A_232 = tpu.memref_squeeze %dma_start3A_231 : memref<1x!tpu.dma_semaphore, #tpu.memory_space<semaphore_mem>> -> memref<!tpu.dma_semaphore, #tpu.memory_space<semaphore_mem>>
    %dma_start3A_233 = tpu.memref_slice %arg3[%multiple_of3A_223] : memref<6400000xi32, #tpu.memory_space<hbm>> -> memref<10000xi32, #tpu.memory_space<hbm>>
    tpu.enqueue_dma source(%dma_start3A_233 : memref<10000xi32, #tpu.memory_space<hbm>>) target(%arg9 : memref<10000xi32, #tpu.memory_space<vmem>>) target_semaphore(%dma_start3A_232 : memref<!tpu.dma_semaphore, #tpu.memory_space<semaphore_mem>>)
    %add3A_234 = arith.constant 60000 : i32
    %add3A_235 = arith.addi %multiple_of3A, %add3A_234 : i32
    %multiple_of3A_236 = tpu.assume_multiple %add3A_235, 8 : i32
    %dma_wait3A_237 = arith.constant 0 : i32
    %dma_wait3A_238 = tpu.memref_slice %arg2[%multiple_of3A_236] : memref<6400000xf32, #tpu.memory_space<hbm>> -> memref<10000xf32, #tpu.memory_space<hbm>>
    %dma_wait3A_239 = tpu.memref_slice %arg14[%dma_wait3A_237] : memref<2x!tpu.dma_semaphore, #tpu.memory_space<semaphore_mem>> -> memref<1x!tpu.dma_semaphore, #tpu.memory_space<semaphore_mem>>
    %dma_wait3A_240 = tpu.memref_squeeze %dma_wait3A_239 : memref<1x!tpu.dma_semaphore, #tpu.memory_space<semaphore_mem>> -> memref<!tpu.dma_semaphore, #tpu.memory_space<semaphore_mem>>
    %dma_wait3A_241 = tpu.memref_slice %arg2[%multiple_of3A_236] : memref<6400000xf32, #tpu.memory_space<hbm>> -> memref<10000xf32, #tpu.memory_space<hbm>>
    tpu.wait_dma2 semaphore(%dma_wait3A_240 : memref<!tpu.dma_semaphore, #tpu.memory_space<semaphore_mem>>) src(%dma_wait3A_241 : memref<10000xf32, #tpu.memory_space<hbm>>) dst(%arg6 : memref<10000xf32, #tpu.memory_space<vmem>>)
    %dma_wait3A_242 = arith.constant 0 : i32
    %dma_wait3A_243 = tpu.memref_slice %arg3[%multiple_of3A_236] : memref<6400000xi32, #tpu.memory_space<hbm>> -> memref<10000xi32, #tpu.memory_space<hbm>>
    %dma_wait3A_244 = tpu.memref_slice %arg15[%dma_wait3A_242] : memref<2x!tpu.dma_semaphore, #tpu.memory_space<semaphore_mem>> -> memref<1x!tpu.dma_semaphore, #tpu.memory_space<semaphore_mem>>
    %dma_wait3A_245 = tpu.memref_squeeze %dma_wait3A_244 : memref<1x!tpu.dma_semaphore, #tpu.memory_space<semaphore_mem>> -> memref<!tpu.dma_semaphore, #tpu.memory_space<semaphore_mem>>
    %dma_wait3A_246 = tpu.memref_slice %arg3[%multiple_of3A_236] : memref<6400000xi32, #tpu.memory_space<hbm>> -> memref<10000xi32, #tpu.memory_space<hbm>>
    tpu.wait_dma2 semaphore(%dma_wait3A_245 : memref<!tpu.dma_semaphore, #tpu.memory_space<semaphore_mem>>) src(%dma_wait3A_246 : memref<10000xi32, #tpu.memory_space<hbm>>) dst(%arg8 : memref<10000xi32, #tpu.memory_space<vmem>>)
    %scan3A_247 = arith.constant 0 : i32
    %scan3A_248 = arith.constant 0 : i32
    %scan3A_249 = arith.constant 125 : i32
    %scan3A_250 = arith.addi %scan3A_248, %scan3A_249 : i32
    %scan3A_251 = arith.constant 1 : i32
    %scan3A_252 = scf.for %scan3A_706 = %scan3A_248 to %scan3A_250 step %scan3A_251 iter_args(%scan3A_707 = %scan3A_247) -> (i32)  : i32 {
      %mul3A_708 = arith.constant 80 : i32
      %mul3A_709 = arith.muli %scan3A_706, %mul3A_708 : i32
      %add3A_710 = arith.constant 0 : i32
      %add3A_711 = arith.addi %mul3A_709, %add3A_710 : i32
      %get3A = arith.index_cast %add3A_711 : i32 to index
      %get3A_712 = tpu.vector_load %arg8[%get3A] {strides = array<i32>} : memref<10000xi32, #tpu.memory_space<vmem>>, vector<16xi32>,
      %get3A_713 = arith.index_cast %add3A_711 : i32 to index
      %get3A_714 = tpu.vector_load %arg6[%get3A_713] {strides = array<i32>} : memref<10000xf32, #tpu.memory_space<vmem>>, vector<16xf32>,
      %mul3A_715 = arith.constant 80 : i32
      %mul3A_716 = arith.muli %scan3A_706, %mul3A_715 : i32
      %add3A_717 = arith.constant 16 : i32
      %add3A_718 = arith.addi %mul3A_716, %add3A_717 : i32
      %get3A_719 = arith.index_cast %add3A_718 : i32 to index
      %get3A_720 = tpu.vector_load %arg8[%get3A_719] {strides = array<i32>} : memref<10000xi32, #tpu.memory_space<vmem>>, vector<16xi32>,
      %get3A_721 = arith.index_cast %add3A_718 : i32 to index
      %get3A_722 = tpu.vector_load %arg6[%get3A_721] {strides = array<i32>} : memref<10000xf32, #tpu.memory_space<vmem>>, vector<16xf32>,
      %mul3A_723 = arith.constant 80 : i32
      %mul3A_724 = arith.muli %scan3A_706, %mul3A_723 : i32
      %add3A_725 = arith.constant 32 : i32
      %add3A_726 = arith.addi %mul3A_724, %add3A_725 : i32
      %get3A_727 = arith.index_cast %add3A_726 : i32 to index
      %get3A_728 = tpu.vector_load %arg8[%get3A_727] {strides = array<i32>} : memref<10000xi32, #tpu.memory_space<vmem>>, vector<16xi32>,
      %get3A_729 = arith.index_cast %add3A_726 : i32 to index
      %get3A_730 = tpu.vector_load %arg6[%get3A_729] {strides = array<i32>} : memref<10000xf32, #tpu.memory_space<vmem>>, vector<16xf32>,
      %mul3A_731 = arith.constant 80 : i32
      %mul3A_732 = arith.muli %scan3A_706, %mul3A_731 : i32
      %add3A_733 = arith.constant 48 : i32
      %add3A_734 = arith.addi %mul3A_732, %add3A_733 : i32
      %get3A_735 = arith.index_cast %add3A_734 : i32 to index
      %get3A_736 = tpu.vector_load %arg8[%get3A_735] {strides = array<i32>} : memref<10000xi32, #tpu.memory_space<vmem>>, vector<16xi32>,
      %get3A_737 = arith.index_cast %add3A_734 : i32 to index
      %get3A_738 = tpu.vector_load %arg6[%get3A_737] {strides = array<i32>} : memref<10000xf32, #tpu.memory_space<vmem>>, vector<16xf32>,
      %mul3A_739 = arith.constant 80 : i32
      %mul3A_740 = arith.muli %scan3A_706, %mul3A_739 : i32
      %add3A_741 = arith.constant 64 : i32
      %add3A_742 = arith.addi %mul3A_740, %add3A_741 : i32
      %get3A_743 = arith.index_cast %add3A_742 : i32 to index
      %get3A_744 = tpu.vector_load %arg8[%get3A_743] {strides = array<i32>} : memref<10000xi32, #tpu.memory_space<vmem>>, vector<16xi32>,
      %get3A_745 = arith.index_cast %add3A_742 : i32 to index
      %get3A_746 = tpu.vector_load %arg6[%get3A_745] {strides = array<i32>} : memref<10000xf32, #tpu.memory_space<vmem>>, vector<16xf32>,
      tpu.vector_store_idx %arg10[%get3A_712, %iota3A], %get3A_714 {add = true} : memref<256x16xf32, #tpu.memory_space<vmem>>[vector<16xi32>, vector<16xi32>], vector<16xf32>,
      tpu.vector_store_idx %arg11[%get3A_712, %iota3A], %broadcast_in_dim3A_36 {add = true} : memref<256x16xf32, #tpu.memory_space<vmem>>[vector<16xi32>, vector<16xi32>], vector<16xf32>,
      tpu.vector_store_idx %arg10[%get3A_720, %iota3A], %get3A_722 {add = true} : memref<256x16xf32, #tpu.memory_space<vmem>>[vector<16xi32>, vector<16xi32>], vector<16xf32>,
      tpu.vector_store_idx %arg11[%get3A_720, %iota3A], %broadcast_in_dim3A_36 {add = true} : memref<256x16xf32, #tpu.memory_space<vmem>>[vector<16xi32>, vector<16xi32>], vector<16xf32>,
      tpu.vector_store_idx %arg10[%get3A_728, %iota3A], %get3A_730 {add = true} : memref<256x16xf32, #tpu.memory_space<vmem>>[vector<16xi32>, vector<16xi32>], vector<16xf32>,
      tpu.vector_store_idx %arg11[%get3A_728, %iota3A], %broadcast_in_dim3A_36 {add = true} : memref<256x16xf32, #tpu.memory_space<vmem>>[vector<16xi32>, vector<16xi32>], vector<16xf32>,
      tpu.vector_store_idx %arg10[%get3A_736, %iota3A], %get3A_738 {add = true} : memref<256x16xf32, #tpu.memory_space<vmem>>[vector<16xi32>, vector<16xi32>], vector<16xf32>,
      tpu.vector_store_idx %arg11[%get3A_736, %iota3A], %broadcast_in_dim3A_36 {add = true} : memref<256x16xf32, #tpu.memory_space<vmem>>[vector<16xi32>, vector<16xi32>], vector<16xf32>,
      tpu.vector_store_idx %arg10[%get3A_744, %iota3A], %get3A_746 {add = true} : memref<256x16xf32, #tpu.memory_space<vmem>>[vector<16xi32>, vector<16xi32>], vector<16xf32>,
      tpu.vector_store_idx %arg11[%get3A_744, %iota3A], %broadcast_in_dim3A_36 {add = true} : memref<256x16xf32, #tpu.memory_space<vmem>>[vector<16xi32>, vector<16xi32>], vector<16xf32>,
      %scan3A_747 = arith.constant 0 : i32
      scf.yield %scan3A_747 : i32
    }
    %scan3A_253 = arith.constant 125 : i32
    %add3A_254 = arith.constant 80000 : i32
    %add3A_255 = arith.addi %multiple_of3A, %add3A_254 : i32
    %multiple_of3A_256 = tpu.assume_multiple %add3A_255, 8 : i32
    %dma_start3A_257 = arith.constant 0 : i32
    %dma_start3A_258 = tpu.memref_slice %arg2[%multiple_of3A_256] : memref<6400000xf32, #tpu.memory_space<hbm>> -> memref<10000xf32, #tpu.memory_space<hbm>>
    %dma_start3A_259 = tpu.memref_slice %arg14[%dma_start3A_257] : memref<2x!tpu.dma_semaphore, #tpu.memory_space<semaphore_mem>> -> memref<1x!tpu.dma_semaphore, #tpu.memory_space<semaphore_mem>>
    %dma_start3A_260 = tpu.memref_squeeze %dma_start3A_259 : memref<1x!tpu.dma_semaphore, #tpu.memory_space<semaphore_mem>> -> memref<!tpu.dma_semaphore, #tpu.memory_space<semaphore_mem>>
    %dma_start3A_261 = tpu.memref_slice %arg2[%multiple_of3A_256] : memref<6400000xf32, #tpu.memory_space<hbm>> -> memref<10000xf32, #tpu.memory_space<hbm>>
    tpu.enqueue_dma source(%dma_start3A_261 : memref<10000xf32, #tpu.memory_space<hbm>>) target(%arg6 : memref<10000xf32, #tpu.memory_space<vmem>>) target_semaphore(%dma_start3A_260 : memref<!tpu.dma_semaphore, #tpu.memory_space<semaphore_mem>>)
    %dma_start3A_262 = arith.constant 0 : i32
    %dma_start3A_263 = tpu.memref_slice %arg3[%multiple_of3A_256] : memref<6400000xi32, #tpu.memory_space<hbm>> -> memref<10000xi32, #tpu.memory_space<hbm>>
    %dma_start3A_264 = tpu.memref_slice %arg15[%dma_start3A_262] : memref<2x!tpu.dma_semaphore, #tpu.memory_space<semaphore_mem>> -> memref<1x!tpu.dma_semaphore, #tpu.memory_space<semaphore_mem>>
    %dma_start3A_265 = tpu.memref_squeeze %dma_start3A_264 : memref<1x!tpu.dma_semaphore, #tpu.memory_space<semaphore_mem>> -> memref<!tpu.dma_semaphore, #tpu.memory_space<semaphore_mem>>
    %dma_start3A_266 = tpu.memref_slice %arg3[%multiple_of3A_256] : memref<6400000xi32, #tpu.memory_space<hbm>> -> memref<10000xi32, #tpu.memory_space<hbm>>
    tpu.enqueue_dma source(%dma_start3A_266 : memref<10000xi32, #tpu.memory_space<hbm>>) target(%arg8 : memref<10000xi32, #tpu.memory_space<vmem>>) target_semaphore(%dma_start3A_265 : memref<!tpu.dma_semaphore, #tpu.memory_space<semaphore_mem>>)
    %add3A_267 = arith.constant 70000 : i32
    %add3A_268 = arith.addi %multiple_of3A, %add3A_267 : i32
    %multiple_of3A_269 = tpu.assume_multiple %add3A_268, 8 : i32
    %dma_wait3A_270 = arith.constant 1 : i32
    %dma_wait3A_271 = tpu.memref_slice %arg2[%multiple_of3A_269] : memref<6400000xf32, #tpu.memory_space<hbm>> -> memref<10000xf32, #tpu.memory_space<hbm>>
    %dma_wait3A_272 = tpu.memref_slice %arg14[%dma_wait3A_270] : memref<2x!tpu.dma_semaphore, #tpu.memory_space<semaphore_mem>> -> memref<1x!tpu.dma_semaphore, #tpu.memory_space<semaphore_mem>>
    %dma_wait3A_273 = tpu.memref_squeeze %dma_wait3A_272 : memref<1x!tpu.dma_semaphore, #tpu.memory_space<semaphore_mem>> -> memref<!tpu.dma_semaphore, #tpu.memory_space<semaphore_mem>>
    %dma_wait3A_274 = tpu.memref_slice %arg2[%multiple_of3A_269] : memref<6400000xf32, #tpu.memory_space<hbm>> -> memref<10000xf32, #tpu.memory_space<hbm>>
    tpu.wait_dma2 semaphore(%dma_wait3A_273 : memref<!tpu.dma_semaphore, #tpu.memory_space<semaphore_mem>>) src(%dma_wait3A_274 : memref<10000xf32, #tpu.memory_space<hbm>>) dst(%arg7 : memref<10000xf32, #tpu.memory_space<vmem>>)
    %dma_wait3A_275 = arith.constant 1 : i32
    %dma_wait3A_276 = tpu.memref_slice %arg3[%multiple_of3A_269] : memref<6400000xi32, #tpu.memory_space<hbm>> -> memref<10000xi32, #tpu.memory_space<hbm>>
    %dma_wait3A_277 = tpu.memref_slice %arg15[%dma_wait3A_275] : memref<2x!tpu.dma_semaphore, #tpu.memory_space<semaphore_mem>> -> memref<1x!tpu.dma_semaphore, #tpu.memory_space<semaphore_mem>>
    %dma_wait3A_278 = tpu.memref_squeeze %dma_wait3A_277 : memref<1x!tpu.dma_semaphore, #tpu.memory_space<semaphore_mem>> -> memref<!tpu.dma_semaphore, #tpu.memory_space<semaphore_mem>>
    %dma_wait3A_279 = tpu.memref_slice %arg3[%multiple_of3A_269] : memref<6400000xi32, #tpu.memory_space<hbm>> -> memref<10000xi32, #tpu.memory_space<hbm>>
    tpu.wait_dma2 semaphore(%dma_wait3A_278 : memref<!tpu.dma_semaphore, #tpu.memory_space<semaphore_mem>>) src(%dma_wait3A_279 : memref<10000xi32, #tpu.memory_space<hbm>>) dst(%arg9 : memref<10000xi32, #tpu.memory_space<vmem>>)
    %scan3A_280 = arith.constant 0 : i32
    %scan3A_281 = arith.constant 0 : i32
    %scan3A_282 = arith.constant 125 : i32
    %scan3A_283 = arith.addi %scan3A_281, %scan3A_282 : i32
    %scan3A_284 = arith.constant 1 : i32
    %scan3A_285 = scf.for %scan3A_706 = %scan3A_281 to %scan3A_283 step %scan3A_284 iter_args(%scan3A_707 = %scan3A_280) -> (i32)  : i32 {
      %mul3A_708 = arith.constant 80 : i32
      %mul3A_709 = arith.muli %scan3A_706, %mul3A_708 : i32
      %add3A_710 = arith.constant 0 : i32
      %add3A_711 = arith.addi %mul3A_709, %add3A_710 : i32
      %get3A = arith.index_cast %add3A_711 : i32 to index
      %get3A_712 = tpu.vector_load %arg9[%get3A] {strides = array<i32>} : memref<10000xi32, #tpu.memory_space<vmem>>, vector<16xi32>,
      %get3A_713 = arith.index_cast %add3A_711 : i32 to index
      %get3A_714 = tpu.vector_load %arg7[%get3A_713] {strides = array<i32>} : memref<10000xf32, #tpu.memory_space<vmem>>, vector<16xf32>,
      %mul3A_715 = arith.constant 80 : i32
      %mul3A_716 = arith.muli %scan3A_706, %mul3A_715 : i32
      %add3A_717 = arith.constant 16 : i32
      %add3A_718 = arith.addi %mul3A_716, %add3A_717 : i32
      %get3A_719 = arith.index_cast %add3A_718 : i32 to index
      %get3A_720 = tpu.vector_load %arg9[%get3A_719] {strides = array<i32>} : memref<10000xi32, #tpu.memory_space<vmem>>, vector<16xi32>,
      %get3A_721 = arith.index_cast %add3A_718 : i32 to index
      %get3A_722 = tpu.vector_load %arg7[%get3A_721] {strides = array<i32>} : memref<10000xf32, #tpu.memory_space<vmem>>, vector<16xf32>,
      %mul3A_723 = arith.constant 80 : i32
      %mul3A_724 = arith.muli %scan3A_706, %mul3A_723 : i32
      %add3A_725 = arith.constant 32 : i32
      %add3A_726 = arith.addi %mul3A_724, %add3A_725 : i32
      %get3A_727 = arith.index_cast %add3A_726 : i32 to index
      %get3A_728 = tpu.vector_load %arg9[%get3A_727] {strides = array<i32>} : memref<10000xi32, #tpu.memory_space<vmem>>, vector<16xi32>,
      %get3A_729 = arith.index_cast %add3A_726 : i32 to index
      %get3A_730 = tpu.vector_load %arg7[%get3A_729] {strides = array<i32>} : memref<10000xf32, #tpu.memory_space<vmem>>, vector<16xf32>,
      %mul3A_731 = arith.constant 80 : i32
      %mul3A_732 = arith.muli %scan3A_706, %mul3A_731 : i32
      %add3A_733 = arith.constant 48 : i32
      %add3A_734 = arith.addi %mul3A_732, %add3A_733 : i32
      %get3A_735 = arith.index_cast %add3A_734 : i32 to index
      %get3A_736 = tpu.vector_load %arg9[%get3A_735] {strides = array<i32>} : memref<10000xi32, #tpu.memory_space<vmem>>, vector<16xi32>,
      %get3A_737 = arith.index_cast %add3A_734 : i32 to index
      %get3A_738 = tpu.vector_load %arg7[%get3A_737] {strides = array<i32>} : memref<10000xf32, #tpu.memory_space<vmem>>, vector<16xf32>,
      %mul3A_739 = arith.constant 80 : i32
      %mul3A_740 = arith.muli %scan3A_706, %mul3A_739 : i32
      %add3A_741 = arith.constant 64 : i32
      %add3A_742 = arith.addi %mul3A_740, %add3A_741 : i32
      %get3A_743 = arith.index_cast %add3A_742 : i32 to index
      %get3A_744 = tpu.vector_load %arg9[%get3A_743] {strides = array<i32>} : memref<10000xi32, #tpu.memory_space<vmem>>, vector<16xi32>,
      %get3A_745 = arith.index_cast %add3A_742 : i32 to index
      %get3A_746 = tpu.vector_load %arg7[%get3A_745] {strides = array<i32>} : memref<10000xf32, #tpu.memory_space<vmem>>, vector<16xf32>,
      tpu.vector_store_idx %arg10[%get3A_712, %iota3A], %get3A_714 {add = true} : memref<256x16xf32, #tpu.memory_space<vmem>>[vector<16xi32>, vector<16xi32>], vector<16xf32>,
      tpu.vector_store_idx %arg11[%get3A_712, %iota3A], %broadcast_in_dim3A_36 {add = true} : memref<256x16xf32, #tpu.memory_space<vmem>>[vector<16xi32>, vector<16xi32>], vector<16xf32>,
      tpu.vector_store_idx %arg10[%get3A_720, %iota3A], %get3A_722 {add = true} : memref<256x16xf32, #tpu.memory_space<vmem>>[vector<16xi32>, vector<16xi32>], vector<16xf32>,
      tpu.vector_store_idx %arg11[%get3A_720, %iota3A], %broadcast_in_dim3A_36 {add = true} : memref<256x16xf32, #tpu.memory_space<vmem>>[vector<16xi32>, vector<16xi32>], vector<16xf32>,
      tpu.vector_store_idx %arg10[%get3A_728, %iota3A], %get3A_730 {add = true} : memref<256x16xf32, #tpu.memory_space<vmem>>[vector<16xi32>, vector<16xi32>], vector<16xf32>,
      tpu.vector_store_idx %arg11[%get3A_728, %iota3A], %broadcast_in_dim3A_36 {add = true} : memref<256x16xf32, #tpu.memory_space<vmem>>[vector<16xi32>, vector<16xi32>], vector<16xf32>,
      tpu.vector_store_idx %arg10[%get3A_736, %iota3A], %get3A_738 {add = true} : memref<256x16xf32, #tpu.memory_space<vmem>>[vector<16xi32>, vector<16xi32>], vector<16xf32>,
      tpu.vector_store_idx %arg11[%get3A_736, %iota3A], %broadcast_in_dim3A_36 {add = true} : memref<256x16xf32, #tpu.memory_space<vmem>>[vector<16xi32>, vector<16xi32>], vector<16xf32>,
      tpu.vector_store_idx %arg10[%get3A_744, %iota3A], %get3A_746 {add = true} : memref<256x16xf32, #tpu.memory_space<vmem>>[vector<16xi32>, vector<16xi32>], vector<16xf32>,
      tpu.vector_store_idx %arg11[%get3A_744, %iota3A], %broadcast_in_dim3A_36 {add = true} : memref<256x16xf32, #tpu.memory_space<vmem>>[vector<16xi32>, vector<16xi32>], vector<16xf32>,
      %scan3A_747 = arith.constant 0 : i32
      scf.yield %scan3A_747 : i32
    }
    %scan3A_286 = arith.constant 125 : i32
    %add3A_287 = arith.constant 90000 : i32
    %add3A_288 = arith.addi %multiple_of3A, %add3A_287 : i32
    %multiple_of3A_289 = tpu.assume_multiple %add3A_288, 8 : i32
    %dma_start3A_290 = arith.constant 1 : i32
    %dma_start3A_291 = tpu.memref_slice %arg2[%multiple_of3A_289] : memref<6400000xf32, #tpu.memory_space<hbm>> -> memref<10000xf32, #tpu.memory_space<hbm>>
    %dma_start3A_292 = tpu.memref_slice %arg14[%dma_start3A_290] : memref<2x!tpu.dma_semaphore, #tpu.memory_space<semaphore_mem>> -> memref<1x!tpu.dma_semaphore, #tpu.memory_space<semaphore_mem>>
    %dma_start3A_293 = tpu.memref_squeeze %dma_start3A_292 : memref<1x!tpu.dma_semaphore, #tpu.memory_space<semaphore_mem>> -> memref<!tpu.dma_semaphore, #tpu.memory_space<semaphore_mem>>
    %dma_start3A_294 = tpu.memref_slice %arg2[%multiple_of3A_289] : memref<6400000xf32, #tpu.memory_space<hbm>> -> memref<10000xf32, #tpu.memory_space<hbm>>
    tpu.enqueue_dma source(%dma_start3A_294 : memref<10000xf32, #tpu.memory_space<hbm>>) target(%arg7 : memref<10000xf32, #tpu.memory_space<vmem>>) target_semaphore(%dma_start3A_293 : memref<!tpu.dma_semaphore, #tpu.memory_space<semaphore_mem>>)
    %dma_start3A_295 = arith.constant 1 : i32
    %dma_start3A_296 = tpu.memref_slice %arg3[%multiple_of3A_289] : memref<6400000xi32, #tpu.memory_space<hbm>> -> memref<10000xi32, #tpu.memory_space<hbm>>
    %dma_start3A_297 = tpu.memref_slice %arg15[%dma_start3A_295] : memref<2x!tpu.dma_semaphore, #tpu.memory_space<semaphore_mem>> -> memref<1x!tpu.dma_semaphore, #tpu.memory_space<semaphore_mem>>
    %dma_start3A_298 = tpu.memref_squeeze %dma_start3A_297 : memref<1x!tpu.dma_semaphore, #tpu.memory_space<semaphore_mem>> -> memref<!tpu.dma_semaphore, #tpu.memory_space<semaphore_mem>>
    %dma_start3A_299 = tpu.memref_slice %arg3[%multiple_of3A_289] : memref<6400000xi32, #tpu.memory_space<hbm>> -> memref<10000xi32, #tpu.memory_space<hbm>>
    tpu.enqueue_dma source(%dma_start3A_299 : memref<10000xi32, #tpu.memory_space<hbm>>) target(%arg9 : memref<10000xi32, #tpu.memory_space<vmem>>) target_semaphore(%dma_start3A_298 : memref<!tpu.dma_semaphore, #tpu.memory_space<semaphore_mem>>)
    %add3A_300 = arith.constant 80000 : i32
    %add3A_301 = arith.addi %multiple_of3A, %add3A_300 : i32
    %multiple_of3A_302 = tpu.assume_multiple %add3A_301, 8 : i32
    %dma_wait3A_303 = arith.constant 0 : i32
    %dma_wait3A_304 = tpu.memref_slice %arg2[%multiple_of3A_302] : memref<6400000xf32, #tpu.memory_space<hbm>> -> memref<10000xf32, #tpu.memory_space<hbm>>
    %dma_wait3A_305 = tpu.memref_slice %arg14[%dma_wait3A_303] : memref<2x!tpu.dma_semaphore, #tpu.memory_space<semaphore_mem>> -> memref<1x!tpu.dma_semaphore, #tpu.memory_space<semaphore_mem>>
    %dma_wait3A_306 = tpu.memref_squeeze %dma_wait3A_305 : memref<1x!tpu.dma_semaphore, #tpu.memory_space<semaphore_mem>> -> memref<!tpu.dma_semaphore, #tpu.memory_space<semaphore_mem>>
    %dma_wait3A_307 = tpu.memref_slice %arg2[%multiple_of3A_302] : memref<6400000xf32, #tpu.memory_space<hbm>> -> memref<10000xf32, #tpu.memory_space<hbm>>
    tpu.wait_dma2 semaphore(%dma_wait3A_306 : memref<!tpu.dma_semaphore, #tpu.memory_space<semaphore_mem>>) src(%dma_wait3A_307 : memref<10000xf32, #tpu.memory_space<hbm>>) dst(%arg6 : memref<10000xf32, #tpu.memory_space<vmem>>)
    %dma_wait3A_308 = arith.constant 0 : i32
    %dma_wait3A_309 = tpu.memref_slice %arg3[%multiple_of3A_302] : memref<6400000xi32, #tpu.memory_space<hbm>> -> memref<10000xi32, #tpu.memory_space<hbm>>
    %dma_wait3A_310 = tpu.memref_slice %arg15[%dma_wait3A_308] : memref<2x!tpu.dma_semaphore, #tpu.memory_space<semaphore_mem>> -> memref<1x!tpu.dma_semaphore, #tpu.memory_space<semaphore_mem>>
    %dma_wait3A_311 = tpu.memref_squeeze %dma_wait3A_310 : memref<1x!tpu.dma_semaphore, #tpu.memory_space<semaphore_mem>> -> memref<!tpu.dma_semaphore, #tpu.memory_space<semaphore_mem>>
    %dma_wait3A_312 = tpu.memref_slice %arg3[%multiple_of3A_302] : memref<6400000xi32, #tpu.memory_space<hbm>> -> memref<10000xi32, #tpu.memory_space<hbm>>
    tpu.wait_dma2 semaphore(%dma_wait3A_311 : memref<!tpu.dma_semaphore, #tpu.memory_space<semaphore_mem>>) src(%dma_wait3A_312 : memref<10000xi32, #tpu.memory_space<hbm>>) dst(%arg8 : memref<10000xi32, #tpu.memory_space<vmem>>)
    %scan3A_313 = arith.constant 0 : i32
    %scan3A_314 = arith.constant 0 : i32
    %scan3A_315 = arith.constant 125 : i32
    %scan3A_316 = arith.addi %scan3A_314, %scan3A_315 : i32
    %scan3A_317 = arith.constant 1 : i32
    %scan3A_318 = scf.for %scan3A_706 = %scan3A_314 to %scan3A_316 step %scan3A_317 iter_args(%scan3A_707 = %scan3A_313) -> (i32)  : i32 {
      %mul3A_708 = arith.constant 80 : i32
      %mul3A_709 = arith.muli %scan3A_706, %mul3A_708 : i32
      %add3A_710 = arith.constant 0 : i32
      %add3A_711 = arith.addi %mul3A_709, %add3A_710 : i32
      %get3A = arith.index_cast %add3A_711 : i32 to index
      %get3A_712 = tpu.vector_load %arg8[%get3A] {strides = array<i32>} : memref<10000xi32, #tpu.memory_space<vmem>>, vector<16xi32>,
      %get3A_713 = arith.index_cast %add3A_711 : i32 to index
      %get3A_714 = tpu.vector_load %arg6[%get3A_713] {strides = array<i32>} : memref<10000xf32, #tpu.memory_space<vmem>>, vector<16xf32>,
      %mul3A_715 = arith.constant 80 : i32
      %mul3A_716 = arith.muli %scan3A_706, %mul3A_715 : i32
      %add3A_717 = arith.constant 16 : i32
      %add3A_718 = arith.addi %mul3A_716, %add3A_717 : i32
      %get3A_719 = arith.index_cast %add3A_718 : i32 to index
      %get3A_720 = tpu.vector_load %arg8[%get3A_719] {strides = array<i32>} : memref<10000xi32, #tpu.memory_space<vmem>>, vector<16xi32>,
      %get3A_721 = arith.index_cast %add3A_718 : i32 to index
      %get3A_722 = tpu.vector_load %arg6[%get3A_721] {strides = array<i32>} : memref<10000xf32, #tpu.memory_space<vmem>>, vector<16xf32>,
      %mul3A_723 = arith.constant 80 : i32
      %mul3A_724 = arith.muli %scan3A_706, %mul3A_723 : i32
      %add3A_725 = arith.constant 32 : i32
      %add3A_726 = arith.addi %mul3A_724, %add3A_725 : i32
      %get3A_727 = arith.index_cast %add3A_726 : i32 to index
      %get3A_728 = tpu.vector_load %arg8[%get3A_727] {strides = array<i32>} : memref<10000xi32, #tpu.memory_space<vmem>>, vector<16xi32>,
      %get3A_729 = arith.index_cast %add3A_726 : i32 to index
      %get3A_730 = tpu.vector_load %arg6[%get3A_729] {strides = array<i32>} : memref<10000xf32, #tpu.memory_space<vmem>>, vector<16xf32>,
      %mul3A_731 = arith.constant 80 : i32
      %mul3A_732 = arith.muli %scan3A_706, %mul3A_731 : i32
      %add3A_733 = arith.constant 48 : i32
      %add3A_734 = arith.addi %mul3A_732, %add3A_733 : i32
      %get3A_735 = arith.index_cast %add3A_734 : i32 to index
      %get3A_736 = tpu.vector_load %arg8[%get3A_735] {strides = array<i32>} : memref<10000xi32, #tpu.memory_space<vmem>>, vector<16xi32>,
      %get3A_737 = arith.index_cast %add3A_734 : i32 to index
      %get3A_738 = tpu.vector_load %arg6[%get3A_737] {strides = array<i32>} : memref<10000xf32, #tpu.memory_space<vmem>>, vector<16xf32>,
      %mul3A_739 = arith.constant 80 : i32
      %mul3A_740 = arith.muli %scan3A_706, %mul3A_739 : i32
      %add3A_741 = arith.constant 64 : i32
      %add3A_742 = arith.addi %mul3A_740, %add3A_741 : i32
      %get3A_743 = arith.index_cast %add3A_742 : i32 to index
      %get3A_744 = tpu.vector_load %arg8[%get3A_743] {strides = array<i32>} : memref<10000xi32, #tpu.memory_space<vmem>>, vector<16xi32>,
      %get3A_745 = arith.index_cast %add3A_742 : i32 to index
      %get3A_746 = tpu.vector_load %arg6[%get3A_745] {strides = array<i32>} : memref<10000xf32, #tpu.memory_space<vmem>>, vector<16xf32>,
      tpu.vector_store_idx %arg10[%get3A_712, %iota3A], %get3A_714 {add = true} : memref<256x16xf32, #tpu.memory_space<vmem>>[vector<16xi32>, vector<16xi32>], vector<16xf32>,
      tpu.vector_store_idx %arg11[%get3A_712, %iota3A], %broadcast_in_dim3A_36 {add = true} : memref<256x16xf32, #tpu.memory_space<vmem>>[vector<16xi32>, vector<16xi32>], vector<16xf32>,
      tpu.vector_store_idx %arg10[%get3A_720, %iota3A], %get3A_722 {add = true} : memref<256x16xf32, #tpu.memory_space<vmem>>[vector<16xi32>, vector<16xi32>], vector<16xf32>,
      tpu.vector_store_idx %arg11[%get3A_720, %iota3A], %broadcast_in_dim3A_36 {add = true} : memref<256x16xf32, #tpu.memory_space<vmem>>[vector<16xi32>, vector<16xi32>], vector<16xf32>,
      tpu.vector_store_idx %arg10[%get3A_728, %iota3A], %get3A_730 {add = true} : memref<256x16xf32, #tpu.memory_space<vmem>>[vector<16xi32>, vector<16xi32>], vector<16xf32>,
      tpu.vector_store_idx %arg11[%get3A_728, %iota3A], %broadcast_in_dim3A_36 {add = true} : memref<256x16xf32, #tpu.memory_space<vmem>>[vector<16xi32>, vector<16xi32>], vector<16xf32>,
      tpu.vector_store_idx %arg10[%get3A_736, %iota3A], %get3A_738 {add = true} : memref<256x16xf32, #tpu.memory_space<vmem>>[vector<16xi32>, vector<16xi32>], vector<16xf32>,
      tpu.vector_store_idx %arg11[%get3A_736, %iota3A], %broadcast_in_dim3A_36 {add = true} : memref<256x16xf32, #tpu.memory_space<vmem>>[vector<16xi32>, vector<16xi32>], vector<16xf32>,
      tpu.vector_store_idx %arg10[%get3A_744, %iota3A], %get3A_746 {add = true} : memref<256x16xf32, #tpu.memory_space<vmem>>[vector<16xi32>, vector<16xi32>], vector<16xf32>,
      tpu.vector_store_idx %arg11[%get3A_744, %iota3A], %broadcast_in_dim3A_36 {add = true} : memref<256x16xf32, #tpu.memory_space<vmem>>[vector<16xi32>, vector<16xi32>], vector<16xf32>,
      %scan3A_747 = arith.constant 0 : i32
      scf.yield %scan3A_747 : i32
    }
    %scan3A_319 = arith.constant 125 : i32
    %add3A_320 = arith.constant 100000 : i32
    %add3A_321 = arith.addi %multiple_of3A, %add3A_320 : i32
    %multiple_of3A_322 = tpu.assume_multiple %add3A_321, 8 : i32
    %dma_start3A_323 = arith.constant 0 : i32
    %dma_start3A_324 = tpu.memref_slice %arg2[%multiple_of3A_322] : memref<6400000xf32, #tpu.memory_space<hbm>> -> memref<10000xf32, #tpu.memory_space<hbm>>
    %dma_start3A_325 = tpu.memref_slice %arg14[%dma_start3A_323] : memref<2x!tpu.dma_semaphore, #tpu.memory_space<semaphore_mem>> -> memref<1x!tpu.dma_semaphore, #tpu.memory_space<semaphore_mem>>
    %dma_start3A_326 = tpu.memref_squeeze %dma_start3A_325 : memref<1x!tpu.dma_semaphore, #tpu.memory_space<semaphore_mem>> -> memref<!tpu.dma_semaphore, #tpu.memory_space<semaphore_mem>>
    %dma_start3A_327 = tpu.memref_slice %arg2[%multiple_of3A_322] : memref<6400000xf32, #tpu.memory_space<hbm>> -> memref<10000xf32, #tpu.memory_space<hbm>>
    tpu.enqueue_dma source(%dma_start3A_327 : memref<10000xf32, #tpu.memory_space<hbm>>) target(%arg6 : memref<10000xf32, #tpu.memory_space<vmem>>) target_semaphore(%dma_start3A_326 : memref<!tpu.dma_semaphore, #tpu.memory_space<semaphore_mem>>)
    %dma_start3A_328 = arith.constant 0 : i32
    %dma_start3A_329 = tpu.memref_slice %arg3[%multiple_of3A_322] : memref<6400000xi32, #tpu.memory_space<hbm>> -> memref<10000xi32, #tpu.memory_space<hbm>>
    %dma_start3A_330 = tpu.memref_slice %arg15[%dma_start3A_328] : memref<2x!tpu.dma_semaphore, #tpu.memory_space<semaphore_mem>> -> memref<1x!tpu.dma_semaphore, #tpu.memory_space<semaphore_mem>>
    %dma_start3A_331 = tpu.memref_squeeze %dma_start3A_330 : memref<1x!tpu.dma_semaphore, #tpu.memory_space<semaphore_mem>> -> memref<!tpu.dma_semaphore, #tpu.memory_space<semaphore_mem>>
    %dma_start3A_332 = tpu.memref_slice %arg3[%multiple_of3A_322] : memref<6400000xi32, #tpu.memory_space<hbm>> -> memref<10000xi32, #tpu.memory_space<hbm>>
    tpu.enqueue_dma source(%dma_start3A_332 : memref<10000xi32, #tpu.memory_space<hbm>>) target(%arg8 : memref<10000xi32, #tpu.memory_space<vmem>>) target_semaphore(%dma_start3A_331 : memref<!tpu.dma_semaphore, #tpu.memory_space<semaphore_mem>>)
    %add3A_333 = arith.constant 90000 : i32
    %add3A_334 = arith.addi %multiple_of3A, %add3A_333 : i32
    %multiple_of3A_335 = tpu.assume_multiple %add3A_334, 8 : i32
    %dma_wait3A_336 = arith.constant 1 : i32
    %dma_wait3A_337 = tpu.memref_slice %arg2[%multiple_of3A_335] : memref<6400000xf32, #tpu.memory_space<hbm>> -> memref<10000xf32, #tpu.memory_space<hbm>>
    %dma_wait3A_338 = tpu.memref_slice %arg14[%dma_wait3A_336] : memref<2x!tpu.dma_semaphore, #tpu.memory_space<semaphore_mem>> -> memref<1x!tpu.dma_semaphore, #tpu.memory_space<semaphore_mem>>
    %dma_wait3A_339 = tpu.memref_squeeze %dma_wait3A_338 : memref<1x!tpu.dma_semaphore, #tpu.memory_space<semaphore_mem>> -> memref<!tpu.dma_semaphore, #tpu.memory_space<semaphore_mem>>
    %dma_wait3A_340 = tpu.memref_slice %arg2[%multiple_of3A_335] : memref<6400000xf32, #tpu.memory_space<hbm>> -> memref<10000xf32, #tpu.memory_space<hbm>>
    tpu.wait_dma2 semaphore(%dma_wait3A_339 : memref<!tpu.dma_semaphore, #tpu.memory_space<semaphore_mem>>) src(%dma_wait3A_340 : memref<10000xf32, #tpu.memory_space<hbm>>) dst(%arg7 : memref<10000xf32, #tpu.memory_space<vmem>>)
    %dma_wait3A_341 = arith.constant 1 : i32
    %dma_wait3A_342 = tpu.memref_slice %arg3[%multiple_of3A_335] : memref<6400000xi32, #tpu.memory_space<hbm>> -> memref<10000xi32, #tpu.memory_space<hbm>>
    %dma_wait3A_343 = tpu.memref_slice %arg15[%dma_wait3A_341] : memref<2x!tpu.dma_semaphore, #tpu.memory_space<semaphore_mem>> -> memref<1x!tpu.dma_semaphore, #tpu.memory_space<semaphore_mem>>
    %dma_wait3A_344 = tpu.memref_squeeze %dma_wait3A_343 : memref<1x!tpu.dma_semaphore, #tpu.memory_space<semaphore_mem>> -> memref<!tpu.dma_semaphore, #tpu.memory_space<semaphore_mem>>
    %dma_wait3A_345 = tpu.memref_slice %arg3[%multiple_of3A_335] : memref<6400000xi32, #tpu.memory_space<hbm>> -> memref<10000xi32, #tpu.memory_space<hbm>>
    tpu.wait_dma2 semaphore(%dma_wait3A_344 : memref<!tpu.dma_semaphore, #tpu.memory_space<semaphore_mem>>) src(%dma_wait3A_345 : memref<10000xi32, #tpu.memory_space<hbm>>) dst(%arg9 : memref<10000xi32, #tpu.memory_space<vmem>>)
    %scan3A_346 = arith.constant 0 : i32
    %scan3A_347 = arith.constant 0 : i32
    %scan3A_348 = arith.constant 125 : i32
    %scan3A_349 = arith.addi %scan3A_347, %scan3A_348 : i32
    %scan3A_350 = arith.constant 1 : i32
    %scan3A_351 = scf.for %scan3A_706 = %scan3A_347 to %scan3A_349 step %scan3A_350 iter_args(%scan3A_707 = %scan3A_346) -> (i32)  : i32 {
      %mul3A_708 = arith.constant 80 : i32
      %mul3A_709 = arith.muli %scan3A_706, %mul3A_708 : i32
      %add3A_710 = arith.constant 0 : i32
      %add3A_711 = arith.addi %mul3A_709, %add3A_710 : i32
      %get3A = arith.index_cast %add3A_711 : i32 to index
      %get3A_712 = tpu.vector_load %arg9[%get3A] {strides = array<i32>} : memref<10000xi32, #tpu.memory_space<vmem>>, vector<16xi32>,
      %get3A_713 = arith.index_cast %add3A_711 : i32 to index
      %get3A_714 = tpu.vector_load %arg7[%get3A_713] {strides = array<i32>} : memref<10000xf32, #tpu.memory_space<vmem>>, vector<16xf32>,
      %mul3A_715 = arith.constant 80 : i32
      %mul3A_716 = arith.muli %scan3A_706, %mul3A_715 : i32
      %add3A_717 = arith.constant 16 : i32
      %add3A_718 = arith.addi %mul3A_716, %add3A_717 : i32
      %get3A_719 = arith.index_cast %add3A_718 : i32 to index
      %get3A_720 = tpu.vector_load %arg9[%get3A_719] {strides = array<i32>} : memref<10000xi32, #tpu.memory_space<vmem>>, vector<16xi32>,
      %get3A_721 = arith.index_cast %add3A_718 : i32 to index
      %get3A_722 = tpu.vector_load %arg7[%get3A_721] {strides = array<i32>} : memref<10000xf32, #tpu.memory_space<vmem>>, vector<16xf32>,
      %mul3A_723 = arith.constant 80 : i32
      %mul3A_724 = arith.muli %scan3A_706, %mul3A_723 : i32
      %add3A_725 = arith.constant 32 : i32
      %add3A_726 = arith.addi %mul3A_724, %add3A_725 : i32
      %get3A_727 = arith.index_cast %add3A_726 : i32 to index
      %get3A_728 = tpu.vector_load %arg9[%get3A_727] {strides = array<i32>} : memref<10000xi32, #tpu.memory_space<vmem>>, vector<16xi32>,
      %get3A_729 = arith.index_cast %add3A_726 : i32 to index
      %get3A_730 = tpu.vector_load %arg7[%get3A_729] {strides = array<i32>} : memref<10000xf32, #tpu.memory_space<vmem>>, vector<16xf32>,
      %mul3A_731 = arith.constant 80 : i32
      %mul3A_732 = arith.muli %scan3A_706, %mul3A_731 : i32
      %add3A_733 = arith.constant 48 : i32
      %add3A_734 = arith.addi %mul3A_732, %add3A_733 : i32
      %get3A_735 = arith.index_cast %add3A_734 : i32 to index
      %get3A_736 = tpu.vector_load %arg9[%get3A_735] {strides = array<i32>} : memref<10000xi32, #tpu.memory_space<vmem>>, vector<16xi32>,
      %get3A_737 = arith.index_cast %add3A_734 : i32 to index
      %get3A_738 = tpu.vector_load %arg7[%get3A_737] {strides = array<i32>} : memref<10000xf32, #tpu.memory_space<vmem>>, vector<16xf32>,
      %mul3A_739 = arith.constant 80 : i32
      %mul3A_740 = arith.muli %scan3A_706, %mul3A_739 : i32
      %add3A_741 = arith.constant 64 : i32
      %add3A_742 = arith.addi %mul3A_740, %add3A_741 : i32
      %get3A_743 = arith.index_cast %add3A_742 : i32 to index
      %get3A_744 = tpu.vector_load %arg9[%get3A_743] {strides = array<i32>} : memref<10000xi32, #tpu.memory_space<vmem>>, vector<16xi32>,
      %get3A_745 = arith.index_cast %add3A_742 : i32 to index
      %get3A_746 = tpu.vector_load %arg7[%get3A_745] {strides = array<i32>} : memref<10000xf32, #tpu.memory_space<vmem>>, vector<16xf32>,
      tpu.vector_store_idx %arg10[%get3A_712, %iota3A], %get3A_714 {add = true} : memref<256x16xf32, #tpu.memory_space<vmem>>[vector<16xi32>, vector<16xi32>], vector<16xf32>,
      tpu.vector_store_idx %arg11[%get3A_712, %iota3A], %broadcast_in_dim3A_36 {add = true} : memref<256x16xf32, #tpu.memory_space<vmem>>[vector<16xi32>, vector<16xi32>], vector<16xf32>,
      tpu.vector_store_idx %arg10[%get3A_720, %iota3A], %get3A_722 {add = true} : memref<256x16xf32, #tpu.memory_space<vmem>>[vector<16xi32>, vector<16xi32>], vector<16xf32>,
      tpu.vector_store_idx %arg11[%get3A_720, %iota3A], %broadcast_in_dim3A_36 {add = true} : memref<256x16xf32, #tpu.memory_space<vmem>>[vector<16xi32>, vector<16xi32>], vector<16xf32>,
      tpu.vector_store_idx %arg10[%get3A_728, %iota3A], %get3A_730 {add = true} : memref<256x16xf32, #tpu.memory_space<vmem>>[vector<16xi32>, vector<16xi32>], vector<16xf32>,
      tpu.vector_store_idx %arg11[%get3A_728, %iota3A], %broadcast_in_dim3A_36 {add = true} : memref<256x16xf32, #tpu.memory_space<vmem>>[vector<16xi32>, vector<16xi32>], vector<16xf32>,
      tpu.vector_store_idx %arg10[%get3A_736, %iota3A], %get3A_738 {add = true} : memref<256x16xf32, #tpu.memory_space<vmem>>[vector<16xi32>, vector<16xi32>], vector<16xf32>,
      tpu.vector_store_idx %arg11[%get3A_736, %iota3A], %broadcast_in_dim3A_36 {add = true} : memref<256x16xf32, #tpu.memory_space<vmem>>[vector<16xi32>, vector<16xi32>], vector<16xf32>,
      tpu.vector_store_idx %arg10[%get3A_744, %iota3A], %get3A_746 {add = true} : memref<256x16xf32, #tpu.memory_space<vmem>>[vector<16xi32>, vector<16xi32>], vector<16xf32>,
      tpu.vector_store_idx %arg11[%get3A_744, %iota3A], %broadcast_in_dim3A_36 {add = true} : memref<256x16xf32, #tpu.memory_space<vmem>>[vector<16xi32>, vector<16xi32>], vector<16xf32>,
      %scan3A_747 = arith.constant 0 : i32
      scf.yield %scan3A_747 : i32
    }
    %scan3A_352 = arith.constant 125 : i32
    %add3A_353 = arith.constant 110000 : i32
    %add3A_354 = arith.addi %multiple_of3A, %add3A_353 : i32
    %multiple_of3A_355 = tpu.assume_multiple %add3A_354, 8 : i32
    %dma_start3A_356 = arith.constant 1 : i32
    %dma_start3A_357 = tpu.memref_slice %arg2[%multiple_of3A_355] : memref<6400000xf32, #tpu.memory_space<hbm>> -> memref<10000xf32, #tpu.memory_space<hbm>>
    %dma_start3A_358 = tpu.memref_slice %arg14[%dma_start3A_356] : memref<2x!tpu.dma_semaphore, #tpu.memory_space<semaphore_mem>> -> memref<1x!tpu.dma_semaphore, #tpu.memory_space<semaphore_mem>>
    %dma_start3A_359 = tpu.memref_squeeze %dma_start3A_358 : memref<1x!tpu.dma_semaphore, #tpu.memory_space<semaphore_mem>> -> memref<!tpu.dma_semaphore, #tpu.memory_space<semaphore_mem>>
    %dma_start3A_360 = tpu.memref_slice %arg2[%multiple_of3A_355] : memref<6400000xf32, #tpu.memory_space<hbm>> -> memref<10000xf32, #tpu.memory_space<hbm>>
    tpu.enqueue_dma source(%dma_start3A_360 : memref<10000xf32, #tpu.memory_space<hbm>>) target(%arg7 : memref<10000xf32, #tpu.memory_space<vmem>>) target_semaphore(%dma_start3A_359 : memref<!tpu.dma_semaphore, #tpu.memory_space<semaphore_mem>>)
    %dma_start3A_361 = arith.constant 1 : i32
    %dma_start3A_362 = tpu.memref_slice %arg3[%multiple_of3A_355] : memref<6400000xi32, #tpu.memory_space<hbm>> -> memref<10000xi32, #tpu.memory_space<hbm>>
    %dma_start3A_363 = tpu.memref_slice %arg15[%dma_start3A_361] : memref<2x!tpu.dma_semaphore, #tpu.memory_space<semaphore_mem>> -> memref<1x!tpu.dma_semaphore, #tpu.memory_space<semaphore_mem>>
    %dma_start3A_364 = tpu.memref_squeeze %dma_start3A_363 : memref<1x!tpu.dma_semaphore, #tpu.memory_space<semaphore_mem>> -> memref<!tpu.dma_semaphore, #tpu.memory_space<semaphore_mem>>
    %dma_start3A_365 = tpu.memref_slice %arg3[%multiple_of3A_355] : memref<6400000xi32, #tpu.memory_space<hbm>> -> memref<10000xi32, #tpu.memory_space<hbm>>
    tpu.enqueue_dma source(%dma_start3A_365 : memref<10000xi32, #tpu.memory_space<hbm>>) target(%arg9 : memref<10000xi32, #tpu.memory_space<vmem>>) target_semaphore(%dma_start3A_364 : memref<!tpu.dma_semaphore, #tpu.memory_space<semaphore_mem>>)
    %add3A_366 = arith.constant 100000 : i32
    %add3A_367 = arith.addi %multiple_of3A, %add3A_366 : i32
    %multiple_of3A_368 = tpu.assume_multiple %add3A_367, 8 : i32
    %dma_wait3A_369 = arith.constant 0 : i32
    %dma_wait3A_370 = tpu.memref_slice %arg2[%multiple_of3A_368] : memref<6400000xf32, #tpu.memory_space<hbm>> -> memref<10000xf32, #tpu.memory_space<hbm>>
    %dma_wait3A_371 = tpu.memref_slice %arg14[%dma_wait3A_369] : memref<2x!tpu.dma_semaphore, #tpu.memory_space<semaphore_mem>> -> memref<1x!tpu.dma_semaphore, #tpu.memory_space<semaphore_mem>>
    %dma_wait3A_372 = tpu.memref_squeeze %dma_wait3A_371 : memref<1x!tpu.dma_semaphore, #tpu.memory_space<semaphore_mem>> -> memref<!tpu.dma_semaphore, #tpu.memory_space<semaphore_mem>>
    %dma_wait3A_373 = tpu.memref_slice %arg2[%multiple_of3A_368] : memref<6400000xf32, #tpu.memory_space<hbm>> -> memref<10000xf32, #tpu.memory_space<hbm>>
    tpu.wait_dma2 semaphore(%dma_wait3A_372 : memref<!tpu.dma_semaphore, #tpu.memory_space<semaphore_mem>>) src(%dma_wait3A_373 : memref<10000xf32, #tpu.memory_space<hbm>>) dst(%arg6 : memref<10000xf32, #tpu.memory_space<vmem>>)
    %dma_wait3A_374 = arith.constant 0 : i32
    %dma_wait3A_375 = tpu.memref_slice %arg3[%multiple_of3A_368] : memref<6400000xi32, #tpu.memory_space<hbm>> -> memref<10000xi32, #tpu.memory_space<hbm>>
    %dma_wait3A_376 = tpu.memref_slice %arg15[%dma_wait3A_374] : memref<2x!tpu.dma_semaphore, #tpu.memory_space<semaphore_mem>> -> memref<1x!tpu.dma_semaphore, #tpu.memory_space<semaphore_mem>>
    %dma_wait3A_377 = tpu.memref_squeeze %dma_wait3A_376 : memref<1x!tpu.dma_semaphore, #tpu.memory_space<semaphore_mem>> -> memref<!tpu.dma_semaphore, #tpu.memory_space<semaphore_mem>>
    %dma_wait3A_378 = tpu.memref_slice %arg3[%multiple_of3A_368] : memref<6400000xi32, #tpu.memory_space<hbm>> -> memref<10000xi32, #tpu.memory_space<hbm>>
    tpu.wait_dma2 semaphore(%dma_wait3A_377 : memref<!tpu.dma_semaphore, #tpu.memory_space<semaphore_mem>>) src(%dma_wait3A_378 : memref<10000xi32, #tpu.memory_space<hbm>>) dst(%arg8 : memref<10000xi32, #tpu.memory_space<vmem>>)
    %scan3A_379 = arith.constant 0 : i32
    %scan3A_380 = arith.constant 0 : i32
    %scan3A_381 = arith.constant 125 : i32
    %scan3A_382 = arith.addi %scan3A_380, %scan3A_381 : i32
    %scan3A_383 = arith.constant 1 : i32
    %scan3A_384 = scf.for %scan3A_706 = %scan3A_380 to %scan3A_382 step %scan3A_383 iter_args(%scan3A_707 = %scan3A_379) -> (i32)  : i32 {
      %mul3A_708 = arith.constant 80 : i32
      %mul3A_709 = arith.muli %scan3A_706, %mul3A_708 : i32
      %add3A_710 = arith.constant 0 : i32
      %add3A_711 = arith.addi %mul3A_709, %add3A_710 : i32
      %get3A = arith.index_cast %add3A_711 : i32 to index
      %get3A_712 = tpu.vector_load %arg8[%get3A] {strides = array<i32>} : memref<10000xi32, #tpu.memory_space<vmem>>, vector<16xi32>,
      %get3A_713 = arith.index_cast %add3A_711 : i32 to index
      %get3A_714 = tpu.vector_load %arg6[%get3A_713] {strides = array<i32>} : memref<10000xf32, #tpu.memory_space<vmem>>, vector<16xf32>,
      %mul3A_715 = arith.constant 80 : i32
      %mul3A_716 = arith.muli %scan3A_706, %mul3A_715 : i32
      %add3A_717 = arith.constant 16 : i32
      %add3A_718 = arith.addi %mul3A_716, %add3A_717 : i32
      %get3A_719 = arith.index_cast %add3A_718 : i32 to index
      %get3A_720 = tpu.vector_load %arg8[%get3A_719] {strides = array<i32>} : memref<10000xi32, #tpu.memory_space<vmem>>, vector<16xi32>,
      %get3A_721 = arith.index_cast %add3A_718 : i32 to index
      %get3A_722 = tpu.vector_load %arg6[%get3A_721] {strides = array<i32>} : memref<10000xf32, #tpu.memory_space<vmem>>, vector<16xf32>,
      %mul3A_723 = arith.constant 80 : i32
      %mul3A_724 = arith.muli %scan3A_706, %mul3A_723 : i32
      %add3A_725 = arith.constant 32 : i32
      %add3A_726 = arith.addi %mul3A_724, %add3A_725 : i32
      %get3A_727 = arith.index_cast %add3A_726 : i32 to index
      %get3A_728 = tpu.vector_load %arg8[%get3A_727] {strides = array<i32>} : memref<10000xi32, #tpu.memory_space<vmem>>, vector<16xi32>,
      %get3A_729 = arith.index_cast %add3A_726 : i32 to index
      %get3A_730 = tpu.vector_load %arg6[%get3A_729] {strides = array<i32>} : memref<10000xf32, #tpu.memory_space<vmem>>, vector<16xf32>,
      %mul3A_731 = arith.constant 80 : i32
      %mul3A_732 = arith.muli %scan3A_706, %mul3A_731 : i32
      %add3A_733 = arith.constant 48 : i32
      %add3A_734 = arith.addi %mul3A_732, %add3A_733 : i32
      %get3A_735 = arith.index_cast %add3A_734 : i32 to index
      %get3A_736 = tpu.vector_load %arg8[%get3A_735] {strides = array<i32>} : memref<10000xi32, #tpu.memory_space<vmem>>, vector<16xi32>,
      %get3A_737 = arith.index_cast %add3A_734 : i32 to index
      %get3A_738 = tpu.vector_load %arg6[%get3A_737] {strides = array<i32>} : memref<10000xf32, #tpu.memory_space<vmem>>, vector<16xf32>,
      %mul3A_739 = arith.constant 80 : i32
      %mul3A_740 = arith.muli %scan3A_706, %mul3A_739 : i32
      %add3A_741 = arith.constant 64 : i32
      %add3A_742 = arith.addi %mul3A_740, %add3A_741 : i32
      %get3A_743 = arith.index_cast %add3A_742 : i32 to index
      %get3A_744 = tpu.vector_load %arg8[%get3A_743] {strides = array<i32>} : memref<10000xi32, #tpu.memory_space<vmem>>, vector<16xi32>,
      %get3A_745 = arith.index_cast %add3A_742 : i32 to index
      %get3A_746 = tpu.vector_load %arg6[%get3A_745] {strides = array<i32>} : memref<10000xf32, #tpu.memory_space<vmem>>, vector<16xf32>,
      tpu.vector_store_idx %arg10[%get3A_712, %iota3A], %get3A_714 {add = true} : memref<256x16xf32, #tpu.memory_space<vmem>>[vector<16xi32>, vector<16xi32>], vector<16xf32>,
      tpu.vector_store_idx %arg11[%get3A_712, %iota3A], %broadcast_in_dim3A_36 {add = true} : memref<256x16xf32, #tpu.memory_space<vmem>>[vector<16xi32>, vector<16xi32>], vector<16xf32>,
      tpu.vector_store_idx %arg10[%get3A_720, %iota3A], %get3A_722 {add = true} : memref<256x16xf32, #tpu.memory_space<vmem>>[vector<16xi32>, vector<16xi32>], vector<16xf32>,
      tpu.vector_store_idx %arg11[%get3A_720, %iota3A], %broadcast_in_dim3A_36 {add = true} : memref<256x16xf32, #tpu.memory_space<vmem>>[vector<16xi32>, vector<16xi32>], vector<16xf32>,
      tpu.vector_store_idx %arg10[%get3A_728, %iota3A], %get3A_730 {add = true} : memref<256x16xf32, #tpu.memory_space<vmem>>[vector<16xi32>, vector<16xi32>], vector<16xf32>,
      tpu.vector_store_idx %arg11[%get3A_728, %iota3A], %broadcast_in_dim3A_36 {add = true} : memref<256x16xf32, #tpu.memory_space<vmem>>[vector<16xi32>, vector<16xi32>], vector<16xf32>,
      tpu.vector_store_idx %arg10[%get3A_736, %iota3A], %get3A_738 {add = true} : memref<256x16xf32, #tpu.memory_space<vmem>>[vector<16xi32>, vector<16xi32>], vector<16xf32>,
      tpu.vector_store_idx %arg11[%get3A_736, %iota3A], %broadcast_in_dim3A_36 {add = true} : memref<256x16xf32, #tpu.memory_space<vmem>>[vector<16xi32>, vector<16xi32>], vector<16xf32>,
      tpu.vector_store_idx %arg10[%get3A_744, %iota3A], %get3A_746 {add = true} : memref<256x16xf32, #tpu.memory_space<vmem>>[vector<16xi32>, vector<16xi32>], vector<16xf32>,
      tpu.vector_store_idx %arg11[%get3A_744, %iota3A], %broadcast_in_dim3A_36 {add = true} : memref<256x16xf32, #tpu.memory_space<vmem>>[vector<16xi32>, vector<16xi32>], vector<16xf32>,
      %scan3A_747 = arith.constant 0 : i32
      scf.yield %scan3A_747 : i32
    }
    %scan3A_385 = arith.constant 125 : i32
    %add3A_386 = arith.constant 120000 : i32
    %add3A_387 = arith.addi %multiple_of3A, %add3A_386 : i32
    %multiple_of3A_388 = tpu.assume_multiple %add3A_387, 8 : i32
    %dma_start3A_389 = arith.constant 0 : i32
    %dma_start3A_390 = tpu.memref_slice %arg2[%multiple_of3A_388] : memref<6400000xf32, #tpu.memory_space<hbm>> -> memref<10000xf32, #tpu.memory_space<hbm>>
    %dma_start3A_391 = tpu.memref_slice %arg14[%dma_start3A_389] : memref<2x!tpu.dma_semaphore, #tpu.memory_space<semaphore_mem>> -> memref<1x!tpu.dma_semaphore, #tpu.memory_space<semaphore_mem>>
    %dma_start3A_392 = tpu.memref_squeeze %dma_start3A_391 : memref<1x!tpu.dma_semaphore, #tpu.memory_space<semaphore_mem>> -> memref<!tpu.dma_semaphore, #tpu.memory_space<semaphore_mem>>
    %dma_start3A_393 = tpu.memref_slice %arg2[%multiple_of3A_388] : memref<6400000xf32, #tpu.memory_space<hbm>> -> memref<10000xf32, #tpu.memory_space<hbm>>
    tpu.enqueue_dma source(%dma_start3A_393 : memref<10000xf32, #tpu.memory_space<hbm>>) target(%arg6 : memref<10000xf32, #tpu.memory_space<vmem>>) target_semaphore(%dma_start3A_392 : memref<!tpu.dma_semaphore, #tpu.memory_space<semaphore_mem>>)
    %dma_start3A_394 = arith.constant 0 : i32
    %dma_start3A_395 = tpu.memref_slice %arg3[%multiple_of3A_388] : memref<6400000xi32, #tpu.memory_space<hbm>> -> memref<10000xi32, #tpu.memory_space<hbm>>
    %dma_start3A_396 = tpu.memref_slice %arg15[%dma_start3A_394] : memref<2x!tpu.dma_semaphore, #tpu.memory_space<semaphore_mem>> -> memref<1x!tpu.dma_semaphore, #tpu.memory_space<semaphore_mem>>
    %dma_start3A_397 = tpu.memref_squeeze %dma_start3A_396 : memref<1x!tpu.dma_semaphore, #tpu.memory_space<semaphore_mem>> -> memref<!tpu.dma_semaphore, #tpu.memory_space<semaphore_mem>>
    %dma_start3A_398 = tpu.memref_slice %arg3[%multiple_of3A_388] : memref<6400000xi32, #tpu.memory_space<hbm>> -> memref<10000xi32, #tpu.memory_space<hbm>>
    tpu.enqueue_dma source(%dma_start3A_398 : memref<10000xi32, #tpu.memory_space<hbm>>) target(%arg8 : memref<10000xi32, #tpu.memory_space<vmem>>) target_semaphore(%dma_start3A_397 : memref<!tpu.dma_semaphore, #tpu.memory_space<semaphore_mem>>)
    %add3A_399 = arith.constant 110000 : i32
    %add3A_400 = arith.addi %multiple_of3A, %add3A_399 : i32
    %multiple_of3A_401 = tpu.assume_multiple %add3A_400, 8 : i32
    %dma_wait3A_402 = arith.constant 1 : i32
    %dma_wait3A_403 = tpu.memref_slice %arg2[%multiple_of3A_401] : memref<6400000xf32, #tpu.memory_space<hbm>> -> memref<10000xf32, #tpu.memory_space<hbm>>
    %dma_wait3A_404 = tpu.memref_slice %arg14[%dma_wait3A_402] : memref<2x!tpu.dma_semaphore, #tpu.memory_space<semaphore_mem>> -> memref<1x!tpu.dma_semaphore, #tpu.memory_space<semaphore_mem>>
    %dma_wait3A_405 = tpu.memref_squeeze %dma_wait3A_404 : memref<1x!tpu.dma_semaphore, #tpu.memory_space<semaphore_mem>> -> memref<!tpu.dma_semaphore, #tpu.memory_space<semaphore_mem>>
    %dma_wait3A_406 = tpu.memref_slice %arg2[%multiple_of3A_401] : memref<6400000xf32, #tpu.memory_space<hbm>> -> memref<10000xf32, #tpu.memory_space<hbm>>
    tpu.wait_dma2 semaphore(%dma_wait3A_405 : memref<!tpu.dma_semaphore, #tpu.memory_space<semaphore_mem>>) src(%dma_wait3A_406 : memref<10000xf32, #tpu.memory_space<hbm>>) dst(%arg7 : memref<10000xf32, #tpu.memory_space<vmem>>)
    %dma_wait3A_407 = arith.constant 1 : i32
    %dma_wait3A_408 = tpu.memref_slice %arg3[%multiple_of3A_401] : memref<6400000xi32, #tpu.memory_space<hbm>> -> memref<10000xi32, #tpu.memory_space<hbm>>
    %dma_wait3A_409 = tpu.memref_slice %arg15[%dma_wait3A_407] : memref<2x!tpu.dma_semaphore, #tpu.memory_space<semaphore_mem>> -> memref<1x!tpu.dma_semaphore, #tpu.memory_space<semaphore_mem>>
    %dma_wait3A_410 = tpu.memref_squeeze %dma_wait3A_409 : memref<1x!tpu.dma_semaphore, #tpu.memory_space<semaphore_mem>> -> memref<!tpu.dma_semaphore, #tpu.memory_space<semaphore_mem>>
    %dma_wait3A_411 = tpu.memref_slice %arg3[%multiple_of3A_401] : memref<6400000xi32, #tpu.memory_space<hbm>> -> memref<10000xi32, #tpu.memory_space<hbm>>
    tpu.wait_dma2 semaphore(%dma_wait3A_410 : memref<!tpu.dma_semaphore, #tpu.memory_space<semaphore_mem>>) src(%dma_wait3A_411 : memref<10000xi32, #tpu.memory_space<hbm>>) dst(%arg9 : memref<10000xi32, #tpu.memory_space<vmem>>)
    %scan3A_412 = arith.constant 0 : i32
    %scan3A_413 = arith.constant 0 : i32
    %scan3A_414 = arith.constant 125 : i32
    %scan3A_415 = arith.addi %scan3A_413, %scan3A_414 : i32
    %scan3A_416 = arith.constant 1 : i32
    %scan3A_417 = scf.for %scan3A_706 = %scan3A_413 to %scan3A_415 step %scan3A_416 iter_args(%scan3A_707 = %scan3A_412) -> (i32)  : i32 {
      %mul3A_708 = arith.constant 80 : i32
      %mul3A_709 = arith.muli %scan3A_706, %mul3A_708 : i32
      %add3A_710 = arith.constant 0 : i32
      %add3A_711 = arith.addi %mul3A_709, %add3A_710 : i32
      %get3A = arith.index_cast %add3A_711 : i32 to index
      %get3A_712 = tpu.vector_load %arg9[%get3A] {strides = array<i32>} : memref<10000xi32, #tpu.memory_space<vmem>>, vector<16xi32>,
      %get3A_713 = arith.index_cast %add3A_711 : i32 to index
      %get3A_714 = tpu.vector_load %arg7[%get3A_713] {strides = array<i32>} : memref<10000xf32, #tpu.memory_space<vmem>>, vector<16xf32>,
      %mul3A_715 = arith.constant 80 : i32
      %mul3A_716 = arith.muli %scan3A_706, %mul3A_715 : i32
      %add3A_717 = arith.constant 16 : i32
      %add3A_718 = arith.addi %mul3A_716, %add3A_717 : i32
      %get3A_719 = arith.index_cast %add3A_718 : i32 to index
      %get3A_720 = tpu.vector_load %arg9[%get3A_719] {strides = array<i32>} : memref<10000xi32, #tpu.memory_space<vmem>>, vector<16xi32>,
      %get3A_721 = arith.index_cast %add3A_718 : i32 to index
      %get3A_722 = tpu.vector_load %arg7[%get3A_721] {strides = array<i32>} : memref<10000xf32, #tpu.memory_space<vmem>>, vector<16xf32>,
      %mul3A_723 = arith.constant 80 : i32
      %mul3A_724 = arith.muli %scan3A_706, %mul3A_723 : i32
      %add3A_725 = arith.constant 32 : i32
      %add3A_726 = arith.addi %mul3A_724, %add3A_725 : i32
      %get3A_727 = arith.index_cast %add3A_726 : i32 to index
      %get3A_728 = tpu.vector_load %arg9[%get3A_727] {strides = array<i32>} : memref<10000xi32, #tpu.memory_space<vmem>>, vector<16xi32>,
      %get3A_729 = arith.index_cast %add3A_726 : i32 to index
      %get3A_730 = tpu.vector_load %arg7[%get3A_729] {strides = array<i32>} : memref<10000xf32, #tpu.memory_space<vmem>>, vector<16xf32>,
      %mul3A_731 = arith.constant 80 : i32
      %mul3A_732 = arith.muli %scan3A_706, %mul3A_731 : i32
      %add3A_733 = arith.constant 48 : i32
      %add3A_734 = arith.addi %mul3A_732, %add3A_733 : i32
      %get3A_735 = arith.index_cast %add3A_734 : i32 to index
      %get3A_736 = tpu.vector_load %arg9[%get3A_735] {strides = array<i32>} : memref<10000xi32, #tpu.memory_space<vmem>>, vector<16xi32>,
      %get3A_737 = arith.index_cast %add3A_734 : i32 to index
      %get3A_738 = tpu.vector_load %arg7[%get3A_737] {strides = array<i32>} : memref<10000xf32, #tpu.memory_space<vmem>>, vector<16xf32>,
      %mul3A_739 = arith.constant 80 : i32
      %mul3A_740 = arith.muli %scan3A_706, %mul3A_739 : i32
      %add3A_741 = arith.constant 64 : i32
      %add3A_742 = arith.addi %mul3A_740, %add3A_741 : i32
      %get3A_743 = arith.index_cast %add3A_742 : i32 to index
      %get3A_744 = tpu.vector_load %arg9[%get3A_743] {strides = array<i32>} : memref<10000xi32, #tpu.memory_space<vmem>>, vector<16xi32>,
      %get3A_745 = arith.index_cast %add3A_742 : i32 to index
      %get3A_746 = tpu.vector_load %arg7[%get3A_745] {strides = array<i32>} : memref<10000xf32, #tpu.memory_space<vmem>>, vector<16xf32>,
      tpu.vector_store_idx %arg10[%get3A_712, %iota3A], %get3A_714 {add = true} : memref<256x16xf32, #tpu.memory_space<vmem>>[vector<16xi32>, vector<16xi32>], vector<16xf32>,
      tpu.vector_store_idx %arg11[%get3A_712, %iota3A], %broadcast_in_dim3A_36 {add = true} : memref<256x16xf32, #tpu.memory_space<vmem>>[vector<16xi32>, vector<16xi32>], vector<16xf32>,
      tpu.vector_store_idx %arg10[%get3A_720, %iota3A], %get3A_722 {add = true} : memref<256x16xf32, #tpu.memory_space<vmem>>[vector<16xi32>, vector<16xi32>], vector<16xf32>,
      tpu.vector_store_idx %arg11[%get3A_720, %iota3A], %broadcast_in_dim3A_36 {add = true} : memref<256x16xf32, #tpu.memory_space<vmem>>[vector<16xi32>, vector<16xi32>], vector<16xf32>,
      tpu.vector_store_idx %arg10[%get3A_728, %iota3A], %get3A_730 {add = true} : memref<256x16xf32, #tpu.memory_space<vmem>>[vector<16xi32>, vector<16xi32>], vector<16xf32>,
      tpu.vector_store_idx %arg11[%get3A_728, %iota3A], %broadcast_in_dim3A_36 {add = true} : memref<256x16xf32, #tpu.memory_space<vmem>>[vector<16xi32>, vector<16xi32>], vector<16xf32>,
      tpu.vector_store_idx %arg10[%get3A_736, %iota3A], %get3A_738 {add = true} : memref<256x16xf32, #tpu.memory_space<vmem>>[vector<16xi32>, vector<16xi32>], vector<16xf32>,
      tpu.vector_store_idx %arg11[%get3A_736, %iota3A], %broadcast_in_dim3A_36 {add = true} : memref<256x16xf32, #tpu.memory_space<vmem>>[vector<16xi32>, vector<16xi32>], vector<16xf32>,
      tpu.vector_store_idx %arg10[%get3A_744, %iota3A], %get3A_746 {add = true} : memref<256x16xf32, #tpu.memory_space<vmem>>[vector<16xi32>, vector<16xi32>], vector<16xf32>,
      tpu.vector_store_idx %arg11[%get3A_744, %iota3A], %broadcast_in_dim3A_36 {add = true} : memref<256x16xf32, #tpu.memory_space<vmem>>[vector<16xi32>, vector<16xi32>], vector<16xf32>,
      %scan3A_747 = arith.constant 0 : i32
      scf.yield %scan3A_747 : i32
    }
    %scan3A_418 = arith.constant 125 : i32
    %add3A_419 = arith.constant 130000 : i32
    %add3A_420 = arith.addi %multiple_of3A, %add3A_419 : i32
    %multiple_of3A_421 = tpu.assume_multiple %add3A_420, 8 : i32
    %dma_start3A_422 = arith.constant 1 : i32
    %dma_start3A_423 = tpu.memref_slice %arg2[%multiple_of3A_421] : memref<6400000xf32, #tpu.memory_space<hbm>> -> memref<10000xf32, #tpu.memory_space<hbm>>
    %dma_start3A_424 = tpu.memref_slice %arg14[%dma_start3A_422] : memref<2x!tpu.dma_semaphore, #tpu.memory_space<semaphore_mem>> -> memref<1x!tpu.dma_semaphore, #tpu.memory_space<semaphore_mem>>
    %dma_start3A_425 = tpu.memref_squeeze %dma_start3A_424 : memref<1x!tpu.dma_semaphore, #tpu.memory_space<semaphore_mem>> -> memref<!tpu.dma_semaphore, #tpu.memory_space<semaphore_mem>>
    %dma_start3A_426 = tpu.memref_slice %arg2[%multiple_of3A_421] : memref<6400000xf32, #tpu.memory_space<hbm>> -> memref<10000xf32, #tpu.memory_space<hbm>>
    tpu.enqueue_dma source(%dma_start3A_426 : memref<10000xf32, #tpu.memory_space<hbm>>) target(%arg7 : memref<10000xf32, #tpu.memory_space<vmem>>) target_semaphore(%dma_start3A_425 : memref<!tpu.dma_semaphore, #tpu.memory_space<semaphore_mem>>)
    %dma_start3A_427 = arith.constant 1 : i32
    %dma_start3A_428 = tpu.memref_slice %arg3[%multiple_of3A_421] : memref<6400000xi32, #tpu.memory_space<hbm>> -> memref<10000xi32, #tpu.memory_space<hbm>>
    %dma_start3A_429 = tpu.memref_slice %arg15[%dma_start3A_427] : memref<2x!tpu.dma_semaphore, #tpu.memory_space<semaphore_mem>> -> memref<1x!tpu.dma_semaphore, #tpu.memory_space<semaphore_mem>>
    %dma_start3A_430 = tpu.memref_squeeze %dma_start3A_429 : memref<1x!tpu.dma_semaphore, #tpu.memory_space<semaphore_mem>> -> memref<!tpu.dma_semaphore, #tpu.memory_space<semaphore_mem>>
    %dma_start3A_431 = tpu.memref_slice %arg3[%multiple_of3A_421] : memref<6400000xi32, #tpu.memory_space<hbm>> -> memref<10000xi32, #tpu.memory_space<hbm>>
    tpu.enqueue_dma source(%dma_start3A_431 : memref<10000xi32, #tpu.memory_space<hbm>>) target(%arg9 : memref<10000xi32, #tpu.memory_space<vmem>>) target_semaphore(%dma_start3A_430 : memref<!tpu.dma_semaphore, #tpu.memory_space<semaphore_mem>>)
    %add3A_432 = arith.constant 120000 : i32
    %add3A_433 = arith.addi %multiple_of3A, %add3A_432 : i32
    %multiple_of3A_434 = tpu.assume_multiple %add3A_433, 8 : i32
    %dma_wait3A_435 = arith.constant 0 : i32
    %dma_wait3A_436 = tpu.memref_slice %arg2[%multiple_of3A_434] : memref<6400000xf32, #tpu.memory_space<hbm>> -> memref<10000xf32, #tpu.memory_space<hbm>>
    %dma_wait3A_437 = tpu.memref_slice %arg14[%dma_wait3A_435] : memref<2x!tpu.dma_semaphore, #tpu.memory_space<semaphore_mem>> -> memref<1x!tpu.dma_semaphore, #tpu.memory_space<semaphore_mem>>
    %dma_wait3A_438 = tpu.memref_squeeze %dma_wait3A_437 : memref<1x!tpu.dma_semaphore, #tpu.memory_space<semaphore_mem>> -> memref<!tpu.dma_semaphore, #tpu.memory_space<semaphore_mem>>
    %dma_wait3A_439 = tpu.memref_slice %arg2[%multiple_of3A_434] : memref<6400000xf32, #tpu.memory_space<hbm>> -> memref<10000xf32, #tpu.memory_space<hbm>>
    tpu.wait_dma2 semaphore(%dma_wait3A_438 : memref<!tpu.dma_semaphore, #tpu.memory_space<semaphore_mem>>) src(%dma_wait3A_439 : memref<10000xf32, #tpu.memory_space<hbm>>) dst(%arg6 : memref<10000xf32, #tpu.memory_space<vmem>>)
    %dma_wait3A_440 = arith.constant 0 : i32
    %dma_wait3A_441 = tpu.memref_slice %arg3[%multiple_of3A_434] : memref<6400000xi32, #tpu.memory_space<hbm>> -> memref<10000xi32, #tpu.memory_space<hbm>>
    %dma_wait3A_442 = tpu.memref_slice %arg15[%dma_wait3A_440] : memref<2x!tpu.dma_semaphore, #tpu.memory_space<semaphore_mem>> -> memref<1x!tpu.dma_semaphore, #tpu.memory_space<semaphore_mem>>
    %dma_wait3A_443 = tpu.memref_squeeze %dma_wait3A_442 : memref<1x!tpu.dma_semaphore, #tpu.memory_space<semaphore_mem>> -> memref<!tpu.dma_semaphore, #tpu.memory_space<semaphore_mem>>
    %dma_wait3A_444 = tpu.memref_slice %arg3[%multiple_of3A_434] : memref<6400000xi32, #tpu.memory_space<hbm>> -> memref<10000xi32, #tpu.memory_space<hbm>>
    tpu.wait_dma2 semaphore(%dma_wait3A_443 : memref<!tpu.dma_semaphore, #tpu.memory_space<semaphore_mem>>) src(%dma_wait3A_444 : memref<10000xi32, #tpu.memory_space<hbm>>) dst(%arg8 : memref<10000xi32, #tpu.memory_space<vmem>>)
    %scan3A_445 = arith.constant 0 : i32
    %scan3A_446 = arith.constant 0 : i32
    %scan3A_447 = arith.constant 125 : i32
    %scan3A_448 = arith.addi %scan3A_446, %scan3A_447 : i32
    %scan3A_449 = arith.constant 1 : i32
    %scan3A_450 = scf.for %scan3A_706 = %scan3A_446 to %scan3A_448 step %scan3A_449 iter_args(%scan3A_707 = %scan3A_445) -> (i32)  : i32 {
      %mul3A_708 = arith.constant 80 : i32
      %mul3A_709 = arith.muli %scan3A_706, %mul3A_708 : i32
      %add3A_710 = arith.constant 0 : i32
      %add3A_711 = arith.addi %mul3A_709, %add3A_710 : i32
      %get3A = arith.index_cast %add3A_711 : i32 to index
      %get3A_712 = tpu.vector_load %arg8[%get3A] {strides = array<i32>} : memref<10000xi32, #tpu.memory_space<vmem>>, vector<16xi32>,
      %get3A_713 = arith.index_cast %add3A_711 : i32 to index
      %get3A_714 = tpu.vector_load %arg6[%get3A_713] {strides = array<i32>} : memref<10000xf32, #tpu.memory_space<vmem>>, vector<16xf32>,
      %mul3A_715 = arith.constant 80 : i32
      %mul3A_716 = arith.muli %scan3A_706, %mul3A_715 : i32
      %add3A_717 = arith.constant 16 : i32
      %add3A_718 = arith.addi %mul3A_716, %add3A_717 : i32
      %get3A_719 = arith.index_cast %add3A_718 : i32 to index
      %get3A_720 = tpu.vector_load %arg8[%get3A_719] {strides = array<i32>} : memref<10000xi32, #tpu.memory_space<vmem>>, vector<16xi32>,
      %get3A_721 = arith.index_cast %add3A_718 : i32 to index
      %get3A_722 = tpu.vector_load %arg6[%get3A_721] {strides = array<i32>} : memref<10000xf32, #tpu.memory_space<vmem>>, vector<16xf32>,
      %mul3A_723 = arith.constant 80 : i32
      %mul3A_724 = arith.muli %scan3A_706, %mul3A_723 : i32
      %add3A_725 = arith.constant 32 : i32
      %add3A_726 = arith.addi %mul3A_724, %add3A_725 : i32
      %get3A_727 = arith.index_cast %add3A_726 : i32 to index
      %get3A_728 = tpu.vector_load %arg8[%get3A_727] {strides = array<i32>} : memref<10000xi32, #tpu.memory_space<vmem>>, vector<16xi32>,
      %get3A_729 = arith.index_cast %add3A_726 : i32 to index
      %get3A_730 = tpu.vector_load %arg6[%get3A_729] {strides = array<i32>} : memref<10000xf32, #tpu.memory_space<vmem>>, vector<16xf32>,
      %mul3A_731 = arith.constant 80 : i32
      %mul3A_732 = arith.muli %scan3A_706, %mul3A_731 : i32
      %add3A_733 = arith.constant 48 : i32
      %add3A_734 = arith.addi %mul3A_732, %add3A_733 : i32
      %get3A_735 = arith.index_cast %add3A_734 : i32 to index
      %get3A_736 = tpu.vector_load %arg8[%get3A_735] {strides = array<i32>} : memref<10000xi32, #tpu.memory_space<vmem>>, vector<16xi32>,
      %get3A_737 = arith.index_cast %add3A_734 : i32 to index
      %get3A_738 = tpu.vector_load %arg6[%get3A_737] {strides = array<i32>} : memref<10000xf32, #tpu.memory_space<vmem>>, vector<16xf32>,
      %mul3A_739 = arith.constant 80 : i32
      %mul3A_740 = arith.muli %scan3A_706, %mul3A_739 : i32
      %add3A_741 = arith.constant 64 : i32
      %add3A_742 = arith.addi %mul3A_740, %add3A_741 : i32
      %get3A_743 = arith.index_cast %add3A_742 : i32 to index
      %get3A_744 = tpu.vector_load %arg8[%get3A_743] {strides = array<i32>} : memref<10000xi32, #tpu.memory_space<vmem>>, vector<16xi32>,
      %get3A_745 = arith.index_cast %add3A_742 : i32 to index
      %get3A_746 = tpu.vector_load %arg6[%get3A_745] {strides = array<i32>} : memref<10000xf32, #tpu.memory_space<vmem>>, vector<16xf32>,
      tpu.vector_store_idx %arg10[%get3A_712, %iota3A], %get3A_714 {add = true} : memref<256x16xf32, #tpu.memory_space<vmem>>[vector<16xi32>, vector<16xi32>], vector<16xf32>,
      tpu.vector_store_idx %arg11[%get3A_712, %iota3A], %broadcast_in_dim3A_36 {add = true} : memref<256x16xf32, #tpu.memory_space<vmem>>[vector<16xi32>, vector<16xi32>], vector<16xf32>,
      tpu.vector_store_idx %arg10[%get3A_720, %iota3A], %get3A_722 {add = true} : memref<256x16xf32, #tpu.memory_space<vmem>>[vector<16xi32>, vector<16xi32>], vector<16xf32>,
      tpu.vector_store_idx %arg11[%get3A_720, %iota3A], %broadcast_in_dim3A_36 {add = true} : memref<256x16xf32, #tpu.memory_space<vmem>>[vector<16xi32>, vector<16xi32>], vector<16xf32>,
      tpu.vector_store_idx %arg10[%get3A_728, %iota3A], %get3A_730 {add = true} : memref<256x16xf32, #tpu.memory_space<vmem>>[vector<16xi32>, vector<16xi32>], vector<16xf32>,
      tpu.vector_store_idx %arg11[%get3A_728, %iota3A], %broadcast_in_dim3A_36 {add = true} : memref<256x16xf32, #tpu.memory_space<vmem>>[vector<16xi32>, vector<16xi32>], vector<16xf32>,
      tpu.vector_store_idx %arg10[%get3A_736, %iota3A], %get3A_738 {add = true} : memref<256x16xf32, #tpu.memory_space<vmem>>[vector<16xi32>, vector<16xi32>], vector<16xf32>,
      tpu.vector_store_idx %arg11[%get3A_736, %iota3A], %broadcast_in_dim3A_36 {add = true} : memref<256x16xf32, #tpu.memory_space<vmem>>[vector<16xi32>, vector<16xi32>], vector<16xf32>,
      tpu.vector_store_idx %arg10[%get3A_744, %iota3A], %get3A_746 {add = true} : memref<256x16xf32, #tpu.memory_space<vmem>>[vector<16xi32>, vector<16xi32>], vector<16xf32>,
      tpu.vector_store_idx %arg11[%get3A_744, %iota3A], %broadcast_in_dim3A_36 {add = true} : memref<256x16xf32, #tpu.memory_space<vmem>>[vector<16xi32>, vector<16xi32>], vector<16xf32>,
      %scan3A_747 = arith.constant 0 : i32
      scf.yield %scan3A_747 : i32
    }
    %scan3A_451 = arith.constant 125 : i32
    %add3A_452 = arith.constant 140000 : i32
    %add3A_453 = arith.addi %multiple_of3A, %add3A_452 : i32
    %multiple_of3A_454 = tpu.assume_multiple %add3A_453, 8 : i32
    %dma_start3A_455 = arith.constant 0 : i32
    %dma_start3A_456 = tpu.memref_slice %arg2[%multiple_of3A_454] : memref<6400000xf32, #tpu.memory_space<hbm>> -> memref<10000xf32, #tpu.memory_space<hbm>>
    %dma_start3A_457 = tpu.memref_slice %arg14[%dma_start3A_455] : memref<2x!tpu.dma_semaphore, #tpu.memory_space<semaphore_mem>> -> memref<1x!tpu.dma_semaphore, #tpu.memory_space<semaphore_mem>>
    %dma_start3A_458 = tpu.memref_squeeze %dma_start3A_457 : memref<1x!tpu.dma_semaphore, #tpu.memory_space<semaphore_mem>> -> memref<!tpu.dma_semaphore, #tpu.memory_space<semaphore_mem>>
    %dma_start3A_459 = tpu.memref_slice %arg2[%multiple_of3A_454] : memref<6400000xf32, #tpu.memory_space<hbm>> -> memref<10000xf32, #tpu.memory_space<hbm>>
    tpu.enqueue_dma source(%dma_start3A_459 : memref<10000xf32, #tpu.memory_space<hbm>>) target(%arg6 : memref<10000xf32, #tpu.memory_space<vmem>>) target_semaphore(%dma_start3A_458 : memref<!tpu.dma_semaphore, #tpu.memory_space<semaphore_mem>>)
    %dma_start3A_460 = arith.constant 0 : i32
    %dma_start3A_461 = tpu.memref_slice %arg3[%multiple_of3A_454] : memref<6400000xi32, #tpu.memory_space<hbm>> -> memref<10000xi32, #tpu.memory_space<hbm>>
    %dma_start3A_462 = tpu.memref_slice %arg15[%dma_start3A_460] : memref<2x!tpu.dma_semaphore, #tpu.memory_space<semaphore_mem>> -> memref<1x!tpu.dma_semaphore, #tpu.memory_space<semaphore_mem>>
    %dma_start3A_463 = tpu.memref_squeeze %dma_start3A_462 : memref<1x!tpu.dma_semaphore, #tpu.memory_space<semaphore_mem>> -> memref<!tpu.dma_semaphore, #tpu.memory_space<semaphore_mem>>
    %dma_start3A_464 = tpu.memref_slice %arg3[%multiple_of3A_454] : memref<6400000xi32, #tpu.memory_space<hbm>> -> memref<10000xi32, #tpu.memory_space<hbm>>
    tpu.enqueue_dma source(%dma_start3A_464 : memref<10000xi32, #tpu.memory_space<hbm>>) target(%arg8 : memref<10000xi32, #tpu.memory_space<vmem>>) target_semaphore(%dma_start3A_463 : memref<!tpu.dma_semaphore, #tpu.memory_space<semaphore_mem>>)
    %add3A_465 = arith.constant 130000 : i32
    %add3A_466 = arith.addi %multiple_of3A, %add3A_465 : i32
    %multiple_of3A_467 = tpu.assume_multiple %add3A_466, 8 : i32
    %dma_wait3A_468 = arith.constant 1 : i32
    %dma_wait3A_469 = tpu.memref_slice %arg2[%multiple_of3A_467] : memref<6400000xf32, #tpu.memory_space<hbm>> -> memref<10000xf32, #tpu.memory_space<hbm>>
    %dma_wait3A_470 = tpu.memref_slice %arg14[%dma_wait3A_468] : memref<2x!tpu.dma_semaphore, #tpu.memory_space<semaphore_mem>> -> memref<1x!tpu.dma_semaphore, #tpu.memory_space<semaphore_mem>>
    %dma_wait3A_471 = tpu.memref_squeeze %dma_wait3A_470 : memref<1x!tpu.dma_semaphore, #tpu.memory_space<semaphore_mem>> -> memref<!tpu.dma_semaphore, #tpu.memory_space<semaphore_mem>>
    %dma_wait3A_472 = tpu.memref_slice %arg2[%multiple_of3A_467] : memref<6400000xf32, #tpu.memory_space<hbm>> -> memref<10000xf32, #tpu.memory_space<hbm>>
    tpu.wait_dma2 semaphore(%dma_wait3A_471 : memref<!tpu.dma_semaphore, #tpu.memory_space<semaphore_mem>>) src(%dma_wait3A_472 : memref<10000xf32, #tpu.memory_space<hbm>>) dst(%arg7 : memref<10000xf32, #tpu.memory_space<vmem>>)
    %dma_wait3A_473 = arith.constant 1 : i32
    %dma_wait3A_474 = tpu.memref_slice %arg3[%multiple_of3A_467] : memref<6400000xi32, #tpu.memory_space<hbm>> -> memref<10000xi32, #tpu.memory_space<hbm>>
    %dma_wait3A_475 = tpu.memref_slice %arg15[%dma_wait3A_473] : memref<2x!tpu.dma_semaphore, #tpu.memory_space<semaphore_mem>> -> memref<1x!tpu.dma_semaphore, #tpu.memory_space<semaphore_mem>>
    %dma_wait3A_476 = tpu.memref_squeeze %dma_wait3A_475 : memref<1x!tpu.dma_semaphore, #tpu.memory_space<semaphore_mem>> -> memref<!tpu.dma_semaphore, #tpu.memory_space<semaphore_mem>>
    %dma_wait3A_477 = tpu.memref_slice %arg3[%multiple_of3A_467] : memref<6400000xi32, #tpu.memory_space<hbm>> -> memref<10000xi32, #tpu.memory_space<hbm>>
    tpu.wait_dma2 semaphore(%dma_wait3A_476 : memref<!tpu.dma_semaphore, #tpu.memory_space<semaphore_mem>>) src(%dma_wait3A_477 : memref<10000xi32, #tpu.memory_space<hbm>>) dst(%arg9 : memref<10000xi32, #tpu.memory_space<vmem>>)
    %scan3A_478 = arith.constant 0 : i32
    %scan3A_479 = arith.constant 0 : i32
    %scan3A_480 = arith.constant 125 : i32
    %scan3A_481 = arith.addi %scan3A_479, %scan3A_480 : i32
    %scan3A_482 = arith.constant 1 : i32
    %scan3A_483 = scf.for %scan3A_706 = %scan3A_479 to %scan3A_481 step %scan3A_482 iter_args(%scan3A_707 = %scan3A_478) -> (i32)  : i32 {
      %mul3A_708 = arith.constant 80 : i32
      %mul3A_709 = arith.muli %scan3A_706, %mul3A_708 : i32
      %add3A_710 = arith.constant 0 : i32
      %add3A_711 = arith.addi %mul3A_709, %add3A_710 : i32
      %get3A = arith.index_cast %add3A_711 : i32 to index
      %get3A_712 = tpu.vector_load %arg9[%get3A] {strides = array<i32>} : memref<10000xi32, #tpu.memory_space<vmem>>, vector<16xi32>,
      %get3A_713 = arith.index_cast %add3A_711 : i32 to index
      %get3A_714 = tpu.vector_load %arg7[%get3A_713] {strides = array<i32>} : memref<10000xf32, #tpu.memory_space<vmem>>, vector<16xf32>,
      %mul3A_715 = arith.constant 80 : i32
      %mul3A_716 = arith.muli %scan3A_706, %mul3A_715 : i32
      %add3A_717 = arith.constant 16 : i32
      %add3A_718 = arith.addi %mul3A_716, %add3A_717 : i32
      %get3A_719 = arith.index_cast %add3A_718 : i32 to index
      %get3A_720 = tpu.vector_load %arg9[%get3A_719] {strides = array<i32>} : memref<10000xi32, #tpu.memory_space<vmem>>, vector<16xi32>,
      %get3A_721 = arith.index_cast %add3A_718 : i32 to index
      %get3A_722 = tpu.vector_load %arg7[%get3A_721] {strides = array<i32>} : memref<10000xf32, #tpu.memory_space<vmem>>, vector<16xf32>,
      %mul3A_723 = arith.constant 80 : i32
      %mul3A_724 = arith.muli %scan3A_706, %mul3A_723 : i32
      %add3A_725 = arith.constant 32 : i32
      %add3A_726 = arith.addi %mul3A_724, %add3A_725 : i32
      %get3A_727 = arith.index_cast %add3A_726 : i32 to index
      %get3A_728 = tpu.vector_load %arg9[%get3A_727] {strides = array<i32>} : memref<10000xi32, #tpu.memory_space<vmem>>, vector<16xi32>,
      %get3A_729 = arith.index_cast %add3A_726 : i32 to index
      %get3A_730 = tpu.vector_load %arg7[%get3A_729] {strides = array<i32>} : memref<10000xf32, #tpu.memory_space<vmem>>, vector<16xf32>,
      %mul3A_731 = arith.constant 80 : i32
      %mul3A_732 = arith.muli %scan3A_706, %mul3A_731 : i32
      %add3A_733 = arith.constant 48 : i32
      %add3A_734 = arith.addi %mul3A_732, %add3A_733 : i32
      %get3A_735 = arith.index_cast %add3A_734 : i32 to index
      %get3A_736 = tpu.vector_load %arg9[%get3A_735] {strides = array<i32>} : memref<10000xi32, #tpu.memory_space<vmem>>, vector<16xi32>,
      %get3A_737 = arith.index_cast %add3A_734 : i32 to index
      %get3A_738 = tpu.vector_load %arg7[%get3A_737] {strides = array<i32>} : memref<10000xf32, #tpu.memory_space<vmem>>, vector<16xf32>,
      %mul3A_739 = arith.constant 80 : i32
      %mul3A_740 = arith.muli %scan3A_706, %mul3A_739 : i32
      %add3A_741 = arith.constant 64 : i32
      %add3A_742 = arith.addi %mul3A_740, %add3A_741 : i32
      %get3A_743 = arith.index_cast %add3A_742 : i32 to index
      %get3A_744 = tpu.vector_load %arg9[%get3A_743] {strides = array<i32>} : memref<10000xi32, #tpu.memory_space<vmem>>, vector<16xi32>,
      %get3A_745 = arith.index_cast %add3A_742 : i32 to index
      %get3A_746 = tpu.vector_load %arg7[%get3A_745] {strides = array<i32>} : memref<10000xf32, #tpu.memory_space<vmem>>, vector<16xf32>,
      tpu.vector_store_idx %arg10[%get3A_712, %iota3A], %get3A_714 {add = true} : memref<256x16xf32, #tpu.memory_space<vmem>>[vector<16xi32>, vector<16xi32>], vector<16xf32>,
      tpu.vector_store_idx %arg11[%get3A_712, %iota3A], %broadcast_in_dim3A_36 {add = true} : memref<256x16xf32, #tpu.memory_space<vmem>>[vector<16xi32>, vector<16xi32>], vector<16xf32>,
      tpu.vector_store_idx %arg10[%get3A_720, %iota3A], %get3A_722 {add = true} : memref<256x16xf32, #tpu.memory_space<vmem>>[vector<16xi32>, vector<16xi32>], vector<16xf32>,
      tpu.vector_store_idx %arg11[%get3A_720, %iota3A], %broadcast_in_dim3A_36 {add = true} : memref<256x16xf32, #tpu.memory_space<vmem>>[vector<16xi32>, vector<16xi32>], vector<16xf32>,
      tpu.vector_store_idx %arg10[%get3A_728, %iota3A], %get3A_730 {add = true} : memref<256x16xf32, #tpu.memory_space<vmem>>[vector<16xi32>, vector<16xi32>], vector<16xf32>,
      tpu.vector_store_idx %arg11[%get3A_728, %iota3A], %broadcast_in_dim3A_36 {add = true} : memref<256x16xf32, #tpu.memory_space<vmem>>[vector<16xi32>, vector<16xi32>], vector<16xf32>,
      tpu.vector_store_idx %arg10[%get3A_736, %iota3A], %get3A_738 {add = true} : memref<256x16xf32, #tpu.memory_space<vmem>>[vector<16xi32>, vector<16xi32>], vector<16xf32>,
      tpu.vector_store_idx %arg11[%get3A_736, %iota3A], %broadcast_in_dim3A_36 {add = true} : memref<256x16xf32, #tpu.memory_space<vmem>>[vector<16xi32>, vector<16xi32>], vector<16xf32>,
      tpu.vector_store_idx %arg10[%get3A_744, %iota3A], %get3A_746 {add = true} : memref<256x16xf32, #tpu.memory_space<vmem>>[vector<16xi32>, vector<16xi32>], vector<16xf32>,
      tpu.vector_store_idx %arg11[%get3A_744, %iota3A], %broadcast_in_dim3A_36 {add = true} : memref<256x16xf32, #tpu.memory_space<vmem>>[vector<16xi32>, vector<16xi32>], vector<16xf32>,
      %scan3A_747 = arith.constant 0 : i32
      scf.yield %scan3A_747 : i32
    }
    %scan3A_484 = arith.constant 125 : i32
    %add3A_485 = arith.constant 150000 : i32
    %add3A_486 = arith.addi %multiple_of3A, %add3A_485 : i32
    %multiple_of3A_487 = tpu.assume_multiple %add3A_486, 8 : i32
    %dma_start3A_488 = arith.constant 1 : i32
    %dma_start3A_489 = tpu.memref_slice %arg2[%multiple_of3A_487] : memref<6400000xf32, #tpu.memory_space<hbm>> -> memref<10000xf32, #tpu.memory_space<hbm>>
    %dma_start3A_490 = tpu.memref_slice %arg14[%dma_start3A_488] : memref<2x!tpu.dma_semaphore, #tpu.memory_space<semaphore_mem>> -> memref<1x!tpu.dma_semaphore, #tpu.memory_space<semaphore_mem>>
    %dma_start3A_491 = tpu.memref_squeeze %dma_start3A_490 : memref<1x!tpu.dma_semaphore, #tpu.memory_space<semaphore_mem>> -> memref<!tpu.dma_semaphore, #tpu.memory_space<semaphore_mem>>
    %dma_start3A_492 = tpu.memref_slice %arg2[%multiple_of3A_487] : memref<6400000xf32, #tpu.memory_space<hbm>> -> memref<10000xf32, #tpu.memory_space<hbm>>
    tpu.enqueue_dma source(%dma_start3A_492 : memref<10000xf32, #tpu.memory_space<hbm>>) target(%arg7 : memref<10000xf32, #tpu.memory_space<vmem>>) target_semaphore(%dma_start3A_491 : memref<!tpu.dma_semaphore, #tpu.memory_space<semaphore_mem>>)
    %dma_start3A_493 = arith.constant 1 : i32
    %dma_start3A_494 = tpu.memref_slice %arg3[%multiple_of3A_487] : memref<6400000xi32, #tpu.memory_space<hbm>> -> memref<10000xi32, #tpu.memory_space<hbm>>
    %dma_start3A_495 = tpu.memref_slice %arg15[%dma_start3A_493] : memref<2x!tpu.dma_semaphore, #tpu.memory_space<semaphore_mem>> -> memref<1x!tpu.dma_semaphore, #tpu.memory_space<semaphore_mem>>
    %dma_start3A_496 = tpu.memref_squeeze %dma_start3A_495 : memref<1x!tpu.dma_semaphore, #tpu.memory_space<semaphore_mem>> -> memref<!tpu.dma_semaphore, #tpu.memory_space<semaphore_mem>>
    %dma_start3A_497 = tpu.memref_slice %arg3[%multiple_of3A_487] : memref<6400000xi32, #tpu.memory_space<hbm>> -> memref<10000xi32, #tpu.memory_space<hbm>>
    tpu.enqueue_dma source(%dma_start3A_497 : memref<10000xi32, #tpu.memory_space<hbm>>) target(%arg9 : memref<10000xi32, #tpu.memory_space<vmem>>) target_semaphore(%dma_start3A_496 : memref<!tpu.dma_semaphore, #tpu.memory_space<semaphore_mem>>)
    %add3A_498 = arith.constant 140000 : i32
    %add3A_499 = arith.addi %multiple_of3A, %add3A_498 : i32
    %multiple_of3A_500 = tpu.assume_multiple %add3A_499, 8 : i32
    %dma_wait3A_501 = arith.constant 0 : i32
    %dma_wait3A_502 = tpu.memref_slice %arg2[%multiple_of3A_500] : memref<6400000xf32, #tpu.memory_space<hbm>> -> memref<10000xf32, #tpu.memory_space<hbm>>
    %dma_wait3A_503 = tpu.memref_slice %arg14[%dma_wait3A_501] : memref<2x!tpu.dma_semaphore, #tpu.memory_space<semaphore_mem>> -> memref<1x!tpu.dma_semaphore, #tpu.memory_space<semaphore_mem>>
    %dma_wait3A_504 = tpu.memref_squeeze %dma_wait3A_503 : memref<1x!tpu.dma_semaphore, #tpu.memory_space<semaphore_mem>> -> memref<!tpu.dma_semaphore, #tpu.memory_space<semaphore_mem>>
    %dma_wait3A_505 = tpu.memref_slice %arg2[%multiple_of3A_500] : memref<6400000xf32, #tpu.memory_space<hbm>> -> memref<10000xf32, #tpu.memory_space<hbm>>
    tpu.wait_dma2 semaphore(%dma_wait3A_504 : memref<!tpu.dma_semaphore, #tpu.memory_space<semaphore_mem>>) src(%dma_wait3A_505 : memref<10000xf32, #tpu.memory_space<hbm>>) dst(%arg6 : memref<10000xf32, #tpu.memory_space<vmem>>)
    %dma_wait3A_506 = arith.constant 0 : i32
    %dma_wait3A_507 = tpu.memref_slice %arg3[%multiple_of3A_500] : memref<6400000xi32, #tpu.memory_space<hbm>> -> memref<10000xi32, #tpu.memory_space<hbm>>
    %dma_wait3A_508 = tpu.memref_slice %arg15[%dma_wait3A_506] : memref<2x!tpu.dma_semaphore, #tpu.memory_space<semaphore_mem>> -> memref<1x!tpu.dma_semaphore, #tpu.memory_space<semaphore_mem>>
    %dma_wait3A_509 = tpu.memref_squeeze %dma_wait3A_508 : memref<1x!tpu.dma_semaphore, #tpu.memory_space<semaphore_mem>> -> memref<!tpu.dma_semaphore, #tpu.memory_space<semaphore_mem>>
    %dma_wait3A_510 = tpu.memref_slice %arg3[%multiple_of3A_500] : memref<6400000xi32, #tpu.memory_space<hbm>> -> memref<10000xi32, #tpu.memory_space<hbm>>
    tpu.wait_dma2 semaphore(%dma_wait3A_509 : memref<!tpu.dma_semaphore, #tpu.memory_space<semaphore_mem>>) src(%dma_wait3A_510 : memref<10000xi32, #tpu.memory_space<hbm>>) dst(%arg8 : memref<10000xi32, #tpu.memory_space<vmem>>)
    %scan3A_511 = arith.constant 0 : i32
    %scan3A_512 = arith.constant 0 : i32
    %scan3A_513 = arith.constant 125 : i32
    %scan3A_514 = arith.addi %scan3A_512, %scan3A_513 : i32
    %scan3A_515 = arith.constant 1 : i32
    %scan3A_516 = scf.for %scan3A_706 = %scan3A_512 to %scan3A_514 step %scan3A_515 iter_args(%scan3A_707 = %scan3A_511) -> (i32)  : i32 {
      %mul3A_708 = arith.constant 80 : i32
      %mul3A_709 = arith.muli %scan3A_706, %mul3A_708 : i32
      %add3A_710 = arith.constant 0 : i32
      %add3A_711 = arith.addi %mul3A_709, %add3A_710 : i32
      %get3A = arith.index_cast %add3A_711 : i32 to index
      %get3A_712 = tpu.vector_load %arg8[%get3A] {strides = array<i32>} : memref<10000xi32, #tpu.memory_space<vmem>>, vector<16xi32>,
      %get3A_713 = arith.index_cast %add3A_711 : i32 to index
      %get3A_714 = tpu.vector_load %arg6[%get3A_713] {strides = array<i32>} : memref<10000xf32, #tpu.memory_space<vmem>>, vector<16xf32>,
      %mul3A_715 = arith.constant 80 : i32
      %mul3A_716 = arith.muli %scan3A_706, %mul3A_715 : i32
      %add3A_717 = arith.constant 16 : i32
      %add3A_718 = arith.addi %mul3A_716, %add3A_717 : i32
      %get3A_719 = arith.index_cast %add3A_718 : i32 to index
      %get3A_720 = tpu.vector_load %arg8[%get3A_719] {strides = array<i32>} : memref<10000xi32, #tpu.memory_space<vmem>>, vector<16xi32>,
      %get3A_721 = arith.index_cast %add3A_718 : i32 to index
      %get3A_722 = tpu.vector_load %arg6[%get3A_721] {strides = array<i32>} : memref<10000xf32, #tpu.memory_space<vmem>>, vector<16xf32>,
      %mul3A_723 = arith.constant 80 : i32
      %mul3A_724 = arith.muli %scan3A_706, %mul3A_723 : i32
      %add3A_725 = arith.constant 32 : i32
      %add3A_726 = arith.addi %mul3A_724, %add3A_725 : i32
      %get3A_727 = arith.index_cast %add3A_726 : i32 to index
      %get3A_728 = tpu.vector_load %arg8[%get3A_727] {strides = array<i32>} : memref<10000xi32, #tpu.memory_space<vmem>>, vector<16xi32>,
      %get3A_729 = arith.index_cast %add3A_726 : i32 to index
      %get3A_730 = tpu.vector_load %arg6[%get3A_729] {strides = array<i32>} : memref<10000xf32, #tpu.memory_space<vmem>>, vector<16xf32>,
      %mul3A_731 = arith.constant 80 : i32
      %mul3A_732 = arith.muli %scan3A_706, %mul3A_731 : i32
      %add3A_733 = arith.constant 48 : i32
      %add3A_734 = arith.addi %mul3A_732, %add3A_733 : i32
      %get3A_735 = arith.index_cast %add3A_734 : i32 to index
      %get3A_736 = tpu.vector_load %arg8[%get3A_735] {strides = array<i32>} : memref<10000xi32, #tpu.memory_space<vmem>>, vector<16xi32>,
      %get3A_737 = arith.index_cast %add3A_734 : i32 to index
      %get3A_738 = tpu.vector_load %arg6[%get3A_737] {strides = array<i32>} : memref<10000xf32, #tpu.memory_space<vmem>>, vector<16xf32>,
      %mul3A_739 = arith.constant 80 : i32
      %mul3A_740 = arith.muli %scan3A_706, %mul3A_739 : i32
      %add3A_741 = arith.constant 64 : i32
      %add3A_742 = arith.addi %mul3A_740, %add3A_741 : i32
      %get3A_743 = arith.index_cast %add3A_742 : i32 to index
      %get3A_744 = tpu.vector_load %arg8[%get3A_743] {strides = array<i32>} : memref<10000xi32, #tpu.memory_space<vmem>>, vector<16xi32>,
      %get3A_745 = arith.index_cast %add3A_742 : i32 to index
      %get3A_746 = tpu.vector_load %arg6[%get3A_745] {strides = array<i32>} : memref<10000xf32, #tpu.memory_space<vmem>>, vector<16xf32>,
      tpu.vector_store_idx %arg10[%get3A_712, %iota3A], %get3A_714 {add = true} : memref<256x16xf32, #tpu.memory_space<vmem>>[vector<16xi32>, vector<16xi32>], vector<16xf32>,
      tpu.vector_store_idx %arg11[%get3A_712, %iota3A], %broadcast_in_dim3A_36 {add = true} : memref<256x16xf32, #tpu.memory_space<vmem>>[vector<16xi32>, vector<16xi32>], vector<16xf32>,
      tpu.vector_store_idx %arg10[%get3A_720, %iota3A], %get3A_722 {add = true} : memref<256x16xf32, #tpu.memory_space<vmem>>[vector<16xi32>, vector<16xi32>], vector<16xf32>,
      tpu.vector_store_idx %arg11[%get3A_720, %iota3A], %broadcast_in_dim3A_36 {add = true} : memref<256x16xf32, #tpu.memory_space<vmem>>[vector<16xi32>, vector<16xi32>], vector<16xf32>,
      tpu.vector_store_idx %arg10[%get3A_728, %iota3A], %get3A_730 {add = true} : memref<256x16xf32, #tpu.memory_space<vmem>>[vector<16xi32>, vector<16xi32>], vector<16xf32>,
      tpu.vector_store_idx %arg11[%get3A_728, %iota3A], %broadcast_in_dim3A_36 {add = true} : memref<256x16xf32, #tpu.memory_space<vmem>>[vector<16xi32>, vector<16xi32>], vector<16xf32>,
      tpu.vector_store_idx %arg10[%get3A_736, %iota3A], %get3A_738 {add = true} : memref<256x16xf32, #tpu.memory_space<vmem>>[vector<16xi32>, vector<16xi32>], vector<16xf32>,
      tpu.vector_store_idx %arg11[%get3A_736, %iota3A], %broadcast_in_dim3A_36 {add = true} : memref<256x16xf32, #tpu.memory_space<vmem>>[vector<16xi32>, vector<16xi32>], vector<16xf32>,
      tpu.vector_store_idx %arg10[%get3A_744, %iota3A], %get3A_746 {add = true} : memref<256x16xf32, #tpu.memory_space<vmem>>[vector<16xi32>, vector<16xi32>], vector<16xf32>,
      tpu.vector_store_idx %arg11[%get3A_744, %iota3A], %broadcast_in_dim3A_36 {add = true} : memref<256x16xf32, #tpu.memory_space<vmem>>[vector<16xi32>, vector<16xi32>], vector<16xf32>,
      %scan3A_747 = arith.constant 0 : i32
      scf.yield %scan3A_747 : i32
    }
    %scan3A_517 = arith.constant 125 : i32
    %add3A_518 = arith.constant 160000 : i32
    %add3A_519 = arith.addi %multiple_of3A, %add3A_518 : i32
    %multiple_of3A_520 = tpu.assume_multiple %add3A_519, 8 : i32
    %dma_start3A_521 = arith.constant 0 : i32
    %dma_start3A_522 = tpu.memref_slice %arg2[%multiple_of3A_520] : memref<6400000xf32, #tpu.memory_space<hbm>> -> memref<10000xf32, #tpu.memory_space<hbm>>
    %dma_start3A_523 = tpu.memref_slice %arg14[%dma_start3A_521] : memref<2x!tpu.dma_semaphore, #tpu.memory_space<semaphore_mem>> -> memref<1x!tpu.dma_semaphore, #tpu.memory_space<semaphore_mem>>
    %dma_start3A_524 = tpu.memref_squeeze %dma_start3A_523 : memref<1x!tpu.dma_semaphore, #tpu.memory_space<semaphore_mem>> -> memref<!tpu.dma_semaphore, #tpu.memory_space<semaphore_mem>>
    %dma_start3A_525 = tpu.memref_slice %arg2[%multiple_of3A_520] : memref<6400000xf32, #tpu.memory_space<hbm>> -> memref<10000xf32, #tpu.memory_space<hbm>>
    tpu.enqueue_dma source(%dma_start3A_525 : memref<10000xf32, #tpu.memory_space<hbm>>) target(%arg6 : memref<10000xf32, #tpu.memory_space<vmem>>) target_semaphore(%dma_start3A_524 : memref<!tpu.dma_semaphore, #tpu.memory_space<semaphore_mem>>)
    %dma_start3A_526 = arith.constant 0 : i32
    %dma_start3A_527 = tpu.memref_slice %arg3[%multiple_of3A_520] : memref<6400000xi32, #tpu.memory_space<hbm>> -> memref<10000xi32, #tpu.memory_space<hbm>>
    %dma_start3A_528 = tpu.memref_slice %arg15[%dma_start3A_526] : memref<2x!tpu.dma_semaphore, #tpu.memory_space<semaphore_mem>> -> memref<1x!tpu.dma_semaphore, #tpu.memory_space<semaphore_mem>>
    %dma_start3A_529 = tpu.memref_squeeze %dma_start3A_528 : memref<1x!tpu.dma_semaphore, #tpu.memory_space<semaphore_mem>> -> memref<!tpu.dma_semaphore, #tpu.memory_space<semaphore_mem>>
    %dma_start3A_530 = tpu.memref_slice %arg3[%multiple_of3A_520] : memref<6400000xi32, #tpu.memory_space<hbm>> -> memref<10000xi32, #tpu.memory_space<hbm>>
    tpu.enqueue_dma source(%dma_start3A_530 : memref<10000xi32, #tpu.memory_space<hbm>>) target(%arg8 : memref<10000xi32, #tpu.memory_space<vmem>>) target_semaphore(%dma_start3A_529 : memref<!tpu.dma_semaphore, #tpu.memory_space<semaphore_mem>>)
    %add3A_531 = arith.constant 150000 : i32
    %add3A_532 = arith.addi %multiple_of3A, %add3A_531 : i32
    %multiple_of3A_533 = tpu.assume_multiple %add3A_532, 8 : i32
    %dma_wait3A_534 = arith.constant 1 : i32
    %dma_wait3A_535 = tpu.memref_slice %arg2[%multiple_of3A_533] : memref<6400000xf32, #tpu.memory_space<hbm>> -> memref<10000xf32, #tpu.memory_space<hbm>>
    %dma_wait3A_536 = tpu.memref_slice %arg14[%dma_wait3A_534] : memref<2x!tpu.dma_semaphore, #tpu.memory_space<semaphore_mem>> -> memref<1x!tpu.dma_semaphore, #tpu.memory_space<semaphore_mem>>
    %dma_wait3A_537 = tpu.memref_squeeze %dma_wait3A_536 : memref<1x!tpu.dma_semaphore, #tpu.memory_space<semaphore_mem>> -> memref<!tpu.dma_semaphore, #tpu.memory_space<semaphore_mem>>
    %dma_wait3A_538 = tpu.memref_slice %arg2[%multiple_of3A_533] : memref<6400000xf32, #tpu.memory_space<hbm>> -> memref<10000xf32, #tpu.memory_space<hbm>>
    tpu.wait_dma2 semaphore(%dma_wait3A_537 : memref<!tpu.dma_semaphore, #tpu.memory_space<semaphore_mem>>) src(%dma_wait3A_538 : memref<10000xf32, #tpu.memory_space<hbm>>) dst(%arg7 : memref<10000xf32, #tpu.memory_space<vmem>>)
    %dma_wait3A_539 = arith.constant 1 : i32
    %dma_wait3A_540 = tpu.memref_slice %arg3[%multiple_of3A_533] : memref<6400000xi32, #tpu.memory_space<hbm>> -> memref<10000xi32, #tpu.memory_space<hbm>>
    %dma_wait3A_541 = tpu.memref_slice %arg15[%dma_wait3A_539] : memref<2x!tpu.dma_semaphore, #tpu.memory_space<semaphore_mem>> -> memref<1x!tpu.dma_semaphore, #tpu.memory_space<semaphore_mem>>
    %dma_wait3A_542 = tpu.memref_squeeze %dma_wait3A_541 : memref<1x!tpu.dma_semaphore, #tpu.memory_space<semaphore_mem>> -> memref<!tpu.dma_semaphore, #tpu.memory_space<semaphore_mem>>
    %dma_wait3A_543 = tpu.memref_slice %arg3[%multiple_of3A_533] : memref<6400000xi32, #tpu.memory_space<hbm>> -> memref<10000xi32, #tpu.memory_space<hbm>>
    tpu.wait_dma2 semaphore(%dma_wait3A_542 : memref<!tpu.dma_semaphore, #tpu.memory_space<semaphore_mem>>) src(%dma_wait3A_543 : memref<10000xi32, #tpu.memory_space<hbm>>) dst(%arg9 : memref<10000xi32, #tpu.memory_space<vmem>>)
    %scan3A_544 = arith.constant 0 : i32
    %scan3A_545 = arith.constant 0 : i32
    %scan3A_546 = arith.constant 125 : i32
    %scan3A_547 = arith.addi %scan3A_545, %scan3A_546 : i32
    %scan3A_548 = arith.constant 1 : i32
    %scan3A_549 = scf.for %scan3A_706 = %scan3A_545 to %scan3A_547 step %scan3A_548 iter_args(%scan3A_707 = %scan3A_544) -> (i32)  : i32 {
      %mul3A_708 = arith.constant 80 : i32
      %mul3A_709 = arith.muli %scan3A_706, %mul3A_708 : i32
      %add3A_710 = arith.constant 0 : i32
      %add3A_711 = arith.addi %mul3A_709, %add3A_710 : i32
      %get3A = arith.index_cast %add3A_711 : i32 to index
      %get3A_712 = tpu.vector_load %arg9[%get3A] {strides = array<i32>} : memref<10000xi32, #tpu.memory_space<vmem>>, vector<16xi32>,
      %get3A_713 = arith.index_cast %add3A_711 : i32 to index
      %get3A_714 = tpu.vector_load %arg7[%get3A_713] {strides = array<i32>} : memref<10000xf32, #tpu.memory_space<vmem>>, vector<16xf32>,
      %mul3A_715 = arith.constant 80 : i32
      %mul3A_716 = arith.muli %scan3A_706, %mul3A_715 : i32
      %add3A_717 = arith.constant 16 : i32
      %add3A_718 = arith.addi %mul3A_716, %add3A_717 : i32
      %get3A_719 = arith.index_cast %add3A_718 : i32 to index
      %get3A_720 = tpu.vector_load %arg9[%get3A_719] {strides = array<i32>} : memref<10000xi32, #tpu.memory_space<vmem>>, vector<16xi32>,
      %get3A_721 = arith.index_cast %add3A_718 : i32 to index
      %get3A_722 = tpu.vector_load %arg7[%get3A_721] {strides = array<i32>} : memref<10000xf32, #tpu.memory_space<vmem>>, vector<16xf32>,
      %mul3A_723 = arith.constant 80 : i32
      %mul3A_724 = arith.muli %scan3A_706, %mul3A_723 : i32
      %add3A_725 = arith.constant 32 : i32
      %add3A_726 = arith.addi %mul3A_724, %add3A_725 : i32
      %get3A_727 = arith.index_cast %add3A_726 : i32 to index
      %get3A_728 = tpu.vector_load %arg9[%get3A_727] {strides = array<i32>} : memref<10000xi32, #tpu.memory_space<vmem>>, vector<16xi32>,
      %get3A_729 = arith.index_cast %add3A_726 : i32 to index
      %get3A_730 = tpu.vector_load %arg7[%get3A_729] {strides = array<i32>} : memref<10000xf32, #tpu.memory_space<vmem>>, vector<16xf32>,
      %mul3A_731 = arith.constant 80 : i32
      %mul3A_732 = arith.muli %scan3A_706, %mul3A_731 : i32
      %add3A_733 = arith.constant 48 : i32
      %add3A_734 = arith.addi %mul3A_732, %add3A_733 : i32
      %get3A_735 = arith.index_cast %add3A_734 : i32 to index
      %get3A_736 = tpu.vector_load %arg9[%get3A_735] {strides = array<i32>} : memref<10000xi32, #tpu.memory_space<vmem>>, vector<16xi32>,
      %get3A_737 = arith.index_cast %add3A_734 : i32 to index
      %get3A_738 = tpu.vector_load %arg7[%get3A_737] {strides = array<i32>} : memref<10000xf32, #tpu.memory_space<vmem>>, vector<16xf32>,
      %mul3A_739 = arith.constant 80 : i32
      %mul3A_740 = arith.muli %scan3A_706, %mul3A_739 : i32
      %add3A_741 = arith.constant 64 : i32
      %add3A_742 = arith.addi %mul3A_740, %add3A_741 : i32
      %get3A_743 = arith.index_cast %add3A_742 : i32 to index
      %get3A_744 = tpu.vector_load %arg9[%get3A_743] {strides = array<i32>} : memref<10000xi32, #tpu.memory_space<vmem>>, vector<16xi32>,
      %get3A_745 = arith.index_cast %add3A_742 : i32 to index
      %get3A_746 = tpu.vector_load %arg7[%get3A_745] {strides = array<i32>} : memref<10000xf32, #tpu.memory_space<vmem>>, vector<16xf32>,
      tpu.vector_store_idx %arg10[%get3A_712, %iota3A], %get3A_714 {add = true} : memref<256x16xf32, #tpu.memory_space<vmem>>[vector<16xi32>, vector<16xi32>], vector<16xf32>,
      tpu.vector_store_idx %arg11[%get3A_712, %iota3A], %broadcast_in_dim3A_36 {add = true} : memref<256x16xf32, #tpu.memory_space<vmem>>[vector<16xi32>, vector<16xi32>], vector<16xf32>,
      tpu.vector_store_idx %arg10[%get3A_720, %iota3A], %get3A_722 {add = true} : memref<256x16xf32, #tpu.memory_space<vmem>>[vector<16xi32>, vector<16xi32>], vector<16xf32>,
      tpu.vector_store_idx %arg11[%get3A_720, %iota3A], %broadcast_in_dim3A_36 {add = true} : memref<256x16xf32, #tpu.memory_space<vmem>>[vector<16xi32>, vector<16xi32>], vector<16xf32>,
      tpu.vector_store_idx %arg10[%get3A_728, %iota3A], %get3A_730 {add = true} : memref<256x16xf32, #tpu.memory_space<vmem>>[vector<16xi32>, vector<16xi32>], vector<16xf32>,
      tpu.vector_store_idx %arg11[%get3A_728, %iota3A], %broadcast_in_dim3A_36 {add = true} : memref<256x16xf32, #tpu.memory_space<vmem>>[vector<16xi32>, vector<16xi32>], vector<16xf32>,
      tpu.vector_store_idx %arg10[%get3A_736, %iota3A], %get3A_738 {add = true} : memref<256x16xf32, #tpu.memory_space<vmem>>[vector<16xi32>, vector<16xi32>], vector<16xf32>,
      tpu.vector_store_idx %arg11[%get3A_736, %iota3A], %broadcast_in_dim3A_36 {add = true} : memref<256x16xf32, #tpu.memory_space<vmem>>[vector<16xi32>, vector<16xi32>], vector<16xf32>,
      tpu.vector_store_idx %arg10[%get3A_744, %iota3A], %get3A_746 {add = true} : memref<256x16xf32, #tpu.memory_space<vmem>>[vector<16xi32>, vector<16xi32>], vector<16xf32>,
      tpu.vector_store_idx %arg11[%get3A_744, %iota3A], %broadcast_in_dim3A_36 {add = true} : memref<256x16xf32, #tpu.memory_space<vmem>>[vector<16xi32>, vector<16xi32>], vector<16xf32>,
      %scan3A_747 = arith.constant 0 : i32
      scf.yield %scan3A_747 : i32
    }
    %scan3A_550 = arith.constant 125 : i32
    %add3A_551 = arith.constant 170000 : i32
    %add3A_552 = arith.addi %multiple_of3A, %add3A_551 : i32
    %multiple_of3A_553 = tpu.assume_multiple %add3A_552, 8 : i32
    %dma_start3A_554 = arith.constant 1 : i32
    %dma_start3A_555 = tpu.memref_slice %arg2[%multiple_of3A_553] : memref<6400000xf32, #tpu.memory_space<hbm>> -> memref<10000xf32, #tpu.memory_space<hbm>>
    %dma_start3A_556 = tpu.memref_slice %arg14[%dma_start3A_554] : memref<2x!tpu.dma_semaphore, #tpu.memory_space<semaphore_mem>> -> memref<1x!tpu.dma_semaphore, #tpu.memory_space<semaphore_mem>>
    %dma_start3A_557 = tpu.memref_squeeze %dma_start3A_556 : memref<1x!tpu.dma_semaphore, #tpu.memory_space<semaphore_mem>> -> memref<!tpu.dma_semaphore, #tpu.memory_space<semaphore_mem>>
    %dma_start3A_558 = tpu.memref_slice %arg2[%multiple_of3A_553] : memref<6400000xf32, #tpu.memory_space<hbm>> -> memref<10000xf32, #tpu.memory_space<hbm>>
    tpu.enqueue_dma source(%dma_start3A_558 : memref<10000xf32, #tpu.memory_space<hbm>>) target(%arg7 : memref<10000xf32, #tpu.memory_space<vmem>>) target_semaphore(%dma_start3A_557 : memref<!tpu.dma_semaphore, #tpu.memory_space<semaphore_mem>>)
    %dma_start3A_559 = arith.constant 1 : i32
    %dma_start3A_560 = tpu.memref_slice %arg3[%multiple_of3A_553] : memref<6400000xi32, #tpu.memory_space<hbm>> -> memref<10000xi32, #tpu.memory_space<hbm>>
    %dma_start3A_561 = tpu.memref_slice %arg15[%dma_start3A_559] : memref<2x!tpu.dma_semaphore, #tpu.memory_space<semaphore_mem>> -> memref<1x!tpu.dma_semaphore, #tpu.memory_space<semaphore_mem>>
    %dma_start3A_562 = tpu.memref_squeeze %dma_start3A_561 : memref<1x!tpu.dma_semaphore, #tpu.memory_space<semaphore_mem>> -> memref<!tpu.dma_semaphore, #tpu.memory_space<semaphore_mem>>
    %dma_start3A_563 = tpu.memref_slice %arg3[%multiple_of3A_553] : memref<6400000xi32, #tpu.memory_space<hbm>> -> memref<10000xi32, #tpu.memory_space<hbm>>
    tpu.enqueue_dma source(%dma_start3A_563 : memref<10000xi32, #tpu.memory_space<hbm>>) target(%arg9 : memref<10000xi32, #tpu.memory_space<vmem>>) target_semaphore(%dma_start3A_562 : memref<!tpu.dma_semaphore, #tpu.memory_space<semaphore_mem>>)
    %add3A_564 = arith.constant 160000 : i32
    %add3A_565 = arith.addi %multiple_of3A, %add3A_564 : i32
    %multiple_of3A_566 = tpu.assume_multiple %add3A_565, 8 : i32
    %dma_wait3A_567 = arith.constant 0 : i32
    %dma_wait3A_568 = tpu.memref_slice %arg2[%multiple_of3A_566] : memref<6400000xf32, #tpu.memory_space<hbm>> -> memref<10000xf32, #tpu.memory_space<hbm>>
    %dma_wait3A_569 = tpu.memref_slice %arg14[%dma_wait3A_567] : memref<2x!tpu.dma_semaphore, #tpu.memory_space<semaphore_mem>> -> memref<1x!tpu.dma_semaphore, #tpu.memory_space<semaphore_mem>>
    %dma_wait3A_570 = tpu.memref_squeeze %dma_wait3A_569 : memref<1x!tpu.dma_semaphore, #tpu.memory_space<semaphore_mem>> -> memref<!tpu.dma_semaphore, #tpu.memory_space<semaphore_mem>>
    %dma_wait3A_571 = tpu.memref_slice %arg2[%multiple_of3A_566] : memref<6400000xf32, #tpu.memory_space<hbm>> -> memref<10000xf32, #tpu.memory_space<hbm>>
    tpu.wait_dma2 semaphore(%dma_wait3A_570 : memref<!tpu.dma_semaphore, #tpu.memory_space<semaphore_mem>>) src(%dma_wait3A_571 : memref<10000xf32, #tpu.memory_space<hbm>>) dst(%arg6 : memref<10000xf32, #tpu.memory_space<vmem>>)
    %dma_wait3A_572 = arith.constant 0 : i32
    %dma_wait3A_573 = tpu.memref_slice %arg3[%multiple_of3A_566] : memref<6400000xi32, #tpu.memory_space<hbm>> -> memref<10000xi32, #tpu.memory_space<hbm>>
    %dma_wait3A_574 = tpu.memref_slice %arg15[%dma_wait3A_572] : memref<2x!tpu.dma_semaphore, #tpu.memory_space<semaphore_mem>> -> memref<1x!tpu.dma_semaphore, #tpu.memory_space<semaphore_mem>>
    %dma_wait3A_575 = tpu.memref_squeeze %dma_wait3A_574 : memref<1x!tpu.dma_semaphore, #tpu.memory_space<semaphore_mem>> -> memref<!tpu.dma_semaphore, #tpu.memory_space<semaphore_mem>>
    %dma_wait3A_576 = tpu.memref_slice %arg3[%multiple_of3A_566] : memref<6400000xi32, #tpu.memory_space<hbm>> -> memref<10000xi32, #tpu.memory_space<hbm>>
    tpu.wait_dma2 semaphore(%dma_wait3A_575 : memref<!tpu.dma_semaphore, #tpu.memory_space<semaphore_mem>>) src(%dma_wait3A_576 : memref<10000xi32, #tpu.memory_space<hbm>>) dst(%arg8 : memref<10000xi32, #tpu.memory_space<vmem>>)
    %scan3A_577 = arith.constant 0 : i32
    %scan3A_578 = arith.constant 0 : i32
    %scan3A_579 = arith.constant 125 : i32
    %scan3A_580 = arith.addi %scan3A_578, %scan3A_579 : i32
    %scan3A_581 = arith.constant 1 : i32
    %scan3A_582 = scf.for %scan3A_706 = %scan3A_578 to %scan3A_580 step %scan3A_581 iter_args(%scan3A_707 = %scan3A_577) -> (i32)  : i32 {
      %mul3A_708 = arith.constant 80 : i32
      %mul3A_709 = arith.muli %scan3A_706, %mul3A_708 : i32
      %add3A_710 = arith.constant 0 : i32
      %add3A_711 = arith.addi %mul3A_709, %add3A_710 : i32
      %get3A = arith.index_cast %add3A_711 : i32 to index
      %get3A_712 = tpu.vector_load %arg8[%get3A] {strides = array<i32>} : memref<10000xi32, #tpu.memory_space<vmem>>, vector<16xi32>,
      %get3A_713 = arith.index_cast %add3A_711 : i32 to index
      %get3A_714 = tpu.vector_load %arg6[%get3A_713] {strides = array<i32>} : memref<10000xf32, #tpu.memory_space<vmem>>, vector<16xf32>,
      %mul3A_715 = arith.constant 80 : i32
      %mul3A_716 = arith.muli %scan3A_706, %mul3A_715 : i32
      %add3A_717 = arith.constant 16 : i32
      %add3A_718 = arith.addi %mul3A_716, %add3A_717 : i32
      %get3A_719 = arith.index_cast %add3A_718 : i32 to index
      %get3A_720 = tpu.vector_load %arg8[%get3A_719] {strides = array<i32>} : memref<10000xi32, #tpu.memory_space<vmem>>, vector<16xi32>,
      %get3A_721 = arith.index_cast %add3A_718 : i32 to index
      %get3A_722 = tpu.vector_load %arg6[%get3A_721] {strides = array<i32>} : memref<10000xf32, #tpu.memory_space<vmem>>, vector<16xf32>,
      %mul3A_723 = arith.constant 80 : i32
      %mul3A_724 = arith.muli %scan3A_706, %mul3A_723 : i32
      %add3A_725 = arith.constant 32 : i32
      %add3A_726 = arith.addi %mul3A_724, %add3A_725 : i32
      %get3A_727 = arith.index_cast %add3A_726 : i32 to index
      %get3A_728 = tpu.vector_load %arg8[%get3A_727] {strides = array<i32>} : memref<10000xi32, #tpu.memory_space<vmem>>, vector<16xi32>,
      %get3A_729 = arith.index_cast %add3A_726 : i32 to index
      %get3A_730 = tpu.vector_load %arg6[%get3A_729] {strides = array<i32>} : memref<10000xf32, #tpu.memory_space<vmem>>, vector<16xf32>,
      %mul3A_731 = arith.constant 80 : i32
      %mul3A_732 = arith.muli %scan3A_706, %mul3A_731 : i32
      %add3A_733 = arith.constant 48 : i32
      %add3A_734 = arith.addi %mul3A_732, %add3A_733 : i32
      %get3A_735 = arith.index_cast %add3A_734 : i32 to index
      %get3A_736 = tpu.vector_load %arg8[%get3A_735] {strides = array<i32>} : memref<10000xi32, #tpu.memory_space<vmem>>, vector<16xi32>,
      %get3A_737 = arith.index_cast %add3A_734 : i32 to index
      %get3A_738 = tpu.vector_load %arg6[%get3A_737] {strides = array<i32>} : memref<10000xf32, #tpu.memory_space<vmem>>, vector<16xf32>,
      %mul3A_739 = arith.constant 80 : i32
      %mul3A_740 = arith.muli %scan3A_706, %mul3A_739 : i32
      %add3A_741 = arith.constant 64 : i32
      %add3A_742 = arith.addi %mul3A_740, %add3A_741 : i32
      %get3A_743 = arith.index_cast %add3A_742 : i32 to index
      %get3A_744 = tpu.vector_load %arg8[%get3A_743] {strides = array<i32>} : memref<10000xi32, #tpu.memory_space<vmem>>, vector<16xi32>,
      %get3A_745 = arith.index_cast %add3A_742 : i32 to index
      %get3A_746 = tpu.vector_load %arg6[%get3A_745] {strides = array<i32>} : memref<10000xf32, #tpu.memory_space<vmem>>, vector<16xf32>,
      tpu.vector_store_idx %arg10[%get3A_712, %iota3A], %get3A_714 {add = true} : memref<256x16xf32, #tpu.memory_space<vmem>>[vector<16xi32>, vector<16xi32>], vector<16xf32>,
      tpu.vector_store_idx %arg11[%get3A_712, %iota3A], %broadcast_in_dim3A_36 {add = true} : memref<256x16xf32, #tpu.memory_space<vmem>>[vector<16xi32>, vector<16xi32>], vector<16xf32>,
      tpu.vector_store_idx %arg10[%get3A_720, %iota3A], %get3A_722 {add = true} : memref<256x16xf32, #tpu.memory_space<vmem>>[vector<16xi32>, vector<16xi32>], vector<16xf32>,
      tpu.vector_store_idx %arg11[%get3A_720, %iota3A], %broadcast_in_dim3A_36 {add = true} : memref<256x16xf32, #tpu.memory_space<vmem>>[vector<16xi32>, vector<16xi32>], vector<16xf32>,
      tpu.vector_store_idx %arg10[%get3A_728, %iota3A], %get3A_730 {add = true} : memref<256x16xf32, #tpu.memory_space<vmem>>[vector<16xi32>, vector<16xi32>], vector<16xf32>,
      tpu.vector_store_idx %arg11[%get3A_728, %iota3A], %broadcast_in_dim3A_36 {add = true} : memref<256x16xf32, #tpu.memory_space<vmem>>[vector<16xi32>, vector<16xi32>], vector<16xf32>,
      tpu.vector_store_idx %arg10[%get3A_736, %iota3A], %get3A_738 {add = true} : memref<256x16xf32, #tpu.memory_space<vmem>>[vector<16xi32>, vector<16xi32>], vector<16xf32>,
      tpu.vector_store_idx %arg11[%get3A_736, %iota3A], %broadcast_in_dim3A_36 {add = true} : memref<256x16xf32, #tpu.memory_space<vmem>>[vector<16xi32>, vector<16xi32>], vector<16xf32>,
      tpu.vector_store_idx %arg10[%get3A_744, %iota3A], %get3A_746 {add = true} : memref<256x16xf32, #tpu.memory_space<vmem>>[vector<16xi32>, vector<16xi32>], vector<16xf32>,
      tpu.vector_store_idx %arg11[%get3A_744, %iota3A], %broadcast_in_dim3A_36 {add = true} : memref<256x16xf32, #tpu.memory_space<vmem>>[vector<16xi32>, vector<16xi32>], vector<16xf32>,
      %scan3A_747 = arith.constant 0 : i32
      scf.yield %scan3A_747 : i32
    }
    %scan3A_583 = arith.constant 125 : i32
    %add3A_584 = arith.constant 180000 : i32
    %add3A_585 = arith.addi %multiple_of3A, %add3A_584 : i32
    %multiple_of3A_586 = tpu.assume_multiple %add3A_585, 8 : i32
    %dma_start3A_587 = arith.constant 0 : i32
    %dma_start3A_588 = tpu.memref_slice %arg2[%multiple_of3A_586] : memref<6400000xf32, #tpu.memory_space<hbm>> -> memref<10000xf32, #tpu.memory_space<hbm>>
    %dma_start3A_589 = tpu.memref_slice %arg14[%dma_start3A_587] : memref<2x!tpu.dma_semaphore, #tpu.memory_space<semaphore_mem>> -> memref<1x!tpu.dma_semaphore, #tpu.memory_space<semaphore_mem>>
    %dma_start3A_590 = tpu.memref_squeeze %dma_start3A_589 : memref<1x!tpu.dma_semaphore, #tpu.memory_space<semaphore_mem>> -> memref<!tpu.dma_semaphore, #tpu.memory_space<semaphore_mem>>
    %dma_start3A_591 = tpu.memref_slice %arg2[%multiple_of3A_586] : memref<6400000xf32, #tpu.memory_space<hbm>> -> memref<10000xf32, #tpu.memory_space<hbm>>
    tpu.enqueue_dma source(%dma_start3A_591 : memref<10000xf32, #tpu.memory_space<hbm>>) target(%arg6 : memref<10000xf32, #tpu.memory_space<vmem>>) target_semaphore(%dma_start3A_590 : memref<!tpu.dma_semaphore, #tpu.memory_space<semaphore_mem>>)
    %dma_start3A_592 = arith.constant 0 : i32
    %dma_start3A_593 = tpu.memref_slice %arg3[%multiple_of3A_586] : memref<6400000xi32, #tpu.memory_space<hbm>> -> memref<10000xi32, #tpu.memory_space<hbm>>
    %dma_start3A_594 = tpu.memref_slice %arg15[%dma_start3A_592] : memref<2x!tpu.dma_semaphore, #tpu.memory_space<semaphore_mem>> -> memref<1x!tpu.dma_semaphore, #tpu.memory_space<semaphore_mem>>
    %dma_start3A_595 = tpu.memref_squeeze %dma_start3A_594 : memref<1x!tpu.dma_semaphore, #tpu.memory_space<semaphore_mem>> -> memref<!tpu.dma_semaphore, #tpu.memory_space<semaphore_mem>>
    %dma_start3A_596 = tpu.memref_slice %arg3[%multiple_of3A_586] : memref<6400000xi32, #tpu.memory_space<hbm>> -> memref<10000xi32, #tpu.memory_space<hbm>>
    tpu.enqueue_dma source(%dma_start3A_596 : memref<10000xi32, #tpu.memory_space<hbm>>) target(%arg8 : memref<10000xi32, #tpu.memory_space<vmem>>) target_semaphore(%dma_start3A_595 : memref<!tpu.dma_semaphore, #tpu.memory_space<semaphore_mem>>)
    %add3A_597 = arith.constant 170000 : i32
    %add3A_598 = arith.addi %multiple_of3A, %add3A_597 : i32
    %multiple_of3A_599 = tpu.assume_multiple %add3A_598, 8 : i32
    %dma_wait3A_600 = arith.constant 1 : i32
    %dma_wait3A_601 = tpu.memref_slice %arg2[%multiple_of3A_599] : memref<6400000xf32, #tpu.memory_space<hbm>> -> memref<10000xf32, #tpu.memory_space<hbm>>
    %dma_wait3A_602 = tpu.memref_slice %arg14[%dma_wait3A_600] : memref<2x!tpu.dma_semaphore, #tpu.memory_space<semaphore_mem>> -> memref<1x!tpu.dma_semaphore, #tpu.memory_space<semaphore_mem>>
    %dma_wait3A_603 = tpu.memref_squeeze %dma_wait3A_602 : memref<1x!tpu.dma_semaphore, #tpu.memory_space<semaphore_mem>> -> memref<!tpu.dma_semaphore, #tpu.memory_space<semaphore_mem>>
    %dma_wait3A_604 = tpu.memref_slice %arg2[%multiple_of3A_599] : memref<6400000xf32, #tpu.memory_space<hbm>> -> memref<10000xf32, #tpu.memory_space<hbm>>
    tpu.wait_dma2 semaphore(%dma_wait3A_603 : memref<!tpu.dma_semaphore, #tpu.memory_space<semaphore_mem>>) src(%dma_wait3A_604 : memref<10000xf32, #tpu.memory_space<hbm>>) dst(%arg7 : memref<10000xf32, #tpu.memory_space<vmem>>)
    %dma_wait3A_605 = arith.constant 1 : i32
    %dma_wait3A_606 = tpu.memref_slice %arg3[%multiple_of3A_599] : memref<6400000xi32, #tpu.memory_space<hbm>> -> memref<10000xi32, #tpu.memory_space<hbm>>
    %dma_wait3A_607 = tpu.memref_slice %arg15[%dma_wait3A_605] : memref<2x!tpu.dma_semaphore, #tpu.memory_space<semaphore_mem>> -> memref<1x!tpu.dma_semaphore, #tpu.memory_space<semaphore_mem>>
    %dma_wait3A_608 = tpu.memref_squeeze %dma_wait3A_607 : memref<1x!tpu.dma_semaphore, #tpu.memory_space<semaphore_mem>> -> memref<!tpu.dma_semaphore, #tpu.memory_space<semaphore_mem>>
    %dma_wait3A_609 = tpu.memref_slice %arg3[%multiple_of3A_599] : memref<6400000xi32, #tpu.memory_space<hbm>> -> memref<10000xi32, #tpu.memory_space<hbm>>
    tpu.wait_dma2 semaphore(%dma_wait3A_608 : memref<!tpu.dma_semaphore, #tpu.memory_space<semaphore_mem>>) src(%dma_wait3A_609 : memref<10000xi32, #tpu.memory_space<hbm>>) dst(%arg9 : memref<10000xi32, #tpu.memory_space<vmem>>)
    %scan3A_610 = arith.constant 0 : i32
    %scan3A_611 = arith.constant 0 : i32
    %scan3A_612 = arith.constant 125 : i32
    %scan3A_613 = arith.addi %scan3A_611, %scan3A_612 : i32
    %scan3A_614 = arith.constant 1 : i32
    %scan3A_615 = scf.for %scan3A_706 = %scan3A_611 to %scan3A_613 step %scan3A_614 iter_args(%scan3A_707 = %scan3A_610) -> (i32)  : i32 {
      %mul3A_708 = arith.constant 80 : i32
      %mul3A_709 = arith.muli %scan3A_706, %mul3A_708 : i32
      %add3A_710 = arith.constant 0 : i32
      %add3A_711 = arith.addi %mul3A_709, %add3A_710 : i32
      %get3A = arith.index_cast %add3A_711 : i32 to index
      %get3A_712 = tpu.vector_load %arg9[%get3A] {strides = array<i32>} : memref<10000xi32, #tpu.memory_space<vmem>>, vector<16xi32>,
      %get3A_713 = arith.index_cast %add3A_711 : i32 to index
      %get3A_714 = tpu.vector_load %arg7[%get3A_713] {strides = array<i32>} : memref<10000xf32, #tpu.memory_space<vmem>>, vector<16xf32>,
      %mul3A_715 = arith.constant 80 : i32
      %mul3A_716 = arith.muli %scan3A_706, %mul3A_715 : i32
      %add3A_717 = arith.constant 16 : i32
      %add3A_718 = arith.addi %mul3A_716, %add3A_717 : i32
      %get3A_719 = arith.index_cast %add3A_718 : i32 to index
      %get3A_720 = tpu.vector_load %arg9[%get3A_719] {strides = array<i32>} : memref<10000xi32, #tpu.memory_space<vmem>>, vector<16xi32>,
      %get3A_721 = arith.index_cast %add3A_718 : i32 to index
      %get3A_722 = tpu.vector_load %arg7[%get3A_721] {strides = array<i32>} : memref<10000xf32, #tpu.memory_space<vmem>>, vector<16xf32>,
      %mul3A_723 = arith.constant 80 : i32
      %mul3A_724 = arith.muli %scan3A_706, %mul3A_723 : i32
      %add3A_725 = arith.constant 32 : i32
      %add3A_726 = arith.addi %mul3A_724, %add3A_725 : i32
      %get3A_727 = arith.index_cast %add3A_726 : i32 to index
      %get3A_728 = tpu.vector_load %arg9[%get3A_727] {strides = array<i32>} : memref<10000xi32, #tpu.memory_space<vmem>>, vector<16xi32>,
      %get3A_729 = arith.index_cast %add3A_726 : i32 to index
      %get3A_730 = tpu.vector_load %arg7[%get3A_729] {strides = array<i32>} : memref<10000xf32, #tpu.memory_space<vmem>>, vector<16xf32>,
      %mul3A_731 = arith.constant 80 : i32
      %mul3A_732 = arith.muli %scan3A_706, %mul3A_731 : i32
      %add3A_733 = arith.constant 48 : i32
      %add3A_734 = arith.addi %mul3A_732, %add3A_733 : i32
      %get3A_735 = arith.index_cast %add3A_734 : i32 to index
      %get3A_736 = tpu.vector_load %arg9[%get3A_735] {strides = array<i32>} : memref<10000xi32, #tpu.memory_space<vmem>>, vector<16xi32>,
      %get3A_737 = arith.index_cast %add3A_734 : i32 to index
      %get3A_738 = tpu.vector_load %arg7[%get3A_737] {strides = array<i32>} : memref<10000xf32, #tpu.memory_space<vmem>>, vector<16xf32>,
      %mul3A_739 = arith.constant 80 : i32
      %mul3A_740 = arith.muli %scan3A_706, %mul3A_739 : i32
      %add3A_741 = arith.constant 64 : i32
      %add3A_742 = arith.addi %mul3A_740, %add3A_741 : i32
      %get3A_743 = arith.index_cast %add3A_742 : i32 to index
      %get3A_744 = tpu.vector_load %arg9[%get3A_743] {strides = array<i32>} : memref<10000xi32, #tpu.memory_space<vmem>>, vector<16xi32>,
      %get3A_745 = arith.index_cast %add3A_742 : i32 to index
      %get3A_746 = tpu.vector_load %arg7[%get3A_745] {strides = array<i32>} : memref<10000xf32, #tpu.memory_space<vmem>>, vector<16xf32>,
      tpu.vector_store_idx %arg10[%get3A_712, %iota3A], %get3A_714 {add = true} : memref<256x16xf32, #tpu.memory_space<vmem>>[vector<16xi32>, vector<16xi32>], vector<16xf32>,
      tpu.vector_store_idx %arg11[%get3A_712, %iota3A], %broadcast_in_dim3A_36 {add = true} : memref<256x16xf32, #tpu.memory_space<vmem>>[vector<16xi32>, vector<16xi32>], vector<16xf32>,
      tpu.vector_store_idx %arg10[%get3A_720, %iota3A], %get3A_722 {add = true} : memref<256x16xf32, #tpu.memory_space<vmem>>[vector<16xi32>, vector<16xi32>], vector<16xf32>,
      tpu.vector_store_idx %arg11[%get3A_720, %iota3A], %broadcast_in_dim3A_36 {add = true} : memref<256x16xf32, #tpu.memory_space<vmem>>[vector<16xi32>, vector<16xi32>], vector<16xf32>,
      tpu.vector_store_idx %arg10[%get3A_728, %iota3A], %get3A_730 {add = true} : memref<256x16xf32, #tpu.memory_space<vmem>>[vector<16xi32>, vector<16xi32>], vector<16xf32>,
      tpu.vector_store_idx %arg11[%get3A_728, %iota3A], %broadcast_in_dim3A_36 {add = true} : memref<256x16xf32, #tpu.memory_space<vmem>>[vector<16xi32>, vector<16xi32>], vector<16xf32>,
      tpu.vector_store_idx %arg10[%get3A_736, %iota3A], %get3A_738 {add = true} : memref<256x16xf32, #tpu.memory_space<vmem>>[vector<16xi32>, vector<16xi32>], vector<16xf32>,
      tpu.vector_store_idx %arg11[%get3A_736, %iota3A], %broadcast_in_dim3A_36 {add = true} : memref<256x16xf32, #tpu.memory_space<vmem>>[vector<16xi32>, vector<16xi32>], vector<16xf32>,
      tpu.vector_store_idx %arg10[%get3A_744, %iota3A], %get3A_746 {add = true} : memref<256x16xf32, #tpu.memory_space<vmem>>[vector<16xi32>, vector<16xi32>], vector<16xf32>,
      tpu.vector_store_idx %arg11[%get3A_744, %iota3A], %broadcast_in_dim3A_36 {add = true} : memref<256x16xf32, #tpu.memory_space<vmem>>[vector<16xi32>, vector<16xi32>], vector<16xf32>,
      %scan3A_747 = arith.constant 0 : i32
      scf.yield %scan3A_747 : i32
    }
    %scan3A_616 = arith.constant 125 : i32
    %add3A_617 = arith.constant 190000 : i32
    %add3A_618 = arith.addi %multiple_of3A, %add3A_617 : i32
    %multiple_of3A_619 = tpu.assume_multiple %add3A_618, 8 : i32
    %dma_start3A_620 = arith.constant 1 : i32
    %dma_start3A_621 = tpu.memref_slice %arg2[%multiple_of3A_619] : memref<6400000xf32, #tpu.memory_space<hbm>> -> memref<10000xf32, #tpu.memory_space<hbm>>
    %dma_start3A_622 = tpu.memref_slice %arg14[%dma_start3A_620] : memref<2x!tpu.dma_semaphore, #tpu.memory_space<semaphore_mem>> -> memref<1x!tpu.dma_semaphore, #tpu.memory_space<semaphore_mem>>
    %dma_start3A_623 = tpu.memref_squeeze %dma_start3A_622 : memref<1x!tpu.dma_semaphore, #tpu.memory_space<semaphore_mem>> -> memref<!tpu.dma_semaphore, #tpu.memory_space<semaphore_mem>>
    %dma_start3A_624 = tpu.memref_slice %arg2[%multiple_of3A_619] : memref<6400000xf32, #tpu.memory_space<hbm>> -> memref<10000xf32, #tpu.memory_space<hbm>>
    tpu.enqueue_dma source(%dma_start3A_624 : memref<10000xf32, #tpu.memory_space<hbm>>) target(%arg7 : memref<10000xf32, #tpu.memory_space<vmem>>) target_semaphore(%dma_start3A_623 : memref<!tpu.dma_semaphore, #tpu.memory_space<semaphore_mem>>)
    %dma_start3A_625 = arith.constant 1 : i32
    %dma_start3A_626 = tpu.memref_slice %arg3[%multiple_of3A_619] : memref<6400000xi32, #tpu.memory_space<hbm>> -> memref<10000xi32, #tpu.memory_space<hbm>>
    %dma_start3A_627 = tpu.memref_slice %arg15[%dma_start3A_625] : memref<2x!tpu.dma_semaphore, #tpu.memory_space<semaphore_mem>> -> memref<1x!tpu.dma_semaphore, #tpu.memory_space<semaphore_mem>>
    %dma_start3A_628 = tpu.memref_squeeze %dma_start3A_627 : memref<1x!tpu.dma_semaphore, #tpu.memory_space<semaphore_mem>> -> memref<!tpu.dma_semaphore, #tpu.memory_space<semaphore_mem>>
    %dma_start3A_629 = tpu.memref_slice %arg3[%multiple_of3A_619] : memref<6400000xi32, #tpu.memory_space<hbm>> -> memref<10000xi32, #tpu.memory_space<hbm>>
    tpu.enqueue_dma source(%dma_start3A_629 : memref<10000xi32, #tpu.memory_space<hbm>>) target(%arg9 : memref<10000xi32, #tpu.memory_space<vmem>>) target_semaphore(%dma_start3A_628 : memref<!tpu.dma_semaphore, #tpu.memory_space<semaphore_mem>>)
    %add3A_630 = arith.constant 180000 : i32
    %add3A_631 = arith.addi %multiple_of3A, %add3A_630 : i32
    %multiple_of3A_632 = tpu.assume_multiple %add3A_631, 8 : i32
    %dma_wait3A_633 = arith.constant 0 : i32
    %dma_wait3A_634 = tpu.memref_slice %arg2[%multiple_of3A_632] : memref<6400000xf32, #tpu.memory_space<hbm>> -> memref<10000xf32, #tpu.memory_space<hbm>>
    %dma_wait3A_635 = tpu.memref_slice %arg14[%dma_wait3A_633] : memref<2x!tpu.dma_semaphore, #tpu.memory_space<semaphore_mem>> -> memref<1x!tpu.dma_semaphore, #tpu.memory_space<semaphore_mem>>
    %dma_wait3A_636 = tpu.memref_squeeze %dma_wait3A_635 : memref<1x!tpu.dma_semaphore, #tpu.memory_space<semaphore_mem>> -> memref<!tpu.dma_semaphore, #tpu.memory_space<semaphore_mem>>
    %dma_wait3A_637 = tpu.memref_slice %arg2[%multiple_of3A_632] : memref<6400000xf32, #tpu.memory_space<hbm>> -> memref<10000xf32, #tpu.memory_space<hbm>>
    tpu.wait_dma2 semaphore(%dma_wait3A_636 : memref<!tpu.dma_semaphore, #tpu.memory_space<semaphore_mem>>) src(%dma_wait3A_637 : memref<10000xf32, #tpu.memory_space<hbm>>) dst(%arg6 : memref<10000xf32, #tpu.memory_space<vmem>>)
    %dma_wait3A_638 = arith.constant 0 : i32
    %dma_wait3A_639 = tpu.memref_slice %arg3[%multiple_of3A_632] : memref<6400000xi32, #tpu.memory_space<hbm>> -> memref<10000xi32, #tpu.memory_space<hbm>>
    %dma_wait3A_640 = tpu.memref_slice %arg15[%dma_wait3A_638] : memref<2x!tpu.dma_semaphore, #tpu.memory_space<semaphore_mem>> -> memref<1x!tpu.dma_semaphore, #tpu.memory_space<semaphore_mem>>
    %dma_wait3A_641 = tpu.memref_squeeze %dma_wait3A_640 : memref<1x!tpu.dma_semaphore, #tpu.memory_space<semaphore_mem>> -> memref<!tpu.dma_semaphore, #tpu.memory_space<semaphore_mem>>
    %dma_wait3A_642 = tpu.memref_slice %arg3[%multiple_of3A_632] : memref<6400000xi32, #tpu.memory_space<hbm>> -> memref<10000xi32, #tpu.memory_space<hbm>>
    tpu.wait_dma2 semaphore(%dma_wait3A_641 : memref<!tpu.dma_semaphore, #tpu.memory_space<semaphore_mem>>) src(%dma_wait3A_642 : memref<10000xi32, #tpu.memory_space<hbm>>) dst(%arg8 : memref<10000xi32, #tpu.memory_space<vmem>>)
    %scan3A_643 = arith.constant 0 : i32
    %scan3A_644 = arith.constant 0 : i32
    %scan3A_645 = arith.constant 125 : i32
    %scan3A_646 = arith.addi %scan3A_644, %scan3A_645 : i32
    %scan3A_647 = arith.constant 1 : i32
    %scan3A_648 = scf.for %scan3A_706 = %scan3A_644 to %scan3A_646 step %scan3A_647 iter_args(%scan3A_707 = %scan3A_643) -> (i32)  : i32 {
      %mul3A_708 = arith.constant 80 : i32
      %mul3A_709 = arith.muli %scan3A_706, %mul3A_708 : i32
      %add3A_710 = arith.constant 0 : i32
      %add3A_711 = arith.addi %mul3A_709, %add3A_710 : i32
      %get3A = arith.index_cast %add3A_711 : i32 to index
      %get3A_712 = tpu.vector_load %arg8[%get3A] {strides = array<i32>} : memref<10000xi32, #tpu.memory_space<vmem>>, vector<16xi32>,
      %get3A_713 = arith.index_cast %add3A_711 : i32 to index
      %get3A_714 = tpu.vector_load %arg6[%get3A_713] {strides = array<i32>} : memref<10000xf32, #tpu.memory_space<vmem>>, vector<16xf32>,
      %mul3A_715 = arith.constant 80 : i32
      %mul3A_716 = arith.muli %scan3A_706, %mul3A_715 : i32
      %add3A_717 = arith.constant 16 : i32
      %add3A_718 = arith.addi %mul3A_716, %add3A_717 : i32
      %get3A_719 = arith.index_cast %add3A_718 : i32 to index
      %get3A_720 = tpu.vector_load %arg8[%get3A_719] {strides = array<i32>} : memref<10000xi32, #tpu.memory_space<vmem>>, vector<16xi32>,
      %get3A_721 = arith.index_cast %add3A_718 : i32 to index
      %get3A_722 = tpu.vector_load %arg6[%get3A_721] {strides = array<i32>} : memref<10000xf32, #tpu.memory_space<vmem>>, vector<16xf32>,
      %mul3A_723 = arith.constant 80 : i32
      %mul3A_724 = arith.muli %scan3A_706, %mul3A_723 : i32
      %add3A_725 = arith.constant 32 : i32
      %add3A_726 = arith.addi %mul3A_724, %add3A_725 : i32
      %get3A_727 = arith.index_cast %add3A_726 : i32 to index
      %get3A_728 = tpu.vector_load %arg8[%get3A_727] {strides = array<i32>} : memref<10000xi32, #tpu.memory_space<vmem>>, vector<16xi32>,
      %get3A_729 = arith.index_cast %add3A_726 : i32 to index
      %get3A_730 = tpu.vector_load %arg6[%get3A_729] {strides = array<i32>} : memref<10000xf32, #tpu.memory_space<vmem>>, vector<16xf32>,
      %mul3A_731 = arith.constant 80 : i32
      %mul3A_732 = arith.muli %scan3A_706, %mul3A_731 : i32
      %add3A_733 = arith.constant 48 : i32
      %add3A_734 = arith.addi %mul3A_732, %add3A_733 : i32
      %get3A_735 = arith.index_cast %add3A_734 : i32 to index
      %get3A_736 = tpu.vector_load %arg8[%get3A_735] {strides = array<i32>} : memref<10000xi32, #tpu.memory_space<vmem>>, vector<16xi32>,
      %get3A_737 = arith.index_cast %add3A_734 : i32 to index
      %get3A_738 = tpu.vector_load %arg6[%get3A_737] {strides = array<i32>} : memref<10000xf32, #tpu.memory_space<vmem>>, vector<16xf32>,
      %mul3A_739 = arith.constant 80 : i32
      %mul3A_740 = arith.muli %scan3A_706, %mul3A_739 : i32
      %add3A_741 = arith.constant 64 : i32
      %add3A_742 = arith.addi %mul3A_740, %add3A_741 : i32
      %get3A_743 = arith.index_cast %add3A_742 : i32 to index
      %get3A_744 = tpu.vector_load %arg8[%get3A_743] {strides = array<i32>} : memref<10000xi32, #tpu.memory_space<vmem>>, vector<16xi32>,
      %get3A_745 = arith.index_cast %add3A_742 : i32 to index
      %get3A_746 = tpu.vector_load %arg6[%get3A_745] {strides = array<i32>} : memref<10000xf32, #tpu.memory_space<vmem>>, vector<16xf32>,
      tpu.vector_store_idx %arg10[%get3A_712, %iota3A], %get3A_714 {add = true} : memref<256x16xf32, #tpu.memory_space<vmem>>[vector<16xi32>, vector<16xi32>], vector<16xf32>,
      tpu.vector_store_idx %arg11[%get3A_712, %iota3A], %broadcast_in_dim3A_36 {add = true} : memref<256x16xf32, #tpu.memory_space<vmem>>[vector<16xi32>, vector<16xi32>], vector<16xf32>,
      tpu.vector_store_idx %arg10[%get3A_720, %iota3A], %get3A_722 {add = true} : memref<256x16xf32, #tpu.memory_space<vmem>>[vector<16xi32>, vector<16xi32>], vector<16xf32>,
      tpu.vector_store_idx %arg11[%get3A_720, %iota3A], %broadcast_in_dim3A_36 {add = true} : memref<256x16xf32, #tpu.memory_space<vmem>>[vector<16xi32>, vector<16xi32>], vector<16xf32>,
      tpu.vector_store_idx %arg10[%get3A_728, %iota3A], %get3A_730 {add = true} : memref<256x16xf32, #tpu.memory_space<vmem>>[vector<16xi32>, vector<16xi32>], vector<16xf32>,
      tpu.vector_store_idx %arg11[%get3A_728, %iota3A], %broadcast_in_dim3A_36 {add = true} : memref<256x16xf32, #tpu.memory_space<vmem>>[vector<16xi32>, vector<16xi32>], vector<16xf32>,
      tpu.vector_store_idx %arg10[%get3A_736, %iota3A], %get3A_738 {add = true} : memref<256x16xf32, #tpu.memory_space<vmem>>[vector<16xi32>, vector<16xi32>], vector<16xf32>,
      tpu.vector_store_idx %arg11[%get3A_736, %iota3A], %broadcast_in_dim3A_36 {add = true} : memref<256x16xf32, #tpu.memory_space<vmem>>[vector<16xi32>, vector<16xi32>], vector<16xf32>,
      tpu.vector_store_idx %arg10[%get3A_744, %iota3A], %get3A_746 {add = true} : memref<256x16xf32, #tpu.memory_space<vmem>>[vector<16xi32>, vector<16xi32>], vector<16xf32>,
      tpu.vector_store_idx %arg11[%get3A_744, %iota3A], %broadcast_in_dim3A_36 {add = true} : memref<256x16xf32, #tpu.memory_space<vmem>>[vector<16xi32>, vector<16xi32>], vector<16xf32>,
      %scan3A_747 = arith.constant 0 : i32
      scf.yield %scan3A_747 : i32
    }
    %scan3A_649 = arith.constant 125 : i32
    %add3A_650 = arith.constant 190000 : i32
    %add3A_651 = arith.addi %multiple_of3A, %add3A_650 : i32
    %multiple_of3A_652 = tpu.assume_multiple %add3A_651, 8 : i32
    %dma_wait3A_653 = arith.constant 1 : i32
    %dma_wait3A_654 = tpu.memref_slice %arg2[%multiple_of3A_652] : memref<6400000xf32, #tpu.memory_space<hbm>> -> memref<10000xf32, #tpu.memory_space<hbm>>
    %dma_wait3A_655 = tpu.memref_slice %arg14[%dma_wait3A_653] : memref<2x!tpu.dma_semaphore, #tpu.memory_space<semaphore_mem>> -> memref<1x!tpu.dma_semaphore, #tpu.memory_space<semaphore_mem>>
    %dma_wait3A_656 = tpu.memref_squeeze %dma_wait3A_655 : memref<1x!tpu.dma_semaphore, #tpu.memory_space<semaphore_mem>> -> memref<!tpu.dma_semaphore, #tpu.memory_space<semaphore_mem>>
    %dma_wait3A_657 = tpu.memref_slice %arg2[%multiple_of3A_652] : memref<6400000xf32, #tpu.memory_space<hbm>> -> memref<10000xf32, #tpu.memory_space<hbm>>
    tpu.wait_dma2 semaphore(%dma_wait3A_656 : memref<!tpu.dma_semaphore, #tpu.memory_space<semaphore_mem>>) src(%dma_wait3A_657 : memref<10000xf32, #tpu.memory_space<hbm>>) dst(%arg7 : memref<10000xf32, #tpu.memory_space<vmem>>)
    %dma_wait3A_658 = arith.constant 1 : i32
    %dma_wait3A_659 = tpu.memref_slice %arg3[%multiple_of3A_652] : memref<6400000xi32, #tpu.memory_space<hbm>> -> memref<10000xi32, #tpu.memory_space<hbm>>
    %dma_wait3A_660 = tpu.memref_slice %arg15[%dma_wait3A_658] : memref<2x!tpu.dma_semaphore, #tpu.memory_space<semaphore_mem>> -> memref<1x!tpu.dma_semaphore, #tpu.memory_space<semaphore_mem>>
    %dma_wait3A_661 = tpu.memref_squeeze %dma_wait3A_660 : memref<1x!tpu.dma_semaphore, #tpu.memory_space<semaphore_mem>> -> memref<!tpu.dma_semaphore, #tpu.memory_space<semaphore_mem>>
    %dma_wait3A_662 = tpu.memref_slice %arg3[%multiple_of3A_652] : memref<6400000xi32, #tpu.memory_space<hbm>> -> memref<10000xi32, #tpu.memory_space<hbm>>
    tpu.wait_dma2 semaphore(%dma_wait3A_661 : memref<!tpu.dma_semaphore, #tpu.memory_space<semaphore_mem>>) src(%dma_wait3A_662 : memref<10000xi32, #tpu.memory_space<hbm>>) dst(%arg9 : memref<10000xi32, #tpu.memory_space<vmem>>)
    %scan3A_663 = arith.constant 0 : i32
    %scan3A_664 = arith.constant 0 : i32
    %scan3A_665 = arith.constant 125 : i32
    %scan3A_666 = arith.addi %scan3A_664, %scan3A_665 : i32
    %scan3A_667 = arith.constant 1 : i32
    %scan3A_668 = scf.for %scan3A_706 = %scan3A_664 to %scan3A_666 step %scan3A_667 iter_args(%scan3A_707 = %scan3A_663) -> (i32)  : i32 {
      %mul3A_708 = arith.constant 80 : i32
      %mul3A_709 = arith.muli %scan3A_706, %mul3A_708 : i32
      %add3A_710 = arith.constant 0 : i32
      %add3A_711 = arith.addi %mul3A_709, %add3A_710 : i32
      %get3A = arith.index_cast %add3A_711 : i32 to index
      %get3A_712 = tpu.vector_load %arg9[%get3A] {strides = array<i32>} : memref<10000xi32, #tpu.memory_space<vmem>>, vector<16xi32>,
      %get3A_713 = arith.index_cast %add3A_711 : i32 to index
      %get3A_714 = tpu.vector_load %arg7[%get3A_713] {strides = array<i32>} : memref<10000xf32, #tpu.memory_space<vmem>>, vector<16xf32>,
      %mul3A_715 = arith.constant 80 : i32
      %mul3A_716 = arith.muli %scan3A_706, %mul3A_715 : i32
      %add3A_717 = arith.constant 16 : i32
      %add3A_718 = arith.addi %mul3A_716, %add3A_717 : i32
      %get3A_719 = arith.index_cast %add3A_718 : i32 to index
      %get3A_720 = tpu.vector_load %arg9[%get3A_719] {strides = array<i32>} : memref<10000xi32, #tpu.memory_space<vmem>>, vector<16xi32>,
      %get3A_721 = arith.index_cast %add3A_718 : i32 to index
      %get3A_722 = tpu.vector_load %arg7[%get3A_721] {strides = array<i32>} : memref<10000xf32, #tpu.memory_space<vmem>>, vector<16xf32>,
      %mul3A_723 = arith.constant 80 : i32
      %mul3A_724 = arith.muli %scan3A_706, %mul3A_723 : i32
      %add3A_725 = arith.constant 32 : i32
      %add3A_726 = arith.addi %mul3A_724, %add3A_725 : i32
      %get3A_727 = arith.index_cast %add3A_726 : i32 to index
      %get3A_728 = tpu.vector_load %arg9[%get3A_727] {strides = array<i32>} : memref<10000xi32, #tpu.memory_space<vmem>>, vector<16xi32>,
      %get3A_729 = arith.index_cast %add3A_726 : i32 to index
      %get3A_730 = tpu.vector_load %arg7[%get3A_729] {strides = array<i32>} : memref<10000xf32, #tpu.memory_space<vmem>>, vector<16xf32>,
      %mul3A_731 = arith.constant 80 : i32
      %mul3A_732 = arith.muli %scan3A_706, %mul3A_731 : i32
      %add3A_733 = arith.constant 48 : i32
      %add3A_734 = arith.addi %mul3A_732, %add3A_733 : i32
      %get3A_735 = arith.index_cast %add3A_734 : i32 to index
      %get3A_736 = tpu.vector_load %arg9[%get3A_735] {strides = array<i32>} : memref<10000xi32, #tpu.memory_space<vmem>>, vector<16xi32>,
      %get3A_737 = arith.index_cast %add3A_734 : i32 to index
      %get3A_738 = tpu.vector_load %arg7[%get3A_737] {strides = array<i32>} : memref<10000xf32, #tpu.memory_space<vmem>>, vector<16xf32>,
      %mul3A_739 = arith.constant 80 : i32
      %mul3A_740 = arith.muli %scan3A_706, %mul3A_739 : i32
      %add3A_741 = arith.constant 64 : i32
      %add3A_742 = arith.addi %mul3A_740, %add3A_741 : i32
      %get3A_743 = arith.index_cast %add3A_742 : i32 to index
      %get3A_744 = tpu.vector_load %arg9[%get3A_743] {strides = array<i32>} : memref<10000xi32, #tpu.memory_space<vmem>>, vector<16xi32>,
      %get3A_745 = arith.index_cast %add3A_742 : i32 to index
      %get3A_746 = tpu.vector_load %arg7[%get3A_745] {strides = array<i32>} : memref<10000xf32, #tpu.memory_space<vmem>>, vector<16xf32>,
      tpu.vector_store_idx %arg10[%get3A_712, %iota3A], %get3A_714 {add = true} : memref<256x16xf32, #tpu.memory_space<vmem>>[vector<16xi32>, vector<16xi32>], vector<16xf32>,
      tpu.vector_store_idx %arg11[%get3A_712, %iota3A], %broadcast_in_dim3A_36 {add = true} : memref<256x16xf32, #tpu.memory_space<vmem>>[vector<16xi32>, vector<16xi32>], vector<16xf32>,
      tpu.vector_store_idx %arg10[%get3A_720, %iota3A], %get3A_722 {add = true} : memref<256x16xf32, #tpu.memory_space<vmem>>[vector<16xi32>, vector<16xi32>], vector<16xf32>,
      tpu.vector_store_idx %arg11[%get3A_720, %iota3A], %broadcast_in_dim3A_36 {add = true} : memref<256x16xf32, #tpu.memory_space<vmem>>[vector<16xi32>, vector<16xi32>], vector<16xf32>,
      tpu.vector_store_idx %arg10[%get3A_728, %iota3A], %get3A_730 {add = true} : memref<256x16xf32, #tpu.memory_space<vmem>>[vector<16xi32>, vector<16xi32>], vector<16xf32>,
      tpu.vector_store_idx %arg11[%get3A_728, %iota3A], %broadcast_in_dim3A_36 {add = true} : memref<256x16xf32, #tpu.memory_space<vmem>>[vector<16xi32>, vector<16xi32>], vector<16xf32>,
      tpu.vector_store_idx %arg10[%get3A_736, %iota3A], %get3A_738 {add = true} : memref<256x16xf32, #tpu.memory_space<vmem>>[vector<16xi32>, vector<16xi32>], vector<16xf32>,
      tpu.vector_store_idx %arg11[%get3A_736, %iota3A], %broadcast_in_dim3A_36 {add = true} : memref<256x16xf32, #tpu.memory_space<vmem>>[vector<16xi32>, vector<16xi32>], vector<16xf32>,
      tpu.vector_store_idx %arg10[%get3A_744, %iota3A], %get3A_746 {add = true} : memref<256x16xf32, #tpu.memory_space<vmem>>[vector<16xi32>, vector<16xi32>], vector<16xf32>,
      tpu.vector_store_idx %arg11[%get3A_744, %iota3A], %broadcast_in_dim3A_36 {add = true} : memref<256x16xf32, #tpu.memory_space<vmem>>[vector<16xi32>, vector<16xi32>], vector<16xf32>,
      %scan3A_747 = arith.constant 0 : i32
      scf.yield %scan3A_747 : i32
    }
    %scan3A_669 = arith.constant 125 : i32
    %scan3A_670 = arith.constant 0 : i32
    %scan3A_671 = arith.constant 0 : i32
    %scan3A_672 = arith.constant 32 : i32
    %scan3A_673 = arith.addi %scan3A_671, %scan3A_672 : i32
    %scan3A_674 = arith.constant 1 : i32
    %scan3A_675 = scf.for %scan3A_706 = %scan3A_671 to %scan3A_673 step %scan3A_674 iter_args(%scan3A_707 = %scan3A_670) -> (i32)  : i32 {
      %mul3A_708 = arith.constant 8 : i32
      %mul3A_709 = arith.muli %scan3A_706, %mul3A_708 : i32
      %add3A_710 = arith.constant 0 : i32
      %add3A_711 = arith.addi %mul3A_709, %add3A_710 : i32
      %get3A = arith.index_cast %add3A_711 : i32 to index
      %get3A_712 = arith.constant 0 : index
      %get3A_713 = tpu.vector_load %arg10[%get3A, %get3A_712] {strides = array<i32>} : memref<256x16xf32, #tpu.memory_space<vmem>>, vector<16xf32>,
      %swap3A = arith.index_cast %scan3A_706 : i32 to index
      %swap3A_714 = arith.constant 0 : index
      %swap3A_715 = tpu.vector_load %arg12[%swap3A, %swap3A_714] {strides = array<i32>} : memref<32x128xf32, #tpu.memory_space<vmem>>, vector<16xf32>,
      tpu.vector_store %arg12[%swap3A, %swap3A_714], %get3A_713 {strides = array<i32>} : memref<32x128xf32, #tpu.memory_space<vmem>>, vector<16xf32>,
      %mul3A_716 = arith.constant 8 : i32
      %mul3A_717 = arith.muli %scan3A_706, %mul3A_716 : i32
      %add3A_718 = arith.constant 1 : i32
      %add3A_719 = arith.addi %mul3A_717, %add3A_718 : i32
      %get3A_720 = arith.index_cast %add3A_719 : i32 to index
      %get3A_721 = arith.constant 0 : index
      %get3A_722 = tpu.vector_load %arg10[%get3A_720, %get3A_721] {strides = array<i32>} : memref<256x16xf32, #tpu.memory_space<vmem>>, vector<16xf32>,
      %swap3A_723 = arith.index_cast %scan3A_706 : i32 to index
      %swap3A_724 = arith.constant 16 : index
      %swap3A_725 = tpu.vector_load %arg12[%swap3A_723, %swap3A_724] {strides = array<i32>} : memref<32x128xf32, #tpu.memory_space<vmem>>, vector<16xf32>,
      tpu.vector_store %arg12[%swap3A_723, %swap3A_724], %get3A_722 {strides = array<i32>} : memref<32x128xf32, #tpu.memory_space<vmem>>, vector<16xf32>,
      %mul3A_726 = arith.constant 8 : i32
      %mul3A_727 = arith.muli %scan3A_706, %mul3A_726 : i32
      %add3A_728 = arith.constant 2 : i32
      %add3A_729 = arith.addi %mul3A_727, %add3A_728 : i32
      %get3A_730 = arith.index_cast %add3A_729 : i32 to index
      %get3A_731 = arith.constant 0 : index
      %get3A_732 = tpu.vector_load %arg10[%get3A_730, %get3A_731] {strides = array<i32>} : memref<256x16xf32, #tpu.memory_space<vmem>>, vector<16xf32>,
      %swap3A_733 = arith.index_cast %scan3A_706 : i32 to index
      %swap3A_734 = arith.constant 32 : index
      %swap3A_735 = tpu.vector_load %arg12[%swap3A_733, %swap3A_734] {strides = array<i32>} : memref<32x128xf32, #tpu.memory_space<vmem>>, vector<16xf32>,
      tpu.vector_store %arg12[%swap3A_733, %swap3A_734], %get3A_732 {strides = array<i32>} : memref<32x128xf32, #tpu.memory_space<vmem>>, vector<16xf32>,
      %mul3A_736 = arith.constant 8 : i32
      %mul3A_737 = arith.muli %scan3A_706, %mul3A_736 : i32
      %add3A_738 = arith.constant 3 : i32
      %add3A_739 = arith.addi %mul3A_737, %add3A_738 : i32
      %get3A_740 = arith.index_cast %add3A_739 : i32 to index
      %get3A_741 = arith.constant 0 : index
      %get3A_742 = tpu.vector_load %arg10[%get3A_740, %get3A_741] {strides = array<i32>} : memref<256x16xf32, #tpu.memory_space<vmem>>, vector<16xf32>,
      %swap3A_743 = arith.index_cast %scan3A_706 : i32 to index
      %swap3A_744 = arith.constant 48 : index
      %swap3A_745 = tpu.vector_load %arg12[%swap3A_743, %swap3A_744] {strides = array<i32>} : memref<32x128xf32, #tpu.memory_space<vmem>>, vector<16xf32>,
      tpu.vector_store %arg12[%swap3A_743, %swap3A_744], %get3A_742 {strides = array<i32>} : memref<32x128xf32, #tpu.memory_space<vmem>>, vector<16xf32>,
      %mul3A_746 = arith.constant 8 : i32
      %mul3A_747 = arith.muli %scan3A_706, %mul3A_746 : i32
      %add3A_748 = arith.constant 4 : i32
      %add3A_749 = arith.addi %mul3A_747, %add3A_748 : i32
      %get3A_750 = arith.index_cast %add3A_749 : i32 to index
      %get3A_751 = arith.constant 0 : index
      %get3A_752 = tpu.vector_load %arg10[%get3A_750, %get3A_751] {strides = array<i32>} : memref<256x16xf32, #tpu.memory_space<vmem>>, vector<16xf32>,
      %swap3A_753 = arith.index_cast %scan3A_706 : i32 to index
      %swap3A_754 = arith.constant 64 : index
      %swap3A_755 = tpu.vector_load %arg12[%swap3A_753, %swap3A_754] {strides = array<i32>} : memref<32x128xf32, #tpu.memory_space<vmem>>, vector<16xf32>,
      tpu.vector_store %arg12[%swap3A_753, %swap3A_754], %get3A_752 {strides = array<i32>} : memref<32x128xf32, #tpu.memory_space<vmem>>, vector<16xf32>,
      %mul3A_756 = arith.constant 8 : i32
      %mul3A_757 = arith.muli %scan3A_706, %mul3A_756 : i32
      %add3A_758 = arith.constant 5 : i32
      %add3A_759 = arith.addi %mul3A_757, %add3A_758 : i32
      %get3A_760 = arith.index_cast %add3A_759 : i32 to index
      %get3A_761 = arith.constant 0 : index
      %get3A_762 = tpu.vector_load %arg10[%get3A_760, %get3A_761] {strides = array<i32>} : memref<256x16xf32, #tpu.memory_space<vmem>>, vector<16xf32>,
      %swap3A_763 = arith.index_cast %scan3A_706 : i32 to index
      %swap3A_764 = arith.constant 80 : index
      %swap3A_765 = tpu.vector_load %arg12[%swap3A_763, %swap3A_764] {strides = array<i32>} : memref<32x128xf32, #tpu.memory_space<vmem>>, vector<16xf32>,
      tpu.vector_store %arg12[%swap3A_763, %swap3A_764], %get3A_762 {strides = array<i32>} : memref<32x128xf32, #tpu.memory_space<vmem>>, vector<16xf32>,
      %mul3A_766 = arith.constant 8 : i32
      %mul3A_767 = arith.muli %scan3A_706, %mul3A_766 : i32
      %add3A_768 = arith.constant 6 : i32
      %add3A_769 = arith.addi %mul3A_767, %add3A_768 : i32
      %get3A_770 = arith.index_cast %add3A_769 : i32 to index
      %get3A_771 = arith.constant 0 : index
      %get3A_772 = tpu.vector_load %arg10[%get3A_770, %get3A_771] {strides = array<i32>} : memref<256x16xf32, #tpu.memory_space<vmem>>, vector<16xf32>,
      %swap3A_773 = arith.index_cast %scan3A_706 : i32 to index
      %swap3A_774 = arith.constant 96 : index
      %swap3A_775 = tpu.vector_load %arg12[%swap3A_773, %swap3A_774] {strides = array<i32>} : memref<32x128xf32, #tpu.memory_space<vmem>>, vector<16xf32>,
      tpu.vector_store %arg12[%swap3A_773, %swap3A_774], %get3A_772 {strides = array<i32>} : memref<32x128xf32, #tpu.memory_space<vmem>>, vector<16xf32>,
      %mul3A_776 = arith.constant 8 : i32
      %mul3A_777 = arith.muli %scan3A_706, %mul3A_776 : i32
      %add3A_778 = arith.constant 7 : i32
      %add3A_779 = arith.addi %mul3A_777, %add3A_778 : i32
      %get3A_780 = arith.index_cast %add3A_779 : i32 to index
      %get3A_781 = arith.constant 0 : index
      %get3A_782 = tpu.vector_load %arg10[%get3A_780, %get3A_781] {strides = array<i32>} : memref<256x16xf32, #tpu.memory_space<vmem>>, vector<16xf32>,
      %swap3A_783 = arith.index_cast %scan3A_706 : i32 to index
      %swap3A_784 = arith.constant 112 : index
      %swap3A_785 = tpu.vector_load %arg12[%swap3A_783, %swap3A_784] {strides = array<i32>} : memref<32x128xf32, #tpu.memory_space<vmem>>, vector<16xf32>,
      tpu.vector_store %arg12[%swap3A_783, %swap3A_784], %get3A_782 {strides = array<i32>} : memref<32x128xf32, #tpu.memory_space<vmem>>, vector<16xf32>,
      %scan3A_786 = arith.constant 0 : i32
      scf.yield %scan3A_786 : i32
    }
    %scan3A_676 = arith.constant 32 : i32
    %dma_start3A_677 = arith.constant 0 : i32
    %dma_start3A_678 = arith.constant 0 : i32
    %dma_start3A_679 = arith.constant 0 : i32
    %dma_start3A_680 = tpu.memref_slice %arg4[%add3A, %dma_start3A_678, %dma_start3A_679] : memref<32x32x128xf32, #tpu.memory_space<hbm>> -> memref<1x32x128xf32, #tpu.memory_space<hbm>>
    %dma_start3A_681 = tpu.memref_squeeze %dma_start3A_680 : memref<1x32x128xf32, #tpu.memory_space<hbm>> -> memref<32x128xf32, #tpu.memory_space<hbm>>
    %dma_start3A_682 = tpu.memref_slice %arg14[%dma_start3A_677] : memref<2x!tpu.dma_semaphore, #tpu.memory_space<semaphore_mem>> -> memref<1x!tpu.dma_semaphore, #tpu.memory_space<semaphore_mem>>
    %dma_start3A_683 = tpu.memref_squeeze %dma_start3A_682 : memref<1x!tpu.dma_semaphore, #tpu.memory_space<semaphore_mem>> -> memref<!tpu.dma_semaphore, #tpu.memory_space<semaphore_mem>>
    %dma_start3A_684 = arith.constant 0 : i32
    %dma_start3A_685 = arith.constant 0 : i32
    %dma_start3A_686 = tpu.memref_slice %arg4[%add3A, %dma_start3A_684, %dma_start3A_685] : memref<32x32x128xf32, #tpu.memory_space<hbm>> -> memref<1x32x128xf32, #tpu.memory_space<hbm>>
    %dma_start3A_687 = tpu.memref_squeeze %dma_start3A_686 : memref<1x32x128xf32, #tpu.memory_space<hbm>> -> memref<32x128xf32, #tpu.memory_space<hbm>>
    tpu.enqueue_dma source(%arg12 : memref<32x128xf32, #tpu.memory_space<vmem>>) target(%dma_start3A_687 : memref<32x128xf32, #tpu.memory_space<hbm>>) target_semaphore(%dma_start3A_683 : memref<!tpu.dma_semaphore, #tpu.memory_space<semaphore_mem>>)
    %scan3A_688 = arith.constant 0 : i32
    %scan3A_689 = arith.constant 0 : i32
    %scan3A_690 = arith.constant 32 : i32
    %scan3A_691 = arith.addi %scan3A_689, %scan3A_690 : i32
    %scan3A_692 = arith.constant 1 : i32
    %scan3A_693 = scf.for %scan3A_706 = %scan3A_689 to %scan3A_691 step %scan3A_692 iter_args(%scan3A_707 = %scan3A_688) -> (i32)  : i32 {
      %mul3A_708 = arith.constant 8 : i32
      %mul3A_709 = arith.muli %scan3A_706, %mul3A_708 : i32
      %add3A_710 = arith.constant 0 : i32
      %add3A_711 = arith.addi %mul3A_709, %add3A_710 : i32
      %get3A = arith.index_cast %add3A_711 : i32 to index
      %get3A_712 = arith.constant 0 : index
      %get3A_713 = tpu.vector_load %arg11[%get3A, %get3A_712] {strides = array<i32>} : memref<256x16xf32, #tpu.memory_space<vmem>>, vector<16xf32>,
      %swap3A = arith.index_cast %scan3A_706 : i32 to index
      %swap3A_714 = arith.constant 0 : index
      %swap3A_715 = tpu.vector_load %arg13[%swap3A, %swap3A_714] {strides = array<i32>} : memref<32x128xf32, #tpu.memory_space<vmem>>, vector<16xf32>,
      tpu.vector_store %arg13[%swap3A, %swap3A_714], %get3A_713 {strides = array<i32>} : memref<32x128xf32, #tpu.memory_space<vmem>>, vector<16xf32>,
      %mul3A_716 = arith.constant 8 : i32
      %mul3A_717 = arith.muli %scan3A_706, %mul3A_716 : i32
      %add3A_718 = arith.constant 1 : i32
      %add3A_719 = arith.addi %mul3A_717, %add3A_718 : i32
      %get3A_720 = arith.index_cast %add3A_719 : i32 to index
      %get3A_721 = arith.constant 0 : index
      %get3A_722 = tpu.vector_load %arg11[%get3A_720, %get3A_721] {strides = array<i32>} : memref<256x16xf32, #tpu.memory_space<vmem>>, vector<16xf32>,
      %swap3A_723 = arith.index_cast %scan3A_706 : i32 to index
      %swap3A_724 = arith.constant 16 : index
      %swap3A_725 = tpu.vector_load %arg13[%swap3A_723, %swap3A_724] {strides = array<i32>} : memref<32x128xf32, #tpu.memory_space<vmem>>, vector<16xf32>,
      tpu.vector_store %arg13[%swap3A_723, %swap3A_724], %get3A_722 {strides = array<i32>} : memref<32x128xf32, #tpu.memory_space<vmem>>, vector<16xf32>,
      %mul3A_726 = arith.constant 8 : i32
      %mul3A_727 = arith.muli %scan3A_706, %mul3A_726 : i32
      %add3A_728 = arith.constant 2 : i32
      %add3A_729 = arith.addi %mul3A_727, %add3A_728 : i32
      %get3A_730 = arith.index_cast %add3A_729 : i32 to index
      %get3A_731 = arith.constant 0 : index
      %get3A_732 = tpu.vector_load %arg11[%get3A_730, %get3A_731] {strides = array<i32>} : memref<256x16xf32, #tpu.memory_space<vmem>>, vector<16xf32>,
      %swap3A_733 = arith.index_cast %scan3A_706 : i32 to index
      %swap3A_734 = arith.constant 32 : index
      %swap3A_735 = tpu.vector_load %arg13[%swap3A_733, %swap3A_734] {strides = array<i32>} : memref<32x128xf32, #tpu.memory_space<vmem>>, vector<16xf32>,
      tpu.vector_store %arg13[%swap3A_733, %swap3A_734], %get3A_732 {strides = array<i32>} : memref<32x128xf32, #tpu.memory_space<vmem>>, vector<16xf32>,
      %mul3A_736 = arith.constant 8 : i32
      %mul3A_737 = arith.muli %scan3A_706, %mul3A_736 : i32
      %add3A_738 = arith.constant 3 : i32
      %add3A_739 = arith.addi %mul3A_737, %add3A_738 : i32
      %get3A_740 = arith.index_cast %add3A_739 : i32 to index
      %get3A_741 = arith.constant 0 : index
      %get3A_742 = tpu.vector_load %arg11[%get3A_740, %get3A_741] {strides = array<i32>} : memref<256x16xf32, #tpu.memory_space<vmem>>, vector<16xf32>,
      %swap3A_743 = arith.index_cast %scan3A_706 : i32 to index
      %swap3A_744 = arith.constant 48 : index
      %swap3A_745 = tpu.vector_load %arg13[%swap3A_743, %swap3A_744] {strides = array<i32>} : memref<32x128xf32, #tpu.memory_space<vmem>>, vector<16xf32>,
      tpu.vector_store %arg13[%swap3A_743, %swap3A_744], %get3A_742 {strides = array<i32>} : memref<32x128xf32, #tpu.memory_space<vmem>>, vector<16xf32>,
      %mul3A_746 = arith.constant 8 : i32
      %mul3A_747 = arith.muli %scan3A_706, %mul3A_746 : i32
      %add3A_748 = arith.constant 4 : i32
      %add3A_749 = arith.addi %mul3A_747, %add3A_748 : i32
      %get3A_750 = arith.index_cast %add3A_749 : i32 to index
      %get3A_751 = arith.constant 0 : index
      %get3A_752 = tpu.vector_load %arg11[%get3A_750, %get3A_751] {strides = array<i32>} : memref<256x16xf32, #tpu.memory_space<vmem>>, vector<16xf32>,
      %swap3A_753 = arith.index_cast %scan3A_706 : i32 to index
      %swap3A_754 = arith.constant 64 : index
      %swap3A_755 = tpu.vector_load %arg13[%swap3A_753, %swap3A_754] {strides = array<i32>} : memref<32x128xf32, #tpu.memory_space<vmem>>, vector<16xf32>,
      tpu.vector_store %arg13[%swap3A_753, %swap3A_754], %get3A_752 {strides = array<i32>} : memref<32x128xf32, #tpu.memory_space<vmem>>, vector<16xf32>,
      %mul3A_756 = arith.constant 8 : i32
      %mul3A_757 = arith.muli %scan3A_706, %mul3A_756 : i32
      %add3A_758 = arith.constant 5 : i32
      %add3A_759 = arith.addi %mul3A_757, %add3A_758 : i32
      %get3A_760 = arith.index_cast %add3A_759 : i32 to index
      %get3A_761 = arith.constant 0 : index
      %get3A_762 = tpu.vector_load %arg11[%get3A_760, %get3A_761] {strides = array<i32>} : memref<256x16xf32, #tpu.memory_space<vmem>>, vector<16xf32>,
      %swap3A_763 = arith.index_cast %scan3A_706 : i32 to index
      %swap3A_764 = arith.constant 80 : index
      %swap3A_765 = tpu.vector_load %arg13[%swap3A_763, %swap3A_764] {strides = array<i32>} : memref<32x128xf32, #tpu.memory_space<vmem>>, vector<16xf32>,
      tpu.vector_store %arg13[%swap3A_763, %swap3A_764], %get3A_762 {strides = array<i32>} : memref<32x128xf32, #tpu.memory_space<vmem>>, vector<16xf32>,
      %mul3A_766 = arith.constant 8 : i32
      %mul3A_767 = arith.muli %scan3A_706, %mul3A_766 : i32
      %add3A_768 = arith.constant 6 : i32
      %add3A_769 = arith.addi %mul3A_767, %add3A_768 : i32
      %get3A_770 = arith.index_cast %add3A_769 : i32 to index
      %get3A_771 = arith.constant 0 : index
      %get3A_772 = tpu.vector_load %arg11[%get3A_770, %get3A_771] {strides = array<i32>} : memref<256x16xf32, #tpu.memory_space<vmem>>, vector<16xf32>,
      %swap3A_773 = arith.index_cast %scan3A_706 : i32 to index
      %swap3A_774 = arith.constant 96 : index
      %swap3A_775 = tpu.vector_load %arg13[%swap3A_773, %swap3A_774] {strides = array<i32>} : memref<32x128xf32, #tpu.memory_space<vmem>>, vector<16xf32>,
      tpu.vector_store %arg13[%swap3A_773, %swap3A_774], %get3A_772 {strides = array<i32>} : memref<32x128xf32, #tpu.memory_space<vmem>>, vector<16xf32>,
      %mul3A_776 = arith.constant 8 : i32
      %mul3A_777 = arith.muli %scan3A_706, %mul3A_776 : i32
      %add3A_778 = arith.constant 7 : i32
      %add3A_779 = arith.addi %mul3A_777, %add3A_778 : i32
      %get3A_780 = arith.index_cast %add3A_779 : i32 to index
      %get3A_781 = arith.constant 0 : index
      %get3A_782 = tpu.vector_load %arg11[%get3A_780, %get3A_781] {strides = array<i32>} : memref<256x16xf32, #tpu.memory_space<vmem>>, vector<16xf32>,
      %swap3A_783 = arith.index_cast %scan3A_706 : i32 to index
      %swap3A_784 = arith.constant 112 : index
      %swap3A_785 = tpu.vector_load %arg13[%swap3A_783, %swap3A_784] {strides = array<i32>} : memref<32x128xf32, #tpu.memory_space<vmem>>, vector<16xf32>,
      tpu.vector_store %arg13[%swap3A_783, %swap3A_784], %get3A_782 {strides = array<i32>} : memref<32x128xf32, #tpu.memory_space<vmem>>, vector<16xf32>,
      %scan3A_786 = arith.constant 0 : i32
      scf.yield %scan3A_786 : i32
    }
    %scan3A_694 = arith.constant 32 : i32
    "tpu.region"() ({
      %run_scoped3A = tpu.sem_alloc : memref<!tpu.dma_semaphore, #tpu.memory_space<semaphore_mem>>
      %dma_start3A_706 = arith.constant 0 : i32
      %dma_start3A_707 = arith.constant 0 : i32
      %dma_start3A_708 = tpu.memref_slice %arg5[%add3A, %dma_start3A_706, %dma_start3A_707] : memref<32x32x128xf32, #tpu.memory_space<hbm>> -> memref<1x32x128xf32, #tpu.memory_space<hbm>>
      %dma_start3A_709 = tpu.memref_squeeze %dma_start3A_708 : memref<1x32x128xf32, #tpu.memory_space<hbm>> -> memref<32x128xf32, #tpu.memory_space<hbm>>
      %dma_start3A_710 = arith.constant 0 : i32
      %dma_start3A_711 = arith.constant 0 : i32
      %dma_start3A_712 = tpu.memref_slice %arg5[%add3A, %dma_start3A_710, %dma_start3A_711] : memref<32x32x128xf32, #tpu.memory_space<hbm>> -> memref<1x32x128xf32, #tpu.memory_space<hbm>>
      %dma_start3A_713 = tpu.memref_squeeze %dma_start3A_712 : memref<1x32x128xf32, #tpu.memory_space<hbm>> -> memref<32x128xf32, #tpu.memory_space<hbm>>
      tpu.enqueue_dma source(%arg13 : memref<32x128xf32, #tpu.memory_space<vmem>>) target(%dma_start3A_713 : memref<32x128xf32, #tpu.memory_space<hbm>>) target_semaphore(%run_scoped3A : memref<!tpu.dma_semaphore, #tpu.memory_space<semaphore_mem>>)
      %dma_wait3A_714 = arith.constant 0 : i32
      %dma_wait3A_715 = arith.constant 0 : i32
      %dma_wait3A_716 = tpu.memref_slice %arg5[%add3A, %dma_wait3A_714, %dma_wait3A_715] : memref<32x32x128xf32, #tpu.memory_space<hbm>> -> memref<1x32x128xf32, #tpu.memory_space<hbm>>
      %dma_wait3A_717 = tpu.memref_squeeze %dma_wait3A_716 : memref<1x32x128xf32, #tpu.memory_space<hbm>> -> memref<32x128xf32, #tpu.memory_space<hbm>>
      %dma_wait3A_718 = arith.constant 0 : i32
      %dma_wait3A_719 = arith.constant 0 : i32
      %dma_wait3A_720 = tpu.memref_slice %arg5[%add3A, %dma_wait3A_718, %dma_wait3A_719] : memref<32x32x128xf32, #tpu.memory_space<hbm>> -> memref<1x32x128xf32, #tpu.memory_space<hbm>>
      %dma_wait3A_721 = tpu.memref_squeeze %dma_wait3A_720 : memref<1x32x128xf32, #tpu.memory_space<hbm>> -> memref<32x128xf32, #tpu.memory_space<hbm>>
      tpu.wait_dma2 semaphore(%run_scoped3A : memref<!tpu.dma_semaphore, #tpu.memory_space<semaphore_mem>>) src(%arg13 : memref<32x128xf32, #tpu.memory_space<vmem>>) dst(%dma_wait3A_721 : memref<32x128xf32, #tpu.memory_space<hbm>>)
      tpu.yield
    }) : () -> ()
    %dma_wait3A_695 = arith.constant 0 : i32
    %dma_wait3A_696 = arith.constant 0 : i32
    %dma_wait3A_697 = arith.constant 0 : i32
    %dma_wait3A_698 = tpu.memref_slice %arg4[%add3A, %dma_wait3A_696, %dma_wait3A_697] : memref<32x32x128xf32, #tpu.memory_space<hbm>> -> memref<1x32x128xf32, #tpu.memory_space<hbm>>
    %dma_wait3A_699 = tpu.memref_squeeze %dma_wait3A_698 : memref<1x32x128xf32, #tpu.memory_space<hbm>> -> memref<32x128xf32, #tpu.memory_space<hbm>>
    %dma_wait3A_700 = tpu.memref_slice %arg14[%dma_wait3A_695] : memref<2x!tpu.dma_semaphore, #tpu.memory_space<semaphore_mem>> -> memref<1x!tpu.dma_semaphore, #tpu.memory_space<semaphore_mem>>
    %dma_wait3A_701 = tpu.memref_squeeze %dma_wait3A_700 : memref<1x!tpu.dma_semaphore, #tpu.memory_space<semaphore_mem>> -> memref<!tpu.dma_semaphore, #tpu.memory_space<semaphore_mem>>
    %dma_wait3A_702 = arith.constant 0 : i32
    %dma_wait3A_703 = arith.constant 0 : i32
    %dma_wait3A_704 = tpu.memref_slice %arg4[%add3A, %dma_wait3A_702, %dma_wait3A_703] : memref<32x32x128xf32, #tpu.memory_space<hbm>> -> memref<1x32x128xf32, #tpu.memory_space<hbm>>
    %dma_wait3A_705 = tpu.memref_squeeze %dma_wait3A_704 : memref<1x32x128xf32, #tpu.memory_space<hbm>> -> memref<32x128xf32, #tpu.memory_space<hbm>>
    tpu.wait_dma2 semaphore(%dma_wait3A_701 : memref<!tpu.dma_semaphore, #tpu.memory_space<semaphore_mem>>) src(%arg12 : memref<32x128xf32, #tpu.memory_space<vmem>>) dst(%dma_wait3A_705 : memref<32x128xf32, #tpu.memory_space<hbm>>)
    return
  }
}

module attributes {stable_mosaic.version = 14 : i64} {
  func.func @_loss_body(%arg0: memref<32x32x128xf32, #tpu.memory_space<vmem>>, %arg1: memref<32x32x128xf32, #tpu.memory_space<vmem>>, %arg2: memref<32x8xf32, #tpu.memory_space<vmem>>, %arg3: memref<1x1xf32, #tpu.memory_space<vmem>>) attributes {dimension_semantics = [], scalar_prefetch = 0 : i64, scratch_operands = 0 : i64, tpu.core_type = #tpu.core_type<tc>} {
    %get3A = arith.constant 0 : index
    %get3A_0 = arith.constant 0 : index
    %get3A_1 = arith.constant 0 : index
    %get3A_2 = vector.load %arg0[%get3A, %get3A_0, %get3A_1] : memref<32x32x128xf32, #tpu.memory_space<vmem>>, vector<32x32x128xf32>
    %reduce_sum3A = arith.constant dense<0.000000e+00> : vector<32x128xf32>
    %reduce_sum3A_3 = vector.multi_reduction <add>, %get3A_2, %reduce_sum3A [0] : vector<32x32x128xf32> to vector<32x128xf32>
    %get3A_4 = arith.constant 0 : index
    %get3A_5 = arith.constant 0 : index
    %get3A_6 = arith.constant 0 : index
    %get3A_7 = vector.load %arg1[%get3A_4, %get3A_5, %get3A_6] : memref<32x32x128xf32, #tpu.memory_space<vmem>>, vector<32x32x128xf32>
    %reduce_sum3A_8 = arith.constant dense<0.000000e+00> : vector<32x128xf32>
    %reduce_sum3A_9 = vector.multi_reduction <add>, %get3A_7, %reduce_sum3A_8 [0] : vector<32x32x128xf32> to vector<32x128xf32>
    %iota3A = tpu.iota {dimensions = array<i32: 0>} : vector<128x8xi32>
    %jit3A = arith.constant 16 : i32
    %div3A = vector.broadcast %jit3A : i32 to vector<128x8xi32>
    %div3A_10 = arith.divsi %iota3A, %div3A : vector<128x8xi32>
    %sign3A = arith.constant 0 : i32
    %sign3A_11 = vector.broadcast %sign3A : i32 to vector<128x8xi32>
    %sign3A_12 = arith.cmpi sgt, %iota3A, %sign3A_11 : vector<128x8xi32>
    %sign3A_13 = arith.extui %sign3A_12 : vector<128x8xi1> to vector<128x8xi32>
    %sign3A_14 = arith.constant 0 : i32
    %sign3A_15 = vector.broadcast %sign3A_14 : i32 to vector<128x8xi32>
    %sign3A_16 = arith.cmpi slt, %iota3A, %sign3A_15 : vector<128x8xi32>
    %sign3A_17 = arith.extui %sign3A_16 : vector<128x8xi1> to vector<128x8xi32>
    %sign3A_18 = arith.subi %sign3A_13, %sign3A_17 : vector<128x8xi32>
    %sign3A_19 = arith.constant 0 : i32
    %sign3A_20 = arith.cmpi sgt, %jit3A, %sign3A_19 : i32
    %sign3A_21 = arith.extui %sign3A_20 : i1 to i32
    %sign3A_22 = arith.constant 0 : i32
    %sign3A_23 = arith.cmpi slt, %jit3A, %sign3A_22 : i32
    %sign3A_24 = arith.extui %sign3A_23 : i1 to i32
    %sign3A_25 = arith.subi %sign3A_21, %sign3A_24 : i32
    %ne3A = vector.broadcast %sign3A_25 : i32 to vector<128x8xi32>
    %ne3A_26 = arith.cmpi ne, %sign3A_18, %ne3A : vector<128x8xi32>
    %rem3A = vector.broadcast %jit3A : i32 to vector<128x8xi32>
    %rem3A_27 = arith.remsi %iota3A, %rem3A : vector<128x8xi32>
    %ne3A_28 = arith.constant 0 : i32
    %ne3A_29 = vector.broadcast %ne3A_28 : i32 to vector<128x8xi32>
    %ne3A_30 = arith.cmpi ne, %rem3A_27, %ne3A_29 : vector<128x8xi32>
    %and3A = arith.andi %ne3A_26, %ne3A_30 : vector<128x8xi1>
    %sub3A = arith.constant 1 : i32
    %sub3A_31 = vector.broadcast %sub3A : i32 to vector<128x8xi32>
    %sub3A_32 = arith.subi %div3A_10, %sub3A_31 : vector<128x8xi32>
    %select_n3A = arith.select %and3A, %sub3A_32, %div3A_10 : vector<128x8xi1>, vector<128x8xi32>
    %iota3A_33 = tpu.iota {dimensions = array<i32: 1>} : vector<128x8xi32>
    %eq3A = arith.cmpi eq, %select_n3A, %iota3A_33 : vector<128x8xi32>
    %convert_element_type3A = arith.extui %eq3A : vector<128x8xi1> to vector<128x8xi32>
    %convert_element_type3A_34 = arith.sitofp %convert_element_type3A : vector<128x8xi32> to vector<128x8xf32>
    %dot_general3A = arith.constant dense<0.000000e+00> : vector<32x8xf32>
    %dot_general3A_35 = tpu.matmul %reduce_sum3A_3, %convert_element_type3A_34, %dot_general3A {dimension_numbers = #tpu.dot_dimension_numbers<[1], [0], [0], [1], [0, 0, 1, 1], [], []>, transpose_lhs_hint = false} : vector<32x128xf32>, vector<128x8xf32>, vector<32x8xf32> -> vector<32x8xf32>
    %dot_general3A_36 = arith.constant dense<0.000000e+00> : vector<32x8xf32>
    %dot_general3A_37 = tpu.matmul %reduce_sum3A_9, %convert_element_type3A_34, %dot_general3A_36 {dimension_numbers = #tpu.dot_dimension_numbers<[1], [0], [0], [1], [0, 0, 1, 1], [], []>, transpose_lhs_hint = false} : vector<32x128xf32>, vector<128x8xf32>, vector<32x8xf32> -> vector<32x8xf32>
    %div3A_38 = arith.divf %dot_general3A_35, %dot_general3A_37 : vector<32x8xf32>
    %get3A_39 = arith.constant 0 : index
    %get3A_40 = arith.constant 0 : index
    %get3A_41 = vector.load %arg2[%get3A_39, %get3A_40] : memref<32x8xf32, #tpu.memory_space<vmem>>, vector<32x8xf32>
    %sub3A_42 = arith.subf %div3A_38, %get3A_41 : vector<32x8xf32>
    %mul3A = arith.mulf %sub3A_42, %sub3A_42 : vector<32x8xf32>
    %reduce_sum3A_43 = vector.shape_cast %mul3A : vector<32x8xf32> to vector<1x32x8xf32>
    %reduce_sum3A_44 = arith.constant dense<0.000000e+00> : vector<1xf32>
    %reduce_sum3A_45 = vector.multi_reduction <add>, %reduce_sum3A_43, %reduce_sum3A_44 [1, 2] : vector<1x32x8xf32> to vector<1xf32>
    %reduce_sum3A_46 = vector.shape_cast %reduce_sum3A_45 : vector<1xf32> to vector<1x1x1xf32>
    %reduce_sum3A_47 = vector.extract %reduce_sum3A_46[0, 0, 0] : f32 from vector<1x1x1xf32>
    %mul3A_48 = arith.constant 3.906250e-05 : f32
    %mul3A_49 = arith.mulf %reduce_sum3A_47, %mul3A_48 : f32
    %broadcast_in_dim3A = vector.broadcast %mul3A_49 : f32 to vector<1x1xf32>
    %swap3A = arith.constant 0 : index
    %swap3A_50 = arith.constant 0 : index
    %swap3A_51 = vector.load %arg3[%swap3A, %swap3A_50] : memref<1x1xf32, #tpu.memory_space<vmem>>, vector<1x1xf32>
    tpu.vector_store %arg3[%swap3A, %swap3A_50], %broadcast_in_dim3A {strides = array<i32>} : memref<1x1xf32, #tpu.memory_space<vmem>>, vector<1x1xf32>,
    return
  }
}

</mosaic_0001>

<sc_bundles>
// kernel: kernel.4.cloned.1.call-start
scs
__scs_entry_jumppad:
0x0: {  	(pc) =	sbr.rel $0x88, $3  }
0x1: {  	(tag) =	ssettag $0x0;
	lr =	simm.s32 $0x1  }
0x2: {  	[smem:$0x3F9E] =	sst lr;
	_ =	strace $0xD0000000  }
0x3: {  	_ = 	snop  }
0x4: {  	_ = 	snop  }
0x5: {  	_ = 	snop  }
0x6: {  	_ = 	snop  }
0x7: {  	_ = 	snop  }
__scs_overlays_trampoline_lowered:
0x8: {  	[smem:$0x3FAD] =	sst s0  }
0x9: {  	[smem:$0x3FAE] =	sst s1  }
0xa: {  	[smem:$0x3FAF] =	sst s2  }
0xb: {  	[smem:$0x3FB0] =	sst s3  }
0xc: {  	[smem:$0x3FB1] =	sst s4  }
0xd: {  	[smem:$0x3FB2] =	sst s5  }
0xe: {  	[smem:$0x3FB3] =	sst s6  }
0xf: {  	[smem:$0x3FB4] =	sst s7  }
0x10: {  	[smem:$0x3FB5] =	sst s8  }
0x11: {  	[smem:$0x3FB6] =	sst s9;
	s0 =	simm.s32 @!p0 $0x0  }
0x12: {  	s1 =	sld [smem:$0x3F9C];
	s0 =	simm.s32 @p0 $0x1  }
0x13: {  	[smem:$0x3FB7] =	sst s0;
	s0 =	simm.s32 @!p1 $0x0  }
0x14: {  	s2 =	sld [smem:$0x3F9B];
	s0 =	simm.s32 @p1 $0x1  }
0x15: {  	[smem:$0x3FB8] =	sst s0;
	s0 =	simm.s32 @!p2 $0x0  }
0x16: {  	s3 =	sld [smem:$0x3FDB];
	s0 =	simm.s32 @p2 $0x1  }
0x17: {  	s4 =	simm.s32 $0x1BF5;
	[smem:$0x3FBA] =	sst s0  }
0x18: {  	s0 =	sld [smem:$0x3F9D];
	_ =	swait.ge [sflag:s4], $0x0  }
0x19: {  	s7 =	sld [smem:$0x3F9E]  }
0x1a: {  	s8 =	sadd.s32 $0xFFFFE003, lr  }
0x1b: {  	s9 =	sadd.s32 $0xFFFFFEF7, lr;
	s5 =	simm.s32 $0xFFFFFFFF;
	p2 =	slt.u32 s8, $0xFFFFF086  }
0x1c: {  	p1 =	slt.u32 s9, $0xF7A;
	s5 =	simm.s32 @!p2 $0x0  }
0x1d: {  	s5 =	simm.s32 @p1 $0x1;
	p0 =	seq.s32 s7, s2  }
0x1e: {  	s7 =	smul.u32 @!p0 $0xF7A, s2;
	p2 =	seq.s32 @!p0 s5, $0x0  }
0x1f: {  	s9 =	smul.u32 $0xF7A, s1;
	s8 =	simm.s32 @!p0 $0x1BF5;
	p2 =	por !p2, p0  }
0x20: {  	[sflag:s8] =	ssyncset.s32 @!p0 $0xFFFFF086;
	s6 =	sadd.s32 @!p0 s3, s7;
	s7 =	simm.s32 @!p0 $0x108  }
0x21: {  	s3 =	sadd.s32 s3, s9;
	s6 =	sadd.s32 @!p0 $0x88, s6;
	s7 =	simm.s32 @p2 $0x1082  }
0x22: {  	[simem:s7], [sflag:s8] =	dma.local @!p0 [hbm:s6], $0xF7A  }
0x23: {  	s9 =	sor.u32 $0xD0000000, s2;
	s6 =	simm.s32 $0x108;
	_ =	swait.ge @!p0 [sflag:s8], $0x0  }
0x24: {  	s3 =	sadd.s32 $0x88, s3;
	s6 =	simm.s32 @!p1 $0x1082;
	[sflag:s4] =	ssyncset.s32 $0xFFFFF086  }
0x25: {  	[simem:s6], [sflag:s4] =	dma.local [hbm:s3], $0xF7A  }
0x26: {  	[smem:$0x3F9E] =	sst s1;
	(tag) =	ssettag s2;
	_ =	strace s9  }
0x27: {  	s1 =	sld [smem:$0x3FAE]  }
0x28: {  	s2 =	sld [smem:$0x3FAF]  }
0x29: {  	s4 =	sld [smem:$0x3FB1]  }
0x2a: {  	p0 =	seq.s32 s5, $0x0;
	s5 =	sld [smem:$0x3FB2]  }
0x2b: {  	s6 =	sld [smem:$0x3FB3]  }
0x2c: {  	s7 =	sld [smem:$0x3FB4]  }
0x2d: {  	s3 =	simm.s32 $0x108;
	s8 =	sld [smem:$0x3FB5]  }
0x2e: {  	s3 =	simm.s32 @!p0 $0x1082;
	s9 =	sld [smem:$0x3FB6]  }
0x2f: {  	lr =	sadd.s32 s0, s3;
	s0 =	sld [smem:$0x3FAD]  }
0x30: {  	s3 =	sld [smem:$0x3FB0]  }
0x31: {  	[smem:$0x3FB9] =	sst s10  }
0x32: {  	s10 =	sld [smem:$0x3FB7];
	_ =	sdelay $0x3  }
0x33: {  	p0 =	seq.s32 s10, $0x1;
	s10 =	sld [smem:$0x3FB9];
	_ =	sdelay $0x3  }
0x34: {  	[smem:$0x3FB9] =	sst s10  }
0x35: {  	s10 =	sld [smem:$0x3FB8];
	_ =	sdelay $0x3  }
0x36: {  	p1 =	seq.s32 s10, $0x1;
	s10 =	sld [smem:$0x3FB9];
	_ =	sdelay $0x3  }
0x37: {  	[smem:$0x3FB9] =	sst s10  }
0x38: {  	s10 =	sld [smem:$0x3FBA]  }
0x39: {  	_ = 	snop;
	(pc) =	sbr.ind lr, $3  }
0x3a: {  	_ = 	snop  }
0x3b: {  	_ = 	snop  }
0x3c: {  	p2 =	seq.s32 s10, $0x1;
	s10 =	sld [smem:$0x3FB9]  }
0x3d: {  	_ =	shalt  }
0x3e: {  	_ =	shalt  }
0x3f: {  	_ =	shalt  }
0x40: {  	_ =	shalt  }
0x41: {  	_ =	shalt  }
0x42: {  	_ =	shalt  }
0x43: {  	_ =	shalt  }
0x44: {  	_ =	shalt  }
0x45: {  	_ =	shalt  }
0x46: {  	_ =	shalt  }
0x47: {  	_ =	shalt  }
0x48: {  	_ =	shalt  }
0x49: {  	_ =	shalt  }
0x4a: {  	_ =	shalt  }
0x4b: {  	_ =	shalt  }
0x4c: {  	_ =	shalt  }
0x4d: {  	_ =	shalt  }
0x4e: {  	_ =	shalt  }
0x4f: {  	_ =	shalt  }
0x50: {  	_ =	shalt  }
0x51: {  	_ =	shalt  }
0x52: {  	_ =	shalt  }
0x53: {  	_ =	shalt  }
0x54: {  	_ =	shalt  }
0x55: {  	_ =	shalt  }
0x56: {  	_ =	shalt  }
0x57: {  	_ =	shalt  }
0x58: {  	_ =	shalt  }
0x59: {  	_ =	shalt  }
0x5a: {  	_ =	shalt  }
0x5b: {  	_ =	shalt  }
0x5c: {  	_ =	shalt  }
0x5d: {  	_ =	shalt  }
0x5e: {  	_ =	shalt  }
0x5f: {  	_ =	shalt  }
0x60: {  	_ =	shalt  }
0x61: {  	_ =	shalt  }
0x62: {  	_ =	shalt  }
0x63: {  	_ =	shalt  }
0x64: {  	_ =	shalt  }
0x65: {  	_ =	shalt  }
0x66: {  	_ =	shalt  }
0x67: {  	_ =	shalt  }
0x68: {  	_ =	shalt  }
0x69: {  	_ =	shalt  }
0x6a: {  	_ =	shalt  }
0x6b: {  	_ =	shalt  }
0x6c: {  	_ =	shalt  }
0x6d: {  	_ =	shalt  }
0x6e: {  	_ =	shalt  }
0x6f: {  	_ =	shalt  }
0x70: {  	_ =	shalt  }
0x71: {  	_ =	shalt  }
0x72: {  	_ =	shalt  }
0x73: {  	_ =	shalt  }
0x74: {  	_ =	shalt  }
0x75: {  	_ =	shalt  }
0x76: {  	_ =	shalt  }
0x77: {  	_ =	shalt  }
0x78: {  	_ =	shalt  }
0x79: {  	_ =	shalt  }
0x7a: {  	_ =	shalt  }
0x7b: {  	_ =	shalt  }
0x7c: {  	_ =	shalt  }
0x7d: {  	_ =	shalt  }
0x7e: {  	_ =	shalt  }
0x7f: {  	_ =	shalt  }
0x80: {  	_ =	shalt  }
0x81: {  	_ =	shalt  }
0x82: {  	_ =	shalt  }
0x83: {  	_ =	shalt  }
0x84: {  	_ =	shalt  }
0x85: {  	_ =	shalt  }
0x86: {  	_ =	shalt  }
0x87: {  	_ =	shalt  }
.Lfunc_end0:
.L_simem_size_0:
called_computation_lowered:
.L_overlay_start_0:
0x88: {  	s2 =	sld [smem:$0x3FD9]  }
0x89: {  	s3 =	sld [smem:$0x3FFE];
	_ =	sdelay $0x1  }
0x8a: {  	s1 =	srdreg.scid  }
0x8b: {  	s0 =	sand.u32 $0x1, s1  }
0x8c: {  	s17 =	sshll.u32 s0, $0xA;
	s2 =	sadd.s32 s3, s2  }
0x8d: {  	s2 =	sadd.s32 s2, s17  }
0x8e: {  	[smem:$0x3FC5] =	sst s2  }
0x8f: {  	_ = 	snop  }
0x90: {  	s2 =	sld [smem:$0x3FC9]  }
0x91: {  	s18 =	sld [smem:$0x3FC8];
	(tm) =	ssettm $0x1  }
0x92: {  	s4 =	sld [smem:$0x3FFB];
	_ =	sdelay $0x3  }
0x93: {  	_ =	strace s4  }
0x94: {  	s4 =	sld [smem:$0x3FFC];
	_ =	sdelay $0x3  }
0x95: {  	_ =	strace s4  }
0x96: {  	s4 =	sld [smem:$0x3FFD];
	_ =	sdelay $0x3  }
0x97: {  	_ =	strace s4  }
0x98: {  	_ =	strace $0x8FFFFFFF  }
0x99: {  	s19 =	sld [smem:$0x3FDB];
	_ =	sdelay $0x1  }
0x9a: {  	s5 =	simm.s32 $_scs_section_size  }
0x9b: {  	s6 =	simm.s32 $_size__tile_overlayer_lowered;
	s7 =	simm.s32 $_tile_overlayer_lowered  }
0x9c: {  	s22 =	simm.s32 $0x1BFF;
	s21 =	sshll.u32 s7, $0x1;
	s4 =	sadd.s32 s5, s19  }
0x9d: {  	s8 =	simm.s32 $0x0;
	s20 =	sshll.u32 s6, $0x1;
	s6 =	sadd.s32 s21, s4  }
0x9e: {  	[timem:s8], [sflag:s22] =	dma.local [hbm:s6], s20  }
0x9f: {  	_ =	swait.ge [sflag:s22], s20  }
0xa0: {  	s5 =	ssub.s32 $0x0, s20;
	[sflag:s22] =	ssyncset.done $0x0  }
0xa1: {  	[sflag:s22] =	ssyncadd.s32 s5;
	_ =	sdelay $0x1  }
0xa2: {  	s23 =	simm.s32 $0x1B8B  }
0xa3: {  	_ =	swait.ge [sflag:s23], $0x1  }
0xa4: {  	[sflag:s23] =	ssyncset.done $0x0  }
0xa5: {  	s25 =	simm.s32 $0x1B8E;
	s24 =	sld [smem:$0x3FFE];
	[sflag:s23] =	ssyncadd.s32 $0xFFFFFFFF  }
0xa6: {  	s26 =	simm.s32 $execute0_lowered;
	[smem:$0x3FD2] =	sst s25  }
0xa7: {  	s6 =	sshll.u32 s26, $0x1;
	_ =	strace $0x80000046;
	[dreg:$0x1] =	wrdreg $0xFFFFFFFF  }
0xa8: {  	s28 =	simm.s32 $_size_execute0_lowered;
	s4 =	sadd.s32 s4, s6;
	[dreg:$0x0] =	wrdreg $0x0  }
0xa9: {  	s6 =	sshll.u32 s28, $0x1;
	[dreg:$0x2] =	wrdreg s4  }
0xaa: {  	[dreg:$0x3] =	wrdreg s6  }
0xab: {  	[dreg:$0x4] =	wrdreg $0xC0  }
0xac: {  	_ =	task [dreg:s8], $0x5FFFF  }
0xad: {  	[dreg:$0x1] =	wrdreg $0xFFFFFFFF  }
0xae: {  	[dreg:$0x0] =	wrdreg $0x60  }
0xaf: {  	[dreg:$0x2] =	wrdreg s2  }
0xb0: {  	[dreg:$0x3] =	wrdreg s18  }
0xb1: {  	[dreg:$0x4] =	wrdreg s24  }
0xb2: {  	[dreg:$0x5] =	wrdreg $0x9  }
0xb3: {  	_ =	task.clear_ibuf [dreg:s8], $0x6FFFF;
	_ =	strace $0x90000046  }
0xb4: {  	s29 =	simm.s32 $0x9;
	_ =	strace $0x80000048  }
0xb5: {  	_ =	swait.ge [sflag:s29], $0x1  }
0xb6: {  	[sflag:s29] =	ssyncadd.s32 $0xFFFFFFFF  }
0xb7: {  	_ =	strace $0x90000048  }
0xb8: {  	_ =	sfence  }
0xb9: {  	s30 =	sld [smem:$0x0];
	_ =	sdelay $0x2  }
0xba: {  	s31 =	sshll.u32 s1, $0xD;
	s1 =	sshrl.u32 s1, $0x2  }
0xbb: {  	s3 =	sand.u32 $0x4000, s31;
	s1 =	sadd.s32 s1, s30  }
0xbc: {  	s0 =	sor.u32 s3, s0;
	s1 =	sshll.u32 s1, $0x11  }
0xbd: {  	s0 =	sor.u32 s1, s0  }
0xbe: {  	s0 =	sadd.s32 $0x8F2B, s0  }
0xbf: {  	[sflag:s0] =	ssyncadd.remote.s32 $0x1  }
0xc0: {  	_ =	sfence.sel $0xFFFF  }
0xc1: {  	[dreg:$0x0] =	wrdreg $0xFFFFFFFF;
	(pc) =	sbr.abs _section_cstart, $3  }
0xc2: {  	[dreg:$0x1] =	wrdreg $0xFFFFFFFF  }
0xc3: {  	_ =	task.clear_ibuf [dreg:s8], $0x2FFFF;
	_ =	strace $0x9FFFFFFF  }
0xc4: {  	(tm) =	ssettm $0x7FFFFFFF  }
0xc5: {  	_ =	shalt  }
tec
execute0_lowered:
.L_overlay_start_1:
0x0: {  	(tag) =	ssettag $0x1  }
0x1: {  	s0 =	srdreg.scid;
	s1 =	stileid.u32  }
0x2: {  	s0 =	sand.u32 $0x1, s0;
	s1 =	sshll.u32 s1, $0x1  }
0x3: {  	s2 =	sor.u32 s0, s1  }
0x4: {  	s10 =	rddreg [dreg:$0x0];
	s3 =	smul.u32 $0x30D40, s2  }
0x5: {  	s11 =	rddreg [dreg:$0x1]  }
0x6: {  	s4 =	rddreg [dreg:$0x2];
	s8 =	sshrl.u32 s3, $0x3  }
0x7: {  	s1 =	simm.s32 $0x0;
	s0 =	ssub.s32 $0x2, s0;
	s5 =	sadd.s32 $0x4E2, s8  }
0x8: {  	[smem:$0x7FF] =	sst s1;
	s7 =	sshrl.u32 s0, $0x1;
	s9 =	sadd.s32 s10, s5  }
0x9: {  	s15 =	sadd.s32 $0x9C4, s8;
	s12 =	sadd.s32 s11, s5;
	[dreg:$0x4] =	wrdreg s9  }
0xa: {  	s14 =	ssub.s32 s0, s7;
	s17 =	sadd.s32 s10, s15;
	[dreg:$0x5] =	wrdreg s12  }
0xb: {  	s16 =	sadd.s32 $0xEA6, s8;
	s0 =	sadd.s32 s11, s15;
	[dreg:$0x6] =	wrdreg s17  }
0xc: {  	s2 =	sshll.u32 s2, $0x9;
	s18 =	sadd.s32 s10, s16;
	[dreg:$0x7] =	wrdreg s0  }
0xd: {  	s20 =	sadd.s32 $0x1388, s8;
	s19 =	sadd.s32 s11, s16;
	[dreg:$0x8] =	wrdreg s18  }
0xe: {  	s21 =	sadd.s32 $0x186A, s8;
	s22 =	sadd.s32 s10, s20;
	[dreg:$0x9] =	wrdreg s19  }
0xf: {  	s13 =	sadd.s32 s2, s4;
	s23 =	sadd.s32 s10, s21;
	[dreg:$0xa] =	wrdreg s22  }
0x10: {  	s25 =	sadd.s32 $0x1D4C, s8;
	s24 =	sadd.s32 s11, s21;
	[dreg:$0xc] =	wrdreg s23  }
0x11: {  	s26 =	sadd.s32 $0x222E, s8;
	s28 =	sadd.s32 s10, s25;
	[dreg:$0xd] =	wrdreg s24  }
0x12: {  	s14 =	smax.u32 s14, $0x1;
	s29 =	sadd.s32 s10, s26;
	[dreg:$0xe] =	wrdreg s28  }
0x13: {  	s4 =	sadd.s32 $0x2710, s8;
	s3 =	sadd.s32 s11, s26;
	[dreg:$0x10] =	wrdreg s29  }
0x14: {  	s5 =	sadd.s32 $0x2BF2, s8;
	s6 =	sadd.s32 s10, s4;
	[dreg:$0x11] =	wrdreg s3  }
0x15: {  	s15 =	sadd.s32 $0x35B6, s8;
	s0 =	sadd.s32 s11, s20;
	[dreg:$0x12] =	wrdreg s6  }
0x16: {  	s7 =	sadd.s32 s10, s5;
	s9 =	sadd.s32 s11, s5;
	s12 =	sadd.s32 $0x30D4, s8  }
0x17: {  	s17 =	sadd.s32 s10, s15;
	s18 =	sadd.s32 s11, s15;
	s19 =	sadd.s32 $0x3A98, s8  }
0x18: {  	s20 =	sadd.s32 $0x3F7A, s8;
	s24 =	sadd.s32 $0x445C, s8;
	[dreg:$0xb] =	wrdreg s0  }
0x19: {  	s28 =	sadd.s32 $0x4E20, s8;
	s29 =	sadd.s32 $0x5302, s8;
	[dreg:$0x14] =	wrdreg s7  }
0x1a: {  	s6 =	sadd.s32 s10, s8;
	s15 =	simm.s32 $0x4F00;
	[dreg:$0x15] =	wrdreg s9  }
0x1b: {  	s0 =	sadd.s32 s11, s25;
	s16 =	sadd.s32 s10, s12;
	[dreg:$0x18] =	wrdreg s17  }
0x1c: {  	[dreg:$0x19] =	wrdreg s18;
	s21 =	sadd.s32 s10, s19;
	s22 =	sadd.s32 s10, s20  }
0x1d: {  	s23 =	sadd.s32 s11, s20;
	s25 =	sadd.s32 $0x493E, s8;
	s26 =	sadd.s32 s10, s24  }
0x1e: {  	s30 =	sadd.s32 s11, s24;
	s2 =	sadd.s32 s10, s28;
	[dreg:$0xf] =	wrdreg s0  }
0x1f: {  	s3 =	sadd.s32 s11, s28;
	s5 =	sadd.s32 s11, s29;
	[dreg:$0x16] =	wrdreg s16  }
0x20: {  	s9 =	sadd.s32 $0x57E4, s8;
	s7 =	sadd.s32 s11, s8;
	[dreg:$0x1a] =	wrdreg s21  }
0x21: {  	s17 =	simm.s32 $0x7680;
	s18 =	simm.s32 $0x1;
	[dreg:$0x1c] =	wrdreg s22  }
0x22: {  	s20 =	simm.s32 $0x9E00;
	s24 =	simm.s32 $0x5;
	[dreg:$0x1d] =	wrdreg s23  }
0x23: {  	s0 =	sadd.s32 s11, s4;
	[dreg:$0x1e] =	wrdreg s26;
	s31 =	sadd.s32 s10, s25  }
0x24: {  	s4 =	sadd.s32 s10, s29;
	s16 =	simm.s32 $0x2780;
	s21 =	simm.s32 $0x11E00  }
0x25: {  	s22 =	simm.s32 $0x2;
	s23 =	simm.s32 $0x4;
	[dreg:$0x13] =	wrdreg s0  }
0x26: {  	s0 =	sadd.s32 s11, s12;
	s12 =	sadd.s32 $0x5CC6, s8;
	s8 =	sadd.s32 s10, s9  }
0x27: {  	s9 =	sadd.s32 s11, s9;
	[dreg:$0x17] =	wrdreg s0;
	s0 =	sadd.s32 s11, s19  }
0x28: {  	s10 =	sadd.s32 s10, s12;
	s19 =	simm.s32 $0x3;
	[dreg:$0x1b] =	wrdreg s0  }
0x29: {  	s0 =	sadd.s32 s11, s25;
	s11 =	sadd.s32 s11, s12;
	s12 =	sadd.s32 $0xE00, s13  }
0x2a: {  	v0 =	vimm.f32 $0.0e+00;
	v1 =	vlaneseq.u32;
	v2 =	vimm.f32 $1.000000000e+00;
	s13 =	sadd.s32 $0x4E00, s13;
	s25 =	simm.s32 $0x0;
	_ =	strace $0x80000047  }
.LBB2_1:
0x2b: {  	[tilespmem:s1], [sflag:$0x1] =	stream.linear.gather [hbm4b:s6+s1], $0x2710, $0x38;
	[tilespmem:$0x1BE00] =	vst v63  }
0x2c: {  	_ = 	snop  }
0x2d: {  	[tilespmem:s15], [sflag:$0x3] =	stream.linear.gather [hbm4b:s7+s1], $0x2710, $0x38;
	[tilespmem:$0x1BE00] =	vst v63  }
0x2e: {  	s26 =	rddreg [dreg:$0x4]  }
0x2f: {  	[tilespmem:s16], [sflag:$0x2] =	stream.linear.gather [hbm4b:s26+s1], $0x2710, $0x38;
	[tilespmem:$0x1BE00] =	vst v63  }
0x30: {  	s29 =	rddreg [dreg:$0x5];
	s28 =	simm.s32 $0x1000;
	s26 =	simm.s32 $0x0  }
0x31: {  	[tilespmem:s17], [sflag:$0x4] =	stream.linear.gather [hbm4b:s29+s1], $0x2710, $0x38;
	[tilespmem:$0x1BE00] =	vst v63  }
.LBB2_2:
0x32: {  	p0 =	sne.s32 s28, $0x1F000;
	[tilespmem:s26+$0x12180] =	vst v0  }
0x33: {  	[tilespmem:s26+$0x9E00] =	vst v0  }
0x34: {  	[tilespmem:s26+$0x11E00] =	vst v0  }
0x35: {  	[tilespmem:s26+$0x9E80] =	vst v0  }
0x36: {  	[tilespmem:s26+$0x11E80] =	vst v0  }
0x37: {  	[tilespmem:s26+$0x9F00] =	vst v0  }
0x38: {  	[tilespmem:s26+$0x11F00] =	vst v0  }
0x39: {  	[tilespmem:s26+$0x9F80] =	vst v0  }
0x3a: {  	[tilespmem:s26+$0x11F80] =	vst v0  }
0x3b: {  	[tilespmem:s26+$0xA000] =	vst v0  }
0x3c: {  	[tilespmem:s26+$0x12000] =	vst v0  }
.Ltmp0:
0x3d: {  	[tilespmem:s26+$0xA080] =	vst v0;
	(pc) =	sbr.rel @p0 .LBB2_2-.Ltmp0, $4  }
0x3e: {  	[tilespmem:s26+$0x12080] =	vst v0  }
0x3f: {  	[tilespmem:s26+$0xA100] =	vst v0  }
0x40: {  	[tilespmem:s26+$0x12100] =	vst v0  }
0x41: {  	[tilespmem:s26+$0xA180] =	vst v0;
	s26 =	sshra.s32 s28, $0x2;
	s28 =	sadd.s32 $0x1000, s28  }
0x42: {  	[tilespmem:s26+$0x12180] =	vst v0  }
0x43: {  	[tilespmem:s26+$0x9E00] =	vst v0  }
0x44: {  	[tilespmem:s26+$0x11E00] =	vst v0  }
0x45: {  	[tilespmem:s26+$0x9E80] =	vst v0  }
0x46: {  	[tilespmem:s26+$0x11E80] =	vst v0  }
0x47: {  	[tilespmem:s26+$0x9F00] =	vst v0  }
0x48: {  	[tilespmem:s26+$0x11F00] =	vst v0  }
0x49: {  	[tilespmem:s26+$0x9F80] =	vst v0  }
0x4a: {  	[tilespmem:s26+$0x11F80] =	vst v0  }
0x4b: {  	[tilespmem:s26+$0xA000] =	vst v0  }
0x4c: {  	[tilespmem:s26+$0x12000] =	vst v0  }
0x4d: {  	[tilespmem:s26+$0xA080] =	vst v0  }
0x4e: {  	[tilespmem:s26+$0x12080] =	vst v0  }
0x4f: {  	[tilespmem:s26+$0xA100] =	vst v0  }
0x50: {  	[tilespmem:s26+$0x12100] =	vst v0  }
0x51: {  	[tilespmem:s26+$0xA180] =	vst v0  }
0x52: {  	_ =	swait.ge [sflag:s18], $0x2710  }
0x53: {  	[sflag:s18] =	ssyncset.done $0x0  }
0x54: {  	[sflag:s18] =	ssyncadd.s32 $0xFFFFD8F0  }
0x55: {  	_ =	swait.ge [sflag:s19], $0x2710  }
0x56: {  	[sflag:s19] =	ssyncset.done $0x0  }
0x57: {  	s29 =	simm.s32 $0x0;
	[sflag:s19] =	ssyncadd.s32 $0xFFFFD8F0  }
0x58: {  	v3 =	vld [tilespmem:s29+$0x4F00];
	_ =	sdelay $0x1  }
0x59: {  	v4 =	vld [tilespmem:s29+$0x4F10]  }
0x5a: {  	v5 =	vld [tilespmem:s29+$0x40]  }
0x5b: {  	v6 =	vld [tilespmem:s29+$0x4F20]  }
0x5c: {  	v7 =	vld [tilespmem:s29+$0x4F30];
	v3 =	vshll.u32 v3, $0x7  }
0x5d: {  	v8 =	vld [tilespmem:s29+$0x0];
	v3 =	vor.u32 v1, v3  }
0x5e: {  	v9 =	vld [tilespmem:s29+$0x4F40];
	v4 =	vshll.u32 v4, $0x7  }
0x5f: {  	v10 =	vld [tilespmem:s29+$0x10];
	v4 =	vor.u32 v1, v4  }
0x60: {  	v11 =	vld [tilespmem:s29+$0x30];
	v6 =	vshll.u32 v6, $0x7  }
0x61: {  	v12 =	vld [tilespmem:s29+$0x20];
	v6 =	vor.u32 v1, v6  }
0x62: {  	v7 =	vshll.u32 v7, $0x7;
	[tilespmem:v3+s20+$0x0] =	vst.idx.add.f32.msk $0xffff, v8  }
0x63: {  	v7 =	vor.u32 v1, v7;
	[tilespmem:v3+s21+$0x0] =	vst.idx.add.f32.msk $0xffff, v2  }
0x64: {  	v3 =	vshll.u32 v9, $0x7;
	[tilespmem:v4+s20+$0x0] =	vst.idx.add.f32.msk $0xffff, v10  }
0x65: {  	v3 =	vor.u32 v1, v3;
	[tilespmem:v4+s21+$0x0] =	vst.idx.add.f32.msk $0xffff, v2  }
0x66: {  	[tilespmem:v6+s20+$0x0] =	vst.idx.add.f32.msk $0xffff, v12  }
0x67: {  	[tilespmem:v6+s21+$0x0] =	vst.idx.add.f32.msk $0xffff, v2  }
0x68: {  	[tilespmem:v7+s20+$0x0] =	vst.idx.add.f32.msk $0xffff, v11  }
0x69: {  	[tilespmem:v7+s21+$0x0] =	vst.idx.add.f32.msk $0xffff, v2  }
0x6a: {  	s26 =	simm.s32 $0x140;
	[tilespmem:v3+s20+$0x0] =	vst.idx.add.f32.msk $0xffff, v5  }
.LBB2_4:
0x6b: {  	s28 =	sshra.s32 s26, $0x2;
	p0 =	sne.s32 s26, $0x9B00;
	s26 =	sadd.s32 $0x140, s26;
	[tilespmem:v3+s21+$0x0] =	vst.idx.add.f32.msk $0xffff, v2  }
0x6c: {  	v3 =	vld [tilespmem:s28+$0x4F00];
	_ =	sdelay $0x1  }
0x6d: {  	v4 =	vld [tilespmem:s28+$0x4F10]  }
0x6e: {  	v5 =	vld [tilespmem:s28+$0x40]  }
0x6f: {  	v6 =	vld [tilespmem:s28+$0x4F20]  }
0x70: {  	v7 =	vld [tilespmem:s28+$0x4F30];
	v3 =	vshll.u32 v3, $0x7  }
0x71: {  	v8 =	vld [tilespmem:s28+$0x0];
	v3 =	vor.u32 v1, v3  }
0x72: {  	v9 =	vld [tilespmem:s28+$0x4F40];
	v4 =	vshll.u32 v4, $0x7  }
0x73: {  	v10 =	vld [tilespmem:s28+$0x10];
	v4 =	vor.u32 v1, v4  }
0x74: {  	v11 =	vld [tilespmem:s28+$0x30];
	v6 =	vshll.u32 v6, $0x7  }
0x75: {  	v12 =	vld [tilespmem:s28+$0x20];
	v6 =	vor.u32 v1, v6  }
0x76: {  	v7 =	vshll.u32 v7, $0x7;
	[tilespmem:v3+s20+$0x0] =	vst.idx.add.f32.msk $0xffff, v8  }
0x77: {  	v7 =	vor.u32 v1, v7;
	[tilespmem:v3+s21+$0x0] =	vst.idx.add.f32.msk $0xffff, v2;
	v3 =	vshll.u32 v9, $0x7  }
0x78: {  	[tilespmem:v4+s20+$0x0] =	vst.idx.add.f32.msk $0xffff, v10  }
0x79: {  	v3 =	vor.u32 v1, v3;
	[tilespmem:v4+s21+$0x0] =	vst.idx.add.f32.msk $0xffff, v2  }
.Ltmp1:
0x7a: {  	[tilespmem:v6+s20+$0x0] =	vst.idx.add.f32.msk $0xffff, v12;
	(pc) =	sbr.rel @p0 .LBB2_4-.Ltmp1, $4  }
0x7b: {  	[tilespmem:v6+s21+$0x0] =	vst.idx.add.f32.msk $0xffff, v2  }
0x7c: {  	[tilespmem:v7+s20+$0x0] =	vst.idx.add.f32.msk $0xffff, v11  }
0x7d: {  	[tilespmem:v7+s21+$0x0] =	vst.idx.add.f32.msk $0xffff, v2  }
0x7e: {  	[tilespmem:v3+s20+$0x0] =	vst.idx.add.f32.msk $0xffff, v5  }
0x7f: {  	_ =	sdelay $0x3  }
0x80: {  	[tilespmem:v3+s21+$0x0] =	vst.idx.add.f32.msk $0xffff, v2;
	s26 =	simm.s32 $0x0;
	s28 =	rddreg [dreg:$0x6]  }
0x81: {  	[tilespmem:s26], [sflag:$0x1] =	stream.linear.gather [hbm4b:s28+s26], $0x2710, $0x38;
	[tilespmem:$0x1BE00] =	vst v63  }
0x82: {  	s29 =	rddreg [dreg:$0x7]  }
0x83: {  	[tilespmem:s15], [sflag:$0x3] =	stream.linear.gather [hbm4b:s29+s26], $0x2710, $0x38;
	[tilespmem:$0x1BE00] =	vst v63  }
0x84: {  	_ =	swait.ge [sflag:s22], $0x2710  }
0x85: {  	[sflag:s22] =	ssyncset.done $0x0  }
0x86: {  	[sflag:s22] =	ssyncadd.s32 $0xFFFFD8F0  }
0x87: {  	_ =	swait.ge [sflag:s23], $0x2710  }
0x88: {  	[sflag:s23] =	ssyncset.done $0x0  }
0x89: {  	s29 =	simm.s32 $0x0;
	[sflag:s23] =	ssyncadd.s32 $0xFFFFD8F0  }
0x8a: {  	v3 =	vld [tilespmem:s29+$0x7680];
	_ =	sdelay $0x1  }
0x8b: {  	v4 =	vld [tilespmem:s29+$0x7690]  }
0x8c: {  	v5 =	vld [tilespmem:s29+$0x27C0]  }
0x8d: {  	v6 =	vld [tilespmem:s29+$0x76A0]  }
0x8e: {  	v7 =	vld [tilespmem:s29+$0x76B0];
	v3 =	vshll.u32 v3, $0x7  }
0x8f: {  	v8 =	vld [tilespmem:s29+$0x2780];
	v3 =	vor.u32 v1, v3  }
0x90: {  	v9 =	vld [tilespmem:s29+$0x76C0];
	v4 =	vshll.u32 v4, $0x7  }
0x91: {  	v10 =	vld [tilespmem:s29+$0x2790];
	v4 =	vor.u32 v1, v4  }
0x92: {  	v11 =	vld [tilespmem:s29+$0x27B0];
	v6 =	vshll.u32 v6, $0x7  }
0x93: {  	v12 =	vld [tilespmem:s29+$0x27A0];
	v6 =	vor.u32 v1, v6  }
0x94: {  	v7 =	vshll.u32 v7, $0x7;
	[tilespmem:v3+s20+$0x0] =	vst.idx.add.f32.msk $0xffff, v8  }
0x95: {  	v7 =	vor.u32 v1, v7;
	[tilespmem:v3+s21+$0x0] =	vst.idx.add.f32.msk $0xffff, v2  }
0x96: {  	v3 =	vshll.u32 v9, $0x7;
	[tilespmem:v4+s20+$0x0] =	vst.idx.add.f32.msk $0xffff, v10  }
0x97: {  	v3 =	vor.u32 v1, v3;
	[tilespmem:v4+s21+$0x0] =	vst.idx.add.f32.msk $0xffff, v2  }
0x98: {  	[tilespmem:v6+s20+$0x0] =	vst.idx.add.f32.msk $0xffff, v12  }
0x99: {  	[tilespmem:v6+s21+$0x0] =	vst.idx.add.f32.msk $0xffff, v2  }
0x9a: {  	[tilespmem:v7+s20+$0x0] =	vst.idx.add.f32.msk $0xffff, v11  }
0x9b: {  	[tilespmem:v7+s21+$0x0] =	vst.idx.add.f32.msk $0xffff, v2  }
0x9c: {  	s26 =	simm.s32 $0x140;
	[tilespmem:v3+s20+$0x0] =	vst.idx.add.f32.msk $0xffff, v5  }
.LBB2_6:
0x9d: {  	s28 =	sshra.s32 s26, $0x2;
	p0 =	sne.s32 s26, $0x9B00;
	s26 =	sadd.s32 $0x140, s26;
	[tilespmem:v3+s21+$0x0] =	vst.idx.add.f32.msk $0xffff, v2  }
0x9e: {  	v3 =	vld [tilespmem:s28+$0x7680];
	_ =	sdelay $0x1  }
0x9f: {  	v4 =	vld [tilespmem:s28+$0x7690]  }
0xa0: {  	v5 =	vld [tilespmem:s28+$0x27C0]  }
0xa1: {  	v6 =	vld [tilespmem:s28+$0x76A0]  }
0xa2: {  	v7 =	vld [tilespmem:s28+$0x76B0];
	v3 =	vshll.u32 v3, $0x7  }
0xa3: {  	v8 =	vld [tilespmem:s28+$0x2780];
	v3 =	vor.u32 v1, v3  }
0xa4: {  	v9 =	vld [tilespmem:s28+$0x76C0];
	v4 =	vshll.u32 v4, $0x7  }
0xa5: {  	v10 =	vld [tilespmem:s28+$0x2790];
	v4 =	vor.u32 v1, v4  }
0xa6: {  	v11 =	vld [tilespmem:s28+$0x27B0];
	v6 =	vshll.u32 v6, $0x7  }
0xa7: {  	v12 =	vld [tilespmem:s28+$0x27A0];
	v6 =	vor.u32 v1, v6  }
0xa8: {  	v7 =	vshll.u32 v7, $0x7;
	[tilespmem:v3+s20+$0x0] =	vst.idx.add.f32.msk $0xffff, v8  }
0xa9: {  	v7 =	vor.u32 v1, v7;
	[tilespmem:v3+s21+$0x0] =	vst.idx.add.f32.msk $0xffff, v2;
	v3 =	vshll.u32 v9, $0x7  }
0xaa: {  	[tilespmem:v4+s20+$0x0] =	vst.idx.add.f32.msk $0xffff, v10  }
0xab: {  	v3 =	vor.u32 v1, v3;
	[tilespmem:v4+s21+$0x0] =	vst.idx.add.f32.msk $0xffff, v2  }
.Ltmp2:
0xac: {  	[tilespmem:v6+s20+$0x0] =	vst.idx.add.f32.msk $0xffff, v12;
	(pc) =	sbr.rel @p0 .LBB2_6-.Ltmp2, $4  }
0xad: {  	[tilespmem:v6+s21+$0x0] =	vst.idx.add.f32.msk $0xffff, v2  }
0xae: {  	[tilespmem:v7+s20+$0x0] =	vst.idx.add.f32.msk $0xffff, v11  }
0xaf: {  	[tilespmem:v7+s21+$0x0] =	vst.idx.add.f32.msk $0xffff, v2  }
0xb0: {  	[tilespmem:v3+s20+$0x0] =	vst.idx.add.f32.msk $0xffff, v5  }
0xb1: {  	_ =	sdelay $0x3  }
0xb2: {  	[tilespmem:v3+s21+$0x0] =	vst.idx.add.f32.msk $0xffff, v2;
	s26 =	simm.s32 $0x0;
	s28 =	rddreg [dreg:$0x8]  }
0xb3: {  	[tilespmem:s16], [sflag:$0x2] =	stream.linear.gather [hbm4b:s28+s26], $0x2710, $0x38;
	[tilespmem:$0x1BE00] =	vst v63  }
0xb4: {  	s29 =	rddreg [dreg:$0x9]  }
0xb5: {  	[tilespmem:s17], [sflag:$0x4] =	stream.linear.gather [hbm4b:s29+s26], $0x2710, $0x38;
	[tilespmem:$0x1BE00] =	vst v63  }
0xb6: {  	_ =	swait.ge [sflag:s18], $0x2710  }
0xb7: {  	[sflag:s18] =	ssyncset.done $0x0  }
0xb8: {  	[sflag:s18] =	ssyncadd.s32 $0xFFFFD8F0  }
0xb9: {  	_ =	swait.ge [sflag:s19], $0x2710  }
0xba: {  	[sflag:s19] =	ssyncset.done $0x0  }
0xbb: {  	s29 =	simm.s32 $0x0;
	[sflag:s19] =	ssyncadd.s32 $0xFFFFD8F0  }
0xbc: {  	v3 =	vld [tilespmem:s29+$0x4F00];
	_ =	sdelay $0x1  }
0xbd: {  	v4 =	vld [tilespmem:s29+$0x4F10]  }
0xbe: {  	v5 =	vld [tilespmem:s29+$0x40]  }
0xbf: {  	v6 =	vld [tilespmem:s29+$0x4F20]  }
0xc0: {  	v7 =	vld [tilespmem:s29+$0x4F30];
	v3 =	vshll.u32 v3, $0x7  }
0xc1: {  	v8 =	vld [tilespmem:s29+$0x0];
	v3 =	vor.u32 v1, v3  }
0xc2: {  	v9 =	vld [tilespmem:s29+$0x4F40];
	v4 =	vshll.u32 v4, $0x7  }
0xc3: {  	v10 =	vld [tilespmem:s29+$0x10];
	v4 =	vor.u32 v1, v4  }
0xc4: {  	v11 =	vld [tilespmem:s29+$0x30];
	v6 =	vshll.u32 v6, $0x7  }
0xc5: {  	v12 =	vld [tilespmem:s29+$0x20];
	v6 =	vor.u32 v1, v6  }
0xc6: {  	v7 =	vshll.u32 v7, $0x7;
	[tilespmem:v3+s20+$0x0] =	vst.idx.add.f32.msk $0xffff, v8  }
0xc7: {  	v7 =	vor.u32 v1, v7;
	[tilespmem:v3+s21+$0x0] =	vst.idx.add.f32.msk $0xffff, v2  }
0xc8: {  	v3 =	vshll.u32 v9, $0x7;
	[tilespmem:v4+s20+$0x0] =	vst.idx.add.f32.msk $0xffff, v10  }
0xc9: {  	v3 =	vor.u32 v1, v3;
	[tilespmem:v4+s21+$0x0] =	vst.idx.add.f32.msk $0xffff, v2  }
0xca: {  	[tilespmem:v6+s20+$0x0] =	vst.idx.add.f32.msk $0xffff, v12  }
0xcb: {  	[tilespmem:v6+s21+$0x0] =	vst.idx.add.f32.msk $0xffff, v2  }
0xcc: {  	[tilespmem:v7+s20+$0x0] =	vst.idx.add.f32.msk $0xffff, v11  }
0xcd: {  	[tilespmem:v7+s21+$0x0] =	vst.idx.add.f32.msk $0xffff, v2  }
0xce: {  	s26 =	simm.s32 $0x140;
	[tilespmem:v3+s20+$0x0] =	vst.idx.add.f32.msk $0xffff, v5  }
.LBB2_8:
0xcf: {  	s28 =	sshra.s32 s26, $0x2;
	p0 =	sne.s32 s26, $0x9B00;
	s26 =	sadd.s32 $0x140, s26;
	[tilespmem:v3+s21+$0x0] =	vst.idx.add.f32.msk $0xffff, v2  }
0xd0: {  	v3 =	vld [tilespmem:s28+$0x4F00];
	_ =	sdelay $0x1  }
0xd1: {  	v4 =	vld [tilespmem:s28+$0x4F10]  }
0xd2: {  	v5 =	vld [tilespmem:s28+$0x40]  }
0xd3: {  	v6 =	vld [tilespmem:s28+$0x4F20]  }
0xd4: {  	v7 =	vld [tilespmem:s28+$0x4F30];
	v3 =	vshll.u32 v3, $0x7  }
0xd5: {  	v8 =	vld [tilespmem:s28+$0x0];
	v3 =	vor.u32 v1, v3  }
0xd6: {  	v9 =	vld [tilespmem:s28+$0x4F40];
	v4 =	vshll.u32 v4, $0x7  }
0xd7: {  	v10 =	vld [tilespmem:s28+$0x10];
	v4 =	vor.u32 v1, v4  }
0xd8: {  	v11 =	vld [tilespmem:s28+$0x30];
	v6 =	vshll.u32 v6, $0x7  }
0xd9: {  	v12 =	vld [tilespmem:s28+$0x20];
	v6 =	vor.u32 v1, v6  }
0xda: {  	v7 =	vshll.u32 v7, $0x7;
	[tilespmem:v3+s20+$0x0] =	vst.idx.add.f32.msk $0xffff, v8  }
0xdb: {  	v7 =	vor.u32 v1, v7;
	[tilespmem:v3+s21+$0x0] =	vst.idx.add.f32.msk $0xffff, v2;
	v3 =	vshll.u32 v9, $0x7  }
0xdc: {  	[tilespmem:v4+s20+$0x0] =	vst.idx.add.f32.msk $0xffff, v10  }
0xdd: {  	v3 =	vor.u32 v1, v3;
	[tilespmem:v4+s21+$0x0] =	vst.idx.add.f32.msk $0xffff, v2  }
.Ltmp3:
0xde: {  	[tilespmem:v6+s20+$0x0] =	vst.idx.add.f32.msk $0xffff, v12;
	(pc) =	sbr.rel @p0 .LBB2_8-.Ltmp3, $4  }
0xdf: {  	[tilespmem:v6+s21+$0x0] =	vst.idx.add.f32.msk $0xffff, v2  }
0xe0: {  	[tilespmem:v7+s20+$0x0] =	vst.idx.add.f32.msk $0xffff, v11  }
0xe1: {  	[tilespmem:v7+s21+$0x0] =	vst.idx.add.f32.msk $0xffff, v2  }
0xe2: {  	[tilespmem:v3+s20+$0x0] =	vst.idx.add.f32.msk $0xffff, v5  }
0xe3: {  	_ =	sdelay $0x3  }
0xe4: {  	[tilespmem:v3+s21+$0x0] =	vst.idx.add.f32.msk $0xffff, v2;
	s26 =	simm.s32 $0x0;
	s28 =	rddreg [dreg:$0xa]  }
0xe5: {  	[tilespmem:s26], [sflag:$0x1] =	stream.linear.gather [hbm4b:s28+s26], $0x2710, $0x38;
	[tilespmem:$0x1BE00] =	vst v63  }
0xe6: {  	s29 =	rddreg [dreg:$0xb]  }
0xe7: {  	[tilespmem:s15], [sflag:$0x3] =	stream.linear.gather [hbm4b:s29+s26], $0x2710, $0x38;
	[tilespmem:$0x1BE00] =	vst v63  }
0xe8: {  	_ =	swait.ge [sflag:s22], $0x2710  }
0xe9: {  	[sflag:s22] =	ssyncset.done $0x0  }
0xea: {  	[sflag:s22] =	ssyncadd.s32 $0xFFFFD8F0  }
0xeb: {  	_ =	swait.ge [sflag:s23], $0x2710  }
0xec: {  	[sflag:s23] =	ssyncset.done $0x0  }
0xed: {  	s29 =	simm.s32 $0x0;
	[sflag:s23] =	ssyncadd.s32 $0xFFFFD8F0  }
0xee: {  	v3 =	vld [tilespmem:s29+$0x7680];
	_ =	sdelay $0x1  }
0xef: {  	v4 =	vld [tilespmem:s29+$0x7690]  }
0xf0: {  	v5 =	vld [tilespmem:s29+$0x27C0]  }
0xf1: {  	v6 =	vld [tilespmem:s29+$0x76A0]  }
0xf2: {  	v7 =	vld [tilespmem:s29+$0x76B0];
	v3 =	vshll.u32 v3, $0x7  }
0xf3: {  	v8 =	vld [tilespmem:s29+$0x2780];
	v3 =	vor.u32 v1, v3  }
0xf4: {  	v9 =	vld [tilespmem:s29+$0x76C0];
	v4 =	vshll.u32 v4, $0x7  }
0xf5: {  	v10 =	vld [tilespmem:s29+$0x2790];
	v4 =	vor.u32 v1, v4  }
0xf6: {  	v11 =	vld [tilespmem:s29+$0x27B0];
	v6 =	vshll.u32 v6, $0x7  }
0xf7: {  	v12 =	vld [tilespmem:s29+$0x27A0];
	v6 =	vor.u32 v1, v6  }
0xf8: {  	v7 =	vshll.u32 v7, $0x7;
	[tilespmem:v3+s20+$0x0] =	vst.idx.add.f32.msk $0xffff, v8  }
0xf9: {  	v7 =	vor.u32 v1, v7;
	[tilespmem:v3+s21+$0x0] =	vst.idx.add.f32.msk $0xffff, v2  }
0xfa: {  	v3 =	vshll.u32 v9, $0x7;
	[tilespmem:v4+s20+$0x0] =	vst.idx.add.f32.msk $0xffff, v10  }
0xfb: {  	v3 =	vor.u32 v1, v3;
	[tilespmem:v4+s21+$0x0] =	vst.idx.add.f32.msk $0xffff, v2  }
0xfc: {  	[tilespmem:v6+s20+$0x0] =	vst.idx.add.f32.msk $0xffff, v12  }
0xfd: {  	[tilespmem:v6+s21+$0x0] =	vst.idx.add.f32.msk $0xffff, v2  }
0xfe: {  	[tilespmem:v7+s20+$0x0] =	vst.idx.add.f32.msk $0xffff, v11  }
0xff: {  	[tilespmem:v7+s21+$0x0] =	vst.idx.add.f32.msk $0xffff, v2  }
0x100: {  	s26 =	simm.s32 $0x140;
	[tilespmem:v3+s20+$0x0] =	vst.idx.add.f32.msk $0xffff, v5  }
.LBB2_10:
0x101: {  	s28 =	sshra.s32 s26, $0x2;
	p0 =	sne.s32 s26, $0x9B00;
	s26 =	sadd.s32 $0x140, s26;
	[tilespmem:v3+s21+$0x0] =	vst.idx.add.f32.msk $0xffff, v2  }
0x102: {  	v3 =	vld [tilespmem:s28+$0x7680];
	_ =	sdelay $0x1  }
0x103: {  	v4 =	vld [tilespmem:s28+$0x7690]  }
0x104: {  	v5 =	vld [tilespmem:s28+$0x27C0]  }
0x105: {  	v6 =	vld [tilespmem:s28+$0x76A0]  }
0x106: {  	v7 =	vld [tilespmem:s28+$0x76B0];
	v3 =	vshll.u32 v3, $0x7  }
0x107: {  	v8 =	vld [tilespmem:s28+$0x2780];
	v3 =	vor.u32 v1, v3  }
0x108: {  	v9 =	vld [tilespmem:s28+$0x76C0];
	v4 =	vshll.u32 v4, $0x7  }
0x109: {  	v10 =	vld [tilespmem:s28+$0x2790];
	v4 =	vor.u32 v1, v4  }
0x10a: {  	v11 =	vld [tilespmem:s28+$0x27B0];
	v6 =	vshll.u32 v6, $0x7  }
0x10b: {  	v12 =	vld [tilespmem:s28+$0x27A0];
	v6 =	vor.u32 v1, v6  }
0x10c: {  	v7 =	vshll.u32 v7, $0x7;
	[tilespmem:v3+s20+$0x0] =	vst.idx.add.f32.msk $0xffff, v8  }
0x10d: {  	v7 =	vor.u32 v1, v7;
	[tilespmem:v3+s21+$0x0] =	vst.idx.add.f32.msk $0xffff, v2;
	v3 =	vshll.u32 v9, $0x7  }
0x10e: {  	[tilespmem:v4+s20+$0x0] =	vst.idx.add.f32.msk $0xffff, v10  }
0x10f: {  	v3 =	vor.u32 v1, v3;
	[tilespmem:v4+s21+$0x0] =	vst.idx.add.f32.msk $0xffff, v2  }
.Ltmp4:
0x110: {  	[tilespmem:v6+s20+$0x0] =	vst.idx.add.f32.msk $0xffff, v12;
	(pc) =	sbr.rel @p0 .LBB2_10-.Ltmp4, $4  }
0x111: {  	[tilespmem:v6+s21+$0x0] =	vst.idx.add.f32.msk $0xffff, v2  }
0x112: {  	[tilespmem:v7+s20+$0x0] =	vst.idx.add.f32.msk $0xffff, v11  }
0x113: {  	[tilespmem:v7+s21+$0x0] =	vst.idx.add.f32.msk $0xffff, v2  }
0x114: {  	[tilespmem:v3+s20+$0x0] =	vst.idx.add.f32.msk $0xffff, v5  }
0x115: {  	_ =	sdelay $0x3  }
0x116: {  	[tilespmem:v3+s21+$0x0] =	vst.idx.add.f32.msk $0xffff, v2;
	s26 =	simm.s32 $0x0;
	s28 =	rddreg [dreg:$0xc]  }
0x117: {  	[tilespmem:s16], [sflag:$0x2] =	stream.linear.gather [hbm4b:s28+s26], $0x2710, $0x38;
	[tilespmem:$0x1BE00] =	vst v63  }
0x118: {  	s29 =	rddreg [dreg:$0xd]  }
0x119: {  	[tilespmem:s17], [sflag:$0x4] =	stream.linear.gather [hbm4b:s29+s26], $0x2710, $0x38;
	[tilespmem:$0x1BE00] =	vst v63  }
0x11a: {  	_ =	swait.ge [sflag:s18], $0x2710  }
0x11b: {  	[sflag:s18] =	ssyncset.done $0x0  }
0x11c: {  	[sflag:s18] =	ssyncadd.s32 $0xFFFFD8F0  }
0x11d: {  	_ =	swait.ge [sflag:s19], $0x2710  }
0x11e: {  	[sflag:s19] =	ssyncset.done $0x0  }
0x11f: {  	s29 =	simm.s32 $0x0;
	[sflag:s19] =	ssyncadd.s32 $0xFFFFD8F0  }
0x120: {  	v3 =	vld [tilespmem:s29+$0x4F00];
	_ =	sdelay $0x1  }
0x121: {  	v4 =	vld [tilespmem:s29+$0x4F10]  }
0x122: {  	v5 =	vld [tilespmem:s29+$0x40]  }
0x123: {  	v6 =	vld [tilespmem:s29+$0x4F20]  }
0x124: {  	v7 =	vld [tilespmem:s29+$0x4F30];
	v3 =	vshll.u32 v3, $0x7  }
0x125: {  	v8 =	vld [tilespmem:s29+$0x0];
	v3 =	vor.u32 v1, v3  }
0x126: {  	v9 =	vld [tilespmem:s29+$0x4F40];
	v4 =	vshll.u32 v4, $0x7  }
0x127: {  	v10 =	vld [tilespmem:s29+$0x10];
	v4 =	vor.u32 v1, v4  }
0x128: {  	v11 =	vld [tilespmem:s29+$0x30];
	v6 =	vshll.u32 v6, $0x7  }
0x129: {  	v12 =	vld [tilespmem:s29+$0x20];
	v6 =	vor.u32 v1, v6  }
0x12a: {  	v7 =	vshll.u32 v7, $0x7;
	[tilespmem:v3+s20+$0x0] =	vst.idx.add.f32.msk $0xffff, v8  }
0x12b: {  	v7 =	vor.u32 v1, v7;
	[tilespmem:v3+s21+$0x0] =	vst.idx.add.f32.msk $0xffff, v2  }
0x12c: {  	v3 =	vshll.u32 v9, $0x7;
	[tilespmem:v4+s20+$0x0] =	vst.idx.add.f32.msk $0xffff, v10  }
0x12d: {  	v3 =	vor.u32 v1, v3;
	[tilespmem:v4+s21+$0x0] =	vst.idx.add.f32.msk $0xffff, v2  }
0x12e: {  	[tilespmem:v6+s20+$0x0] =	vst.idx.add.f32.msk $0xffff, v12  }
0x12f: {  	[tilespmem:v6+s21+$0x0] =	vst.idx.add.f32.msk $0xffff, v2  }
0x130: {  	[tilespmem:v7+s20+$0x0] =	vst.idx.add.f32.msk $0xffff, v11  }
0x131: {  	[tilespmem:v7+s21+$0x0] =	vst.idx.add.f32.msk $0xffff, v2  }
0x132: {  	s26 =	simm.s32 $0x140;
	[tilespmem:v3+s20+$0x0] =	vst.idx.add.f32.msk $0xffff, v5  }
.LBB2_12:
0x133: {  	s28 =	sshra.s32 s26, $0x2;
	p0 =	sne.s32 s26, $0x9B00;
	s26 =	sadd.s32 $0x140, s26;
	[tilespmem:v3+s21+$0x0] =	vst.idx.add.f32.msk $0xffff, v2  }
0x134: {  	v3 =	vld [tilespmem:s28+$0x4F00];
	_ =	sdelay $0x1  }
0x135: {  	v4 =	vld [tilespmem:s28+$0x4F10]  }
0x136: {  	v5 =	vld [tilespmem:s28+$0x40]  }
0x137: {  	v6 =	vld [tilespmem:s28+$0x4F20]  }
0x138: {  	v7 =	vld [tilespmem:s28+$0x4F30];
	v3 =	vshll.u32 v3, $0x7  }
0x139: {  	v8 =	vld [tilespmem:s28+$0x0];
	v3 =	vor.u32 v1, v3  }
0x13a: {  	v9 =	vld [tilespmem:s28+$0x4F40];
	v4 =	vshll.u32 v4, $0x7  }
0x13b: {  	v10 =	vld [tilespmem:s28+$0x10];
	v4 =	vor.u32 v1, v4  }
0x13c: {  	v11 =	vld [tilespmem:s28+$0x30];
	v6 =	vshll.u32 v6, $0x7  }
0x13d: {  	v12 =	vld [tilespmem:s28+$0x20];
	v6 =	vor.u32 v1, v6  }
0x13e: {  	v7 =	vshll.u32 v7, $0x7;
	[tilespmem:v3+s20+$0x0] =	vst.idx.add.f32.msk $0xffff, v8  }
0x13f: {  	v7 =	vor.u32 v1, v7;
	[tilespmem:v3+s21+$0x0] =	vst.idx.add.f32.msk $0xffff, v2;
	v3 =	vshll.u32 v9, $0x7  }
0x140: {  	[tilespmem:v4+s20+$0x0] =	vst.idx.add.f32.msk $0xffff, v10  }
0x141: {  	v3 =	vor.u32 v1, v3;
	[tilespmem:v4+s21+$0x0] =	vst.idx.add.f32.msk $0xffff, v2  }
.Ltmp5:
0x142: {  	[tilespmem:v6+s20+$0x0] =	vst.idx.add.f32.msk $0xffff, v12;
	(pc) =	sbr.rel @p0 .LBB2_12-.Ltmp5, $4  }
0x143: {  	[tilespmem:v6+s21+$0x0] =	vst.idx.add.f32.msk $0xffff, v2  }
0x144: {  	[tilespmem:v7+s20+$0x0] =	vst.idx.add.f32.msk $0xffff, v11  }
0x145: {  	[tilespmem:v7+s21+$0x0] =	vst.idx.add.f32.msk $0xffff, v2  }
0x146: {  	[tilespmem:v3+s20+$0x0] =	vst.idx.add.f32.msk $0xffff, v5  }
0x147: {  	_ =	sdelay $0x3  }
0x148: {  	[tilespmem:v3+s21+$0x0] =	vst.idx.add.f32.msk $0xffff, v2;
	s26 =	simm.s32 $0x0;
	s28 =	rddreg [dreg:$0xe]  }
0x149: {  	[tilespmem:s26], [sflag:$0x1] =	stream.linear.gather [hbm4b:s28+s26], $0x2710, $0x38;
	[tilespmem:$0x1BE00] =	vst v63  }
0x14a: {  	s29 =	rddreg [dreg:$0xf]  }
0x14b: {  	[tilespmem:s15], [sflag:$0x3] =	stream.linear.gather [hbm4b:s29+s26], $0x2710, $0x38;
	[tilespmem:$0x1BE00] =	vst v63  }
0x14c: {  	_ =	swait.ge [sflag:s22], $0x2710  }
0x14d: {  	[sflag:s22] =	ssyncset.done $0x0  }
0x14e: {  	[sflag:s22] =	ssyncadd.s32 $0xFFFFD8F0  }
0x14f: {  	_ =	swait.ge [sflag:s23], $0x2710  }
0x150: {  	[sflag:s23] =	ssyncset.done $0x0  }
0x151: {  	s29 =	simm.s32 $0x0;
	[sflag:s23] =	ssyncadd.s32 $0xFFFFD8F0  }
0x152: {  	v3 =	vld [tilespmem:s29+$0x7680];
	_ =	sdelay $0x1  }
0x153: {  	v4 =	vld [tilespmem:s29+$0x7690]  }
0x154: {  	v5 =	vld [tilespmem:s29+$0x27C0]  }
0x155: {  	v6 =	vld [tilespmem:s29+$0x76A0]  }
0x156: {  	v7 =	vld [tilespmem:s29+$0x76B0];
	v3 =	vshll.u32 v3, $0x7  }
0x157: {  	v8 =	vld [tilespmem:s29+$0x2780];
	v3 =	vor.u32 v1, v3  }
0x158: {  	v9 =	vld [tilespmem:s29+$0x76C0];
	v4 =	vshll.u32 v4, $0x7  }
0x159: {  	v10 =	vld [tilespmem:s29+$0x2790];
	v4 =	vor.u32 v1, v4  }
0x15a: {  	v11 =	vld [tilespmem:s29+$0x27B0];
	v6 =	vshll.u32 v6, $0x7  }
0x15b: {  	v12 =	vld [tilespmem:s29+$0x27A0];
	v6 =	vor.u32 v1, v6  }
0x15c: {  	v7 =	vshll.u32 v7, $0x7;
	[tilespmem:v3+s20+$0x0] =	vst.idx.add.f32.msk $0xffff, v8  }
0x15d: {  	v7 =	vor.u32 v1, v7;
	[tilespmem:v3+s21+$0x0] =	vst.idx.add.f32.msk $0xffff, v2  }
0x15e: {  	v3 =	vshll.u32 v9, $0x7;
	[tilespmem:v4+s20+$0x0] =	vst.idx.add.f32.msk $0xffff, v10  }
0x15f: {  	v3 =	vor.u32 v1, v3;
	[tilespmem:v4+s21+$0x0] =	vst.idx.add.f32.msk $0xffff, v2  }
0x160: {  	[tilespmem:v6+s20+$0x0] =	vst.idx.add.f32.msk $0xffff, v12  }
0x161: {  	[tilespmem:v6+s21+$0x0] =	vst.idx.add.f32.msk $0xffff, v2  }
0x162: {  	[tilespmem:v7+s20+$0x0] =	vst.idx.add.f32.msk $0xffff, v11  }
0x163: {  	[tilespmem:v7+s21+$0x0] =	vst.idx.add.f32.msk $0xffff, v2  }
0x164: {  	s26 =	simm.s32 $0x140;
	[tilespmem:v3+s20+$0x0] =	vst.idx.add.f32.msk $0xffff, v5  }
.LBB2_14:
0x165: {  	s28 =	sshra.s32 s26, $0x2;
	p0 =	sne.s32 s26, $0x9B00;
	s26 =	sadd.s32 $0x140, s26;
	[tilespmem:v3+s21+$0x0] =	vst.idx.add.f32.msk $0xffff, v2  }
0x166: {  	v3 =	vld [tilespmem:s28+$0x7680];
	_ =	sdelay $0x1  }
0x167: {  	v4 =	vld [tilespmem:s28+$0x7690]  }
0x168: {  	v5 =	vld [tilespmem:s28+$0x27C0]  }
0x169: {  	v6 =	vld [tilespmem:s28+$0x76A0]  }
0x16a: {  	v7 =	vld [tilespmem:s28+$0x76B0];
	v3 =	vshll.u32 v3, $0x7  }
0x16b: {  	v8 =	vld [tilespmem:s28+$0x2780];
	v3 =	vor.u32 v1, v3  }
0x16c: {  	v9 =	vld [tilespmem:s28+$0x76C0];
	v4 =	vshll.u32 v4, $0x7  }
0x16d: {  	v10 =	vld [tilespmem:s28+$0x2790];
	v4 =	vor.u32 v1, v4  }
0x16e: {  	v11 =	vld [tilespmem:s28+$0x27B0];
	v6 =	vshll.u32 v6, $0x7  }
0x16f: {  	v12 =	vld [tilespmem:s28+$0x27A0];
	v6 =	vor.u32 v1, v6  }
0x170: {  	v7 =	vshll.u32 v7, $0x7;
	[tilespmem:v3+s20+$0x0] =	vst.idx.add.f32.msk $0xffff, v8  }
0x171: {  	v7 =	vor.u32 v1, v7;
	[tilespmem:v3+s21+$0x0] =	vst.idx.add.f32.msk $0xffff, v2;
	v3 =	vshll.u32 v9, $0x7  }
0x172: {  	[tilespmem:v4+s20+$0x0] =	vst.idx.add.f32.msk $0xffff, v10  }
0x173: {  	v3 =	vor.u32 v1, v3;
	[tilespmem:v4+s21+$0x0] =	vst.idx.add.f32.msk $0xffff, v2  }
.Ltmp6:
0x174: {  	[tilespmem:v6+s20+$0x0] =	vst.idx.add.f32.msk $0xffff, v12;
	(pc) =	sbr.rel @p0 .LBB2_14-.Ltmp6, $4  }
0x175: {  	[tilespmem:v6+s21+$0x0] =	vst.idx.add.f32.msk $0xffff, v2  }
0x176: {  	[tilespmem:v7+s20+$0x0] =	vst.idx.add.f32.msk $0xffff, v11  }
0x177: {  	[tilespmem:v7+s21+$0x0] =	vst.idx.add.f32.msk $0xffff, v2  }
0x178: {  	[tilespmem:v3+s20+$0x0] =	vst.idx.add.f32.msk $0xffff, v5  }
0x179: {  	_ =	sdelay $0x3  }
0x17a: {  	[tilespmem:v3+s21+$0x0] =	vst.idx.add.f32.msk $0xffff, v2;
	s26 =	simm.s32 $0x0;
	s28 =	rddreg [dreg:$0x10]  }
0x17b: {  	[tilespmem:s16], [sflag:$0x2] =	stream.linear.gather [hbm4b:s28+s26], $0x2710, $0x38;
	[tilespmem:$0x1BE00] =	vst v63  }
0x17c: {  	s29 =	rddreg [dreg:$0x11]  }
0x17d: {  	[tilespmem:s17], [sflag:$0x4] =	stream.linear.gather [hbm4b:s29+s26], $0x2710, $0x38;
	[tilespmem:$0x1BE00] =	vst v63  }
0x17e: {  	_ =	swait.ge [sflag:s18], $0x2710  }
0x17f: {  	[sflag:s18] =	ssyncset.done $0x0  }
0x180: {  	[sflag:s18] =	ssyncadd.s32 $0xFFFFD8F0  }
0x181: {  	_ =	swait.ge [sflag:s19], $0x2710  }
0x182: {  	[sflag:s19] =	ssyncset.done $0x0  }
0x183: {  	s29 =	simm.s32 $0x0;
	[sflag:s19] =	ssyncadd.s32 $0xFFFFD8F0  }
0x184: {  	v3 =	vld [tilespmem:s29+$0x4F00];
	_ =	sdelay $0x1  }
0x185: {  	v4 =	vld [tilespmem:s29+$0x4F10]  }
0x186: {  	v5 =	vld [tilespmem:s29+$0x40]  }
0x187: {  	v6 =	vld [tilespmem:s29+$0x4F20]  }
0x188: {  	v7 =	vld [tilespmem:s29+$0x4F30];
	v3 =	vshll.u32 v3, $0x7  }
0x189: {  	v8 =	vld [tilespmem:s29+$0x0];
	v3 =	vor.u32 v1, v3  }
0x18a: {  	v9 =	vld [tilespmem:s29+$0x4F40];
	v4 =	vshll.u32 v4, $0x7  }
0x18b: {  	v10 =	vld [tilespmem:s29+$0x10];
	v4 =	vor.u32 v1, v4  }
0x18c: {  	v11 =	vld [tilespmem:s29+$0x30];
	v6 =	vshll.u32 v6, $0x7  }
0x18d: {  	v12 =	vld [tilespmem:s29+$0x20];
	v6 =	vor.u32 v1, v6  }
0x18e: {  	v7 =	vshll.u32 v7, $0x7;
	[tilespmem:v3+s20+$0x0] =	vst.idx.add.f32.msk $0xffff, v8  }
0x18f: {  	v7 =	vor.u32 v1, v7;
	[tilespmem:v3+s21+$0x0] =	vst.idx.add.f32.msk $0xffff, v2  }
0x190: {  	v3 =	vshll.u32 v9, $0x7;
	[tilespmem:v4+s20+$0x0] =	vst.idx.add.f32.msk $0xffff, v10  }
0x191: {  	v3 =	vor.u32 v1, v3;
	[tilespmem:v4+s21+$0x0] =	vst.idx.add.f32.msk $0xffff, v2  }
0x192: {  	[tilespmem:v6+s20+$0x0] =	vst.idx.add.f32.msk $0xffff, v12  }
0x193: {  	[tilespmem:v6+s21+$0x0] =	vst.idx.add.f32.msk $0xffff, v2  }
0x194: {  	[tilespmem:v7+s20+$0x0] =	vst.idx.add.f32.msk $0xffff, v11  }
0x195: {  	[tilespmem:v7+s21+$0x0] =	vst.idx.add.f32.msk $0xffff, v2  }
0x196: {  	s26 =	simm.s32 $0x140;
	[tilespmem:v3+s20+$0x0] =	vst.idx.add.f32.msk $0xffff, v5  }
.LBB2_16:
0x197: {  	s28 =	sshra.s32 s26, $0x2;
	p0 =	sne.s32 s26, $0x9B00;
	s26 =	sadd.s32 $0x140, s26;
	[tilespmem:v3+s21+$0x0] =	vst.idx.add.f32.msk $0xffff, v2  }
0x198: {  	v3 =	vld [tilespmem:s28+$0x4F00];
	_ =	sdelay $0x1  }
0x199: {  	v4 =	vld [tilespmem:s28+$0x4F10]  }
0x19a: {  	v5 =	vld [tilespmem:s28+$0x40]  }
0x19b: {  	v6 =	vld [tilespmem:s28+$0x4F20]  }
0x19c: {  	v7 =	vld [tilespmem:s28+$0x4F30];
	v3 =	vshll.u32 v3, $0x7  }
0x19d: {  	v8 =	vld [tilespmem:s28+$0x0];
	v3 =	vor.u32 v1, v3  }
0x19e: {  	v9 =	vld [tilespmem:s28+$0x4F40];
	v4 =	vshll.u32 v4, $0x7  }
0x19f: {  	v10 =	vld [tilespmem:s28+$0x10];
	v4 =	vor.u32 v1, v4  }
0x1a0: {  	v11 =	vld [tilespmem:s28+$0x30];
	v6 =	vshll.u32 v6, $0x7  }
0x1a1: {  	v12 =	vld [tilespmem:s28+$0x20];
	v6 =	vor.u32 v1, v6  }
0x1a2: {  	v7 =	vshll.u32 v7, $0x7;
	[tilespmem:v3+s20+$0x0] =	vst.idx.add.f32.msk $0xffff, v8  }
0x1a3: {  	v7 =	vor.u32 v1, v7;
	[tilespmem:v3+s21+$0x0] =	vst.idx.add.f32.msk $0xffff, v2;
	v3 =	vshll.u32 v9, $0x7  }
0x1a4: {  	[tilespmem:v4+s20+$0x0] =	vst.idx.add.f32.msk $0xffff, v10  }
0x1a5: {  	v3 =	vor.u32 v1, v3;
	[tilespmem:v4+s21+$0x0] =	vst.idx.add.f32.msk $0xffff, v2  }
.Ltmp7:
0x1a6: {  	[tilespmem:v6+s20+$0x0] =	vst.idx.add.f32.msk $0xffff, v12;
	(pc) =	sbr.rel @p0 .LBB2_16-.Ltmp7, $4  }
0x1a7: {  	[tilespmem:v6+s21+$0x0] =	vst.idx.add.f32.msk $0xffff, v2  }
0x1a8: {  	[tilespmem:v7+s20+$0x0] =	vst.idx.add.f32.msk $0xffff, v11  }
0x1a9: {  	[tilespmem:v7+s21+$0x0] =	vst.idx.add.f32.msk $0xffff, v2  }
0x1aa: {  	[tilespmem:v3+s20+$0x0] =	vst.idx.add.f32.msk $0xffff, v5  }
0x1ab: {  	_ =	sdelay $0x3  }
0x1ac: {  	[tilespmem:v3+s21+$0x0] =	vst.idx.add.f32.msk $0xffff, v2;
	s26 =	simm.s32 $0x0;
	s28 =	rddreg [dreg:$0x12]  }
0x1ad: {  	[tilespmem:s26], [sflag:$0x1] =	stream.linear.gather [hbm4b:s28+s26], $0x2710, $0x38;
	[tilespmem:$0x1BE00] =	vst v63  }
0x1ae: {  	s29 =	rddreg [dreg:$0x13]  }
0x1af: {  	[tilespmem:s15], [sflag:$0x3] =	stream.linear.gather [hbm4b:s29+s26], $0x2710, $0x38;
	[tilespmem:$0x1BE00] =	vst v63  }
0x1b0: {  	_ =	swait.ge [sflag:s22], $0x2710  }
0x1b1: {  	[sflag:s22] =	ssyncset.done $0x0  }
0x1b2: {  	[sflag:s22] =	ssyncadd.s32 $0xFFFFD8F0  }
0x1b3: {  	_ =	swait.ge [sflag:s23], $0x2710  }
0x1b4: {  	[sflag:s23] =	ssyncset.done $0x0  }
0x1b5: {  	s29 =	simm.s32 $0x0;
	[sflag:s23] =	ssyncadd.s32 $0xFFFFD8F0  }
0x1b6: {  	v3 =	vld [tilespmem:s29+$0x7680];
	_ =	sdelay $0x1  }
0x1b7: {  	v4 =	vld [tilespmem:s29+$0x7690]  }
0x1b8: {  	v5 =	vld [tilespmem:s29+$0x27C0]  }
0x1b9: {  	v6 =	vld [tilespmem:s29+$0x76A0]  }
0x1ba: {  	v7 =	vld [tilespmem:s29+$0x76B0];
	v3 =	vshll.u32 v3, $0x7  }
0x1bb: {  	v8 =	vld [tilespmem:s29+$0x2780];
	v3 =	vor.u32 v1, v3  }
0x1bc: {  	v9 =	vld [tilespmem:s29+$0x76C0];
	v4 =	vshll.u32 v4, $0x7  }
0x1bd: {  	v10 =	vld [tilespmem:s29+$0x2790];
	v4 =	vor.u32 v1, v4  }
0x1be: {  	v11 =	vld [tilespmem:s29+$0x27B0];
	v6 =	vshll.u32 v6, $0x7  }
0x1bf: {  	v12 =	vld [tilespmem:s29+$0x27A0];
	v6 =	vor.u32 v1, v6  }
0x1c0: {  	v7 =	vshll.u32 v7, $0x7;
	[tilespmem:v3+s20+$0x0] =	vst.idx.add.f32.msk $0xffff, v8  }
0x1c1: {  	v7 =	vor.u32 v1, v7;
	[tilespmem:v3+s21+$0x0] =	vst.idx.add.f32.msk $0xffff, v2  }
0x1c2: {  	v3 =	vshll.u32 v9, $0x7;
	[tilespmem:v4+s20+$0x0] =	vst.idx.add.f32.msk $0xffff, v10  }
0x1c3: {  	v3 =	vor.u32 v1, v3;
	[tilespmem:v4+s21+$0x0] =	vst.idx.add.f32.msk $0xffff, v2  }
0x1c4: {  	[tilespmem:v6+s20+$0x0] =	vst.idx.add.f32.msk $0xffff, v12  }
0x1c5: {  	[tilespmem:v6+s21+$0x0] =	vst.idx.add.f32.msk $0xffff, v2  }
0x1c6: {  	[tilespmem:v7+s20+$0x0] =	vst.idx.add.f32.msk $0xffff, v11  }
0x1c7: {  	[tilespmem:v7+s21+$0x0] =	vst.idx.add.f32.msk $0xffff, v2  }
0x1c8: {  	s26 =	simm.s32 $0x140;
	[tilespmem:v3+s20+$0x0] =	vst.idx.add.f32.msk $0xffff, v5  }
.LBB2_18:
0x1c9: {  	s28 =	sshra.s32 s26, $0x2;
	p0 =	sne.s32 s26, $0x9B00;
	s26 =	sadd.s32 $0x140, s26;
	[tilespmem:v3+s21+$0x0] =	vst.idx.add.f32.msk $0xffff, v2  }
0x1ca: {  	v3 =	vld [tilespmem:s28+$0x7680];
	_ =	sdelay $0x1  }
0x1cb: {  	v4 =	vld [tilespmem:s28+$0x7690]  }
0x1cc: {  	v5 =	vld [tilespmem:s28+$0x27C0]  }
0x1cd: {  	v6 =	vld [tilespmem:s28+$0x76A0]  }
0x1ce: {  	v7 =	vld [tilespmem:s28+$0x76B0];
	v3 =	vshll.u32 v3, $0x7  }
0x1cf: {  	v8 =	vld [tilespmem:s28+$0x2780];
	v3 =	vor.u32 v1, v3  }
0x1d0: {  	v9 =	vld [tilespmem:s28+$0x76C0];
	v4 =	vshll.u32 v4, $0x7  }
0x1d1: {  	v10 =	vld [tilespmem:s28+$0x2790];
	v4 =	vor.u32 v1, v4  }
0x1d2: {  	v11 =	vld [tilespmem:s28+$0x27B0];
	v6 =	vshll.u32 v6, $0x7  }
0x1d3: {  	v12 =	vld [tilespmem:s28+$0x27A0];
	v6 =	vor.u32 v1, v6  }
0x1d4: {  	v7 =	vshll.u32 v7, $0x7;
	[tilespmem:v3+s20+$0x0] =	vst.idx.add.f32.msk $0xffff, v8  }
0x1d5: {  	v7 =	vor.u32 v1, v7;
	[tilespmem:v3+s21+$0x0] =	vst.idx.add.f32.msk $0xffff, v2;
	v3 =	vshll.u32 v9, $0x7  }
0x1d6: {  	[tilespmem:v4+s20+$0x0] =	vst.idx.add.f32.msk $0xffff, v10  }
0x1d7: {  	v3 =	vor.u32 v1, v3;
	[tilespmem:v4+s21+$0x0] =	vst.idx.add.f32.msk $0xffff, v2  }
.Ltmp8:
0x1d8: {  	[tilespmem:v6+s20+$0x0] =	vst.idx.add.f32.msk $0xffff, v12;
	(pc) =	sbr.rel @p0 .LBB2_18-.Ltmp8, $4  }
0x1d9: {  	[tilespmem:v6+s21+$0x0] =	vst.idx.add.f32.msk $0xffff, v2  }
0x1da: {  	[tilespmem:v7+s20+$0x0] =	vst.idx.add.f32.msk $0xffff, v11  }
0x1db: {  	[tilespmem:v7+s21+$0x0] =	vst.idx.add.f32.msk $0xffff, v2  }
0x1dc: {  	[tilespmem:v3+s20+$0x0] =	vst.idx.add.f32.msk $0xffff, v5  }
0x1dd: {  	_ =	sdelay $0x3  }
0x1de: {  	[tilespmem:v3+s21+$0x0] =	vst.idx.add.f32.msk $0xffff, v2;
	s26 =	simm.s32 $0x0;
	s28 =	rddreg [dreg:$0x14]  }
0x1df: {  	[tilespmem:s16], [sflag:$0x2] =	stream.linear.gather [hbm4b:s28+s26], $0x2710, $0x38;
	[tilespmem:$0x1BE00] =	vst v63  }
0x1e0: {  	s29 =	rddreg [dreg:$0x15]  }
0x1e1: {  	[tilespmem:s17], [sflag:$0x4] =	stream.linear.gather [hbm4b:s29+s26], $0x2710, $0x38;
	[tilespmem:$0x1BE00] =	vst v63  }
0x1e2: {  	_ =	swait.ge [sflag:s18], $0x2710  }
0x1e3: {  	[sflag:s18] =	ssyncset.done $0x0  }
0x1e4: {  	[sflag:s18] =	ssyncadd.s32 $0xFFFFD8F0  }
0x1e5: {  	_ =	swait.ge [sflag:s19], $0x2710  }
0x1e6: {  	[sflag:s19] =	ssyncset.done $0x0  }
0x1e7: {  	s29 =	simm.s32 $0x0;
	[sflag:s19] =	ssyncadd.s32 $0xFFFFD8F0  }
0x1e8: {  	v3 =	vld [tilespmem:s29+$0x4F00];
	_ =	sdelay $0x1  }
0x1e9: {  	v4 =	vld [tilespmem:s29+$0x4F10]  }
0x1ea: {  	v5 =	vld [tilespmem:s29+$0x40]  }
0x1eb: {  	v6 =	vld [tilespmem:s29+$0x4F20]  }
0x1ec: {  	v7 =	vld [tilespmem:s29+$0x4F30];
	v3 =	vshll.u32 v3, $0x7  }
0x1ed: {  	v8 =	vld [tilespmem:s29+$0x0];
	v3 =	vor.u32 v1, v3  }
0x1ee: {  	v9 =	vld [tilespmem:s29+$0x4F40];
	v4 =	vshll.u32 v4, $0x7  }
0x1ef: {  	v10 =	vld [tilespmem:s29+$0x10];
	v4 =	vor.u32 v1, v4  }
0x1f0: {  	v11 =	vld [tilespmem:s29+$0x30];
	v6 =	vshll.u32 v6, $0x7  }
0x1f1: {  	v12 =	vld [tilespmem:s29+$0x20];
	v6 =	vor.u32 v1, v6  }
0x1f2: {  	v7 =	vshll.u32 v7, $0x7;
	[tilespmem:v3+s20+$0x0] =	vst.idx.add.f32.msk $0xffff, v8  }
0x1f3: {  	v7 =	vor.u32 v1, v7;
	[tilespmem:v3+s21+$0x0] =	vst.idx.add.f32.msk $0xffff, v2  }
0x1f4: {  	v3 =	vshll.u32 v9, $0x7;
	[tilespmem:v4+s20+$0x0] =	vst.idx.add.f32.msk $0xffff, v10  }
0x1f5: {  	v3 =	vor.u32 v1, v3;
	[tilespmem:v4+s21+$0x0] =	vst.idx.add.f32.msk $0xffff, v2  }
0x1f6: {  	[tilespmem:v6+s20+$0x0] =	vst.idx.add.f32.msk $0xffff, v12  }
0x1f7: {  	[tilespmem:v6+s21+$0x0] =	vst.idx.add.f32.msk $0xffff, v2  }
0x1f8: {  	[tilespmem:v7+s20+$0x0] =	vst.idx.add.f32.msk $0xffff, v11  }
0x1f9: {  	[tilespmem:v7+s21+$0x0] =	vst.idx.add.f32.msk $0xffff, v2  }
0x1fa: {  	s26 =	simm.s32 $0x140;
	[tilespmem:v3+s20+$0x0] =	vst.idx.add.f32.msk $0xffff, v5  }
.LBB2_20:
0x1fb: {  	s28 =	sshra.s32 s26, $0x2;
	p0 =	sne.s32 s26, $0x9B00;
	s26 =	sadd.s32 $0x140, s26;
	[tilespmem:v3+s21+$0x0] =	vst.idx.add.f32.msk $0xffff, v2  }
0x1fc: {  	v3 =	vld [tilespmem:s28+$0x4F00];
	_ =	sdelay $0x1  }
0x1fd: {  	v4 =	vld [tilespmem:s28+$0x4F10]  }
0x1fe: {  	v5 =	vld [tilespmem:s28+$0x40]  }
0x1ff: {  	v6 =	vld [tilespmem:s28+$0x4F20]  }
0x200: {  	v7 =	vld [tilespmem:s28+$0x4F30];
	v3 =	vshll.u32 v3, $0x7  }
0x201: {  	v8 =	vld [tilespmem:s28+$0x0];
	v3 =	vor.u32 v1, v3  }
0x202: {  	v9 =	vld [tilespmem:s28+$0x4F40];
	v4 =	vshll.u32 v4, $0x7  }
0x203: {  	v10 =	vld [tilespmem:s28+$0x10];
	v4 =	vor.u32 v1, v4  }
0x204: {  	v11 =	vld [tilespmem:s28+$0x30];
	v6 =	vshll.u32 v6, $0x7  }
0x205: {  	v12 =	vld [tilespmem:s28+$0x20];
	v6 =	vor.u32 v1, v6  }
0x206: {  	v7 =	vshll.u32 v7, $0x7;
	[tilespmem:v3+s20+$0x0] =	vst.idx.add.f32.msk $0xffff, v8  }
0x207: {  	v7 =	vor.u32 v1, v7;
	[tilespmem:v3+s21+$0x0] =	vst.idx.add.f32.msk $0xffff, v2;
	v3 =	vshll.u32 v9, $0x7  }
0x208: {  	[tilespmem:v4+s20+$0x0] =	vst.idx.add.f32.msk $0xffff, v10  }
0x209: {  	v3 =	vor.u32 v1, v3;
	[tilespmem:v4+s21+$0x0] =	vst.idx.add.f32.msk $0xffff, v2  }
.Ltmp9:
0x20a: {  	[tilespmem:v6+s20+$0x0] =	vst.idx.add.f32.msk $0xffff, v12;
	(pc) =	sbr.rel @p0 .LBB2_20-.Ltmp9, $4  }
0x20b: {  	[tilespmem:v6+s21+$0x0] =	vst.idx.add.f32.msk $0xffff, v2  }
0x20c: {  	[tilespmem:v7+s20+$0x0] =	vst.idx.add.f32.msk $0xffff, v11  }
0x20d: {  	[tilespmem:v7+s21+$0x0] =	vst.idx.add.f32.msk $0xffff, v2  }
0x20e: {  	[tilespmem:v3+s20+$0x0] =	vst.idx.add.f32.msk $0xffff, v5  }
0x20f: {  	_ =	sdelay $0x3  }
0x210: {  	[tilespmem:v3+s21+$0x0] =	vst.idx.add.f32.msk $0xffff, v2;
	s26 =	simm.s32 $0x0;
	s28 =	rddreg [dreg:$0x16]  }
0x211: {  	[tilespmem:s26], [sflag:$0x1] =	stream.linear.gather [hbm4b:s28+s26], $0x2710, $0x38;
	[tilespmem:$0x1BE00] =	vst v63  }
0x212: {  	s29 =	rddreg [dreg:$0x17]  }
0x213: {  	[tilespmem:s15], [sflag:$0x3] =	stream.linear.gather [hbm4b:s29+s26], $0x2710, $0x38;
	[tilespmem:$0x1BE00] =	vst v63  }
0x214: {  	_ =	swait.ge [sflag:s22], $0x2710  }
0x215: {  	[sflag:s22] =	ssyncset.done $0x0  }
0x216: {  	[sflag:s22] =	ssyncadd.s32 $0xFFFFD8F0  }
0x217: {  	_ =	swait.ge [sflag:s23], $0x2710  }
0x218: {  	[sflag:s23] =	ssyncset.done $0x0  }
0x219: {  	s29 =	simm.s32 $0x0;
	[sflag:s23] =	ssyncadd.s32 $0xFFFFD8F0  }
0x21a: {  	v3 =	vld [tilespmem:s29+$0x7680];
	_ =	sdelay $0x1  }
0x21b: {  	v4 =	vld [tilespmem:s29+$0x7690]  }
0x21c: {  	v5 =	vld [tilespmem:s29+$0x27C0]  }
0x21d: {  	v6 =	vld [tilespmem:s29+$0x76A0]  }
0x21e: {  	v7 =	vld [tilespmem:s29+$0x76B0];
	v3 =	vshll.u32 v3, $0x7  }
0x21f: {  	v8 =	vld [tilespmem:s29+$0x2780];
	v3 =	vor.u32 v1, v3  }
0x220: {  	v9 =	vld [tilespmem:s29+$0x76C0];
	v4 =	vshll.u32 v4, $0x7  }
0x221: {  	v10 =	vld [tilespmem:s29+$0x2790];
	v4 =	vor.u32 v1, v4  }
0x222: {  	v11 =	vld [tilespmem:s29+$0x27B0];
	v6 =	vshll.u32 v6, $0x7  }
0x223: {  	v12 =	vld [tilespmem:s29+$0x27A0];
	v6 =	vor.u32 v1, v6  }
0x224: {  	v7 =	vshll.u32 v7, $0x7;
	[tilespmem:v3+s20+$0x0] =	vst.idx.add.f32.msk $0xffff, v8  }
0x225: {  	v7 =	vor.u32 v1, v7;
	[tilespmem:v3+s21+$0x0] =	vst.idx.add.f32.msk $0xffff, v2  }
0x226: {  	v3 =	vshll.u32 v9, $0x7;
	[tilespmem:v4+s20+$0x0] =	vst.idx.add.f32.msk $0xffff, v10  }
0x227: {  	v3 =	vor.u32 v1, v3;
	[tilespmem:v4+s21+$0x0] =	vst.idx.add.f32.msk $0xffff, v2  }
0x228: {  	[tilespmem:v6+s20+$0x0] =	vst.idx.add.f32.msk $0xffff, v12  }
0x229: {  	[tilespmem:v6+s21+$0x0] =	vst.idx.add.f32.msk $0xffff, v2  }
0x22a: {  	[tilespmem:v7+s20+$0x0] =	vst.idx.add.f32.msk $0xffff, v11  }
0x22b: {  	[tilespmem:v7+s21+$0x0] =	vst.idx.add.f32.msk $0xffff, v2  }
0x22c: {  	s26 =	simm.s32 $0x140;
	[tilespmem:v3+s20+$0x0] =	vst.idx.add.f32.msk $0xffff, v5  }
.LBB2_22:
0x22d: {  	s28 =	sshra.s32 s26, $0x2;
	p0 =	sne.s32 s26, $0x9B00;
	s26 =	sadd.s32 $0x140, s26;
	[tilespmem:v3+s21+$0x0] =	vst.idx.add.f32.msk $0xffff, v2  }
0x22e: {  	v3 =	vld [tilespmem:s28+$0x7680];
	_ =	sdelay $0x1  }
0x22f: {  	v4 =	vld [tilespmem:s28+$0x7690]  }
0x230: {  	v5 =	vld [tilespmem:s28+$0x27C0]  }
0x231: {  	v6 =	vld [tilespmem:s28+$0x76A0]  }
0x232: {  	v7 =	vld [tilespmem:s28+$0x76B0];
	v3 =	vshll.u32 v3, $0x7  }
0x233: {  	v8 =	vld [tilespmem:s28+$0x2780];
	v3 =	vor.u32 v1, v3  }
0x234: {  	v9 =	vld [tilespmem:s28+$0x76C0];
	v4 =	vshll.u32 v4, $0x7  }
0x235: {  	v10 =	vld [tilespmem:s28+$0x2790];
	v4 =	vor.u32 v1, v4  }
0x236: {  	v11 =	vld [tilespmem:s28+$0x27B0];
	v6 =	vshll.u32 v6, $0x7  }
0x237: {  	v12 =	vld [tilespmem:s28+$0x27A0];
	v6 =	vor.u32 v1, v6  }
0x238: {  	v7 =	vshll.u32 v7, $0x7;
	[tilespmem:v3+s20+$0x0] =	vst.idx.add.f32.msk $0xffff, v8  }
0x239: {  	v7 =	vor.u32 v1, v7;
	[tilespmem:v3+s21+$0x0] =	vst.idx.add.f32.msk $0xffff, v2;
	v3 =	vshll.u32 v9, $0x7  }
0x23a: {  	[tilespmem:v4+s20+$0x0] =	vst.idx.add.f32.msk $0xffff, v10  }
0x23b: {  	v3 =	vor.u32 v1, v3;
	[tilespmem:v4+s21+$0x0] =	vst.idx.add.f32.msk $0xffff, v2  }
.Ltmp10:
0x23c: {  	[tilespmem:v6+s20+$0x0] =	vst.idx.add.f32.msk $0xffff, v12;
	(pc) =	sbr.rel @p0 .LBB2_22-.Ltmp10, $4  }
0x23d: {  	[tilespmem:v6+s21+$0x0] =	vst.idx.add.f32.msk $0xffff, v2  }
0x23e: {  	[tilespmem:v7+s20+$0x0] =	vst.idx.add.f32.msk $0xffff, v11  }
0x23f: {  	[tilespmem:v7+s21+$0x0] =	vst.idx.add.f32.msk $0xffff, v2  }
0x240: {  	[tilespmem:v3+s20+$0x0] =	vst.idx.add.f32.msk $0xffff, v5  }
0x241: {  	_ =	sdelay $0x3  }
0x242: {  	[tilespmem:v3+s21+$0x0] =	vst.idx.add.f32.msk $0xffff, v2;
	s26 =	simm.s32 $0x0;
	s28 =	rddreg [dreg:$0x18]  }
0x243: {  	[tilespmem:s16], [sflag:$0x2] =	stream.linear.gather [hbm4b:s28+s26], $0x2710, $0x38;
	[tilespmem:$0x1BE00] =	vst v63  }
0x244: {  	s29 =	rddreg [dreg:$0x19]  }
0x245: {  	[tilespmem:s17], [sflag:$0x4] =	stream.linear.gather [hbm4b:s29+s26], $0x2710, $0x38;
	[tilespmem:$0x1BE00] =	vst v63  }
0x246: {  	_ =	swait.ge [sflag:s18], $0x2710  }
0x247: {  	[sflag:s18] =	ssyncset.done $0x0  }
0x248: {  	[sflag:s18] =	ssyncadd.s32 $0xFFFFD8F0  }
0x249: {  	_ =	swait.ge [sflag:s19], $0x2710  }
0x24a: {  	[sflag:s19] =	ssyncset.done $0x0  }
0x24b: {  	s29 =	simm.s32 $0x0;
	[sflag:s19] =	ssyncadd.s32 $0xFFFFD8F0  }
0x24c: {  	v3 =	vld [tilespmem:s29+$0x4F00];
	_ =	sdelay $0x1  }
0x24d: {  	v4 =	vld [tilespmem:s29+$0x4F10]  }
0x24e: {  	v5 =	vld [tilespmem:s29+$0x40]  }
0x24f: {  	v6 =	vld [tilespmem:s29+$0x4F20]  }
0x250: {  	v7 =	vld [tilespmem:s29+$0x4F30];
	v3 =	vshll.u32 v3, $0x7  }
0x251: {  	v8 =	vld [tilespmem:s29+$0x0];
	v3 =	vor.u32 v1, v3  }
0x252: {  	v9 =	vld [tilespmem:s29+$0x4F40];
	v4 =	vshll.u32 v4, $0x7  }
0x253: {  	v10 =	vld [tilespmem:s29+$0x10];
	v4 =	vor.u32 v1, v4  }
0x254: {  	v11 =	vld [tilespmem:s29+$0x30];
	v6 =	vshll.u32 v6, $0x7  }
0x255: {  	v12 =	vld [tilespmem:s29+$0x20];
	v6 =	vor.u32 v1, v6  }
0x256: {  	v7 =	vshll.u32 v7, $0x7;
	[tilespmem:v3+s20+$0x0] =	vst.idx.add.f32.msk $0xffff, v8  }
0x257: {  	v7 =	vor.u32 v1, v7;
	[tilespmem:v3+s21+$0x0] =	vst.idx.add.f32.msk $0xffff, v2  }
0x258: {  	v3 =	vshll.u32 v9, $0x7;
	[tilespmem:v4+s20+$0x0] =	vst.idx.add.f32.msk $0xffff, v10  }
0x259: {  	v3 =	vor.u32 v1, v3;
	[tilespmem:v4+s21+$0x0] =	vst.idx.add.f32.msk $0xffff, v2  }
0x25a: {  	[tilespmem:v6+s20+$0x0] =	vst.idx.add.f32.msk $0xffff, v12  }
0x25b: {  	[tilespmem:v6+s21+$0x0] =	vst.idx.add.f32.msk $0xffff, v2  }
0x25c: {  	[tilespmem:v7+s20+$0x0] =	vst.idx.add.f32.msk $0xffff, v11  }
0x25d: {  	[tilespmem:v7+s21+$0x0] =	vst.idx.add.f32.msk $0xffff, v2  }
0x25e: {  	s26 =	simm.s32 $0x140;
	[tilespmem:v3+s20+$0x0] =	vst.idx.add.f32.msk $0xffff, v5  }
.LBB2_24:
0x25f: {  	s28 =	sshra.s32 s26, $0x2;
	p0 =	sne.s32 s26, $0x9B00;
	s26 =	sadd.s32 $0x140, s26;
	[tilespmem:v3+s21+$0x0] =	vst.idx.add.f32.msk $0xffff, v2  }
0x260: {  	v3 =	vld [tilespmem:s28+$0x4F00];
	_ =	sdelay $0x1  }
0x261: {  	v4 =	vld [tilespmem:s28+$0x4F10]  }
0x262: {  	v5 =	vld [tilespmem:s28+$0x40]  }
0x263: {  	v6 =	vld [tilespmem:s28+$0x4F20]  }
0x264: {  	v7 =	vld [tilespmem:s28+$0x4F30];
	v3 =	vshll.u32 v3, $0x7  }
0x265: {  	v8 =	vld [tilespmem:s28+$0x0];
	v3 =	vor.u32 v1, v3  }
0x266: {  	v9 =	vld [tilespmem:s28+$0x4F40];
	v4 =	vshll.u32 v4, $0x7  }
0x267: {  	v10 =	vld [tilespmem:s28+$0x10];
	v4 =	vor.u32 v1, v4  }
0x268: {  	v11 =	vld [tilespmem:s28+$0x30];
	v6 =	vshll.u32 v6, $0x7  }
0x269: {  	v12 =	vld [tilespmem:s28+$0x20];
	v6 =	vor.u32 v1, v6  }
0x26a: {  	v7 =	vshll.u32 v7, $0x7;
	[tilespmem:v3+s20+$0x0] =	vst.idx.add.f32.msk $0xffff, v8  }
0x26b: {  	v7 =	vor.u32 v1, v7;
	[tilespmem:v3+s21+$0x0] =	vst.idx.add.f32.msk $0xffff, v2;
	v3 =	vshll.u32 v9, $0x7  }
0x26c: {  	[tilespmem:v4+s20+$0x0] =	vst.idx.add.f32.msk $0xffff, v10  }
0x26d: {  	v3 =	vor.u32 v1, v3;
	[tilespmem:v4+s21+$0x0] =	vst.idx.add.f32.msk $0xffff, v2  }
.Ltmp11:
0x26e: {  	[tilespmem:v6+s20+$0x0] =	vst.idx.add.f32.msk $0xffff, v12;
	(pc) =	sbr.rel @p0 .LBB2_24-.Ltmp11, $4  }
0x26f: {  	[tilespmem:v6+s21+$0x0] =	vst.idx.add.f32.msk $0xffff, v2  }
0x270: {  	[tilespmem:v7+s20+$0x0] =	vst.idx.add.f32.msk $0xffff, v11  }
0x271: {  	[tilespmem:v7+s21+$0x0] =	vst.idx.add.f32.msk $0xffff, v2  }
0x272: {  	[tilespmem:v3+s20+$0x0] =	vst.idx.add.f32.msk $0xffff, v5  }
0x273: {  	_ =	sdelay $0x3  }
0x274: {  	[tilespmem:v3+s21+$0x0] =	vst.idx.add.f32.msk $0xffff, v2;
	s26 =	simm.s32 $0x0;
	s28 =	rddreg [dreg:$0x1a]  }
0x275: {  	[tilespmem:s26], [sflag:$0x1] =	stream.linear.gather [hbm4b:s28+s26], $0x2710, $0x38;
	[tilespmem:$0x1BE00] =	vst v63  }
0x276: {  	s29 =	rddreg [dreg:$0x1b]  }
0x277: {  	[tilespmem:s15], [sflag:$0x3] =	stream.linear.gather [hbm4b:s29+s26], $0x2710, $0x38;
	[tilespmem:$0x1BE00] =	vst v63  }
0x278: {  	_ =	swait.ge [sflag:s22], $0x2710  }
0x279: {  	[sflag:s22] =	ssyncset.done $0x0  }
0x27a: {  	[sflag:s22] =	ssyncadd.s32 $0xFFFFD8F0  }
0x27b: {  	_ =	swait.ge [sflag:s23], $0x2710  }
0x27c: {  	[sflag:s23] =	ssyncset.done $0x0  }
0x27d: {  	s29 =	simm.s32 $0x0;
	[sflag:s23] =	ssyncadd.s32 $0xFFFFD8F0  }
0x27e: {  	v3 =	vld [tilespmem:s29+$0x7680];
	_ =	sdelay $0x1  }
0x27f: {  	v4 =	vld [tilespmem:s29+$0x7690]  }
0x280: {  	v5 =	vld [tilespmem:s29+$0x27C0]  }
0x281: {  	v6 =	vld [tilespmem:s29+$0x76A0]  }
0x282: {  	v7 =	vld [tilespmem:s29+$0x76B0];
	v3 =	vshll.u32 v3, $0x7  }
0x283: {  	v8 =	vld [tilespmem:s29+$0x2780];
	v3 =	vor.u32 v1, v3  }
0x284: {  	v9 =	vld [tilespmem:s29+$0x76C0];
	v4 =	vshll.u32 v4, $0x7  }
0x285: {  	v10 =	vld [tilespmem:s29+$0x2790];
	v4 =	vor.u32 v1, v4  }
0x286: {  	v11 =	vld [tilespmem:s29+$0x27B0];
	v6 =	vshll.u32 v6, $0x7  }
0x287: {  	v12 =	vld [tilespmem:s29+$0x27A0];
	v6 =	vor.u32 v1, v6  }
0x288: {  	v7 =	vshll.u32 v7, $0x7;
	[tilespmem:v3+s20+$0x0] =	vst.idx.add.f32.msk $0xffff, v8  }
0x289: {  	v7 =	vor.u32 v1, v7;
	[tilespmem:v3+s21+$0x0] =	vst.idx.add.f32.msk $0xffff, v2  }
0x28a: {  	v3 =	vshll.u32 v9, $0x7;
	[tilespmem:v4+s20+$0x0] =	vst.idx.add.f32.msk $0xffff, v10  }
0x28b: {  	v3 =	vor.u32 v1, v3;
	[tilespmem:v4+s21+$0x0] =	vst.idx.add.f32.msk $0xffff, v2  }
0x28c: {  	[tilespmem:v6+s20+$0x0] =	vst.idx.add.f32.msk $0xffff, v12  }
0x28d: {  	[tilespmem:v6+s21+$0x0] =	vst.idx.add.f32.msk $0xffff, v2  }
0x28e: {  	[tilespmem:v7+s20+$0x0] =	vst.idx.add.f32.msk $0xffff, v11  }
0x28f: {  	[tilespmem:v7+s21+$0x0] =	vst.idx.add.f32.msk $0xffff, v2  }
0x290: {  	s26 =	simm.s32 $0x140;
	[tilespmem:v3+s20+$0x0] =	vst.idx.add.f32.msk $0xffff, v5  }
.LBB2_26:
0x291: {  	s28 =	sshra.s32 s26, $0x2;
	p0 =	sne.s32 s26, $0x9B00;
	s26 =	sadd.s32 $0x140, s26;
	[tilespmem:v3+s21+$0x0] =	vst.idx.add.f32.msk $0xffff, v2  }
0x292: {  	v3 =	vld [tilespmem:s28+$0x7680];
	_ =	sdelay $0x1  }
0x293: {  	v4 =	vld [tilespmem:s28+$0x7690]  }
0x294: {  	v5 =	vld [tilespmem:s28+$0x27C0]  }
0x295: {  	v6 =	vld [tilespmem:s28+$0x76A0]  }
0x296: {  	v7 =	vld [tilespmem:s28+$0x76B0];
	v3 =	vshll.u32 v3, $0x7  }
0x297: {  	v8 =	vld [tilespmem:s28+$0x2780];
	v3 =	vor.u32 v1, v3  }
0x298: {  	v9 =	vld [tilespmem:s28+$0x76C0];
	v4 =	vshll.u32 v4, $0x7  }
0x299: {  	v10 =	vld [tilespmem:s28+$0x2790];
	v4 =	vor.u32 v1, v4  }
0x29a: {  	v11 =	vld [tilespmem:s28+$0x27B0];
	v6 =	vshll.u32 v6, $0x7  }
0x29b: {  	v12 =	vld [tilespmem:s28+$0x27A0];
	v6 =	vor.u32 v1, v6  }
0x29c: {  	v7 =	vshll.u32 v7, $0x7;
	[tilespmem:v3+s20+$0x0] =	vst.idx.add.f32.msk $0xffff, v8  }
0x29d: {  	v7 =	vor.u32 v1, v7;
	[tilespmem:v3+s21+$0x0] =	vst.idx.add.f32.msk $0xffff, v2;
	v3 =	vshll.u32 v9, $0x7  }
0x29e: {  	[tilespmem:v4+s20+$0x0] =	vst.idx.add.f32.msk $0xffff, v10  }
0x29f: {  	v3 =	vor.u32 v1, v3;
	[tilespmem:v4+s21+$0x0] =	vst.idx.add.f32.msk $0xffff, v2  }
.Ltmp12:
0x2a0: {  	[tilespmem:v6+s20+$0x0] =	vst.idx.add.f32.msk $0xffff, v12;
	(pc) =	sbr.rel @p0 .LBB2_26-.Ltmp12, $4  }
0x2a1: {  	[tilespmem:v6+s21+$0x0] =	vst.idx.add.f32.msk $0xffff, v2  }
0x2a2: {  	[tilespmem:v7+s20+$0x0] =	vst.idx.add.f32.msk $0xffff, v11  }
0x2a3: {  	[tilespmem:v7+s21+$0x0] =	vst.idx.add.f32.msk $0xffff, v2  }
0x2a4: {  	[tilespmem:v3+s20+$0x0] =	vst.idx.add.f32.msk $0xffff, v5  }
0x2a5: {  	_ =	sdelay $0x3  }
0x2a6: {  	[tilespmem:v3+s21+$0x0] =	vst.idx.add.f32.msk $0xffff, v2;
	s26 =	simm.s32 $0x0;
	s28 =	rddreg [dreg:$0x1c]  }
0x2a7: {  	[tilespmem:s16], [sflag:$0x2] =	stream.linear.gather [hbm4b:s28+s26], $0x2710, $0x38;
	[tilespmem:$0x1BE00] =	vst v63  }
0x2a8: {  	s29 =	rddreg [dreg:$0x1d]  }
0x2a9: {  	[tilespmem:s17], [sflag:$0x4] =	stream.linear.gather [hbm4b:s29+s26], $0x2710, $0x38;
	[tilespmem:$0x1BE00] =	vst v63  }
0x2aa: {  	_ =	swait.ge [sflag:s18], $0x2710  }
0x2ab: {  	[sflag:s18] =	ssyncset.done $0x0  }
0x2ac: {  	[sflag:s18] =	ssyncadd.s32 $0xFFFFD8F0  }
0x2ad: {  	_ =	swait.ge [sflag:s19], $0x2710  }
0x2ae: {  	[sflag:s19] =	ssyncset.done $0x0  }
0x2af: {  	s29 =	simm.s32 $0x0;
	[sflag:s19] =	ssyncadd.s32 $0xFFFFD8F0  }
0x2b0: {  	v3 =	vld [tilespmem:s29+$0x4F00];
	_ =	sdelay $0x1  }
0x2b1: {  	v4 =	vld [tilespmem:s29+$0x4F10]  }
0x2b2: {  	v5 =	vld [tilespmem:s29+$0x40]  }
0x2b3: {  	v6 =	vld [tilespmem:s29+$0x4F20]  }
0x2b4: {  	v7 =	vld [tilespmem:s29+$0x4F30];
	v3 =	vshll.u32 v3, $0x7  }
0x2b5: {  	v8 =	vld [tilespmem:s29+$0x0];
	v3 =	vor.u32 v1, v3  }
0x2b6: {  	v9 =	vld [tilespmem:s29+$0x4F40];
	v4 =	vshll.u32 v4, $0x7  }
0x2b7: {  	v10 =	vld [tilespmem:s29+$0x10];
	v4 =	vor.u32 v1, v4  }
0x2b8: {  	v11 =	vld [tilespmem:s29+$0x30];
	v6 =	vshll.u32 v6, $0x7  }
0x2b9: {  	v12 =	vld [tilespmem:s29+$0x20];
	v6 =	vor.u32 v1, v6  }
0x2ba: {  	v7 =	vshll.u32 v7, $0x7;
	[tilespmem:v3+s20+$0x0] =	vst.idx.add.f32.msk $0xffff, v8  }
0x2bb: {  	v7 =	vor.u32 v1, v7;
	[tilespmem:v3+s21+$0x0] =	vst.idx.add.f32.msk $0xffff, v2  }
0x2bc: {  	v3 =	vshll.u32 v9, $0x7;
	[tilespmem:v4+s20+$0x0] =	vst.idx.add.f32.msk $0xffff, v10  }
0x2bd: {  	v3 =	vor.u32 v1, v3;
	[tilespmem:v4+s21+$0x0] =	vst.idx.add.f32.msk $0xffff, v2  }
0x2be: {  	[tilespmem:v6+s20+$0x0] =	vst.idx.add.f32.msk $0xffff, v12  }
0x2bf: {  	[tilespmem:v6+s21+$0x0] =	vst.idx.add.f32.msk $0xffff, v2  }
0x2c0: {  	[tilespmem:v7+s20+$0x0] =	vst.idx.add.f32.msk $0xffff, v11  }
0x2c1: {  	[tilespmem:v7+s21+$0x0] =	vst.idx.add.f32.msk $0xffff, v2  }
0x2c2: {  	s26 =	simm.s32 $0x140;
	[tilespmem:v3+s20+$0x0] =	vst.idx.add.f32.msk $0xffff, v5  }
.LBB2_28:
0x2c3: {  	s28 =	sshra.s32 s26, $0x2;
	p0 =	sne.s32 s26, $0x9B00;
	s26 =	sadd.s32 $0x140, s26;
	[tilespmem:v3+s21+$0x0] =	vst.idx.add.f32.msk $0xffff, v2  }
0x2c4: {  	v3 =	vld [tilespmem:s28+$0x4F00];
	_ =	sdelay $0x1  }
0x2c5: {  	v4 =	vld [tilespmem:s28+$0x4F10]  }
0x2c6: {  	v5 =	vld [tilespmem:s28+$0x40]  }
0x2c7: {  	v6 =	vld [tilespmem:s28+$0x4F20]  }
0x2c8: {  	v7 =	vld [tilespmem:s28+$0x4F30];
	v3 =	vshll.u32 v3, $0x7  }
0x2c9: {  	v8 =	vld [tilespmem:s28+$0x0];
	v3 =	vor.u32 v1, v3  }
0x2ca: {  	v9 =	vld [tilespmem:s28+$0x4F40];
	v4 =	vshll.u32 v4, $0x7  }
0x2cb: {  	v10 =	vld [tilespmem:s28+$0x10];
	v4 =	vor.u32 v1, v4  }
0x2cc: {  	v11 =	vld [tilespmem:s28+$0x30];
	v6 =	vshll.u32 v6, $0x7  }
0x2cd: {  	v12 =	vld [tilespmem:s28+$0x20];
	v6 =	vor.u32 v1, v6  }
0x2ce: {  	v7 =	vshll.u32 v7, $0x7;
	[tilespmem:v3+s20+$0x0] =	vst.idx.add.f32.msk $0xffff, v8  }
0x2cf: {  	v7 =	vor.u32 v1, v7;
	[tilespmem:v3+s21+$0x0] =	vst.idx.add.f32.msk $0xffff, v2;
	v3 =	vshll.u32 v9, $0x7  }
0x2d0: {  	[tilespmem:v4+s20+$0x0] =	vst.idx.add.f32.msk $0xffff, v10  }
0x2d1: {  	v3 =	vor.u32 v1, v3;
	[tilespmem:v4+s21+$0x0] =	vst.idx.add.f32.msk $0xffff, v2  }
.Ltmp13:
0x2d2: {  	[tilespmem:v6+s20+$0x0] =	vst.idx.add.f32.msk $0xffff, v12;
	(pc) =	sbr.rel @p0 .LBB2_28-.Ltmp13, $4  }
0x2d3: {  	[tilespmem:v6+s21+$0x0] =	vst.idx.add.f32.msk $0xffff, v2  }
0x2d4: {  	[tilespmem:v7+s20+$0x0] =	vst.idx.add.f32.msk $0xffff, v11  }
0x2d5: {  	[tilespmem:v7+s21+$0x0] =	vst.idx.add.f32.msk $0xffff, v2  }
0x2d6: {  	[tilespmem:v3+s20+$0x0] =	vst.idx.add.f32.msk $0xffff, v5  }
0x2d7: {  	_ =	sdelay $0x3  }
0x2d8: {  	[tilespmem:v3+s21+$0x0] =	vst.idx.add.f32.msk $0xffff, v2;
	s26 =	simm.s32 $0x0;
	s28 =	rddreg [dreg:$0x1e]  }
0x2d9: {  	[tilespmem:s26], [sflag:$0x1] =	stream.linear.gather [hbm4b:s28+s26], $0x2710, $0x38;
	[tilespmem:$0x1BE00] =	vst v63  }
0x2da: {  	_ = 	snop  }
0x2db: {  	[tilespmem:s15], [sflag:$0x3] =	stream.linear.gather [hbm4b:s30+s26], $0x2710, $0x38;
	[tilespmem:$0x1BE00] =	vst v63  }
0x2dc: {  	_ =	swait.ge [sflag:s22], $0x2710  }
0x2dd: {  	[sflag:s22] =	ssyncset.done $0x0  }
0x2de: {  	[sflag:s22] =	ssyncadd.s32 $0xFFFFD8F0  }
0x2df: {  	_ =	swait.ge [sflag:s23], $0x2710  }
0x2e0: {  	[sflag:s23] =	ssyncset.done $0x0  }
0x2e1: {  	s29 =	simm.s32 $0x0;
	[sflag:s23] =	ssyncadd.s32 $0xFFFFD8F0  }
0x2e2: {  	v3 =	vld [tilespmem:s29+$0x7680];
	_ =	sdelay $0x1  }
0x2e3: {  	v4 =	vld [tilespmem:s29+$0x7690]  }
0x2e4: {  	v5 =	vld [tilespmem:s29+$0x27C0]  }
0x2e5: {  	v6 =	vld [tilespmem:s29+$0x76A0]  }
0x2e6: {  	v7 =	vld [tilespmem:s29+$0x76B0];
	v3 =	vshll.u32 v3, $0x7  }
0x2e7: {  	v8 =	vld [tilespmem:s29+$0x2780];
	v3 =	vor.u32 v1, v3  }
0x2e8: {  	v9 =	vld [tilespmem:s29+$0x76C0];
	v4 =	vshll.u32 v4, $0x7  }
0x2e9: {  	v10 =	vld [tilespmem:s29+$0x2790];
	v4 =	vor.u32 v1, v4  }
0x2ea: {  	v11 =	vld [tilespmem:s29+$0x27B0];
	v6 =	vshll.u32 v6, $0x7  }
0x2eb: {  	v12 =	vld [tilespmem:s29+$0x27A0];
	v6 =	vor.u32 v1, v6  }
0x2ec: {  	v7 =	vshll.u32 v7, $0x7;
	[tilespmem:v3+s20+$0x0] =	vst.idx.add.f32.msk $0xffff, v8  }
0x2ed: {  	v7 =	vor.u32 v1, v7;
	[tilespmem:v3+s21+$0x0] =	vst.idx.add.f32.msk $0xffff, v2  }
0x2ee: {  	v3 =	vshll.u32 v9, $0x7;
	[tilespmem:v4+s20+$0x0] =	vst.idx.add.f32.msk $0xffff, v10  }
0x2ef: {  	v3 =	vor.u32 v1, v3;
	[tilespmem:v4+s21+$0x0] =	vst.idx.add.f32.msk $0xffff, v2  }
0x2f0: {  	[tilespmem:v6+s20+$0x0] =	vst.idx.add.f32.msk $0xffff, v12  }
0x2f1: {  	[tilespmem:v6+s21+$0x0] =	vst.idx.add.f32.msk $0xffff, v2  }
0x2f2: {  	[tilespmem:v7+s20+$0x0] =	vst.idx.add.f32.msk $0xffff, v11  }
0x2f3: {  	[tilespmem:v7+s21+$0x0] =	vst.idx.add.f32.msk $0xffff, v2  }
0x2f4: {  	s26 =	simm.s32 $0x140;
	[tilespmem:v3+s20+$0x0] =	vst.idx.add.f32.msk $0xffff, v5  }
.LBB2_30:
0x2f5: {  	s28 =	sshra.s32 s26, $0x2;
	p0 =	sne.s32 s26, $0x9B00;
	s26 =	sadd.s32 $0x140, s26;
	[tilespmem:v3+s21+$0x0] =	vst.idx.add.f32.msk $0xffff, v2  }
0x2f6: {  	v3 =	vld [tilespmem:s28+$0x7680];
	_ =	sdelay $0x1  }
0x2f7: {  	v4 =	vld [tilespmem:s28+$0x7690]  }
0x2f8: {  	v5 =	vld [tilespmem:s28+$0x27C0]  }
0x2f9: {  	v6 =	vld [tilespmem:s28+$0x76A0]  }
0x2fa: {  	v7 =	vld [tilespmem:s28+$0x76B0];
	v3 =	vshll.u32 v3, $0x7  }
0x2fb: {  	v8 =	vld [tilespmem:s28+$0x2780];
	v3 =	vor.u32 v1, v3  }
0x2fc: {  	v9 =	vld [tilespmem:s28+$0x76C0];
	v4 =	vshll.u32 v4, $0x7  }
0x2fd: {  	v10 =	vld [tilespmem:s28+$0x2790];
	v4 =	vor.u32 v1, v4  }
0x2fe: {  	v11 =	vld [tilespmem:s28+$0x27B0];
	v6 =	vshll.u32 v6, $0x7  }
0x2ff: {  	v12 =	vld [tilespmem:s28+$0x27A0];
	v6 =	vor.u32 v1, v6  }
0x300: {  	v7 =	vshll.u32 v7, $0x7;
	[tilespmem:v3+s20+$0x0] =	vst.idx.add.f32.msk $0xffff, v8  }
0x301: {  	v7 =	vor.u32 v1, v7;
	[tilespmem:v3+s21+$0x0] =	vst.idx.add.f32.msk $0xffff, v2;
	v3 =	vshll.u32 v9, $0x7  }
0x302: {  	[tilespmem:v4+s20+$0x0] =	vst.idx.add.f32.msk $0xffff, v10  }
0x303: {  	v3 =	vor.u32 v1, v3;
	[tilespmem:v4+s21+$0x0] =	vst.idx.add.f32.msk $0xffff, v2  }
.Ltmp14:
0x304: {  	[tilespmem:v6+s20+$0x0] =	vst.idx.add.f32.msk $0xffff, v12;
	(pc) =	sbr.rel @p0 .LBB2_30-.Ltmp14, $4  }
0x305: {  	[tilespmem:v6+s21+$0x0] =	vst.idx.add.f32.msk $0xffff, v2  }
0x306: {  	[tilespmem:v7+s20+$0x0] =	vst.idx.add.f32.msk $0xffff, v11  }
0x307: {  	[tilespmem:v7+s21+$0x0] =	vst.idx.add.f32.msk $0xffff, v2  }
0x308: {  	[tilespmem:v3+s20+$0x0] =	vst.idx.add.f32.msk $0xffff, v5  }
0x309: {  	_ =	sdelay $0x3  }
0x30a: {  	[tilespmem:v3+s21+$0x0] =	vst.idx.add.f32.msk $0xffff, v2;
	s26 =	simm.s32 $0x0  }
0x30b: {  	[tilespmem:s16], [sflag:$0x2] =	stream.linear.gather [hbm4b:s31+s26], $0x2710, $0x38;
	[tilespmem:$0x1BE00] =	vst v63  }
0x30c: {  	_ = 	snop  }
0x30d: {  	[tilespmem:s17], [sflag:$0x4] =	stream.linear.gather [hbm4b:s0+s26], $0x2710, $0x38;
	[tilespmem:$0x1BE00] =	vst v63  }
0x30e: {  	_ =	swait.ge [sflag:s18], $0x2710  }
0x30f: {  	[sflag:s18] =	ssyncset.done $0x0  }
0x310: {  	[sflag:s18] =	ssyncadd.s32 $0xFFFFD8F0  }
0x311: {  	_ =	swait.ge [sflag:s19], $0x2710  }
0x312: {  	[sflag:s19] =	ssyncset.done $0x0  }
0x313: {  	s29 =	simm.s32 $0x0;
	[sflag:s19] =	ssyncadd.s32 $0xFFFFD8F0  }
0x314: {  	v3 =	vld [tilespmem:s29+$0x4F00];
	_ =	sdelay $0x1  }
0x315: {  	v4 =	vld [tilespmem:s29+$0x4F10]  }
0x316: {  	v5 =	vld [tilespmem:s29+$0x40]  }
0x317: {  	v6 =	vld [tilespmem:s29+$0x4F20]  }
0x318: {  	v7 =	vld [tilespmem:s29+$0x4F30];
	v3 =	vshll.u32 v3, $0x7  }
0x319: {  	v8 =	vld [tilespmem:s29+$0x0];
	v3 =	vor.u32 v1, v3  }
0x31a: {  	v9 =	vld [tilespmem:s29+$0x4F40];
	v4 =	vshll.u32 v4, $0x7  }
0x31b: {  	v10 =	vld [tilespmem:s29+$0x10];
	v4 =	vor.u32 v1, v4  }
0x31c: {  	v11 =	vld [tilespmem:s29+$0x30];
	v6 =	vshll.u32 v6, $0x7  }
0x31d: {  	v12 =	vld [tilespmem:s29+$0x20];
	v6 =	vor.u32 v1, v6  }
0x31e: {  	v7 =	vshll.u32 v7, $0x7;
	[tilespmem:v3+s20+$0x0] =	vst.idx.add.f32.msk $0xffff, v8  }
0x31f: {  	v7 =	vor.u32 v1, v7;
	[tilespmem:v3+s21+$0x0] =	vst.idx.add.f32.msk $0xffff, v2  }
0x320: {  	v3 =	vshll.u32 v9, $0x7;
	[tilespmem:v4+s20+$0x0] =	vst.idx.add.f32.msk $0xffff, v10  }
0x321: {  	v3 =	vor.u32 v1, v3;
	[tilespmem:v4+s21+$0x0] =	vst.idx.add.f32.msk $0xffff, v2  }
0x322: {  	[tilespmem:v6+s20+$0x0] =	vst.idx.add.f32.msk $0xffff, v12  }
0x323: {  	[tilespmem:v6+s21+$0x0] =	vst.idx.add.f32.msk $0xffff, v2  }
0x324: {  	[tilespmem:v7+s20+$0x0] =	vst.idx.add.f32.msk $0xffff, v11  }
0x325: {  	[tilespmem:v7+s21+$0x0] =	vst.idx.add.f32.msk $0xffff, v2  }
0x326: {  	s26 =	simm.s32 $0x140;
	[tilespmem:v3+s20+$0x0] =	vst.idx.add.f32.msk $0xffff, v5  }
.LBB2_32:
0x327: {  	s28 =	sshra.s32 s26, $0x2;
	p0 =	sne.s32 s26, $0x9B00;
	s26 =	sadd.s32 $0x140, s26;
	[tilespmem:v3+s21+$0x0] =	vst.idx.add.f32.msk $0xffff, v2  }
0x328: {  	v3 =	vld [tilespmem:s28+$0x4F00];
	_ =	sdelay $0x1  }
0x329: {  	v4 =	vld [tilespmem:s28+$0x4F10]  }
0x32a: {  	v5 =	vld [tilespmem:s28+$0x40]  }
0x32b: {  	v6 =	vld [tilespmem:s28+$0x4F20]  }
0x32c: {  	v7 =	vld [tilespmem:s28+$0x4F30];
	v3 =	vshll.u32 v3, $0x7  }
0x32d: {  	v8 =	vld [tilespmem:s28+$0x0];
	v3 =	vor.u32 v1, v3  }
0x32e: {  	v9 =	vld [tilespmem:s28+$0x4F40];
	v4 =	vshll.u32 v4, $0x7  }
0x32f: {  	v10 =	vld [tilespmem:s28+$0x10];
	v4 =	vor.u32 v1, v4  }
0x330: {  	v11 =	vld [tilespmem:s28+$0x30];
	v6 =	vshll.u32 v6, $0x7  }
0x331: {  	v12 =	vld [tilespmem:s28+$0x20];
	v6 =	vor.u32 v1, v6  }
0x332: {  	v7 =	vshll.u32 v7, $0x7;
	[tilespmem:v3+s20+$0x0] =	vst.idx.add.f32.msk $0xffff, v8  }
0x333: {  	v7 =	vor.u32 v1, v7;
	[tilespmem:v3+s21+$0x0] =	vst.idx.add.f32.msk $0xffff, v2;
	v3 =	vshll.u32 v9, $0x7  }
0x334: {  	[tilespmem:v4+s20+$0x0] =	vst.idx.add.f32.msk $0xffff, v10  }
0x335: {  	v3 =	vor.u32 v1, v3;
	[tilespmem:v4+s21+$0x0] =	vst.idx.add.f32.msk $0xffff, v2  }
.Ltmp15:
0x336: {  	[tilespmem:v6+s20+$0x0] =	vst.idx.add.f32.msk $0xffff, v12;
	(pc) =	sbr.rel @p0 .LBB2_32-.Ltmp15, $4  }
0x337: {  	[tilespmem:v6+s21+$0x0] =	vst.idx.add.f32.msk $0xffff, v2  }
0x338: {  	[tilespmem:v7+s20+$0x0] =	vst.idx.add.f32.msk $0xffff, v11  }
0x339: {  	[tilespmem:v7+s21+$0x0] =	vst.idx.add.f32.msk $0xffff, v2  }
0x33a: {  	[tilespmem:v3+s20+$0x0] =	vst.idx.add.f32.msk $0xffff, v5  }
0x33b: {  	_ =	sdelay $0x3  }
0x33c: {  	[tilespmem:v3+s21+$0x0] =	vst.idx.add.f32.msk $0xffff, v2;
	s26 =	simm.s32 $0x0  }
0x33d: {  	[tilespmem:s26], [sflag:$0x1] =	stream.linear.gather [hbm4b:s2+s26], $0x2710, $0x38;
	[tilespmem:$0x1BE00] =	vst v63  }
0x33e: {  	_ = 	snop  }
0x33f: {  	[tilespmem:s15], [sflag:$0x3] =	stream.linear.gather [hbm4b:s3+s26], $0x2710, $0x38;
	[tilespmem:$0x1BE00] =	vst v63  }
0x340: {  	_ =	swait.ge [sflag:s22], $0x2710  }
0x341: {  	[sflag:s22] =	ssyncset.done $0x0  }
0x342: {  	[sflag:s22] =	ssyncadd.s32 $0xFFFFD8F0  }
0x343: {  	_ =	swait.ge [sflag:s23], $0x2710  }
0x344: {  	[sflag:s23] =	ssyncset.done $0x0  }
0x345: {  	s29 =	simm.s32 $0x0;
	[sflag:s23] =	ssyncadd.s32 $0xFFFFD8F0  }
0x346: {  	v3 =	vld [tilespmem:s29+$0x7680];
	_ =	sdelay $0x1  }
0x347: {  	v4 =	vld [tilespmem:s29+$0x7690]  }
0x348: {  	v5 =	vld [tilespmem:s29+$0x27C0]  }
0x349: {  	v6 =	vld [tilespmem:s29+$0x76A0]  }
0x34a: {  	v7 =	vld [tilespmem:s29+$0x76B0];
	v3 =	vshll.u32 v3, $0x7  }
0x34b: {  	v8 =	vld [tilespmem:s29+$0x2780];
	v3 =	vor.u32 v1, v3  }
0x34c: {  	v9 =	vld [tilespmem:s29+$0x76C0];
	v4 =	vshll.u32 v4, $0x7  }
0x34d: {  	v10 =	vld [tilespmem:s29+$0x2790];
	v4 =	vor.u32 v1, v4  }
0x34e: {  	v11 =	vld [tilespmem:s29+$0x27B0];
	v6 =	vshll.u32 v6, $0x7  }
0x34f: {  	v12 =	vld [tilespmem:s29+$0x27A0];
	v6 =	vor.u32 v1, v6  }
0x350: {  	v7 =	vshll.u32 v7, $0x7;
	[tilespmem:v3+s20+$0x0] =	vst.idx.add.f32.msk $0xffff, v8  }
0x351: {  	v7 =	vor.u32 v1, v7;
	[tilespmem:v3+s21+$0x0] =	vst.idx.add.f32.msk $0xffff, v2  }
0x352: {  	v3 =	vshll.u32 v9, $0x7;
	[tilespmem:v4+s20+$0x0] =	vst.idx.add.f32.msk $0xffff, v10  }
0x353: {  	v3 =	vor.u32 v1, v3;
	[tilespmem:v4+s21+$0x0] =	vst.idx.add.f32.msk $0xffff, v2  }
0x354: {  	[tilespmem:v6+s20+$0x0] =	vst.idx.add.f32.msk $0xffff, v12  }
0x355: {  	[tilespmem:v6+s21+$0x0] =	vst.idx.add.f32.msk $0xffff, v2  }
0x356: {  	[tilespmem:v7+s20+$0x0] =	vst.idx.add.f32.msk $0xffff, v11  }
0x357: {  	[tilespmem:v7+s21+$0x0] =	vst.idx.add.f32.msk $0xffff, v2  }
0x358: {  	s26 =	simm.s32 $0x140;
	[tilespmem:v3+s20+$0x0] =	vst.idx.add.f32.msk $0xffff, v5  }
.LBB2_34:
0x359: {  	s28 =	sshra.s32 s26, $0x2;
	p0 =	sne.s32 s26, $0x9B00;
	s26 =	sadd.s32 $0x140, s26;
	[tilespmem:v3+s21+$0x0] =	vst.idx.add.f32.msk $0xffff, v2  }
0x35a: {  	v3 =	vld [tilespmem:s28+$0x7680];
	_ =	sdelay $0x1  }
0x35b: {  	v4 =	vld [tilespmem:s28+$0x7690]  }
0x35c: {  	v5 =	vld [tilespmem:s28+$0x27C0]  }
0x35d: {  	v6 =	vld [tilespmem:s28+$0x76A0]  }
0x35e: {  	v7 =	vld [tilespmem:s28+$0x76B0];
	v3 =	vshll.u32 v3, $0x7  }
0x35f: {  	v8 =	vld [tilespmem:s28+$0x2780];
	v3 =	vor.u32 v1, v3  }
0x360: {  	v9 =	vld [tilespmem:s28+$0x76C0];
	v4 =	vshll.u32 v4, $0x7  }
0x361: {  	v10 =	vld [tilespmem:s28+$0x2790];
	v4 =	vor.u32 v1, v4  }
0x362: {  	v11 =	vld [tilespmem:s28+$0x27B0];
	v6 =	vshll.u32 v6, $0x7  }
0x363: {  	v12 =	vld [tilespmem:s28+$0x27A0];
	v6 =	vor.u32 v1, v6  }
0x364: {  	v7 =	vshll.u32 v7, $0x7;
	[tilespmem:v3+s20+$0x0] =	vst.idx.add.f32.msk $0xffff, v8  }
0x365: {  	v7 =	vor.u32 v1, v7;
	[tilespmem:v3+s21+$0x0] =	vst.idx.add.f32.msk $0xffff, v2;
	v3 =	vshll.u32 v9, $0x7  }
0x366: {  	[tilespmem:v4+s20+$0x0] =	vst.idx.add.f32.msk $0xffff, v10  }
0x367: {  	v3 =	vor.u32 v1, v3;
	[tilespmem:v4+s21+$0x0] =	vst.idx.add.f32.msk $0xffff, v2  }
.Ltmp16:
0x368: {  	[tilespmem:v6+s20+$0x0] =	vst.idx.add.f32.msk $0xffff, v12;
	(pc) =	sbr.rel @p0 .LBB2_34-.Ltmp16, $4  }
0x369: {  	[tilespmem:v6+s21+$0x0] =	vst.idx.add.f32.msk $0xffff, v2  }
0x36a: {  	[tilespmem:v7+s20+$0x0] =	vst.idx.add.f32.msk $0xffff, v11  }
0x36b: {  	[tilespmem:v7+s21+$0x0] =	vst.idx.add.f32.msk $0xffff, v2  }
0x36c: {  	[tilespmem:v3+s20+$0x0] =	vst.idx.add.f32.msk $0xffff, v5  }
0x36d: {  	_ =	sdelay $0x3  }
0x36e: {  	[tilespmem:v3+s21+$0x0] =	vst.idx.add.f32.msk $0xffff, v2;
	s26 =	simm.s32 $0x0  }
0x36f: {  	[tilespmem:s16], [sflag:$0x2] =	stream.linear.gather [hbm4b:s4+s26], $0x2710, $0x38;
	[tilespmem:$0x1BE00] =	vst v63  }
0x370: {  	_ = 	snop  }
0x371: {  	[tilespmem:s17], [sflag:$0x4] =	stream.linear.gather [hbm4b:s5+s26], $0x2710, $0x38;
	[tilespmem:$0x1BE00] =	vst v63  }
0x372: {  	_ =	swait.ge [sflag:s18], $0x2710  }
0x373: {  	[sflag:s18] =	ssyncset.done $0x0  }
0x374: {  	[sflag:s18] =	ssyncadd.s32 $0xFFFFD8F0  }
0x375: {  	_ =	swait.ge [sflag:s19], $0x2710  }
0x376: {  	[sflag:s19] =	ssyncset.done $0x0  }
0x377: {  	s29 =	simm.s32 $0x0;
	[sflag:s19] =	ssyncadd.s32 $0xFFFFD8F0  }
0x378: {  	v3 =	vld [tilespmem:s29+$0x4F00];
	_ =	sdelay $0x1  }
0x379: {  	v4 =	vld [tilespmem:s29+$0x4F10]  }
0x37a: {  	v5 =	vld [tilespmem:s29+$0x40]  }
0x37b: {  	v6 =	vld [tilespmem:s29+$0x4F20]  }
0x37c: {  	v7 =	vld [tilespmem:s29+$0x4F30];
	v3 =	vshll.u32 v3, $0x7  }
0x37d: {  	v8 =	vld [tilespmem:s29+$0x0];
	v3 =	vor.u32 v1, v3  }
0x37e: {  	v9 =	vld [tilespmem:s29+$0x4F40];
	v4 =	vshll.u32 v4, $0x7  }
0x37f: {  	v10 =	vld [tilespmem:s29+$0x10];
	v4 =	vor.u32 v1, v4  }
0x380: {  	v11 =	vld [tilespmem:s29+$0x30];
	v6 =	vshll.u32 v6, $0x7  }
0x381: {  	v12 =	vld [tilespmem:s29+$0x20];
	v6 =	vor.u32 v1, v6  }
0x382: {  	v7 =	vshll.u32 v7, $0x7;
	[tilespmem:v3+s20+$0x0] =	vst.idx.add.f32.msk $0xffff, v8  }
0x383: {  	v7 =	vor.u32 v1, v7;
	[tilespmem:v3+s21+$0x0] =	vst.idx.add.f32.msk $0xffff, v2  }
0x384: {  	v3 =	vshll.u32 v9, $0x7;
	[tilespmem:v4+s20+$0x0] =	vst.idx.add.f32.msk $0xffff, v10  }
0x385: {  	v3 =	vor.u32 v1, v3;
	[tilespmem:v4+s21+$0x0] =	vst.idx.add.f32.msk $0xffff, v2  }
0x386: {  	[tilespmem:v6+s20+$0x0] =	vst.idx.add.f32.msk $0xffff, v12  }
0x387: {  	[tilespmem:v6+s21+$0x0] =	vst.idx.add.f32.msk $0xffff, v2  }
0x388: {  	[tilespmem:v7+s20+$0x0] =	vst.idx.add.f32.msk $0xffff, v11  }
0x389: {  	[tilespmem:v7+s21+$0x0] =	vst.idx.add.f32.msk $0xffff, v2  }
0x38a: {  	s26 =	simm.s32 $0x140;
	[tilespmem:v3+s20+$0x0] =	vst.idx.add.f32.msk $0xffff, v5  }
.LBB2_36:
0x38b: {  	s28 =	sshra.s32 s26, $0x2;
	p0 =	sne.s32 s26, $0x9B00;
	s26 =	sadd.s32 $0x140, s26;
	[tilespmem:v3+s21+$0x0] =	vst.idx.add.f32.msk $0xffff, v2  }
0x38c: {  	v3 =	vld [tilespmem:s28+$0x4F00];
	_ =	sdelay $0x1  }
0x38d: {  	v4 =	vld [tilespmem:s28+$0x4F10]  }
0x38e: {  	v5 =	vld [tilespmem:s28+$0x40]  }
0x38f: {  	v6 =	vld [tilespmem:s28+$0x4F20]  }
0x390: {  	v7 =	vld [tilespmem:s28+$0x4F30];
	v3 =	vshll.u32 v3, $0x7  }
0x391: {  	v8 =	vld [tilespmem:s28+$0x0];
	v3 =	vor.u32 v1, v3  }
0x392: {  	v9 =	vld [tilespmem:s28+$0x4F40];
	v4 =	vshll.u32 v4, $0x7  }
0x393: {  	v10 =	vld [tilespmem:s28+$0x10];
	v4 =	vor.u32 v1, v4  }
0x394: {  	v11 =	vld [tilespmem:s28+$0x30];
	v6 =	vshll.u32 v6, $0x7  }
0x395: {  	v12 =	vld [tilespmem:s28+$0x20];
	v6 =	vor.u32 v1, v6  }
0x396: {  	v7 =	vshll.u32 v7, $0x7;
	[tilespmem:v3+s20+$0x0] =	vst.idx.add.f32.msk $0xffff, v8  }
0x397: {  	v7 =	vor.u32 v1, v7;
	[tilespmem:v3+s21+$0x0] =	vst.idx.add.f32.msk $0xffff, v2;
	v3 =	vshll.u32 v9, $0x7  }
0x398: {  	[tilespmem:v4+s20+$0x0] =	vst.idx.add.f32.msk $0xffff, v10  }
0x399: {  	v3 =	vor.u32 v1, v3;
	[tilespmem:v4+s21+$0x0] =	vst.idx.add.f32.msk $0xffff, v2  }
.Ltmp17:
0x39a: {  	[tilespmem:v6+s20+$0x0] =	vst.idx.add.f32.msk $0xffff, v12;
	(pc) =	sbr.rel @p0 .LBB2_36-.Ltmp17, $4  }
0x39b: {  	[tilespmem:v6+s21+$0x0] =	vst.idx.add.f32.msk $0xffff, v2  }
0x39c: {  	[tilespmem:v7+s20+$0x0] =	vst.idx.add.f32.msk $0xffff, v11  }
0x39d: {  	[tilespmem:v7+s21+$0x0] =	vst.idx.add.f32.msk $0xffff, v2  }
0x39e: {  	[tilespmem:v3+s20+$0x0] =	vst.idx.add.f32.msk $0xffff, v5  }
0x39f: {  	_ =	sdelay $0x3  }
0x3a0: {  	[tilespmem:v3+s21+$0x0] =	vst.idx.add.f32.msk $0xffff, v2;
	s26 =	simm.s32 $0x0  }
0x3a1: {  	[tilespmem:s26], [sflag:$0x1] =	stream.linear.gather [hbm4b:s8+s26], $0x2710, $0x38;
	[tilespmem:$0x1BE00] =	vst v63  }
0x3a2: {  	_ = 	snop  }
0x3a3: {  	[tilespmem:s15], [sflag:$0x3] =	stream.linear.gather [hbm4b:s9+s26], $0x2710, $0x38;
	[tilespmem:$0x1BE00] =	vst v63  }
0x3a4: {  	_ =	swait.ge [sflag:s22], $0x2710  }
0x3a5: {  	[sflag:s22] =	ssyncset.done $0x0  }
0x3a6: {  	[sflag:s22] =	ssyncadd.s32 $0xFFFFD8F0  }
0x3a7: {  	_ =	swait.ge [sflag:s23], $0x2710  }
0x3a8: {  	[sflag:s23] =	ssyncset.done $0x0  }
0x3a9: {  	s29 =	simm.s32 $0x0;
	[sflag:s23] =	ssyncadd.s32 $0xFFFFD8F0  }
0x3aa: {  	v3 =	vld [tilespmem:s29+$0x7680];
	_ =	sdelay $0x1  }
0x3ab: {  	v4 =	vld [tilespmem:s29+$0x7690]  }
0x3ac: {  	v5 =	vld [tilespmem:s29+$0x27C0]  }
0x3ad: {  	v6 =	vld [tilespmem:s29+$0x76A0]  }
0x3ae: {  	v7 =	vld [tilespmem:s29+$0x76B0];
	v3 =	vshll.u32 v3, $0x7  }
0x3af: {  	v8 =	vld [tilespmem:s29+$0x2780];
	v3 =	vor.u32 v1, v3  }
0x3b0: {  	v9 =	vld [tilespmem:s29+$0x76C0];
	v4 =	vshll.u32 v4, $0x7  }
0x3b1: {  	v10 =	vld [tilespmem:s29+$0x2790];
	v4 =	vor.u32 v1, v4  }
0x3b2: {  	v11 =	vld [tilespmem:s29+$0x27B0];
	v6 =	vshll.u32 v6, $0x7  }
0x3b3: {  	v12 =	vld [tilespmem:s29+$0x27A0];
	v6 =	vor.u32 v1, v6  }
0x3b4: {  	v7 =	vshll.u32 v7, $0x7;
	[tilespmem:v3+s20+$0x0] =	vst.idx.add.f32.msk $0xffff, v8  }
0x3b5: {  	v7 =	vor.u32 v1, v7;
	[tilespmem:v3+s21+$0x0] =	vst.idx.add.f32.msk $0xffff, v2  }
0x3b6: {  	v3 =	vshll.u32 v9, $0x7;
	[tilespmem:v4+s20+$0x0] =	vst.idx.add.f32.msk $0xffff, v10  }
0x3b7: {  	v3 =	vor.u32 v1, v3;
	[tilespmem:v4+s21+$0x0] =	vst.idx.add.f32.msk $0xffff, v2  }
0x3b8: {  	[tilespmem:v6+s20+$0x0] =	vst.idx.add.f32.msk $0xffff, v12  }
0x3b9: {  	[tilespmem:v6+s21+$0x0] =	vst.idx.add.f32.msk $0xffff, v2  }
0x3ba: {  	[tilespmem:v7+s20+$0x0] =	vst.idx.add.f32.msk $0xffff, v11  }
0x3bb: {  	[tilespmem:v7+s21+$0x0] =	vst.idx.add.f32.msk $0xffff, v2  }
0x3bc: {  	s26 =	simm.s32 $0x140;
	[tilespmem:v3+s20+$0x0] =	vst.idx.add.f32.msk $0xffff, v5  }
.LBB2_38:
0x3bd: {  	s28 =	sshra.s32 s26, $0x2;
	p0 =	sne.s32 s26, $0x9B00;
	s26 =	sadd.s32 $0x140, s26;
	[tilespmem:v3+s21+$0x0] =	vst.idx.add.f32.msk $0xffff, v2  }
0x3be: {  	v3 =	vld [tilespmem:s28+$0x7680];
	_ =	sdelay $0x1  }
0x3bf: {  	v4 =	vld [tilespmem:s28+$0x7690]  }
0x3c0: {  	v5 =	vld [tilespmem:s28+$0x27C0]  }
0x3c1: {  	v6 =	vld [tilespmem:s28+$0x76A0]  }
0x3c2: {  	v7 =	vld [tilespmem:s28+$0x76B0];
	v3 =	vshll.u32 v3, $0x7  }
0x3c3: {  	v8 =	vld [tilespmem:s28+$0x2780];
	v3 =	vor.u32 v1, v3  }
0x3c4: {  	v9 =	vld [tilespmem:s28+$0x76C0];
	v4 =	vshll.u32 v4, $0x7  }
0x3c5: {  	v10 =	vld [tilespmem:s28+$0x2790];
	v4 =	vor.u32 v1, v4  }
0x3c6: {  	v11 =	vld [tilespmem:s28+$0x27B0];
	v6 =	vshll.u32 v6, $0x7  }
0x3c7: {  	v12 =	vld [tilespmem:s28+$0x27A0];
	v6 =	vor.u32 v1, v6  }
0x3c8: {  	v7 =	vshll.u32 v7, $0x7;
	[tilespmem:v3+s20+$0x0] =	vst.idx.add.f32.msk $0xffff, v8  }
0x3c9: {  	v7 =	vor.u32 v1, v7;
	[tilespmem:v3+s21+$0x0] =	vst.idx.add.f32.msk $0xffff, v2;
	v3 =	vshll.u32 v9, $0x7  }
0x3ca: {  	[tilespmem:v4+s20+$0x0] =	vst.idx.add.f32.msk $0xffff, v10  }
0x3cb: {  	v3 =	vor.u32 v1, v3;
	[tilespmem:v4+s21+$0x0] =	vst.idx.add.f32.msk $0xffff, v2  }
.Ltmp18:
0x3cc: {  	[tilespmem:v6+s20+$0x0] =	vst.idx.add.f32.msk $0xffff, v12;
	(pc) =	sbr.rel @p0 .LBB2_38-.Ltmp18, $4  }
0x3cd: {  	[tilespmem:v6+s21+$0x0] =	vst.idx.add.f32.msk $0xffff, v2  }
0x3ce: {  	[tilespmem:v7+s20+$0x0] =	vst.idx.add.f32.msk $0xffff, v11  }
0x3cf: {  	[tilespmem:v7+s21+$0x0] =	vst.idx.add.f32.msk $0xffff, v2  }
0x3d0: {  	[tilespmem:v3+s20+$0x0] =	vst.idx.add.f32.msk $0xffff, v5  }
0x3d1: {  	_ =	sdelay $0x3  }
0x3d2: {  	[tilespmem:v3+s21+$0x0] =	vst.idx.add.f32.msk $0xffff, v2;
	s26 =	simm.s32 $0x0  }
0x3d3: {  	[tilespmem:s16], [sflag:$0x2] =	stream.linear.gather [hbm4b:s10+s26], $0x2710, $0x38;
	[tilespmem:$0x1BE00] =	vst v63  }
0x3d4: {  	_ = 	snop  }
0x3d5: {  	[tilespmem:s17], [sflag:$0x4] =	stream.linear.gather [hbm4b:s11+s26], $0x2710, $0x38;
	[tilespmem:$0x1BE00] =	vst v63  }
0x3d6: {  	_ =	swait.ge [sflag:s18], $0x2710  }
0x3d7: {  	[sflag:s18] =	ssyncset.done $0x0  }
0x3d8: {  	[sflag:s18] =	ssyncadd.s32 $0xFFFFD8F0  }
0x3d9: {  	_ =	swait.ge [sflag:s19], $0x2710  }
0x3da: {  	[sflag:s19] =	ssyncset.done $0x0  }
0x3db: {  	s29 =	simm.s32 $0x0;
	[sflag:s19] =	ssyncadd.s32 $0xFFFFD8F0  }
0x3dc: {  	v3 =	vld [tilespmem:s29+$0x4F00];
	_ =	sdelay $0x1  }
0x3dd: {  	v4 =	vld [tilespmem:s29+$0x4F10]  }
0x3de: {  	v5 =	vld [tilespmem:s29+$0x40]  }
0x3df: {  	v6 =	vld [tilespmem:s29+$0x4F20]  }
0x3e0: {  	v7 =	vld [tilespmem:s29+$0x4F30];
	v3 =	vshll.u32 v3, $0x7  }
0x3e1: {  	v8 =	vld [tilespmem:s29+$0x0];
	v3 =	vor.u32 v1, v3  }
0x3e2: {  	v9 =	vld [tilespmem:s29+$0x4F40];
	v4 =	vshll.u32 v4, $0x7  }
0x3e3: {  	v10 =	vld [tilespmem:s29+$0x10];
	v4 =	vor.u32 v1, v4  }
0x3e4: {  	v11 =	vld [tilespmem:s29+$0x30];
	v6 =	vshll.u32 v6, $0x7  }
0x3e5: {  	v12 =	vld [tilespmem:s29+$0x20];
	v6 =	vor.u32 v1, v6  }
0x3e6: {  	v7 =	vshll.u32 v7, $0x7;
	[tilespmem:v3+s20+$0x0] =	vst.idx.add.f32.msk $0xffff, v8  }
0x3e7: {  	v7 =	vor.u32 v1, v7;
	[tilespmem:v3+s21+$0x0] =	vst.idx.add.f32.msk $0xffff, v2  }
0x3e8: {  	v3 =	vshll.u32 v9, $0x7;
	[tilespmem:v4+s20+$0x0] =	vst.idx.add.f32.msk $0xffff, v10  }
0x3e9: {  	v3 =	vor.u32 v1, v3;
	[tilespmem:v4+s21+$0x0] =	vst.idx.add.f32.msk $0xffff, v2  }
0x3ea: {  	[tilespmem:v6+s20+$0x0] =	vst.idx.add.f32.msk $0xffff, v12  }
0x3eb: {  	[tilespmem:v6+s21+$0x0] =	vst.idx.add.f32.msk $0xffff, v2  }
0x3ec: {  	[tilespmem:v7+s20+$0x0] =	vst.idx.add.f32.msk $0xffff, v11  }
0x3ed: {  	[tilespmem:v7+s21+$0x0] =	vst.idx.add.f32.msk $0xffff, v2  }
0x3ee: {  	s26 =	simm.s32 $0x140;
	[tilespmem:v3+s20+$0x0] =	vst.idx.add.f32.msk $0xffff, v5  }
.LBB2_40:
0x3ef: {  	s28 =	sshra.s32 s26, $0x2;
	p0 =	sne.s32 s26, $0x9B00;
	s26 =	sadd.s32 $0x140, s26;
	[tilespmem:v3+s21+$0x0] =	vst.idx.add.f32.msk $0xffff, v2  }
0x3f0: {  	v3 =	vld [tilespmem:s28+$0x4F00];
	_ =	sdelay $0x1  }
0x3f1: {  	v4 =	vld [tilespmem:s28+$0x4F10]  }
0x3f2: {  	v5 =	vld [tilespmem:s28+$0x40]  }
0x3f3: {  	v6 =	vld [tilespmem:s28+$0x4F20]  }
0x3f4: {  	v7 =	vld [tilespmem:s28+$0x4F30];
	v3 =	vshll.u32 v3, $0x7  }
0x3f5: {  	v8 =	vld [tilespmem:s28+$0x0];
	v3 =	vor.u32 v1, v3  }
0x3f6: {  	v9 =	vld [tilespmem:s28+$0x4F40];
	v4 =	vshll.u32 v4, $0x7  }
0x3f7: {  	v10 =	vld [tilespmem:s28+$0x10];
	v4 =	vor.u32 v1, v4  }
0x3f8: {  	v11 =	vld [tilespmem:s28+$0x30];
	v6 =	vshll.u32 v6, $0x7  }
0x3f9: {  	v12 =	vld [tilespmem:s28+$0x20];
	v6 =	vor.u32 v1, v6  }
0x3fa: {  	v7 =	vshll.u32 v7, $0x7;
	[tilespmem:v3+s20+$0x0] =	vst.idx.add.f32.msk $0xffff, v8  }
0x3fb: {  	v7 =	vor.u32 v1, v7;
	[tilespmem:v3+s21+$0x0] =	vst.idx.add.f32.msk $0xffff, v2;
	v3 =	vshll.u32 v9, $0x7  }
0x3fc: {  	[tilespmem:v4+s20+$0x0] =	vst.idx.add.f32.msk $0xffff, v10  }
0x3fd: {  	v3 =	vor.u32 v1, v3;
	[tilespmem:v4+s21+$0x0] =	vst.idx.add.f32.msk $0xffff, v2  }
.Ltmp19:
0x3fe: {  	[tilespmem:v6+s20+$0x0] =	vst.idx.add.f32.msk $0xffff, v12;
	(pc) =	sbr.rel @p0 .LBB2_40-.Ltmp19, $4  }
0x3ff: {  	[tilespmem:v6+s21+$0x0] =	vst.idx.add.f32.msk $0xffff, v2  }
0x400: {  	[tilespmem:v7+s20+$0x0] =	vst.idx.add.f32.msk $0xffff, v11  }
0x401: {  	[tilespmem:v7+s21+$0x0] =	vst.idx.add.f32.msk $0xffff, v2  }
0x402: {  	[tilespmem:v3+s20+$0x0] =	vst.idx.add.f32.msk $0xffff, v5  }
0x403: {  	_ =	sdelay $0x3  }
0x404: {  	[tilespmem:v3+s21+$0x0] =	vst.idx.add.f32.msk $0xffff, v2  }
0x405: {  	_ =	swait.ge [sflag:s22], $0x2710  }
0x406: {  	[sflag:s22] =	ssyncset.done $0x0  }
0x407: {  	[sflag:s22] =	ssyncadd.s32 $0xFFFFD8F0  }
0x408: {  	_ =	swait.ge [sflag:s23], $0x2710  }
0x409: {  	[sflag:s23] =	ssyncset.done $0x0  }
0x40a: {  	s26 =	simm.s32 $0x0;
	[sflag:s23] =	ssyncadd.s32 $0xFFFFD8F0  }
0x40b: {  	v3 =	vld [tilespmem:s26+$0x7680];
	_ =	sdelay $0x1  }
0x40c: {  	v4 =	vld [tilespmem:s26+$0x7690]  }
0x40d: {  	v5 =	vld [tilespmem:s26+$0x27C0]  }
0x40e: {  	v6 =	vld [tilespmem:s26+$0x76A0]  }
0x40f: {  	v7 =	vld [tilespmem:s26+$0x76B0];
	v3 =	vshll.u32 v3, $0x7  }
0x410: {  	v8 =	vld [tilespmem:s26+$0x2780];
	v3 =	vor.u32 v1, v3  }
0x411: {  	v9 =	vld [tilespmem:s26+$0x76C0];
	v4 =	vshll.u32 v4, $0x7  }
0x412: {  	v10 =	vld [tilespmem:s26+$0x2790];
	v4 =	vor.u32 v1, v4  }
0x413: {  	v11 =	vld [tilespmem:s26+$0x27B0];
	v6 =	vshll.u32 v6, $0x7  }
0x414: {  	v12 =	vld [tilespmem:s26+$0x27A0];
	v6 =	vor.u32 v1, v6  }
0x415: {  	v7 =	vshll.u32 v7, $0x7;
	[tilespmem:v3+s20+$0x0] =	vst.idx.add.f32.msk $0xffff, v8  }
0x416: {  	v7 =	vor.u32 v1, v7;
	[tilespmem:v3+s21+$0x0] =	vst.idx.add.f32.msk $0xffff, v2  }
0x417: {  	v3 =	vshll.u32 v9, $0x7;
	[tilespmem:v4+s20+$0x0] =	vst.idx.add.f32.msk $0xffff, v10  }
0x418: {  	v3 =	vor.u32 v1, v3;
	[tilespmem:v4+s21+$0x0] =	vst.idx.add.f32.msk $0xffff, v2  }
0x419: {  	[tilespmem:v6+s20+$0x0] =	vst.idx.add.f32.msk $0xffff, v12  }
0x41a: {  	[tilespmem:v6+s21+$0x0] =	vst.idx.add.f32.msk $0xffff, v2  }
0x41b: {  	[tilespmem:v7+s20+$0x0] =	vst.idx.add.f32.msk $0xffff, v11  }
0x41c: {  	[tilespmem:v7+s21+$0x0] =	vst.idx.add.f32.msk $0xffff, v2  }
0x41d: {  	s28 =	simm.s32 $0x140;
	[tilespmem:v3+s20+$0x0] =	vst.idx.add.f32.msk $0xffff, v5  }
.LBB2_42:
0x41e: {  	s29 =	sshra.s32 s28, $0x2;
	p0 =	sne.s32 s28, $0x9B00;
	s28 =	sadd.s32 $0x140, s28;
	[tilespmem:v3+s21+$0x0] =	vst.idx.add.f32.msk $0xffff, v2  }
0x41f: {  	v3 =	vld [tilespmem:s29+$0x7680];
	_ =	sdelay $0x1  }
0x420: {  	v4 =	vld [tilespmem:s29+$0x7690]  }
0x421: {  	v5 =	vld [tilespmem:s29+$0x27C0]  }
0x422: {  	v6 =	vld [tilespmem:s29+$0x76A0]  }
0x423: {  	v7 =	vld [tilespmem:s29+$0x76B0];
	v3 =	vshll.u32 v3, $0x7  }
0x424: {  	v8 =	vld [tilespmem:s29+$0x2780];
	v3 =	vor.u32 v1, v3  }
0x425: {  	v9 =	vld [tilespmem:s29+$0x76C0];
	v4 =	vshll.u32 v4, $0x7  }
0x426: {  	v10 =	vld [tilespmem:s29+$0x2790];
	v4 =	vor.u32 v1, v4  }
0x427: {  	v11 =	vld [tilespmem:s29+$0x27B0];
	v6 =	vshll.u32 v6, $0x7  }
0x428: {  	v12 =	vld [tilespmem:s29+$0x27A0];
	v6 =	vor.u32 v1, v6  }
0x429: {  	v7 =	vshll.u32 v7, $0x7;
	[tilespmem:v3+s20+$0x0] =	vst.idx.add.f32.msk $0xffff, v8  }
0x42a: {  	v7 =	vor.u32 v1, v7;
	[tilespmem:v3+s21+$0x0] =	vst.idx.add.f32.msk $0xffff, v2;
	v3 =	vshll.u32 v9, $0x7  }
0x42b: {  	[tilespmem:v4+s20+$0x0] =	vst.idx.add.f32.msk $0xffff, v10  }
0x42c: {  	v3 =	vor.u32 v1, v3;
	[tilespmem:v4+s21+$0x0] =	vst.idx.add.f32.msk $0xffff, v2  }
.Ltmp20:
0x42d: {  	[tilespmem:v6+s20+$0x0] =	vst.idx.add.f32.msk $0xffff, v12;
	(pc) =	sbr.rel @p0 .LBB2_42-.Ltmp20, $4  }
0x42e: {  	[tilespmem:v6+s21+$0x0] =	vst.idx.add.f32.msk $0xffff, v2  }
0x42f: {  	[tilespmem:v7+s20+$0x0] =	vst.idx.add.f32.msk $0xffff, v11  }
0x430: {  	[tilespmem:v7+s21+$0x0] =	vst.idx.add.f32.msk $0xffff, v2  }
0x431: {  	[tilespmem:v3+s20+$0x0] =	vst.idx.add.f32.msk $0xffff, v5  }
0x432: {  	_ =	sdelay $0x3  }
0x433: {  	[tilespmem:v3+s21+$0x0] =	vst.idx.add.f32.msk $0xffff, v2  }
0x434: {  	v3 =	vld [tilespmem:s26+$0x9E00];
	_ =	sdelay $0x3  }
0x435: {  	s28 =	simm.s32 $0x19E40  }
0x436: {  	[tilespmem:s28+$0xFFFFFFC0] =	vst v3  }
0x437: {  	v3 =	vld [tilespmem:s26+$0x9E80];
	_ =	sdelay $0x4  }
0x438: {  	[tilespmem:s28+$0xFFFFFFD0] =	vst v3  }
0x439: {  	v3 =	vld [tilespmem:s26+$0x9F00];
	_ =	sdelay $0x4  }
0x43a: {  	[tilespmem:s28+$0xFFFFFFE0] =	vst v3  }
0x43b: {  	v3 =	vld [tilespmem:s26+$0x9F80];
	_ =	sdelay $0x4  }
0x43c: {  	[tilespmem:s28+$0xFFFFFFF0] =	vst v3  }
0x43d: {  	v3 =	vld [tilespmem:s26+$0xA000];
	_ =	sdelay $0x4  }
0x43e: {  	[tilespmem:s28+$0x0] =	vst v3  }
0x43f: {  	v3 =	vld [tilespmem:s26+$0xA080];
	_ =	sdelay $0x4  }
0x440: {  	[tilespmem:s28+$0x10] =	vst v3  }
0x441: {  	v3 =	vld [tilespmem:s26+$0xA100];
	_ =	sdelay $0x4  }
0x442: {  	[tilespmem:s28+$0x20] =	vst v3  }
0x443: {  	v3 =	vld [tilespmem:s26+$0xA180];
	_ =	sdelay $0x4  }
0x444: {  	s29 =	simm.s32 $0x2000;
	s26 =	simm.s32 $0x400;
	[tilespmem:s28+$0x30] =	vst v3  }
.LBB2_44:
0x445: {  	p0 =	sne.s32 s29, $0x1F000;
	v3 =	vld [tilespmem:s26+$0x9E00];
	_ =	sdelay $0x3  }
0x446: {  	s28 =	sadd.s32 $0x80, s28  }
0x447: {  	[tilespmem:s28+$0xFFFFFFC0] =	vst v3  }
0x448: {  	v3 =	vld [tilespmem:s26+$0x9E80];
	_ =	sdelay $0x4  }
0x449: {  	[tilespmem:s28+$0xFFFFFFD0] =	vst v3  }
0x44a: {  	v3 =	vld [tilespmem:s26+$0x9F00];
	_ =	sdelay $0x4  }
0x44b: {  	[tilespmem:s28+$0xFFFFFFE0] =	vst v3  }
0x44c: {  	v3 =	vld [tilespmem:s26+$0x9F80];
	_ =	sdelay $0x4  }
0x44d: {  	[tilespmem:s28+$0xFFFFFFF0] =	vst v3  }
0x44e: {  	v3 =	vld [tilespmem:s26+$0xA000];
	_ =	sdelay $0x4  }
0x44f: {  	[tilespmem:s28+$0x0] =	vst v3  }
0x450: {  	v3 =	vld [tilespmem:s26+$0xA080];
	_ =	sdelay $0x4  }
0x451: {  	[tilespmem:s28+$0x10] =	vst v3  }
0x452: {  	v3 =	vld [tilespmem:s26+$0xA100];
	_ =	sdelay $0x4  }
0x453: {  	[tilespmem:s28+$0x20] =	vst v3  }
0x454: {  	v3 =	vld [tilespmem:s26+$0xA180]  }
.Ltmp21:
0x455: {  	(pc) =	sbr.rel @p0 .LBB2_44-.Ltmp21, $2  }
0x456: {  	_ =	sdelay $0x2  }
0x457: {  	s26 =	sshra.s32 s29, $0x2;
	s29 =	sadd.s32 $0x1000, s29;
	[tilespmem:s28+$0x30] =	vst v3  }
0x458: {  	v3 =	vld [tilespmem:s26+$0x9E00];
	_ =	sdelay $0x3  }
0x459: {  	s28 =	sadd.s32 $0x80, s28  }
0x45a: {  	[tilespmem:s28+$0xFFFFFFC0] =	vst v3  }
0x45b: {  	v3 =	vld [tilespmem:s26+$0x9E80];
	_ =	sdelay $0x4  }
0x45c: {  	[tilespmem:s28+$0xFFFFFFD0] =	vst v3  }
0x45d: {  	v3 =	vld [tilespmem:s26+$0x9F00];
	_ =	sdelay $0x4  }
0x45e: {  	[tilespmem:s28+$0xFFFFFFE0] =	vst v3  }
0x45f: {  	v3 =	vld [tilespmem:s26+$0x9F80];
	_ =	sdelay $0x4  }
0x460: {  	[tilespmem:s28+$0xFFFFFFF0] =	vst v3  }
0x461: {  	v3 =	vld [tilespmem:s26+$0xA000];
	_ =	sdelay $0x4  }
0x462: {  	[tilespmem:s28+$0x0] =	vst v3  }
0x463: {  	v3 =	vld [tilespmem:s26+$0xA080];
	_ =	sdelay $0x4  }
0x464: {  	[tilespmem:s28+$0x10] =	vst v3  }
0x465: {  	v3 =	vld [tilespmem:s26+$0xA100];
	_ =	sdelay $0x4  }
0x466: {  	[tilespmem:s28+$0x20] =	vst v3  }
0x467: {  	v3 =	vld [tilespmem:s26+$0xA180];
	_ =	sdelay $0x4  }
0x468: {  	s26 =	simm.s32 $0x0;
	[tilespmem:s28+$0x30] =	vst v3;
	s28 =	simm.s32 $0x19E00  }
0x469: {  	[hbm4b:s12+s26] =	stream.linear.scatter [tilespmem:s28], [sflag:$0x1], $0x1000, $0x38;
	[tilespmem:$0x1BE00] =	vst v63  }
0x46a: {  	s28 =	simm.s32 $0x0  }
0x46b: {  	v3 =	vld [tilespmem:s28+$0x11E00];
	_ =	sdelay $0x3  }
0x46c: {  	s26 =	simm.s32 $0x1AE40  }
0x46d: {  	[tilespmem:s26+$0xFFFFFFC0] =	vst v3  }
0x46e: {  	v3 =	vld [tilespmem:s28+$0x11E80];
	_ =	sdelay $0x4  }
0x46f: {  	[tilespmem:s26+$0xFFFFFFD0] =	vst v3  }
0x470: {  	v3 =	vld [tilespmem:s28+$0x11F00];
	_ =	sdelay $0x4  }
0x471: {  	[tilespmem:s26+$0xFFFFFFE0] =	vst v3  }
0x472: {  	v3 =	vld [tilespmem:s28+$0x11F80];
	_ =	sdelay $0x4  }
0x473: {  	[tilespmem:s26+$0xFFFFFFF0] =	vst v3  }
0x474: {  	v3 =	vld [tilespmem:s28+$0x12000];
	_ =	sdelay $0x4  }
0x475: {  	[tilespmem:s26+$0x0] =	vst v3  }
0x476: {  	v3 =	vld [tilespmem:s28+$0x12080];
	_ =	sdelay $0x4  }
0x477: {  	[tilespmem:s26+$0x10] =	vst v3  }
0x478: {  	v3 =	vld [tilespmem:s28+$0x12100];
	_ =	sdelay $0x4  }
0x479: {  	[tilespmem:s26+$0x20] =	vst v3  }
0x47a: {  	v3 =	vld [tilespmem:s28+$0x12180];
	_ =	sdelay $0x4  }
0x47b: {  	s29 =	simm.s32 $0x2000;
	s28 =	simm.s32 $0x400;
	[tilespmem:s26+$0x30] =	vst v3  }
.LBB2_46:
0x47c: {  	p0 =	sne.s32 s29, $0x1F000;
	v3 =	vld [tilespmem:s28+$0x11E00];
	_ =	sdelay $0x3  }
0x47d: {  	s26 =	sadd.s32 $0x80, s26  }
0x47e: {  	[tilespmem:s26+$0xFFFFFFC0] =	vst v3  }
0x47f: {  	v3 =	vld [tilespmem:s28+$0x11E80];
	_ =	sdelay $0x4  }
0x480: {  	[tilespmem:s26+$0xFFFFFFD0] =	vst v3  }
0x481: {  	v3 =	vld [tilespmem:s28+$0x11F00];
	_ =	sdelay $0x4  }
0x482: {  	[tilespmem:s26+$0xFFFFFFE0] =	vst v3  }
0x483: {  	v3 =	vld [tilespmem:s28+$0x11F80];
	_ =	sdelay $0x4  }
0x484: {  	[tilespmem:s26+$0xFFFFFFF0] =	vst v3  }
0x485: {  	v3 =	vld [tilespmem:s28+$0x12000];
	_ =	sdelay $0x4  }
0x486: {  	[tilespmem:s26+$0x0] =	vst v3  }
0x487: {  	v3 =	vld [tilespmem:s28+$0x12080];
	_ =	sdelay $0x4  }
0x488: {  	[tilespmem:s26+$0x10] =	vst v3  }
0x489: {  	v3 =	vld [tilespmem:s28+$0x12100];
	_ =	sdelay $0x4  }
0x48a: {  	[tilespmem:s26+$0x20] =	vst v3  }
0x48b: {  	v3 =	vld [tilespmem:s28+$0x12180]  }
.Ltmp22:
0x48c: {  	(pc) =	sbr.rel @p0 .LBB2_46-.Ltmp22, $2  }
0x48d: {  	_ =	sdelay $0x2  }
0x48e: {  	s28 =	sshra.s32 s29, $0x2;
	s29 =	sadd.s32 $0x1000, s29;
	[tilespmem:s26+$0x30] =	vst v3  }
0x48f: {  	v3 =	vld [tilespmem:s28+$0x11E00];
	_ =	sdelay $0x3  }
0x490: {  	s26 =	sadd.s32 $0x80, s26  }
0x491: {  	[tilespmem:s26+$0xFFFFFFC0] =	vst v3  }
0x492: {  	v3 =	vld [tilespmem:s28+$0x11E80];
	_ =	sdelay $0x4  }
0x493: {  	[tilespmem:s26+$0xFFFFFFD0] =	vst v3  }
0x494: {  	v3 =	vld [tilespmem:s28+$0x11F00];
	_ =	sdelay $0x4  }
0x495: {  	[tilespmem:s26+$0xFFFFFFE0] =	vst v3  }
0x496: {  	v3 =	vld [tilespmem:s28+$0x11F80];
	_ =	sdelay $0x4  }
0x497: {  	[tilespmem:s26+$0xFFFFFFF0] =	vst v3  }
0x498: {  	v3 =	vld [tilespmem:s28+$0x12000];
	_ =	sdelay $0x4  }
0x499: {  	[tilespmem:s26+$0x0] =	vst v3  }
0x49a: {  	v3 =	vld [tilespmem:s28+$0x12080];
	_ =	sdelay $0x4  }
0x49b: {  	[tilespmem:s26+$0x10] =	vst v3  }
0x49c: {  	v3 =	vld [tilespmem:s28+$0x12100];
	_ =	sdelay $0x4  }
0x49d: {  	[tilespmem:s26+$0x20] =	vst v3  }
0x49e: {  	v3 =	vld [tilespmem:s28+$0x12180];
	_ =	sdelay $0x4  }
0x49f: {  	s29 =	simm.s32 $0x1AE00;
	s25 =	sadd.s32 $0x1, s25;
	[tilespmem:s26+$0x30] =	vst v3  }
0x4a0: {  	[hbm4b:s13+s1] =	stream.linear.scatter [tilespmem:s29], [sflag:$0x5], $0x1000, $0x38;
	[tilespmem:$0x1BE00] =	vst v63  }
0x4a1: {  	p0 =	sne.s32 s25, s14;
	_ =	swait.ge [sflag:s24], $0x1000  }
.Ltmp23:
0x4a2: {  	[sflag:s24] =	ssyncset.done $0x0;
	(pc) =	sbr.rel @p0 .LBB2_1-.Ltmp23, $4  }
0x4a3: {  	[sflag:s24] =	ssyncadd.s32 $0xFFFFF000  }
0x4a4: {  	_ =	swait.ge [sflag:s18], $0x1000  }
0x4a5: {  	[sflag:s18] =	ssyncset.done $0x0  }
0x4a6: {  	[sflag:s18] =	ssyncadd.s32 $0xFFFFF000  }
0x4a7: {  	_ =	sfence.sel $0x180000  }
0x4a8: {  	[bflag:$0x0] =	sbarrier.arrive $0xFFFF  }
0x4a9: {  	_ =	strace $0x90000047  }
0x4aa: {  	s0 =	stileid.u32;
	[bflag:$0x2] =	sbarrier.arrive $0xFFFF  }
0x4ab: {  	p0 =	sne.s32 s0, $0x0;
	s0 =	rddreg [dreg:$0x3]  }
0x4ac: {  	s0 =	sadd.s32 @!p0 $0x100000, s0  }
0x4ad: {  	[sflag:s0] =	ssyncadd.tile.s32 @!p0 $0x1;
	_ =	shalt  }
.Lfunc_end2:
_tile_overlayer_lowered:
.L_overlay_start_2:
0x4ae: {  	(tag) =	ssettag $0x2  }
0x4af: {  	s0 =	rddreg [dreg:$0x0];
	s2 =	stileid.u32  }
0x4b0: {  	s1 =	rddreg [dreg:$0x1];
	p0 =	sne.s32 s2, $0x0  }
0x4b1: {  	s3 =	rddreg [dreg:$0x2];
	[bflag:$0x3] =	sbarrier.arrive $0xFFFF;
	s2 =	simm.s32 @!p0 $0x1C05  }
0x4b2: {  	[timem:s3], [sflag:s2] =	dma.local @!p0 [hbm:s0], s1  }
0x4b3: {  	s0 =	simm.s32 @!p0 $0x5  }
0x4b4: {  	_ =	swait.ge @!p0 [sflag:s0], s1  }
0x4b5: {  	s1 =	ssub.s32 @!p0 $0x0, s1;
	[sflag:s0] =	ssyncset.done @!p0 $0x0  }
0x4b6: {  	[sflag:s0] =	ssyncadd.s32 @!p0 s1  }
0x4b7: {  	[bflag:$0x3] =	sbarrier.arrive $0xFFFF  }
0x4b8: {  	_ =	shalt  }

</sc_bundles>
